<compile_context>
chip_gen: v7x
topology: tpu7x:2x2x1
jax: 0.10.2.dev20260603
libtpu: 0.0.44.dev20260713+nightly
codegen_flags: <defaults>
</compile_context>

<pallas_src>
import jax
import jax.numpy as jnp
from jax import lax
from jax.experimental import pallas as pl
from jax.experimental.pallas import tpu as pltpu
from jax.experimental.pallas import tpu_sc as plsc

N = 10000
E = 320000
D = 128

NC = 2
NS = 16
NW = NC * NS

NPAD = 10240
CH = 128
NCHUNK = 80
E_PER_W = NCHUNK * CH
EPAD = NW * E_PER_W

NSLAB = 10
SLAB = NCHUNK // NSLAB

DEG_PER_TILE = NPAD // NS
ROWS_PER_TILE = NPAD // NS
ZROWS = 128


def _zero_1d(ref, nwords):
  zv = jnp.zeros((16,), jnp.float32)

  def body(i, _):
    ref[pl.ds(i * 16, 16)] = zv
    return 0

  lax.fori_loop(0, nwords // 16, body, 0)


def _zero_2d(ref, nrows):
  zv = jnp.zeros((16,), jnp.float32)

  def body(i, _):
    def inner(j, _):
      ref[i, pl.ds(j * 16, 16)] = zv
      return 0

    lax.fori_loop(0, 8, inner, 0)
    return 0

  lax.fori_loop(0, nrows, body, 0)


EROWS = E // CH
FULL_G = 312


def _deg_body(src_ref, dst_ref, out_ref, sidx, didx, sx, dx, ones_v, zb,
              sems, dsrc_sh, ddst_sh):
  cid = lax.axis_index("c")
  sid = lax.axis_index("s")
  wid = sid * NC + cid

  ov = jnp.ones((16,), jnp.float32)
  for k in range(CH // 16):
    ones_v[pl.ds(k * 16, 16)] = ov

  lt24 = wid < 24
  n_g = jnp.where(lt24, 10, 9)
  g0 = jnp.where(lt24, 10 * wid, 240 + 9 * (wid - 24))
  row0 = pl.multiple_of(g0 * 8, 8)

  pltpu.sync_copy(src_ref.at[pl.ds(row0, 72)], sidx.at[pl.ds(0, 72)])
  pltpu.sync_copy(dst_ref.at[pl.ds(row0, 72)], didx.at[pl.ds(0, 72)])

  @pl.when(lt24)
  def _load_rest():
    r = pl.multiple_of(row0 + 72, 8)
    pltpu.sync_copy(src_ref.at[pl.ds(r, 8)], sidx.at[pl.ds(72, 8)])
    pltpu.sync_copy(dst_ref.at[pl.ds(r, 8)], didx.at[pl.ds(72, 8)])

  @pl.when(wid < 4)
  def _load_extra():
    pltpu.sync_copy(src_ref.at[pl.ds(FULL_G * 8, 4)], sx)
    pltpu.sync_copy(dst_ref.at[pl.ds(FULL_G * 8, 4)], dx)

  _zero_1d(zb, DEG_PER_TILE)
  off = pl.multiple_of(sid * DEG_PER_TILE, 8)
  pltpu.sync_copy(zb, dsrc_sh.at[pl.ds(off, DEG_PER_TILE)])
  pltpu.sync_copy(zb, ddst_sh.at[pl.ds(off, DEG_PER_TILE)])
  plsc.subcore_barrier()

  def group(g, _):
    hs = []
    for j in range(SLAB):
      c = g * SLAB + j
      hs.append(pltpu.async_copy(ones_v, dsrc_sh.at[sidx.at[c]],
                                 sems.at[j], add=True))
      hs.append(pltpu.async_copy(ones_v, ddst_sh.at[didx.at[c]],
                                 sems.at[SLAB + j], add=True))
    for h in hs:
      h.wait()
    return 0

  lax.fori_loop(0, n_g, group, 0)

  @pl.when(wid < 4)
  def _extra_chunk():
    pltpu.sync_copy(ones_v, dsrc_sh.at[sx.at[wid]], add=True)
    pltpu.sync_copy(ones_v, ddst_sh.at[dx.at[wid]], add=True)

  plsc.subcore_barrier()

  pltpu.sync_copy(dsrc_sh.at[pl.ds(off, DEG_PER_TILE)],
                  out_ref.at[cid, 0, pl.ds(off, DEG_PER_TILE)])
  pltpu.sync_copy(ddst_sh.at[pl.ds(off, DEG_PER_TILE)],
                  out_ref.at[cid, 1, pl.ds(off, DEG_PER_TILE)])


_deg_kernel = pl.kernel(
    _deg_body,
    out_type=jax.ShapeDtypeStruct((NC, 2, NPAD), jnp.float32),
    mesh=plsc.VectorSubcoreMesh(core_axis_name="c", subcore_axis_name="s"),
    scratch_types=[
        pltpu.VMEM((NCHUNK, CH), jnp.int32),
        pltpu.VMEM((NCHUNK, CH), jnp.int32),
        pltpu.VMEM((4, CH), jnp.int32),
        pltpu.VMEM((4, CH), jnp.int32),
        pltpu.VMEM((CH,), jnp.float32),
        pltpu.VMEM((DEG_PER_TILE,), jnp.float32),
        pltpu.SemaphoreType.DMA((2 * SLAB,)),
        pltpu.VMEM_SHARED((NPAD,), jnp.float32),
        pltpu.VMEM_SHARED((NPAD,), jnp.float32),
    ],
)


def _scatter_body(p_ref, src_ref, dst_ref, out_ref, sidx, didx, rows_v,
                  isem, gsem, ssem, acc_sh):
  cid = lax.axis_index("c")
  sid = lax.axis_index("s")
  wid = sid * NC + cid

  pltpu.sync_copy(dst_ref.at[wid], didx)
  pltpu.sync_copy(src_ref.at[wid, pl.ds(0, SLAB)], sidx.at[0])

  _zero_2d(rows_v.at[0], ZROWS)
  for k in range(ROWS_PER_TILE // ZROWS):
    r0 = pl.multiple_of(sid * ROWS_PER_TILE + k * ZROWS, 8)
    pltpu.sync_copy(rows_v.at[0], acc_sh.at[pl.ds(r0, ZROWS)])
  plsc.subcore_barrier()

  def _wait_scatter(c):
    pltpu.make_async_copy(rows_v.at[c % 2],
                          acc_sh.at[didx.at[c]],
                          ssem.at[c % 2]).wait()

  def _wait_gather(s, j):
    c = s * SLAB + j
    pltpu.make_async_copy(p_ref.at[sidx.at[s % 2, j]],
                          rows_v.at[c % 2],
                          gsem.at[c % 2]).wait()

  def slab_body(s, _):
    ps = s % 2

    @pl.when(s > 0)
    def _wait_idx():
      pltpu.make_async_copy(src_ref.at[wid, pl.ds(s * SLAB, SLAB)],
                            sidx.at[ps], isem.at[ps]).wait()

    for j in range(SLAB):
      b = j % 2
      c = s * SLAB + j

      @pl.when(c >= 2)
      def _ws(c=c):
        _wait_scatter(c - 2)

      pltpu.async_copy(p_ref.at[sidx.at[ps, j]], rows_v.at[b], gsem.at[b])

      @pl.when(c >= 1)
      def _wg(s=s, j=j, c=c):
        if j == 0:
          _wait_gather(s - 1, SLAB - 1)
        else:
          _wait_gather(s, j - 1)
        pltpu.async_copy(rows_v.at[1 - b], acc_sh.at[didx.at[c - 1]],
                         ssem.at[(c - 1) % 2], add=True)

      if j == 0:
        @pl.when(s < NSLAB - 1)
        def _prefetch_idx():
          pltpu.async_copy(src_ref.at[wid, pl.ds((s + 1) * SLAB, SLAB)],
                           sidx.at[1 - ps], isem.at[1 - ps])

    return 0

  lax.fori_loop(0, NSLAB, slab_body, 0)

  last = NCHUNK - 1
  _wait_gather(NSLAB - 1, SLAB - 1)
  pltpu.sync_copy(rows_v.at[last % 2], acc_sh.at[didx.at[last]], add=True)
  _wait_scatter(last - 1)
  plsc.subcore_barrier()

  for k in range(ROWS_PER_TILE // ZROWS):
    r0 = pl.multiple_of(sid * ROWS_PER_TILE + k * ZROWS, 8)
    pltpu.sync_copy(acc_sh.at[pl.ds(r0, ZROWS)],
                    out_ref.at[cid, pl.ds(r0, ZROWS)])


_scatter_kernel = pl.kernel(
    _scatter_body,
    out_type=jax.ShapeDtypeStruct((NC, NPAD, D), jnp.float32),
    mesh=plsc.VectorSubcoreMesh(core_axis_name="c", subcore_axis_name="s"),
    scratch_types=[
        pltpu.VMEM((2, SLAB, CH), jnp.int32),
        pltpu.VMEM((NCHUNK, CH), jnp.int32),
        pltpu.VMEM((2, ZROWS, D), jnp.float32),
        pltpu.SemaphoreType.DMA((2,)),
        pltpu.SemaphoreType.DMA((2,)),
        pltpu.SemaphoreType.DMA((2,)),
        pltpu.VMEM_SHARED((NPAD, D), jnp.float32),
    ],
)


def _bn_body(x_ref, gamma_ref, beta_ref, h_ref):
  x = x_ref[...]
  mean = jnp.mean(x, axis=0)
  var = jnp.mean((x - mean) ** 2, axis=0)
  h = (x - mean) * lax.rsqrt(var + 1e-5) * gamma_ref[...] + beta_ref[...]
  h_ref[...] = jnp.maximum(h, 0.0)


def _bn_kernel(x, gamma, beta):
  return pl.pallas_call(
      _bn_body,
      out_shape=jax.ShapeDtypeStruct((N, D), jnp.float32),
  )(x, gamma, beta)


def _dense_body(h_ref, w_ref, deg_ref, p_ref):
  deg_src = deg_ref[0, 0, :] + deg_ref[1, 0, :]
  norm_src = jnp.where(deg_src > 0.0, lax.rsqrt(jnp.maximum(deg_src, 1.0)), 0.0)
  h = h_ref[...] * norm_src[:N, None]
  p = jnp.dot(h, w_ref[...], preferred_element_type=jnp.float32)
  p_ref[...] = jnp.concatenate(
      [p, jnp.zeros((NPAD - N, D), jnp.float32)], axis=0)


def _dense_kernel(h, W, deg):
  return pl.pallas_call(
      _dense_body,
      out_shape=jax.ShapeDtypeStruct((NPAD, D), jnp.float32),
  )(h, W, deg)


def _final_body(x_ref, acc_ref, deg_ref, b_ref, out_ref):
  deg_dst = deg_ref[0, 1, :] + deg_ref[1, 1, :]
  norm_dst = jnp.where(deg_dst > 0.0, lax.rsqrt(jnp.maximum(deg_dst, 1.0)), 0.0)
  agg = acc_ref[0, :N] + acc_ref[1, :N]
  out_ref[...] = x_ref[...] + agg * norm_dst[:N, None] + b_ref[...]


def _final_kernel(x, acc, deg, b):
  return pl.pallas_call(
      _final_body,
      out_shape=jax.ShapeDtypeStruct((N, D), jnp.float32),
  )(x, acc, deg, b)


@jax.jit
def kernel(node_feats, edge_index, W, b, gamma, beta):
  ei = edge_index.astype(jnp.int32)
  src2 = ei[0].reshape(EROWS, CH)
  dst2 = ei[1].reshape(EROWS, CH)
  pad = jnp.broadcast_to(N + jnp.arange(NPAD - N, dtype=jnp.int32),
                         (NW, NPAD - N))
  src3 = jnp.concatenate([ei[0].reshape(NW, E // NW), pad],
                         axis=1).reshape(NW, NCHUNK, CH)
  dst3 = jnp.concatenate([ei[1].reshape(NW, E // NW), pad],
                         axis=1).reshape(NW, NCHUNK, CH)
  deg = _deg_kernel(src2, dst2)
  h = _bn_kernel(node_feats, gamma, beta)
  p = _dense_kernel(h, W, deg)
  acc = _scatter_kernel(p, src3, dst3)
  return _final_kernel(node_feats, acc, deg, b)

# --- scband reference (transcript-rebuilt; emitter-appended) ---
"""Pipeline reference for scband-deeper-gcnlayer-22170621182408 (READ-ONLY COPY).

The authoritative reference and input builder live on the scoring server;
editing this copy changes nothing except your own understanding.
"""

import jax, jax.numpy as jnp
import numpy as np

N_NODES = 10000
N_EDGES = 320000
D = 128

def setup_inputs(seed: int = 0) -> dict:
    key = jax.random.key(seed)
    k1, k2, k3, k4 = jax.random.split(key, 4)
    node_feats = jax.random.normal(k1, (N_NODES, D), dtype=jnp.float32)
    edge_index = jax.random.randint(k2, (2, N_EDGES), 0, N_NODES, dtype=jnp.int64)
    # GraphConv weight + bias (in=out=128)
    W = jax.random.normal(k3, (D, D), dtype=jnp.float32) * (1.0 / np.sqrt(D))
    b = jnp.zeros((D,), dtype=jnp.float32)
    # BatchNorm1d params after reset_parameters(): gamma=1, beta=0
    gamma = jnp.ones((D,), dtype=jnp.float32)
    beta = jnp.zeros((D,), dtype=jnp.float32)
    return {"node_feats": node_feats, "edge_index": edge_index, "W": W, "b": b, "gamma": gamma, "beta": beta}


def _graph_conv(h, edge_index, W, b, n_nodes):
    # DGL GraphConv with norm='both': D^{-1/2} A D^{-1/2} H W + b
    src = edge_index[0]
    dst = edge_index[1]
    deg_out = jnp.bincount(src, length=n_nodes).astype(h.dtype)
    deg_in = jnp.bincount(dst, length=n_nodes).astype(h.dtype)
    norm_src = jnp.where(deg_out > 0, deg_out ** -0.5, 0.0)
    norm_dst = jnp.where(deg_in > 0, deg_in ** -0.5, 0.0)
    msg = h[src] * norm_src[src][:, None]          # gather (SparseCore)
    agg = jax.ops.segment_sum(msg, dst, num_segments=n_nodes)  # scatter-add
    out = agg * norm_dst[:, None]
    return out @ W + b


def reference(node_feats, edge_index, W, b, gamma, beta):
    # DeeperGCNLayer with block='res+':
    #   h = norm(x); h = act(h); h = dropout(h) [p=0 -> identity]; h = conv(g, h); return x + h
    x = node_feats
    # BatchNorm1d (training-mode batch statistics)
    mean = jnp.mean(x, axis=0)
    var = jnp.var(x, axis=0)
    h = (x - mean) / jnp.sqrt(var + 1e-5) * gamma + beta
    h = jax.nn.relu(h)
    # dropout p=0.0 -> identity
    h = _graph_conv(h, edge_index, W, b, x.shape[0])
    return x + h

if __name__ == "__main__":
    import jax
    _d = setup_inputs()
    print(jax.jit(kernel)(*tuple(_d.values())))

</pallas_src>

<mosaic_0001>
#map = affine_map<(d0, d1) -> (0, 0)>
#map1 = affine_map<(d0, d1) -> (0, 0, 0)>
module attributes {stable_mosaic.version = 14 : i64} {
  func.func @_scatter_body(%arg0: i32, %arg1: i32, %arg2: memref<10240x128xf32, #tpu.memory_space<hbm>>, %arg3: memref<32x80x128xi32, #tpu.memory_space<hbm>>, %arg4: memref<32x80x128xi32, #tpu.memory_space<hbm>>, %arg5: memref<2x10240x128xf32, #tpu.memory_space<hbm>>, %arg6: memref<2x8x128xi32, #tpu.memory_space<vmem>>, %arg7: memref<80x128xi32, #tpu.memory_space<vmem>>, %arg8: memref<2x128x128xf32, #tpu.memory_space<vmem>>, %arg9: memref<2x!tpu.dma_semaphore, #tpu.memory_space<semaphore_mem>>, %arg10: memref<2x!tpu.dma_semaphore, #tpu.memory_space<semaphore_mem>>, %arg11: memref<2x!tpu.dma_semaphore, #tpu.memory_space<semaphore_mem>>, %arg12: memref<10240x128xf32, #tpu.memory_space<vmem_shared>>) attributes {dimension_semantics = [#tpu.dimension_semantics<core_parallel>, #tpu.dimension_semantics<subcore_parallel>], iteration_bounds = array<i64: 2, 16>, scalar_prefetch = 0 : i64, scratch_operands = 7 : i64, tpu.core_type = #tpu.core_type<sc_vector_subcore>, window_params = [{transform_indices = #map}, {transform_indices = #map1}, {transform_indices = #map1}, {transform_indices = #map1}]} {
    %mul3A = arith.constant 2 : i32
    %mul3A_0 = arith.muli %arg1, %mul3A : i32
    %add3A = arith.addi %mul3A_0, %arg0 : i32
    "tpu.region"() ({
      %run_scoped3A_103 = tpu.sem_alloc : memref<!tpu.dma_semaphore, #tpu.memory_space<semaphore_mem>>
      %dma_start3A = arith.constant 0 : i32
      %dma_start3A_104 = arith.constant 0 : i32
      %dma_start3A_105 = tpu.memref_slice %arg4[%add3A, %dma_start3A, %dma_start3A_104] : memref<32x80x128xi32, #tpu.memory_space<hbm>> -> memref<1x80x128xi32, #tpu.memory_space<hbm>>
      %dma_start3A_106 = tpu.memref_squeeze %dma_start3A_105 : memref<1x80x128xi32, #tpu.memory_space<hbm>> -> memref<80x128xi32, #tpu.memory_space<hbm>>
      %dma_start3A_107 = arith.constant 0 : i32
      %dma_start3A_108 = arith.constant 0 : i32
      %dma_start3A_109 = tpu.memref_slice %arg4[%add3A, %dma_start3A_107, %dma_start3A_108] : memref<32x80x128xi32, #tpu.memory_space<hbm>> -> memref<1x80x128xi32, #tpu.memory_space<hbm>>
      %dma_start3A_110 = tpu.memref_squeeze %dma_start3A_109 : memref<1x80x128xi32, #tpu.memory_space<hbm>> -> memref<80x128xi32, #tpu.memory_space<hbm>>
      tpu.enqueue_dma source(%dma_start3A_110 : memref<80x128xi32, #tpu.memory_space<hbm>>) target(%arg7 : memref<80x128xi32, #tpu.memory_space<vmem>>) target_semaphore(%run_scoped3A_103 : memref<!tpu.dma_semaphore, #tpu.memory_space<semaphore_mem>>)
      %dma_wait3A_111 = arith.constant 0 : i32
      %dma_wait3A_112 = arith.constant 0 : i32
      %dma_wait3A_113 = tpu.memref_slice %arg4[%add3A, %dma_wait3A_111, %dma_wait3A_112] : memref<32x80x128xi32, #tpu.memory_space<hbm>> -> memref<1x80x128xi32, #tpu.memory_space<hbm>>
      %dma_wait3A_114 = tpu.memref_squeeze %dma_wait3A_113 : memref<1x80x128xi32, #tpu.memory_space<hbm>> -> memref<80x128xi32, #tpu.memory_space<hbm>>
      %dma_wait3A_115 = arith.constant 0 : i32
      %dma_wait3A_116 = arith.constant 0 : i32
      %dma_wait3A_117 = tpu.memref_slice %arg4[%add3A, %dma_wait3A_115, %dma_wait3A_116] : memref<32x80x128xi32, #tpu.memory_space<hbm>> -> memref<1x80x128xi32, #tpu.memory_space<hbm>>
      %dma_wait3A_118 = tpu.memref_squeeze %dma_wait3A_117 : memref<1x80x128xi32, #tpu.memory_space<hbm>> -> memref<80x128xi32, #tpu.memory_space<hbm>>
      tpu.wait_dma2 semaphore(%run_scoped3A_103 : memref<!tpu.dma_semaphore, #tpu.memory_space<semaphore_mem>>) src(%dma_wait3A_118 : memref<80x128xi32, #tpu.memory_space<hbm>>) dst(%arg7 : memref<80x128xi32, #tpu.memory_space<vmem>>)
      tpu.yield
    }) : () -> ()
    %run_scoped3A = arith.constant 0 : i32
    "tpu.region"() ({
      %run_scoped3A_103 = tpu.sem_alloc : memref<!tpu.dma_semaphore, #tpu.memory_space<semaphore_mem>>
      %dma_start3A = arith.constant 0 : i32
      %dma_start3A_104 = arith.constant 0 : i32
      %dma_start3A_105 = tpu.memref_slice %arg6[%run_scoped3A, %dma_start3A, %dma_start3A_104] : memref<2x8x128xi32, #tpu.memory_space<vmem>> -> memref<1x8x128xi32, #tpu.memory_space<vmem>>
      %dma_start3A_106 = tpu.memref_squeeze %dma_start3A_105 : memref<1x8x128xi32, #tpu.memory_space<vmem>> -> memref<8x128xi32, #tpu.memory_space<vmem>>
      %dma_start3A_107 = arith.constant 0 : i32
      %dma_start3A_108 = arith.constant 0 : i32
      %dma_start3A_109 = tpu.memref_slice %arg3[%add3A, %dma_start3A_107, %dma_start3A_108] : memref<32x80x128xi32, #tpu.memory_space<hbm>> -> memref<1x8x128xi32, #tpu.memory_space<hbm>>
      %dma_start3A_110 = tpu.memref_squeeze %dma_start3A_109 : memref<1x8x128xi32, #tpu.memory_space<hbm>> -> memref<8x128xi32, #tpu.memory_space<hbm>>
      %dma_start3A_111 = arith.constant 0 : i32
      %dma_start3A_112 = arith.constant 0 : i32
      %dma_start3A_113 = tpu.memref_slice %arg6[%run_scoped3A, %dma_start3A_111, %dma_start3A_112] : memref<2x8x128xi32, #tpu.memory_space<vmem>> -> memref<1x8x128xi32, #tpu.memory_space<vmem>>
      %dma_start3A_114 = tpu.memref_squeeze %dma_start3A_113 : memref<1x8x128xi32, #tpu.memory_space<vmem>> -> memref<8x128xi32, #tpu.memory_space<vmem>>
      %dma_start3A_115 = arith.constant 0 : i32
      %dma_start3A_116 = arith.constant 0 : i32
      %dma_start3A_117 = tpu.memref_slice %arg3[%add3A, %dma_start3A_115, %dma_start3A_116] : memref<32x80x128xi32, #tpu.memory_space<hbm>> -> memref<1x8x128xi32, #tpu.memory_space<hbm>>
      %dma_start3A_118 = tpu.memref_squeeze %dma_start3A_117 : memref<1x8x128xi32, #tpu.memory_space<hbm>> -> memref<8x128xi32, #tpu.memory_space<hbm>>
      tpu.enqueue_dma source(%dma_start3A_118 : memref<8x128xi32, #tpu.memory_space<hbm>>) target(%dma_start3A_114 : memref<8x128xi32, #tpu.memory_space<vmem>>) target_semaphore(%run_scoped3A_103 : memref<!tpu.dma_semaphore, #tpu.memory_space<semaphore_mem>>)
      %dma_wait3A_119 = arith.constant 0 : i32
      %dma_wait3A_120 = arith.constant 0 : i32
      %dma_wait3A_121 = tpu.memref_slice %arg6[%run_scoped3A, %dma_wait3A_119, %dma_wait3A_120] : memref<2x8x128xi32, #tpu.memory_space<vmem>> -> memref<1x8x128xi32, #tpu.memory_space<vmem>>
      %dma_wait3A_122 = tpu.memref_squeeze %dma_wait3A_121 : memref<1x8x128xi32, #tpu.memory_space<vmem>> -> memref<8x128xi32, #tpu.memory_space<vmem>>
      %dma_wait3A_123 = arith.constant 0 : i32
      %dma_wait3A_124 = arith.constant 0 : i32
      %dma_wait3A_125 = tpu.memref_slice %arg3[%add3A, %dma_wait3A_123, %dma_wait3A_124] : memref<32x80x128xi32, #tpu.memory_space<hbm>> -> memref<1x8x128xi32, #tpu.memory_space<hbm>>
      %dma_wait3A_126 = tpu.memref_squeeze %dma_wait3A_125 : memref<1x8x128xi32, #tpu.memory_space<hbm>> -> memref<8x128xi32, #tpu.memory_space<hbm>>
      %dma_wait3A_127 = arith.constant 0 : i32
      %dma_wait3A_128 = arith.constant 0 : i32
      %dma_wait3A_129 = tpu.memref_slice %arg6[%run_scoped3A, %dma_wait3A_127, %dma_wait3A_128] : memref<2x8x128xi32, #tpu.memory_space<vmem>> -> memref<1x8x128xi32, #tpu.memory_space<vmem>>
      %dma_wait3A_130 = tpu.memref_squeeze %dma_wait3A_129 : memref<1x8x128xi32, #tpu.memory_space<vmem>> -> memref<8x128xi32, #tpu.memory_space<vmem>>
      %dma_wait3A_131 = arith.constant 0 : i32
      %dma_wait3A_132 = arith.constant 0 : i32
      %dma_wait3A_133 = tpu.memref_slice %arg3[%add3A, %dma_wait3A_131, %dma_wait3A_132] : memref<32x80x128xi32, #tpu.memory_space<hbm>> -> memref<1x8x128xi32, #tpu.memory_space<hbm>>
      %dma_wait3A_134 = tpu.memref_squeeze %dma_wait3A_133 : memref<1x8x128xi32, #tpu.memory_space<hbm>> -> memref<8x128xi32, #tpu.memory_space<hbm>>
      tpu.wait_dma2 semaphore(%run_scoped3A_103 : memref<!tpu.dma_semaphore, #tpu.memory_space<semaphore_mem>>) src(%dma_wait3A_134 : memref<8x128xi32, #tpu.memory_space<hbm>>) dst(%dma_wait3A_130 : memref<8x128xi32, #tpu.memory_space<vmem>>)
      tpu.yield
    }) : () -> ()
    %broadcast_in_dim3A = arith.constant 0.000000e+00 : f32
    %broadcast_in_dim3A_1 = vector.broadcast %broadcast_in_dim3A : f32 to vector<16xf32>
    %scan3A = arith.constant 0 : i32
    %scan3A_2 = arith.constant 0 : i32
    %scan3A_3 = arith.constant 0 : i32
    %scan3A_4 = arith.constant 128 : i32
    %scan3A_5 = arith.addi %scan3A_3, %scan3A_4 : i32
    %scan3A_6 = arith.constant 1 : i32
    %scan3A_7 = scf.for %scan3A_103 = %scan3A_3 to %scan3A_5 step %scan3A_6 iter_args(%scan3A_104 = %scan3A_2) -> (i32)  : i32 {
      %scan3A_105 = arith.constant 0 : i32
      %scan3A_106 = arith.constant 0 : i32
      %scan3A_107 = arith.constant 8 : i32
      %scan3A_108 = arith.addi %scan3A_106, %scan3A_107 : i32
      %scan3A_109 = arith.constant 1 : i32
      %scan3A_110 = scf.for %scan3A_113 = %scan3A_106 to %scan3A_108 step %scan3A_109 iter_args(%scan3A_114 = %scan3A_105) -> (i32)  : i32 {
        %mul3A_115 = arith.constant 16 : i32
        %mul3A_116 = arith.muli %scan3A_113, %mul3A_115 : i32
        %swap3A = arith.constant 0 : i32
        %swap3A_117 = arith.constant 0 : i32
        %swap3A_118 = tpu.memref_slice %arg8[%scan3A, %swap3A, %swap3A_117] : memref<2x128x128xf32, #tpu.memory_space<vmem>> -> memref<1x128x128xf32, #tpu.memory_space<vmem>>
        %swap3A_119 = tpu.memref_squeeze %swap3A_118 : memref<1x128x128xf32, #tpu.memory_space<vmem>> -> memref<128x128xf32, #tpu.memory_space<vmem>>
        %swap3A_120 = arith.index_cast %scan3A_103 : i32 to index
        %swap3A_121 = arith.index_cast %mul3A_116 : i32 to index
        %swap3A_122 = tpu.vector_load %swap3A_119[%swap3A_120, %swap3A_121] {strides = array<i32>} : memref<128x128xf32, #tpu.memory_space<vmem>>, vector<1x16xf32>,
        %swap3A_123 = vector.shape_cast %swap3A_122 : vector<1x16xf32> to vector<16xf32>
        %swap3A_124 = vector.shape_cast %broadcast_in_dim3A_1 : vector<16xf32> to vector<1x16xf32>
        tpu.vector_store %swap3A_119[%swap3A_120, %swap3A_121], %swap3A_124 {strides = array<i32>} : memref<128x128xf32, #tpu.memory_space<vmem>>, vector<1x16xf32>,
        %scan3A_125 = arith.constant 0 : i32
        scf.yield %scan3A_125 : i32
      }
      %scan3A_111 = arith.constant 8 : i32
      %scan3A_112 = arith.constant 0 : i32
      scf.yield %scan3A_112 : i32
    }
    %scan3A_8 = arith.constant 128 : i32
    %mul3A_9 = arith.constant 640 : i32
    %mul3A_10 = arith.muli %arg1, %mul3A_9 : i32
    %add3A_11 = arith.constant 0 : i32
    %add3A_12 = arith.addi %mul3A_10, %add3A_11 : i32
    %multiple_of3A = tpu.assume_multiple %add3A_12, 8 : i32
    %run_scoped3A_13 = arith.constant 0 : i32
    "tpu.region"() ({
      %run_scoped3A_103 = tpu.sem_alloc : memref<!tpu.dma_semaphore, #tpu.memory_space<semaphore_mem>>
      %dma_start3A = arith.constant 0 : i32
      %dma_start3A_104 = arith.constant 0 : i32
      %dma_start3A_105 = tpu.memref_slice %arg8[%run_scoped3A_13, %dma_start3A, %dma_start3A_104] : memref<2x128x128xf32, #tpu.memory_space<vmem>> -> memref<1x128x128xf32, #tpu.memory_space<vmem>>
      %dma_start3A_106 = tpu.memref_squeeze %dma_start3A_105 : memref<1x128x128xf32, #tpu.memory_space<vmem>> -> memref<128x128xf32, #tpu.memory_space<vmem>>
      %dma_start3A_107 = arith.constant 0 : i32
      %dma_start3A_108 = tpu.memref_slice %arg12[%multiple_of3A, %dma_start3A_107] : memref<10240x128xf32, #tpu.memory_space<vmem_shared>> -> memref<128x128xf32, #tpu.memory_space<vmem_shared>>
      %dma_start3A_109 = arith.constant 0 : i32
      %dma_start3A_110 = tpu.memref_slice %arg12[%multiple_of3A, %dma_start3A_109] : memref<10240x128xf32, #tpu.memory_space<vmem_shared>> -> memref<128x128xf32, #tpu.memory_space<vmem_shared>>
      %dma_start3A_111 = arith.constant 0 : i32
      %dma_start3A_112 = arith.constant 0 : i32
      %dma_start3A_113 = tpu.memref_slice %arg8[%run_scoped3A_13, %dma_start3A_111, %dma_start3A_112] : memref<2x128x128xf32, #tpu.memory_space<vmem>> -> memref<1x128x128xf32, #tpu.memory_space<vmem>>
      %dma_start3A_114 = tpu.memref_squeeze %dma_start3A_113 : memref<1x128x128xf32, #tpu.memory_space<vmem>> -> memref<128x128xf32, #tpu.memory_space<vmem>>
      tpu.enqueue_dma source(%dma_start3A_114 : memref<128x128xf32, #tpu.memory_space<vmem>>) target(%dma_start3A_110 : memref<128x128xf32, #tpu.memory_space<vmem_shared>>) target_semaphore(%run_scoped3A_103 : memref<!tpu.dma_semaphore, #tpu.memory_space<semaphore_mem>>)
      %dma_wait3A_115 = arith.constant 0 : i32
      %dma_wait3A_116 = arith.constant 0 : i32
      %dma_wait3A_117 = tpu.memref_slice %arg8[%run_scoped3A_13, %dma_wait3A_115, %dma_wait3A_116] : memref<2x128x128xf32, #tpu.memory_space<vmem>> -> memref<1x128x128xf32, #tpu.memory_space<vmem>>
      %dma_wait3A_118 = tpu.memref_squeeze %dma_wait3A_117 : memref<1x128x128xf32, #tpu.memory_space<vmem>> -> memref<128x128xf32, #tpu.memory_space<vmem>>
      %dma_wait3A_119 = arith.constant 0 : i32
      %dma_wait3A_120 = tpu.memref_slice %arg12[%multiple_of3A, %dma_wait3A_119] : memref<10240x128xf32, #tpu.memory_space<vmem_shared>> -> memref<128x128xf32, #tpu.memory_space<vmem_shared>>
      %dma_wait3A_121 = arith.constant 0 : i32
      %dma_wait3A_122 = tpu.memref_slice %arg12[%multiple_of3A, %dma_wait3A_121] : memref<10240x128xf32, #tpu.memory_space<vmem_shared>> -> memref<128x128xf32, #tpu.memory_space<vmem_shared>>
      %dma_wait3A_123 = arith.constant 0 : i32
      %dma_wait3A_124 = arith.constant 0 : i32
      %dma_wait3A_125 = tpu.memref_slice %arg8[%run_scoped3A_13, %dma_wait3A_123, %dma_wait3A_124] : memref<2x128x128xf32, #tpu.memory_space<vmem>> -> memref<1x128x128xf32, #tpu.memory_space<vmem>>
      %dma_wait3A_126 = tpu.memref_squeeze %dma_wait3A_125 : memref<1x128x128xf32, #tpu.memory_space<vmem>> -> memref<128x128xf32, #tpu.memory_space<vmem>>
      tpu.wait_dma2 semaphore(%run_scoped3A_103 : memref<!tpu.dma_semaphore, #tpu.memory_space<semaphore_mem>>) src(%dma_wait3A_126 : memref<128x128xf32, #tpu.memory_space<vmem>>) dst(%dma_wait3A_122 : memref<128x128xf32, #tpu.memory_space<vmem_shared>>)
      tpu.yield
    }) : () -> ()
    %mul3A_14 = arith.constant 640 : i32
    %mul3A_15 = arith.muli %arg1, %mul3A_14 : i32
    %add3A_16 = arith.constant 128 : i32
    %add3A_17 = arith.addi %mul3A_15, %add3A_16 : i32
    %multiple_of3A_18 = tpu.assume_multiple %add3A_17, 8 : i32
    %run_scoped3A_19 = arith.constant 0 : i32
    "tpu.region"() ({
      %run_scoped3A_103 = tpu.sem_alloc : memref<!tpu.dma_semaphore, #tpu.memory_space<semaphore_mem>>
      %dma_start3A = arith.constant 0 : i32
      %dma_start3A_104 = arith.constant 0 : i32
      %dma_start3A_105 = tpu.memref_slice %arg8[%run_scoped3A_19, %dma_start3A, %dma_start3A_104] : memref<2x128x128xf32, #tpu.memory_space<vmem>> -> memref<1x128x128xf32, #tpu.memory_space<vmem>>
      %dma_start3A_106 = tpu.memref_squeeze %dma_start3A_105 : memref<1x128x128xf32, #tpu.memory_space<vmem>> -> memref<128x128xf32, #tpu.memory_space<vmem>>
      %dma_start3A_107 = arith.constant 0 : i32
      %dma_start3A_108 = tpu.memref_slice %arg12[%multiple_of3A_18, %dma_start3A_107] : memref<10240x128xf32, #tpu.memory_space<vmem_shared>> -> memref<128x128xf32, #tpu.memory_space<vmem_shared>>
      %dma_start3A_109 = arith.constant 0 : i32
      %dma_start3A_110 = tpu.memref_slice %arg12[%multiple_of3A_18, %dma_start3A_109] : memref<10240x128xf32, #tpu.memory_space<vmem_shared>> -> memref<128x128xf32, #tpu.memory_space<vmem_shared>>
      %dma_start3A_111 = arith.constant 0 : i32
      %dma_start3A_112 = arith.constant 0 : i32
      %dma_start3A_113 = tpu.memref_slice %arg8[%run_scoped3A_19, %dma_start3A_111, %dma_start3A_112] : memref<2x128x128xf32, #tpu.memory_space<vmem>> -> memref<1x128x128xf32, #tpu.memory_space<vmem>>
      %dma_start3A_114 = tpu.memref_squeeze %dma_start3A_113 : memref<1x128x128xf32, #tpu.memory_space<vmem>> -> memref<128x128xf32, #tpu.memory_space<vmem>>
      tpu.enqueue_dma source(%dma_start3A_114 : memref<128x128xf32, #tpu.memory_space<vmem>>) target(%dma_start3A_110 : memref<128x128xf32, #tpu.memory_space<vmem_shared>>) target_semaphore(%run_scoped3A_103 : memref<!tpu.dma_semaphore, #tpu.memory_space<semaphore_mem>>)
      %dma_wait3A_115 = arith.constant 0 : i32
      %dma_wait3A_116 = arith.constant 0 : i32
      %dma_wait3A_117 = tpu.memref_slice %arg8[%run_scoped3A_19, %dma_wait3A_115, %dma_wait3A_116] : memref<2x128x128xf32, #tpu.memory_space<vmem>> -> memref<1x128x128xf32, #tpu.memory_space<vmem>>
      %dma_wait3A_118 = tpu.memref_squeeze %dma_wait3A_117 : memref<1x128x128xf32, #tpu.memory_space<vmem>> -> memref<128x128xf32, #tpu.memory_space<vmem>>
      %dma_wait3A_119 = arith.constant 0 : i32
      %dma_wait3A_120 = tpu.memref_slice %arg12[%multiple_of3A_18, %dma_wait3A_119] : memref<10240x128xf32, #tpu.memory_space<vmem_shared>> -> memref<128x128xf32, #tpu.memory_space<vmem_shared>>
      %dma_wait3A_121 = arith.constant 0 : i32
      %dma_wait3A_122 = tpu.memref_slice %arg12[%multiple_of3A_18, %dma_wait3A_121] : memref<10240x128xf32, #tpu.memory_space<vmem_shared>> -> memref<128x128xf32, #tpu.memory_space<vmem_shared>>
      %dma_wait3A_123 = arith.constant 0 : i32
      %dma_wait3A_124 = arith.constant 0 : i32
      %dma_wait3A_125 = tpu.memref_slice %arg8[%run_scoped3A_19, %dma_wait3A_123, %dma_wait3A_124] : memref<2x128x128xf32, #tpu.memory_space<vmem>> -> memref<1x128x128xf32, #tpu.memory_space<vmem>>
      %dma_wait3A_126 = tpu.memref_squeeze %dma_wait3A_125 : memref<1x128x128xf32, #tpu.memory_space<vmem>> -> memref<128x128xf32, #tpu.memory_space<vmem>>
      tpu.wait_dma2 semaphore(%run_scoped3A_103 : memref<!tpu.dma_semaphore, #tpu.memory_space<semaphore_mem>>) src(%dma_wait3A_126 : memref<128x128xf32, #tpu.memory_space<vmem>>) dst(%dma_wait3A_122 : memref<128x128xf32, #tpu.memory_space<vmem_shared>>)
      tpu.yield
    }) : () -> ()
    %mul3A_20 = arith.constant 640 : i32
    %mul3A_21 = arith.muli %arg1, %mul3A_20 : i32
    %add3A_22 = arith.constant 256 : i32
    %add3A_23 = arith.addi %mul3A_21, %add3A_22 : i32
    %multiple_of3A_24 = tpu.assume_multiple %add3A_23, 8 : i32
    %run_scoped3A_25 = arith.constant 0 : i32
    "tpu.region"() ({
      %run_scoped3A_103 = tpu.sem_alloc : memref<!tpu.dma_semaphore, #tpu.memory_space<semaphore_mem>>
      %dma_start3A = arith.constant 0 : i32
      %dma_start3A_104 = arith.constant 0 : i32
      %dma_start3A_105 = tpu.memref_slice %arg8[%run_scoped3A_25, %dma_start3A, %dma_start3A_104] : memref<2x128x128xf32, #tpu.memory_space<vmem>> -> memref<1x128x128xf32, #tpu.memory_space<vmem>>
      %dma_start3A_106 = tpu.memref_squeeze %dma_start3A_105 : memref<1x128x128xf32, #tpu.memory_space<vmem>> -> memref<128x128xf32, #tpu.memory_space<vmem>>
      %dma_start3A_107 = arith.constant 0 : i32
      %dma_start3A_108 = tpu.memref_slice %arg12[%multiple_of3A_24, %dma_start3A_107] : memref<10240x128xf32, #tpu.memory_space<vmem_shared>> -> memref<128x128xf32, #tpu.memory_space<vmem_shared>>
      %dma_start3A_109 = arith.constant 0 : i32
      %dma_start3A_110 = tpu.memref_slice %arg12[%multiple_of3A_24, %dma_start3A_109] : memref<10240x128xf32, #tpu.memory_space<vmem_shared>> -> memref<128x128xf32, #tpu.memory_space<vmem_shared>>
      %dma_start3A_111 = arith.constant 0 : i32
      %dma_start3A_112 = arith.constant 0 : i32
      %dma_start3A_113 = tpu.memref_slice %arg8[%run_scoped3A_25, %dma_start3A_111, %dma_start3A_112] : memref<2x128x128xf32, #tpu.memory_space<vmem>> -> memref<1x128x128xf32, #tpu.memory_space<vmem>>
      %dma_start3A_114 = tpu.memref_squeeze %dma_start3A_113 : memref<1x128x128xf32, #tpu.memory_space<vmem>> -> memref<128x128xf32, #tpu.memory_space<vmem>>
      tpu.enqueue_dma source(%dma_start3A_114 : memref<128x128xf32, #tpu.memory_space<vmem>>) target(%dma_start3A_110 : memref<128x128xf32, #tpu.memory_space<vmem_shared>>) target_semaphore(%run_scoped3A_103 : memref<!tpu.dma_semaphore, #tpu.memory_space<semaphore_mem>>)
      %dma_wait3A_115 = arith.constant 0 : i32
      %dma_wait3A_116 = arith.constant 0 : i32
      %dma_wait3A_117 = tpu.memref_slice %arg8[%run_scoped3A_25, %dma_wait3A_115, %dma_wait3A_116] : memref<2x128x128xf32, #tpu.memory_space<vmem>> -> memref<1x128x128xf32, #tpu.memory_space<vmem>>
      %dma_wait3A_118 = tpu.memref_squeeze %dma_wait3A_117 : memref<1x128x128xf32, #tpu.memory_space<vmem>> -> memref<128x128xf32, #tpu.memory_space<vmem>>
      %dma_wait3A_119 = arith.constant 0 : i32
      %dma_wait3A_120 = tpu.memref_slice %arg12[%multiple_of3A_24, %dma_wait3A_119] : memref<10240x128xf32, #tpu.memory_space<vmem_shared>> -> memref<128x128xf32, #tpu.memory_space<vmem_shared>>
      %dma_wait3A_121 = arith.constant 0 : i32
      %dma_wait3A_122 = tpu.memref_slice %arg12[%multiple_of3A_24, %dma_wait3A_121] : memref<10240x128xf32, #tpu.memory_space<vmem_shared>> -> memref<128x128xf32, #tpu.memory_space<vmem_shared>>
      %dma_wait3A_123 = arith.constant 0 : i32
      %dma_wait3A_124 = arith.constant 0 : i32
      %dma_wait3A_125 = tpu.memref_slice %arg8[%run_scoped3A_25, %dma_wait3A_123, %dma_wait3A_124] : memref<2x128x128xf32, #tpu.memory_space<vmem>> -> memref<1x128x128xf32, #tpu.memory_space<vmem>>
      %dma_wait3A_126 = tpu.memref_squeeze %dma_wait3A_125 : memref<1x128x128xf32, #tpu.memory_space<vmem>> -> memref<128x128xf32, #tpu.memory_space<vmem>>
      tpu.wait_dma2 semaphore(%run_scoped3A_103 : memref<!tpu.dma_semaphore, #tpu.memory_space<semaphore_mem>>) src(%dma_wait3A_126 : memref<128x128xf32, #tpu.memory_space<vmem>>) dst(%dma_wait3A_122 : memref<128x128xf32, #tpu.memory_space<vmem_shared>>)
      tpu.yield
    }) : () -> ()
    %mul3A_26 = arith.constant 640 : i32
    %mul3A_27 = arith.muli %arg1, %mul3A_26 : i32
    %add3A_28 = arith.constant 384 : i32
    %add3A_29 = arith.addi %mul3A_27, %add3A_28 : i32
    %multiple_of3A_30 = tpu.assume_multiple %add3A_29, 8 : i32
    %run_scoped3A_31 = arith.constant 0 : i32
    "tpu.region"() ({
      %run_scoped3A_103 = tpu.sem_alloc : memref<!tpu.dma_semaphore, #tpu.memory_space<semaphore_mem>>
      %dma_start3A = arith.constant 0 : i32
      %dma_start3A_104 = arith.constant 0 : i32
      %dma_start3A_105 = tpu.memref_slice %arg8[%run_scoped3A_31, %dma_start3A, %dma_start3A_104] : memref<2x128x128xf32, #tpu.memory_space<vmem>> -> memref<1x128x128xf32, #tpu.memory_space<vmem>>
      %dma_start3A_106 = tpu.memref_squeeze %dma_start3A_105 : memref<1x128x128xf32, #tpu.memory_space<vmem>> -> memref<128x128xf32, #tpu.memory_space<vmem>>
      %dma_start3A_107 = arith.constant 0 : i32
      %dma_start3A_108 = tpu.memref_slice %arg12[%multiple_of3A_30, %dma_start3A_107] : memref<10240x128xf32, #tpu.memory_space<vmem_shared>> -> memref<128x128xf32, #tpu.memory_space<vmem_shared>>
      %dma_start3A_109 = arith.constant 0 : i32
      %dma_start3A_110 = tpu.memref_slice %arg12[%multiple_of3A_30, %dma_start3A_109] : memref<10240x128xf32, #tpu.memory_space<vmem_shared>> -> memref<128x128xf32, #tpu.memory_space<vmem_shared>>
      %dma_start3A_111 = arith.constant 0 : i32
      %dma_start3A_112 = arith.constant 0 : i32
      %dma_start3A_113 = tpu.memref_slice %arg8[%run_scoped3A_31, %dma_start3A_111, %dma_start3A_112] : memref<2x128x128xf32, #tpu.memory_space<vmem>> -> memref<1x128x128xf32, #tpu.memory_space<vmem>>
      %dma_start3A_114 = tpu.memref_squeeze %dma_start3A_113 : memref<1x128x128xf32, #tpu.memory_space<vmem>> -> memref<128x128xf32, #tpu.memory_space<vmem>>
      tpu.enqueue_dma source(%dma_start3A_114 : memref<128x128xf32, #tpu.memory_space<vmem>>) target(%dma_start3A_110 : memref<128x128xf32, #tpu.memory_space<vmem_shared>>) target_semaphore(%run_scoped3A_103 : memref<!tpu.dma_semaphore, #tpu.memory_space<semaphore_mem>>)
      %dma_wait3A_115 = arith.constant 0 : i32
      %dma_wait3A_116 = arith.constant 0 : i32
      %dma_wait3A_117 = tpu.memref_slice %arg8[%run_scoped3A_31, %dma_wait3A_115, %dma_wait3A_116] : memref<2x128x128xf32, #tpu.memory_space<vmem>> -> memref<1x128x128xf32, #tpu.memory_space<vmem>>
      %dma_wait3A_118 = tpu.memref_squeeze %dma_wait3A_117 : memref<1x128x128xf32, #tpu.memory_space<vmem>> -> memref<128x128xf32, #tpu.memory_space<vmem>>
      %dma_wait3A_119 = arith.constant 0 : i32
      %dma_wait3A_120 = tpu.memref_slice %arg12[%multiple_of3A_30, %dma_wait3A_119] : memref<10240x128xf32, #tpu.memory_space<vmem_shared>> -> memref<128x128xf32, #tpu.memory_space<vmem_shared>>
      %dma_wait3A_121 = arith.constant 0 : i32
      %dma_wait3A_122 = tpu.memref_slice %arg12[%multiple_of3A_30, %dma_wait3A_121] : memref<10240x128xf32, #tpu.memory_space<vmem_shared>> -> memref<128x128xf32, #tpu.memory_space<vmem_shared>>
      %dma_wait3A_123 = arith.constant 0 : i32
      %dma_wait3A_124 = arith.constant 0 : i32
      %dma_wait3A_125 = tpu.memref_slice %arg8[%run_scoped3A_31, %dma_wait3A_123, %dma_wait3A_124] : memref<2x128x128xf32, #tpu.memory_space<vmem>> -> memref<1x128x128xf32, #tpu.memory_space<vmem>>
      %dma_wait3A_126 = tpu.memref_squeeze %dma_wait3A_125 : memref<1x128x128xf32, #tpu.memory_space<vmem>> -> memref<128x128xf32, #tpu.memory_space<vmem>>
      tpu.wait_dma2 semaphore(%run_scoped3A_103 : memref<!tpu.dma_semaphore, #tpu.memory_space<semaphore_mem>>) src(%dma_wait3A_126 : memref<128x128xf32, #tpu.memory_space<vmem>>) dst(%dma_wait3A_122 : memref<128x128xf32, #tpu.memory_space<vmem_shared>>)
      tpu.yield
    }) : () -> ()
    %mul3A_32 = arith.constant 640 : i32
    %mul3A_33 = arith.muli %arg1, %mul3A_32 : i32
    %add3A_34 = arith.constant 512 : i32
    %add3A_35 = arith.addi %mul3A_33, %add3A_34 : i32
    %multiple_of3A_36 = tpu.assume_multiple %add3A_35, 8 : i32
    %run_scoped3A_37 = arith.constant 0 : i32
    "tpu.region"() ({
      %run_scoped3A_103 = tpu.sem_alloc : memref<!tpu.dma_semaphore, #tpu.memory_space<semaphore_mem>>
      %dma_start3A = arith.constant 0 : i32
      %dma_start3A_104 = arith.constant 0 : i32
      %dma_start3A_105 = tpu.memref_slice %arg8[%run_scoped3A_37, %dma_start3A, %dma_start3A_104] : memref<2x128x128xf32, #tpu.memory_space<vmem>> -> memref<1x128x128xf32, #tpu.memory_space<vmem>>
      %dma_start3A_106 = tpu.memref_squeeze %dma_start3A_105 : memref<1x128x128xf32, #tpu.memory_space<vmem>> -> memref<128x128xf32, #tpu.memory_space<vmem>>
      %dma_start3A_107 = arith.constant 0 : i32
      %dma_start3A_108 = tpu.memref_slice %arg12[%multiple_of3A_36, %dma_start3A_107] : memref<10240x128xf32, #tpu.memory_space<vmem_shared>> -> memref<128x128xf32, #tpu.memory_space<vmem_shared>>
      %dma_start3A_109 = arith.constant 0 : i32
      %dma_start3A_110 = tpu.memref_slice %arg12[%multiple_of3A_36, %dma_start3A_109] : memref<10240x128xf32, #tpu.memory_space<vmem_shared>> -> memref<128x128xf32, #tpu.memory_space<vmem_shared>>
      %dma_start3A_111 = arith.constant 0 : i32
      %dma_start3A_112 = arith.constant 0 : i32
      %dma_start3A_113 = tpu.memref_slice %arg8[%run_scoped3A_37, %dma_start3A_111, %dma_start3A_112] : memref<2x128x128xf32, #tpu.memory_space<vmem>> -> memref<1x128x128xf32, #tpu.memory_space<vmem>>
      %dma_start3A_114 = tpu.memref_squeeze %dma_start3A_113 : memref<1x128x128xf32, #tpu.memory_space<vmem>> -> memref<128x128xf32, #tpu.memory_space<vmem>>
      tpu.enqueue_dma source(%dma_start3A_114 : memref<128x128xf32, #tpu.memory_space<vmem>>) target(%dma_start3A_110 : memref<128x128xf32, #tpu.memory_space<vmem_shared>>) target_semaphore(%run_scoped3A_103 : memref<!tpu.dma_semaphore, #tpu.memory_space<semaphore_mem>>)
      %dma_wait3A_115 = arith.constant 0 : i32
      %dma_wait3A_116 = arith.constant 0 : i32
      %dma_wait3A_117 = tpu.memref_slice %arg8[%run_scoped3A_37, %dma_wait3A_115, %dma_wait3A_116] : memref<2x128x128xf32, #tpu.memory_space<vmem>> -> memref<1x128x128xf32, #tpu.memory_space<vmem>>
      %dma_wait3A_118 = tpu.memref_squeeze %dma_wait3A_117 : memref<1x128x128xf32, #tpu.memory_space<vmem>> -> memref<128x128xf32, #tpu.memory_space<vmem>>
      %dma_wait3A_119 = arith.constant 0 : i32
      %dma_wait3A_120 = tpu.memref_slice %arg12[%multiple_of3A_36, %dma_wait3A_119] : memref<10240x128xf32, #tpu.memory_space<vmem_shared>> -> memref<128x128xf32, #tpu.memory_space<vmem_shared>>
      %dma_wait3A_121 = arith.constant 0 : i32
      %dma_wait3A_122 = tpu.memref_slice %arg12[%multiple_of3A_36, %dma_wait3A_121] : memref<10240x128xf32, #tpu.memory_space<vmem_shared>> -> memref<128x128xf32, #tpu.memory_space<vmem_shared>>
      %dma_wait3A_123 = arith.constant 0 : i32
      %dma_wait3A_124 = arith.constant 0 : i32
      %dma_wait3A_125 = tpu.memref_slice %arg8[%run_scoped3A_37, %dma_wait3A_123, %dma_wait3A_124] : memref<2x128x128xf32, #tpu.memory_space<vmem>> -> memref<1x128x128xf32, #tpu.memory_space<vmem>>
      %dma_wait3A_126 = tpu.memref_squeeze %dma_wait3A_125 : memref<1x128x128xf32, #tpu.memory_space<vmem>> -> memref<128x128xf32, #tpu.memory_space<vmem>>
      tpu.wait_dma2 semaphore(%run_scoped3A_103 : memref<!tpu.dma_semaphore, #tpu.memory_space<semaphore_mem>>) src(%dma_wait3A_126 : memref<128x128xf32, #tpu.memory_space<vmem>>) dst(%dma_wait3A_122 : memref<128x128xf32, #tpu.memory_space<vmem_shared>>)
      tpu.yield
    }) : () -> ()
    %barrier3A = arith.constant 0 : index
    tpu.barrier barrier_id(%barrier3A)
    %scan3A_38 = arith.constant 0 : i32
    %scan3A_39 = arith.constant 0 : i32
    %scan3A_40 = arith.constant 10 : i32
    %scan3A_41 = arith.addi %scan3A_39, %scan3A_40 : i32
    %scan3A_42 = arith.constant 1 : i32
    %scan3A_43 = scf.for %scan3A_103 = %scan3A_39 to %scan3A_41 step %scan3A_42 iter_args(%scan3A_104 = %scan3A_38) -> (i32)  : i32 {
      %jit3A = arith.constant 2 : i32
      %eq3A = arith.constant 0 : i32
      %eq3A_105 = arith.cmpi eq, %jit3A, %eq3A : i32
      %jit3A_106 = arith.constant 1 : i32
      %select_n3A = arith.select %eq3A_105, %jit3A_106, %jit3A : i32
      %rem3A = arith.remsi %scan3A_103, %select_n3A : i32
      %ne3A = arith.constant 0 : i32
      %ne3A_107 = arith.cmpi ne, %rem3A, %ne3A : i32
      %lt3A = arith.constant 0 : i32
      %lt3A_108 = arith.cmpi slt, %rem3A, %lt3A : i32
      %lt3A_109 = arith.constant 0 : i32
      %lt3A_110 = arith.cmpi slt, %select_n3A, %lt3A_109 : i32
      %ne3A_111 = arith.xori %lt3A_108, %lt3A_110 : i1
      %and3A = arith.andi %ne3A_111, %ne3A_107 : i1
      %add3A_112 = arith.addi %rem3A, %select_n3A : i32
      %select_n3A_113 = arith.select %and3A, %add3A_112, %rem3A : i32
      %gt3A = arith.constant 0 : i32
      %gt3A_114 = arith.cmpi sgt, %scan3A_103, %gt3A : i32
      %convert_element_type3A = arith.extui %gt3A_114 : i1 to i32
      %cond3A = arith.constant 0 : i32
      %cond3A_115 = arith.cmpi ne, %convert_element_type3A, %cond3A : i32
      scf.if %cond3A_115 {
        %mul3A_352 = arith.constant 8 : i32
        %mul3A_353 = arith.muli %scan3A_103, %mul3A_352 : i32
        %dma_wait3A_354 = arith.constant 0 : i32
        %dma_wait3A_355 = arith.constant 0 : i32
        %dma_wait3A_356 = tpu.memref_slice %arg6[%select_n3A_113, %dma_wait3A_354, %dma_wait3A_355] : memref<2x8x128xi32, #tpu.memory_space<vmem>> -> memref<1x8x128xi32, #tpu.memory_space<vmem>>
        %dma_wait3A_357 = tpu.memref_squeeze %dma_wait3A_356 : memref<1x8x128xi32, #tpu.memory_space<vmem>> -> memref<8x128xi32, #tpu.memory_space<vmem>>
        %dma_wait3A_358 = arith.constant 0 : i32
        %dma_wait3A_359 = tpu.memref_slice %arg3[%add3A, %mul3A_353, %dma_wait3A_358] : memref<32x80x128xi32, #tpu.memory_space<hbm>> -> memref<1x8x128xi32, #tpu.memory_space<hbm>>
        %dma_wait3A_360 = tpu.memref_squeeze %dma_wait3A_359 : memref<1x8x128xi32, #tpu.memory_space<hbm>> -> memref<8x128xi32, #tpu.memory_space<hbm>>
        %dma_wait3A_361 = tpu.memref_slice %arg9[%select_n3A_113] : memref<2x!tpu.dma_semaphore, #tpu.memory_space<semaphore_mem>> -> memref<1x!tpu.dma_semaphore, #tpu.memory_space<semaphore_mem>>
        %dma_wait3A_362 = tpu.memref_squeeze %dma_wait3A_361 : memref<1x!tpu.dma_semaphore, #tpu.memory_space<semaphore_mem>> -> memref<!tpu.dma_semaphore, #tpu.memory_space<semaphore_mem>>
        %dma_wait3A_363 = arith.constant 0 : i32
        %dma_wait3A_364 = arith.constant 0 : i32
        %dma_wait3A_365 = tpu.memref_slice %arg6[%select_n3A_113, %dma_wait3A_363, %dma_wait3A_364] : memref<2x8x128xi32, #tpu.memory_space<vmem>> -> memref<1x8x128xi32, #tpu.memory_space<vmem>>
        %dma_wait3A_366 = tpu.memref_squeeze %dma_wait3A_365 : memref<1x8x128xi32, #tpu.memory_space<vmem>> -> memref<8x128xi32, #tpu.memory_space<vmem>>
        %dma_wait3A_367 = arith.constant 0 : i32
        %dma_wait3A_368 = tpu.memref_slice %arg3[%add3A, %mul3A_353, %dma_wait3A_367] : memref<32x80x128xi32, #tpu.memory_space<hbm>> -> memref<1x8x128xi32, #tpu.memory_space<hbm>>
        %dma_wait3A_369 = tpu.memref_squeeze %dma_wait3A_368 : memref<1x8x128xi32, #tpu.memory_space<hbm>> -> memref<8x128xi32, #tpu.memory_space<hbm>>
        tpu.wait_dma2 semaphore(%dma_wait3A_362 : memref<!tpu.dma_semaphore, #tpu.memory_space<semaphore_mem>>) src(%dma_wait3A_369 : memref<8x128xi32, #tpu.memory_space<hbm>>) dst(%dma_wait3A_366 : memref<8x128xi32, #tpu.memory_space<vmem>>)
      } else {
      }
      %mul3A_116 = arith.constant 8 : i32
      %mul3A_117 = arith.muli %scan3A_103, %mul3A_116 : i32
      %add3A_118 = arith.constant 0 : i32
      %add3A_119 = arith.addi %mul3A_117, %add3A_118 : i32
      %ge3A = arith.constant 2 : i32
      %ge3A_120 = arith.cmpi sge, %add3A_119, %ge3A : i32
      %convert_element_type3A_121 = arith.extui %ge3A_120 : i1 to i32
      %cond3A_122 = arith.constant 0 : i32
      %cond3A_123 = arith.cmpi ne, %convert_element_type3A_121, %cond3A_122 : i32
      scf.if %cond3A_123 {
        %sub3A = arith.constant 2 : i32
        %sub3A_352 = arith.subi %add3A_119, %sub3A : i32
        %jit3A_353 = arith.constant 2 : i32
        %eq3A_354 = arith.constant 0 : i32
        %eq3A_355 = arith.cmpi eq, %jit3A_353, %eq3A_354 : i32
        %jit3A_356 = arith.constant 1 : i32
        %select_n3A_357 = arith.select %eq3A_355, %jit3A_356, %jit3A_353 : i32
        %rem3A_358 = arith.remsi %sub3A_352, %select_n3A_357 : i32
        %ne3A_359 = arith.constant 0 : i32
        %ne3A_360 = arith.cmpi ne, %rem3A_358, %ne3A_359 : i32
        %lt3A_361 = arith.constant 0 : i32
        %lt3A_362 = arith.cmpi slt, %rem3A_358, %lt3A_361 : i32
        %lt3A_363 = arith.constant 0 : i32
        %lt3A_364 = arith.cmpi slt, %select_n3A_357, %lt3A_363 : i32
        %ne3A_365 = arith.xori %lt3A_362, %lt3A_364 : i1
        %and3A_366 = arith.andi %ne3A_365, %ne3A_360 : i1
        %add3A_367 = arith.addi %rem3A_358, %select_n3A_357 : i32
        %select_n3A_368 = arith.select %and3A_366, %add3A_367, %rem3A_358 : i32
        %jit3A_369 = arith.constant 2 : i32
        %eq3A_370 = arith.constant 0 : i32
        %eq3A_371 = arith.cmpi eq, %jit3A_369, %eq3A_370 : i32
        %jit3A_372 = arith.constant 1 : i32
        %select_n3A_373 = arith.select %eq3A_371, %jit3A_372, %jit3A_369 : i32
        %rem3A_374 = arith.remsi %sub3A_352, %select_n3A_373 : i32
        %ne3A_375 = arith.constant 0 : i32
        %ne3A_376 = arith.cmpi ne, %rem3A_374, %ne3A_375 : i32
        %lt3A_377 = arith.constant 0 : i32
        %lt3A_378 = arith.cmpi slt, %rem3A_374, %lt3A_377 : i32
        %lt3A_379 = arith.constant 0 : i32
        %lt3A_380 = arith.cmpi slt, %select_n3A_373, %lt3A_379 : i32
        %ne3A_381 = arith.xori %lt3A_378, %lt3A_380 : i1
        %and3A_382 = arith.andi %ne3A_381, %ne3A_376 : i1
        %add3A_383 = arith.addi %rem3A_374, %select_n3A_373 : i32
        %select_n3A_384 = arith.select %and3A_382, %add3A_383, %rem3A_374 : i32
        %dma_wait3A_385 = arith.constant 0 : i32
        %dma_wait3A_386 = arith.constant 0 : i32
        %dma_wait3A_387 = tpu.memref_slice %arg8[%select_n3A_368, %dma_wait3A_385, %dma_wait3A_386] : memref<2x128x128xf32, #tpu.memory_space<vmem>> -> memref<1x128x128xf32, #tpu.memory_space<vmem>>
        %dma_wait3A_388 = tpu.memref_squeeze %dma_wait3A_387 : memref<1x128x128xf32, #tpu.memory_space<vmem>> -> memref<128x128xf32, #tpu.memory_space<vmem>>
        %dma_wait3A_389 = arith.constant 0 : i32
        %dma_wait3A_390 = tpu.memref_slice %arg7[%sub3A_352, %dma_wait3A_389] : memref<80x128xi32, #tpu.memory_space<vmem>> -> memref<1x128xi32, #tpu.memory_space<vmem>>
        %dma_wait3A_391 = tpu.memref_squeeze %dma_wait3A_390 : memref<1x128xi32, #tpu.memory_space<vmem>> -> memref<128xi32, #tpu.memory_space<vmem>>
        %dma_wait3A_392 = arith.constant 0 : i32
        %dma_wait3A_393 = arith.constant 0 : i32
        %dma_wait3A_394 = tpu.memref_slice %arg12[%dma_wait3A_392, %dma_wait3A_393] : memref<10240x128xf32, #tpu.memory_space<vmem_shared>> -> memref<10240x128xf32, #tpu.memory_space<vmem_shared>>
        %dma_wait3A_395 = tpu.memref_slice %arg11[%select_n3A_384] : memref<2x!tpu.dma_semaphore, #tpu.memory_space<semaphore_mem>> -> memref<1x!tpu.dma_semaphore, #tpu.memory_space<semaphore_mem>>
        %dma_wait3A_396 = tpu.memref_squeeze %dma_wait3A_395 : memref<1x!tpu.dma_semaphore, #tpu.memory_space<semaphore_mem>> -> memref<!tpu.dma_semaphore, #tpu.memory_space<semaphore_mem>>
        tpu.wait_indirect_dma semaphore(%dma_wait3A_396 : memref<!tpu.dma_semaphore, #tpu.memory_space<semaphore_mem>>) src(%dma_wait3A_388 : memref<128x128xf32, #tpu.memory_space<vmem>>) dst(%dma_wait3A_394 : memref<10240x128xf32, #tpu.memory_space<vmem_shared>>)
      } else {
      }
      %dma_start3A = arith.constant 0 : i32
      %dma_start3A_124 = arith.constant 0 : i32
      %dma_start3A_125 = arith.constant 0 : i32
      %dma_start3A_126 = arith.constant 0 : i32
      %dma_start3A_127 = arith.constant 0 : i32
      %dma_start3A_128 = tpu.memref_slice %arg8[%dma_start3A_124, %dma_start3A_126, %dma_start3A_127] : memref<2x128x128xf32, #tpu.memory_space<vmem>> -> memref<1x128x128xf32, #tpu.memory_space<vmem>>
      %dma_start3A_129 = tpu.memref_squeeze %dma_start3A_128 : memref<1x128x128xf32, #tpu.memory_space<vmem>> -> memref<128x128xf32, #tpu.memory_space<vmem>>
      %dma_start3A_130 = arith.constant 0 : i32
      %dma_start3A_131 = tpu.memref_slice %arg6[%select_n3A_113, %dma_start3A, %dma_start3A_130] : memref<2x8x128xi32, #tpu.memory_space<vmem>> -> memref<1x1x128xi32, #tpu.memory_space<vmem>>
      %dma_start3A_132 = tpu.memref_squeeze %dma_start3A_131 : memref<1x1x128xi32, #tpu.memory_space<vmem>> -> memref<128xi32, #tpu.memory_space<vmem>>
      %dma_start3A_133 = arith.constant 0 : i32
      %dma_start3A_134 = arith.constant 0 : i32
      %dma_start3A_135 = tpu.memref_slice %arg2[%dma_start3A_133, %dma_start3A_134] : memref<10240x128xf32, #tpu.memory_space<hbm>> -> memref<10240x128xf32, #tpu.memory_space<hbm>>
      %dma_start3A_136 = tpu.memref_slice %arg10[%dma_start3A_125] : memref<2x!tpu.dma_semaphore, #tpu.memory_space<semaphore_mem>> -> memref<1x!tpu.dma_semaphore, #tpu.memory_space<semaphore_mem>>
      %dma_start3A_137 = tpu.memref_squeeze %dma_start3A_136 : memref<1x!tpu.dma_semaphore, #tpu.memory_space<semaphore_mem>> -> memref<!tpu.dma_semaphore, #tpu.memory_space<semaphore_mem>>
      tpu.enqueue_indirect_dma source(%dma_start3A_135 : memref<10240x128xf32, #tpu.memory_space<hbm>>) target(%dma_start3A_129 : memref<128x128xf32, #tpu.memory_space<vmem>>) offsets(%dma_start3A_132 : memref<128xi32, #tpu.memory_space<vmem>>) semaphore(%dma_start3A_137 : memref<!tpu.dma_semaphore, #tpu.memory_space<semaphore_mem>>)
      %ge3A_138 = arith.constant 1 : i32
      %ge3A_139 = arith.cmpi sge, %add3A_119, %ge3A_138 : i32
      %convert_element_type3A_140 = arith.extui %ge3A_139 : i1 to i32
      %cond3A_141 = arith.constant 0 : i32
      %cond3A_142 = arith.cmpi ne, %convert_element_type3A_140, %cond3A_141 : i32
      scf.if %cond3A_142 {
        %sub3A = arith.constant 1 : i32
        %sub3A_352 = arith.subi %scan3A_103, %sub3A : i32
        %mul3A_353 = arith.constant 8 : i32
        %mul3A_354 = arith.muli %sub3A_352, %mul3A_353 : i32
        %add3A_355 = arith.constant 7 : i32
        %add3A_356 = arith.addi %mul3A_354, %add3A_355 : i32
        %jit3A_357 = arith.constant 2 : i32
        %eq3A_358 = arith.constant 0 : i32
        %eq3A_359 = arith.cmpi eq, %jit3A_357, %eq3A_358 : i32
        %jit3A_360 = arith.constant 1 : i32
        %select_n3A_361 = arith.select %eq3A_359, %jit3A_360, %jit3A_357 : i32
        %rem3A_362 = arith.remsi %sub3A_352, %select_n3A_361 : i32
        %ne3A_363 = arith.constant 0 : i32
        %ne3A_364 = arith.cmpi ne, %rem3A_362, %ne3A_363 : i32
        %lt3A_365 = arith.constant 0 : i32
        %lt3A_366 = arith.cmpi slt, %rem3A_362, %lt3A_365 : i32
        %lt3A_367 = arith.constant 0 : i32
        %lt3A_368 = arith.cmpi slt, %select_n3A_361, %lt3A_367 : i32
        %ne3A_369 = arith.xori %lt3A_366, %lt3A_368 : i1
        %and3A_370 = arith.andi %ne3A_369, %ne3A_364 : i1
        %add3A_371 = arith.addi %rem3A_362, %select_n3A_361 : i32
        %select_n3A_372 = arith.select %and3A_370, %add3A_371, %rem3A_362 : i32
        %jit3A_373 = arith.constant 2 : i32
        %eq3A_374 = arith.constant 0 : i32
        %eq3A_375 = arith.cmpi eq, %jit3A_373, %eq3A_374 : i32
        %jit3A_376 = arith.constant 1 : i32
        %select_n3A_377 = arith.select %eq3A_375, %jit3A_376, %jit3A_373 : i32
        %rem3A_378 = arith.remsi %add3A_356, %select_n3A_377 : i32
        %ne3A_379 = arith.constant 0 : i32
        %ne3A_380 = arith.cmpi ne, %rem3A_378, %ne3A_379 : i32
        %lt3A_381 = arith.constant 0 : i32
        %lt3A_382 = arith.cmpi slt, %rem3A_378, %lt3A_381 : i32
        %lt3A_383 = arith.constant 0 : i32
        %lt3A_384 = arith.cmpi slt, %select_n3A_377, %lt3A_383 : i32
        %ne3A_385 = arith.xori %lt3A_382, %lt3A_384 : i1
        %and3A_386 = arith.andi %ne3A_385, %ne3A_380 : i1
        %add3A_387 = arith.addi %rem3A_378, %select_n3A_377 : i32
        %select_n3A_388 = arith.select %and3A_386, %add3A_387, %rem3A_378 : i32
        %jit3A_389 = arith.constant 2 : i32
        %eq3A_390 = arith.constant 0 : i32
        %eq3A_391 = arith.cmpi eq, %jit3A_389, %eq3A_390 : i32
        %jit3A_392 = arith.constant 1 : i32
        %select_n3A_393 = arith.select %eq3A_391, %jit3A_392, %jit3A_389 : i32
        %rem3A_394 = arith.remsi %add3A_356, %select_n3A_393 : i32
        %ne3A_395 = arith.constant 0 : i32
        %ne3A_396 = arith.cmpi ne, %rem3A_394, %ne3A_395 : i32
        %lt3A_397 = arith.constant 0 : i32
        %lt3A_398 = arith.cmpi slt, %rem3A_394, %lt3A_397 : i32
        %lt3A_399 = arith.constant 0 : i32
        %lt3A_400 = arith.cmpi slt, %select_n3A_393, %lt3A_399 : i32
        %ne3A_401 = arith.xori %lt3A_398, %lt3A_400 : i1
        %and3A_402 = arith.andi %ne3A_401, %ne3A_396 : i1
        %add3A_403 = arith.addi %rem3A_394, %select_n3A_393 : i32
        %select_n3A_404 = arith.select %and3A_402, %add3A_403, %rem3A_394 : i32
        %dma_wait3A_405 = arith.constant 7 : i32
        %dma_wait3A_406 = arith.constant 0 : i32
        %dma_wait3A_407 = arith.constant 0 : i32
        %dma_wait3A_408 = tpu.memref_slice %arg8[%select_n3A_388, %dma_wait3A_406, %dma_wait3A_407] : memref<2x128x128xf32, #tpu.memory_space<vmem>> -> memref<1x128x128xf32, #tpu.memory_space<vmem>>
        %dma_wait3A_409 = tpu.memref_squeeze %dma_wait3A_408 : memref<1x128x128xf32, #tpu.memory_space<vmem>> -> memref<128x128xf32, #tpu.memory_space<vmem>>
        %dma_wait3A_410 = arith.constant 0 : i32
        %dma_wait3A_411 = tpu.memref_slice %arg6[%select_n3A_372, %dma_wait3A_405, %dma_wait3A_410] : memref<2x8x128xi32, #tpu.memory_space<vmem>> -> memref<1x1x128xi32, #tpu.memory_space<vmem>>
        %dma_wait3A_412 = tpu.memref_squeeze %dma_wait3A_411 : memref<1x1x128xi32, #tpu.memory_space<vmem>> -> memref<128xi32, #tpu.memory_space<vmem>>
        %dma_wait3A_413 = arith.constant 0 : i32
        %dma_wait3A_414 = arith.constant 0 : i32
        %dma_wait3A_415 = tpu.memref_slice %arg2[%dma_wait3A_413, %dma_wait3A_414] : memref<10240x128xf32, #tpu.memory_space<hbm>> -> memref<10240x128xf32, #tpu.memory_space<hbm>>
        %dma_wait3A_416 = tpu.memref_slice %arg10[%select_n3A_404] : memref<2x!tpu.dma_semaphore, #tpu.memory_space<semaphore_mem>> -> memref<1x!tpu.dma_semaphore, #tpu.memory_space<semaphore_mem>>
        %dma_wait3A_417 = tpu.memref_squeeze %dma_wait3A_416 : memref<1x!tpu.dma_semaphore, #tpu.memory_space<semaphore_mem>> -> memref<!tpu.dma_semaphore, #tpu.memory_space<semaphore_mem>>
        tpu.wait_indirect_dma semaphore(%dma_wait3A_417 : memref<!tpu.dma_semaphore, #tpu.memory_space<semaphore_mem>>) src(%dma_wait3A_415 : memref<10240x128xf32, #tpu.memory_space<hbm>>) dst(%dma_wait3A_409 : memref<128x128xf32, #tpu.memory_space<vmem>>)
        %sub3A_418 = arith.constant 1 : i32
        %sub3A_419 = arith.subi %add3A_119, %sub3A_418 : i32
        %sub3A_420 = arith.constant 1 : i32
        %sub3A_421 = arith.subi %add3A_119, %sub3A_420 : i32
        %jit3A_422 = arith.constant 2 : i32
        %eq3A_423 = arith.constant 0 : i32
        %eq3A_424 = arith.cmpi eq, %jit3A_422, %eq3A_423 : i32
        %jit3A_425 = arith.constant 1 : i32
        %select_n3A_426 = arith.select %eq3A_424, %jit3A_425, %jit3A_422 : i32
        %rem3A_427 = arith.remsi %sub3A_421, %select_n3A_426 : i32
        %ne3A_428 = arith.constant 0 : i32
        %ne3A_429 = arith.cmpi ne, %rem3A_427, %ne3A_428 : i32
        %lt3A_430 = arith.constant 0 : i32
        %lt3A_431 = arith.cmpi slt, %rem3A_427, %lt3A_430 : i32
        %lt3A_432 = arith.constant 0 : i32
        %lt3A_433 = arith.cmpi slt, %select_n3A_426, %lt3A_432 : i32
        %ne3A_434 = arith.xori %lt3A_431, %lt3A_433 : i1
        %and3A_435 = arith.andi %ne3A_434, %ne3A_429 : i1
        %add3A_436 = arith.addi %rem3A_427, %select_n3A_426 : i32
        %select_n3A_437 = arith.select %and3A_435, %add3A_436, %rem3A_427 : i32
        %dma_start3A_438 = arith.constant 1 : i32
        %dma_start3A_439 = arith.constant 0 : i32
        %dma_start3A_440 = arith.constant 0 : i32
        %dma_start3A_441 = tpu.memref_slice %arg8[%dma_start3A_438, %dma_start3A_439, %dma_start3A_440] : memref<2x128x128xf32, #tpu.memory_space<vmem>> -> memref<1x128x128xf32, #tpu.memory_space<vmem>>
        %dma_start3A_442 = tpu.memref_squeeze %dma_start3A_441 : memref<1x128x128xf32, #tpu.memory_space<vmem>> -> memref<128x128xf32, #tpu.memory_space<vmem>>
        %dma_start3A_443 = arith.constant 0 : i32
        %dma_start3A_444 = tpu.memref_slice %arg7[%sub3A_419, %dma_start3A_443] : memref<80x128xi32, #tpu.memory_space<vmem>> -> memref<1x128xi32, #tpu.memory_space<vmem>>
        %dma_start3A_445 = tpu.memref_squeeze %dma_start3A_444 : memref<1x128xi32, #tpu.memory_space<vmem>> -> memref<128xi32, #tpu.memory_space<vmem>>
        %dma_start3A_446 = arith.constant 0 : i32
        %dma_start3A_447 = arith.constant 0 : i32
        %dma_start3A_448 = tpu.memref_slice %arg12[%dma_start3A_446, %dma_start3A_447] : memref<10240x128xf32, #tpu.memory_space<vmem_shared>> -> memref<10240x128xf32, #tpu.memory_space<vmem_shared>>
        %dma_start3A_449 = tpu.memref_slice %arg11[%select_n3A_437] : memref<2x!tpu.dma_semaphore, #tpu.memory_space<semaphore_mem>> -> memref<1x!tpu.dma_semaphore, #tpu.memory_space<semaphore_mem>>
        %dma_start3A_450 = tpu.memref_squeeze %dma_start3A_449 : memref<1x!tpu.dma_semaphore, #tpu.memory_space<semaphore_mem>> -> memref<!tpu.dma_semaphore, #tpu.memory_space<semaphore_mem>>
        tpu.enqueue_indirect_dma source(%dma_start3A_442 : memref<128x128xf32, #tpu.memory_space<vmem>>) target(%dma_start3A_448 : memref<10240x128xf32, #tpu.memory_space<vmem_shared>>) offsets(%dma_start3A_445 : memref<128xi32, #tpu.memory_space<vmem>>) semaphore(%dma_start3A_450 : memref<!tpu.dma_semaphore, #tpu.memory_space<semaphore_mem>>) {add = true}
      } else {
      }
      %lt3A_143 = arith.constant 9 : i32
      %lt3A_144 = arith.cmpi slt, %scan3A_103, %lt3A_143 : i32
      %convert_element_type3A_145 = arith.extui %lt3A_144 : i1 to i32
      %cond3A_146 = arith.constant 0 : i32
      %cond3A_147 = arith.cmpi ne, %convert_element_type3A_145, %cond3A_146 : i32
      scf.if %cond3A_147 {
        %add3A_352 = arith.constant 1 : i32
        %add3A_353 = arith.addi %scan3A_103, %add3A_352 : i32
        %mul3A_354 = arith.constant 8 : i32
        %mul3A_355 = arith.muli %add3A_353, %mul3A_354 : i32
        %sub3A = arith.constant 1 : i32
        %sub3A_356 = arith.subi %sub3A, %select_n3A_113 : i32
        %sub3A_357 = arith.constant 1 : i32
        %sub3A_358 = arith.subi %sub3A_357, %select_n3A_113 : i32
        %dma_start3A_359 = arith.constant 0 : i32
        %dma_start3A_360 = arith.constant 0 : i32
        %dma_start3A_361 = tpu.memref_slice %arg6[%sub3A_356, %dma_start3A_359, %dma_start3A_360] : memref<2x8x128xi32, #tpu.memory_space<vmem>> -> memref<1x8x128xi32, #tpu.memory_space<vmem>>
        %dma_start3A_362 = tpu.memref_squeeze %dma_start3A_361 : memref<1x8x128xi32, #tpu.memory_space<vmem>> -> memref<8x128xi32, #tpu.memory_space<vmem>>
        %dma_start3A_363 = arith.constant 0 : i32
        %dma_start3A_364 = tpu.memref_slice %arg3[%add3A, %mul3A_355, %dma_start3A_363] : memref<32x80x128xi32, #tpu.memory_space<hbm>> -> memref<1x8x128xi32, #tpu.memory_space<hbm>>
        %dma_start3A_365 = tpu.memref_squeeze %dma_start3A_364 : memref<1x8x128xi32, #tpu.memory_space<hbm>> -> memref<8x128xi32, #tpu.memory_space<hbm>>
        %dma_start3A_366 = tpu.memref_slice %arg9[%sub3A_358] : memref<2x!tpu.dma_semaphore, #tpu.memory_space<semaphore_mem>> -> memref<1x!tpu.dma_semaphore, #tpu.memory_space<semaphore_mem>>
        %dma_start3A_367 = tpu.memref_squeeze %dma_start3A_366 : memref<1x!tpu.dma_semaphore, #tpu.memory_space<semaphore_mem>> -> memref<!tpu.dma_semaphore, #tpu.memory_space<semaphore_mem>>
        %dma_start3A_368 = arith.constant 0 : i32
        %dma_start3A_369 = arith.constant 0 : i32
        %dma_start3A_370 = tpu.memref_slice %arg6[%sub3A_356, %dma_start3A_368, %dma_start3A_369] : memref<2x8x128xi32, #tpu.memory_space<vmem>> -> memref<1x8x128xi32, #tpu.memory_space<vmem>>
        %dma_start3A_371 = tpu.memref_squeeze %dma_start3A_370 : memref<1x8x128xi32, #tpu.memory_space<vmem>> -> memref<8x128xi32, #tpu.memory_space<vmem>>
        %dma_start3A_372 = arith.constant 0 : i32
        %dma_start3A_373 = tpu.memref_slice %arg3[%add3A, %mul3A_355, %dma_start3A_372] : memref<32x80x128xi32, #tpu.memory_space<hbm>> -> memref<1x8x128xi32, #tpu.memory_space<hbm>>
        %dma_start3A_374 = tpu.memref_squeeze %dma_start3A_373 : memref<1x8x128xi32, #tpu.memory_space<hbm>> -> memref<8x128xi32, #tpu.memory_space<hbm>>
        tpu.enqueue_dma source(%dma_start3A_374 : memref<8x128xi32, #tpu.memory_space<hbm>>) target(%dma_start3A_371 : memref<8x128xi32, #tpu.memory_space<vmem>>) target_semaphore(%dma_start3A_367 : memref<!tpu.dma_semaphore, #tpu.memory_space<semaphore_mem>>)
      } else {
      }
      %mul3A_148 = arith.constant 8 : i32
      %mul3A_149 = arith.muli %scan3A_103, %mul3A_148 : i32
      %add3A_150 = arith.constant 1 : i32
      %add3A_151 = arith.addi %mul3A_149, %add3A_150 : i32
      %ge3A_152 = arith.constant 2 : i32
      %ge3A_153 = arith.cmpi sge, %add3A_151, %ge3A_152 : i32
      %convert_element_type3A_154 = arith.extui %ge3A_153 : i1 to i32
      %cond3A_155 = arith.constant 0 : i32
      %cond3A_156 = arith.cmpi ne, %convert_element_type3A_154, %cond3A_155 : i32
      scf.if %cond3A_156 {
        %sub3A = arith.constant 2 : i32
        %sub3A_352 = arith.subi %add3A_151, %sub3A : i32
        %jit3A_353 = arith.constant 2 : i32
        %eq3A_354 = arith.constant 0 : i32
        %eq3A_355 = arith.cmpi eq, %jit3A_353, %eq3A_354 : i32
        %jit3A_356 = arith.constant 1 : i32
        %select_n3A_357 = arith.select %eq3A_355, %jit3A_356, %jit3A_353 : i32
        %rem3A_358 = arith.remsi %sub3A_352, %select_n3A_357 : i32
        %ne3A_359 = arith.constant 0 : i32
        %ne3A_360 = arith.cmpi ne, %rem3A_358, %ne3A_359 : i32
        %lt3A_361 = arith.constant 0 : i32
        %lt3A_362 = arith.cmpi slt, %rem3A_358, %lt3A_361 : i32
        %lt3A_363 = arith.constant 0 : i32
        %lt3A_364 = arith.cmpi slt, %select_n3A_357, %lt3A_363 : i32
        %ne3A_365 = arith.xori %lt3A_362, %lt3A_364 : i1
        %and3A_366 = arith.andi %ne3A_365, %ne3A_360 : i1
        %add3A_367 = arith.addi %rem3A_358, %select_n3A_357 : i32
        %select_n3A_368 = arith.select %and3A_366, %add3A_367, %rem3A_358 : i32
        %jit3A_369 = arith.constant 2 : i32
        %eq3A_370 = arith.constant 0 : i32
        %eq3A_371 = arith.cmpi eq, %jit3A_369, %eq3A_370 : i32
        %jit3A_372 = arith.constant 1 : i32
        %select_n3A_373 = arith.select %eq3A_371, %jit3A_372, %jit3A_369 : i32
        %rem3A_374 = arith.remsi %sub3A_352, %select_n3A_373 : i32
        %ne3A_375 = arith.constant 0 : i32
        %ne3A_376 = arith.cmpi ne, %rem3A_374, %ne3A_375 : i32
        %lt3A_377 = arith.constant 0 : i32
        %lt3A_378 = arith.cmpi slt, %rem3A_374, %lt3A_377 : i32
        %lt3A_379 = arith.constant 0 : i32
        %lt3A_380 = arith.cmpi slt, %select_n3A_373, %lt3A_379 : i32
        %ne3A_381 = arith.xori %lt3A_378, %lt3A_380 : i1
        %and3A_382 = arith.andi %ne3A_381, %ne3A_376 : i1
        %add3A_383 = arith.addi %rem3A_374, %select_n3A_373 : i32
        %select_n3A_384 = arith.select %and3A_382, %add3A_383, %rem3A_374 : i32
        %dma_wait3A_385 = arith.constant 0 : i32
        %dma_wait3A_386 = arith.constant 0 : i32
        %dma_wait3A_387 = tpu.memref_slice %arg8[%select_n3A_368, %dma_wait3A_385, %dma_wait3A_386] : memref<2x128x128xf32, #tpu.memory_space<vmem>> -> memref<1x128x128xf32, #tpu.memory_space<vmem>>
        %dma_wait3A_388 = tpu.memref_squeeze %dma_wait3A_387 : memref<1x128x128xf32, #tpu.memory_space<vmem>> -> memref<128x128xf32, #tpu.memory_space<vmem>>
        %dma_wait3A_389 = arith.constant 0 : i32
        %dma_wait3A_390 = tpu.memref_slice %arg7[%sub3A_352, %dma_wait3A_389] : memref<80x128xi32, #tpu.memory_space<vmem>> -> memref<1x128xi32, #tpu.memory_space<vmem>>
        %dma_wait3A_391 = tpu.memref_squeeze %dma_wait3A_390 : memref<1x128xi32, #tpu.memory_space<vmem>> -> memref<128xi32, #tpu.memory_space<vmem>>
        %dma_wait3A_392 = arith.constant 0 : i32
        %dma_wait3A_393 = arith.constant 0 : i32
        %dma_wait3A_394 = tpu.memref_slice %arg12[%dma_wait3A_392, %dma_wait3A_393] : memref<10240x128xf32, #tpu.memory_space<vmem_shared>> -> memref<10240x128xf32, #tpu.memory_space<vmem_shared>>
        %dma_wait3A_395 = tpu.memref_slice %arg11[%select_n3A_384] : memref<2x!tpu.dma_semaphore, #tpu.memory_space<semaphore_mem>> -> memref<1x!tpu.dma_semaphore, #tpu.memory_space<semaphore_mem>>
        %dma_wait3A_396 = tpu.memref_squeeze %dma_wait3A_395 : memref<1x!tpu.dma_semaphore, #tpu.memory_space<semaphore_mem>> -> memref<!tpu.dma_semaphore, #tpu.memory_space<semaphore_mem>>
        tpu.wait_indirect_dma semaphore(%dma_wait3A_396 : memref<!tpu.dma_semaphore, #tpu.memory_space<semaphore_mem>>) src(%dma_wait3A_388 : memref<128x128xf32, #tpu.memory_space<vmem>>) dst(%dma_wait3A_394 : memref<10240x128xf32, #tpu.memory_space<vmem_shared>>)
      } else {
      }
      %dma_start3A_157 = arith.constant 1 : i32
      %dma_start3A_158 = arith.constant 1 : i32
      %dma_start3A_159 = arith.constant 1 : i32
      %dma_start3A_160 = arith.constant 0 : i32
      %dma_start3A_161 = arith.constant 0 : i32
      %dma_start3A_162 = tpu.memref_slice %arg8[%dma_start3A_158, %dma_start3A_160, %dma_start3A_161] : memref<2x128x128xf32, #tpu.memory_space<vmem>> -> memref<1x128x128xf32, #tpu.memory_space<vmem>>
      %dma_start3A_163 = tpu.memref_squeeze %dma_start3A_162 : memref<1x128x128xf32, #tpu.memory_space<vmem>> -> memref<128x128xf32, #tpu.memory_space<vmem>>
      %dma_start3A_164 = arith.constant 0 : i32
      %dma_start3A_165 = tpu.memref_slice %arg6[%select_n3A_113, %dma_start3A_157, %dma_start3A_164] : memref<2x8x128xi32, #tpu.memory_space<vmem>> -> memref<1x1x128xi32, #tpu.memory_space<vmem>>
      %dma_start3A_166 = tpu.memref_squeeze %dma_start3A_165 : memref<1x1x128xi32, #tpu.memory_space<vmem>> -> memref<128xi32, #tpu.memory_space<vmem>>
      %dma_start3A_167 = arith.constant 0 : i32
      %dma_start3A_168 = arith.constant 0 : i32
      %dma_start3A_169 = tpu.memref_slice %arg2[%dma_start3A_167, %dma_start3A_168] : memref<10240x128xf32, #tpu.memory_space<hbm>> -> memref<10240x128xf32, #tpu.memory_space<hbm>>
      %dma_start3A_170 = tpu.memref_slice %arg10[%dma_start3A_159] : memref<2x!tpu.dma_semaphore, #tpu.memory_space<semaphore_mem>> -> memref<1x!tpu.dma_semaphore, #tpu.memory_space<semaphore_mem>>
      %dma_start3A_171 = tpu.memref_squeeze %dma_start3A_170 : memref<1x!tpu.dma_semaphore, #tpu.memory_space<semaphore_mem>> -> memref<!tpu.dma_semaphore, #tpu.memory_space<semaphore_mem>>
      tpu.enqueue_indirect_dma source(%dma_start3A_169 : memref<10240x128xf32, #tpu.memory_space<hbm>>) target(%dma_start3A_163 : memref<128x128xf32, #tpu.memory_space<vmem>>) offsets(%dma_start3A_166 : memref<128xi32, #tpu.memory_space<vmem>>) semaphore(%dma_start3A_171 : memref<!tpu.dma_semaphore, #tpu.memory_space<semaphore_mem>>)
      %ge3A_172 = arith.constant 1 : i32
      %ge3A_173 = arith.cmpi sge, %add3A_151, %ge3A_172 : i32
      %convert_element_type3A_174 = arith.extui %ge3A_173 : i1 to i32
      %cond3A_175 = arith.constant 0 : i32
      %cond3A_176 = arith.cmpi ne, %convert_element_type3A_174, %cond3A_175 : i32
      scf.if %cond3A_176 {
        %mul3A_352 = arith.constant 8 : i32
        %mul3A_353 = arith.muli %scan3A_103, %mul3A_352 : i32
        %add3A_354 = arith.constant 0 : i32
        %add3A_355 = arith.addi %mul3A_353, %add3A_354 : i32
        %jit3A_356 = arith.constant 2 : i32
        %eq3A_357 = arith.constant 0 : i32
        %eq3A_358 = arith.cmpi eq, %jit3A_356, %eq3A_357 : i32
        %jit3A_359 = arith.constant 1 : i32
        %select_n3A_360 = arith.select %eq3A_358, %jit3A_359, %jit3A_356 : i32
        %rem3A_361 = arith.remsi %scan3A_103, %select_n3A_360 : i32
        %ne3A_362 = arith.constant 0 : i32
        %ne3A_363 = arith.cmpi ne, %rem3A_361, %ne3A_362 : i32
        %lt3A_364 = arith.constant 0 : i32
        %lt3A_365 = arith.cmpi slt, %rem3A_361, %lt3A_364 : i32
        %lt3A_366 = arith.constant 0 : i32
        %lt3A_367 = arith.cmpi slt, %select_n3A_360, %lt3A_366 : i32
        %ne3A_368 = arith.xori %lt3A_365, %lt3A_367 : i1
        %and3A_369 = arith.andi %ne3A_368, %ne3A_363 : i1
        %add3A_370 = arith.addi %rem3A_361, %select_n3A_360 : i32
        %select_n3A_371 = arith.select %and3A_369, %add3A_370, %rem3A_361 : i32
        %jit3A_372 = arith.constant 2 : i32
        %eq3A_373 = arith.constant 0 : i32
        %eq3A_374 = arith.cmpi eq, %jit3A_372, %eq3A_373 : i32
        %jit3A_375 = arith.constant 1 : i32
        %select_n3A_376 = arith.select %eq3A_374, %jit3A_375, %jit3A_372 : i32
        %rem3A_377 = arith.remsi %add3A_355, %select_n3A_376 : i32
        %ne3A_378 = arith.constant 0 : i32
        %ne3A_379 = arith.cmpi ne, %rem3A_377, %ne3A_378 : i32
        %lt3A_380 = arith.constant 0 : i32
        %lt3A_381 = arith.cmpi slt, %rem3A_377, %lt3A_380 : i32
        %lt3A_382 = arith.constant 0 : i32
        %lt3A_383 = arith.cmpi slt, %select_n3A_376, %lt3A_382 : i32
        %ne3A_384 = arith.xori %lt3A_381, %lt3A_383 : i1
        %and3A_385 = arith.andi %ne3A_384, %ne3A_379 : i1
        %add3A_386 = arith.addi %rem3A_377, %select_n3A_376 : i32
        %select_n3A_387 = arith.select %and3A_385, %add3A_386, %rem3A_377 : i32
        %jit3A_388 = arith.constant 2 : i32
        %eq3A_389 = arith.constant 0 : i32
        %eq3A_390 = arith.cmpi eq, %jit3A_388, %eq3A_389 : i32
        %jit3A_391 = arith.constant 1 : i32
        %select_n3A_392 = arith.select %eq3A_390, %jit3A_391, %jit3A_388 : i32
        %rem3A_393 = arith.remsi %add3A_355, %select_n3A_392 : i32
        %ne3A_394 = arith.constant 0 : i32
        %ne3A_395 = arith.cmpi ne, %rem3A_393, %ne3A_394 : i32
        %lt3A_396 = arith.constant 0 : i32
        %lt3A_397 = arith.cmpi slt, %rem3A_393, %lt3A_396 : i32
        %lt3A_398 = arith.constant 0 : i32
        %lt3A_399 = arith.cmpi slt, %select_n3A_392, %lt3A_398 : i32
        %ne3A_400 = arith.xori %lt3A_397, %lt3A_399 : i1
        %and3A_401 = arith.andi %ne3A_400, %ne3A_395 : i1
        %add3A_402 = arith.addi %rem3A_393, %select_n3A_392 : i32
        %select_n3A_403 = arith.select %and3A_401, %add3A_402, %rem3A_393 : i32
        %dma_wait3A_404 = arith.constant 0 : i32
        %dma_wait3A_405 = arith.constant 0 : i32
        %dma_wait3A_406 = arith.constant 0 : i32
        %dma_wait3A_407 = tpu.memref_slice %arg8[%select_n3A_387, %dma_wait3A_405, %dma_wait3A_406] : memref<2x128x128xf32, #tpu.memory_space<vmem>> -> memref<1x128x128xf32, #tpu.memory_space<vmem>>
        %dma_wait3A_408 = tpu.memref_squeeze %dma_wait3A_407 : memref<1x128x128xf32, #tpu.memory_space<vmem>> -> memref<128x128xf32, #tpu.memory_space<vmem>>
        %dma_wait3A_409 = arith.constant 0 : i32
        %dma_wait3A_410 = tpu.memref_slice %arg6[%select_n3A_371, %dma_wait3A_404, %dma_wait3A_409] : memref<2x8x128xi32, #tpu.memory_space<vmem>> -> memref<1x1x128xi32, #tpu.memory_space<vmem>>
        %dma_wait3A_411 = tpu.memref_squeeze %dma_wait3A_410 : memref<1x1x128xi32, #tpu.memory_space<vmem>> -> memref<128xi32, #tpu.memory_space<vmem>>
        %dma_wait3A_412 = arith.constant 0 : i32
        %dma_wait3A_413 = arith.constant 0 : i32
        %dma_wait3A_414 = tpu.memref_slice %arg2[%dma_wait3A_412, %dma_wait3A_413] : memref<10240x128xf32, #tpu.memory_space<hbm>> -> memref<10240x128xf32, #tpu.memory_space<hbm>>
        %dma_wait3A_415 = tpu.memref_slice %arg10[%select_n3A_403] : memref<2x!tpu.dma_semaphore, #tpu.memory_space<semaphore_mem>> -> memref<1x!tpu.dma_semaphore, #tpu.memory_space<semaphore_mem>>
        %dma_wait3A_416 = tpu.memref_squeeze %dma_wait3A_415 : memref<1x!tpu.dma_semaphore, #tpu.memory_space<semaphore_mem>> -> memref<!tpu.dma_semaphore, #tpu.memory_space<semaphore_mem>>
        tpu.wait_indirect_dma semaphore(%dma_wait3A_416 : memref<!tpu.dma_semaphore, #tpu.memory_space<semaphore_mem>>) src(%dma_wait3A_414 : memref<10240x128xf32, #tpu.memory_space<hbm>>) dst(%dma_wait3A_408 : memref<128x128xf32, #tpu.memory_space<vmem>>)
        %sub3A = arith.constant 1 : i32
        %sub3A_417 = arith.subi %add3A_151, %sub3A : i32
        %sub3A_418 = arith.constant 1 : i32
        %sub3A_419 = arith.subi %add3A_151, %sub3A_418 : i32
        %jit3A_420 = arith.constant 2 : i32
        %eq3A_421 = arith.constant 0 : i32
        %eq3A_422 = arith.cmpi eq, %jit3A_420, %eq3A_421 : i32
        %jit3A_423 = arith.constant 1 : i32
        %select_n3A_424 = arith.select %eq3A_422, %jit3A_423, %jit3A_420 : i32
        %rem3A_425 = arith.remsi %sub3A_419, %select_n3A_424 : i32
        %ne3A_426 = arith.constant 0 : i32
        %ne3A_427 = arith.cmpi ne, %rem3A_425, %ne3A_426 : i32
        %lt3A_428 = arith.constant 0 : i32
        %lt3A_429 = arith.cmpi slt, %rem3A_425, %lt3A_428 : i32
        %lt3A_430 = arith.constant 0 : i32
        %lt3A_431 = arith.cmpi slt, %select_n3A_424, %lt3A_430 : i32
        %ne3A_432 = arith.xori %lt3A_429, %lt3A_431 : i1
        %and3A_433 = arith.andi %ne3A_432, %ne3A_427 : i1
        %add3A_434 = arith.addi %rem3A_425, %select_n3A_424 : i32
        %select_n3A_435 = arith.select %and3A_433, %add3A_434, %rem3A_425 : i32
        %dma_start3A_436 = arith.constant 0 : i32
        %dma_start3A_437 = arith.constant 0 : i32
        %dma_start3A_438 = arith.constant 0 : i32
        %dma_start3A_439 = tpu.memref_slice %arg8[%dma_start3A_436, %dma_start3A_437, %dma_start3A_438] : memref<2x128x128xf32, #tpu.memory_space<vmem>> -> memref<1x128x128xf32, #tpu.memory_space<vmem>>
        %dma_start3A_440 = tpu.memref_squeeze %dma_start3A_439 : memref<1x128x128xf32, #tpu.memory_space<vmem>> -> memref<128x128xf32, #tpu.memory_space<vmem>>
        %dma_start3A_441 = arith.constant 0 : i32
        %dma_start3A_442 = tpu.memref_slice %arg7[%sub3A_417, %dma_start3A_441] : memref<80x128xi32, #tpu.memory_space<vmem>> -> memref<1x128xi32, #tpu.memory_space<vmem>>
        %dma_start3A_443 = tpu.memref_squeeze %dma_start3A_442 : memref<1x128xi32, #tpu.memory_space<vmem>> -> memref<128xi32, #tpu.memory_space<vmem>>
        %dma_start3A_444 = arith.constant 0 : i32
        %dma_start3A_445 = arith.constant 0 : i32
        %dma_start3A_446 = tpu.memref_slice %arg12[%dma_start3A_444, %dma_start3A_445] : memref<10240x128xf32, #tpu.memory_space<vmem_shared>> -> memref<10240x128xf32, #tpu.memory_space<vmem_shared>>
        %dma_start3A_447 = tpu.memref_slice %arg11[%select_n3A_435] : memref<2x!tpu.dma_semaphore, #tpu.memory_space<semaphore_mem>> -> memref<1x!tpu.dma_semaphore, #tpu.memory_space<semaphore_mem>>
        %dma_start3A_448 = tpu.memref_squeeze %dma_start3A_447 : memref<1x!tpu.dma_semaphore, #tpu.memory_space<semaphore_mem>> -> memref<!tpu.dma_semaphore, #tpu.memory_space<semaphore_mem>>
        tpu.enqueue_indirect_dma source(%dma_start3A_440 : memref<128x128xf32, #tpu.memory_space<vmem>>) target(%dma_start3A_446 : memref<10240x128xf32, #tpu.memory_space<vmem_shared>>) offsets(%dma_start3A_443 : memref<128xi32, #tpu.memory_space<vmem>>) semaphore(%dma_start3A_448 : memref<!tpu.dma_semaphore, #tpu.memory_space<semaphore_mem>>) {add = true}
      } else {
      }
      %mul3A_177 = arith.constant 8 : i32
      %mul3A_178 = arith.muli %scan3A_103, %mul3A_177 : i32
      %add3A_179 = arith.constant 2 : i32
      %add3A_180 = arith.addi %mul3A_178, %add3A_179 : i32
      %ge3A_181 = arith.constant 2 : i32
      %ge3A_182 = arith.cmpi sge, %add3A_180, %ge3A_181 : i32
      %convert_element_type3A_183 = arith.extui %ge3A_182 : i1 to i32
      %cond3A_184 = arith.constant 0 : i32
      %cond3A_185 = arith.cmpi ne, %convert_element_type3A_183, %cond3A_184 : i32
      scf.if %cond3A_185 {
        %sub3A = arith.constant 2 : i32
        %sub3A_352 = arith.subi %add3A_180, %sub3A : i32
        %jit3A_353 = arith.constant 2 : i32
        %eq3A_354 = arith.constant 0 : i32
        %eq3A_355 = arith.cmpi eq, %jit3A_353, %eq3A_354 : i32
        %jit3A_356 = arith.constant 1 : i32
        %select_n3A_357 = arith.select %eq3A_355, %jit3A_356, %jit3A_353 : i32
        %rem3A_358 = arith.remsi %sub3A_352, %select_n3A_357 : i32
        %ne3A_359 = arith.constant 0 : i32
        %ne3A_360 = arith.cmpi ne, %rem3A_358, %ne3A_359 : i32
        %lt3A_361 = arith.constant 0 : i32
        %lt3A_362 = arith.cmpi slt, %rem3A_358, %lt3A_361 : i32
        %lt3A_363 = arith.constant 0 : i32
        %lt3A_364 = arith.cmpi slt, %select_n3A_357, %lt3A_363 : i32
        %ne3A_365 = arith.xori %lt3A_362, %lt3A_364 : i1
        %and3A_366 = arith.andi %ne3A_365, %ne3A_360 : i1
        %add3A_367 = arith.addi %rem3A_358, %select_n3A_357 : i32
        %select_n3A_368 = arith.select %and3A_366, %add3A_367, %rem3A_358 : i32
        %jit3A_369 = arith.constant 2 : i32
        %eq3A_370 = arith.constant 0 : i32
        %eq3A_371 = arith.cmpi eq, %jit3A_369, %eq3A_370 : i32
        %jit3A_372 = arith.constant 1 : i32
        %select_n3A_373 = arith.select %eq3A_371, %jit3A_372, %jit3A_369 : i32
        %rem3A_374 = arith.remsi %sub3A_352, %select_n3A_373 : i32
        %ne3A_375 = arith.constant 0 : i32
        %ne3A_376 = arith.cmpi ne, %rem3A_374, %ne3A_375 : i32
        %lt3A_377 = arith.constant 0 : i32
        %lt3A_378 = arith.cmpi slt, %rem3A_374, %lt3A_377 : i32
        %lt3A_379 = arith.constant 0 : i32
        %lt3A_380 = arith.cmpi slt, %select_n3A_373, %lt3A_379 : i32
        %ne3A_381 = arith.xori %lt3A_378, %lt3A_380 : i1
        %and3A_382 = arith.andi %ne3A_381, %ne3A_376 : i1
        %add3A_383 = arith.addi %rem3A_374, %select_n3A_373 : i32
        %select_n3A_384 = arith.select %and3A_382, %add3A_383, %rem3A_374 : i32
        %dma_wait3A_385 = arith.constant 0 : i32
        %dma_wait3A_386 = arith.constant 0 : i32
        %dma_wait3A_387 = tpu.memref_slice %arg8[%select_n3A_368, %dma_wait3A_385, %dma_wait3A_386] : memref<2x128x128xf32, #tpu.memory_space<vmem>> -> memref<1x128x128xf32, #tpu.memory_space<vmem>>
        %dma_wait3A_388 = tpu.memref_squeeze %dma_wait3A_387 : memref<1x128x128xf32, #tpu.memory_space<vmem>> -> memref<128x128xf32, #tpu.memory_space<vmem>>
        %dma_wait3A_389 = arith.constant 0 : i32
        %dma_wait3A_390 = tpu.memref_slice %arg7[%sub3A_352, %dma_wait3A_389] : memref<80x128xi32, #tpu.memory_space<vmem>> -> memref<1x128xi32, #tpu.memory_space<vmem>>
        %dma_wait3A_391 = tpu.memref_squeeze %dma_wait3A_390 : memref<1x128xi32, #tpu.memory_space<vmem>> -> memref<128xi32, #tpu.memory_space<vmem>>
        %dma_wait3A_392 = arith.constant 0 : i32
        %dma_wait3A_393 = arith.constant 0 : i32
        %dma_wait3A_394 = tpu.memref_slice %arg12[%dma_wait3A_392, %dma_wait3A_393] : memref<10240x128xf32, #tpu.memory_space<vmem_shared>> -> memref<10240x128xf32, #tpu.memory_space<vmem_shared>>
        %dma_wait3A_395 = tpu.memref_slice %arg11[%select_n3A_384] : memref<2x!tpu.dma_semaphore, #tpu.memory_space<semaphore_mem>> -> memref<1x!tpu.dma_semaphore, #tpu.memory_space<semaphore_mem>>
        %dma_wait3A_396 = tpu.memref_squeeze %dma_wait3A_395 : memref<1x!tpu.dma_semaphore, #tpu.memory_space<semaphore_mem>> -> memref<!tpu.dma_semaphore, #tpu.memory_space<semaphore_mem>>
        tpu.wait_indirect_dma semaphore(%dma_wait3A_396 : memref<!tpu.dma_semaphore, #tpu.memory_space<semaphore_mem>>) src(%dma_wait3A_388 : memref<128x128xf32, #tpu.memory_space<vmem>>) dst(%dma_wait3A_394 : memref<10240x128xf32, #tpu.memory_space<vmem_shared>>)
      } else {
      }
      %dma_start3A_186 = arith.constant 2 : i32
      %dma_start3A_187 = arith.constant 0 : i32
      %dma_start3A_188 = arith.constant 0 : i32
      %dma_start3A_189 = arith.constant 0 : i32
      %dma_start3A_190 = arith.constant 0 : i32
      %dma_start3A_191 = tpu.memref_slice %arg8[%dma_start3A_187, %dma_start3A_189, %dma_start3A_190] : memref<2x128x128xf32, #tpu.memory_space<vmem>> -> memref<1x128x128xf32, #tpu.memory_space<vmem>>
      %dma_start3A_192 = tpu.memref_squeeze %dma_start3A_191 : memref<1x128x128xf32, #tpu.memory_space<vmem>> -> memref<128x128xf32, #tpu.memory_space<vmem>>
      %dma_start3A_193 = arith.constant 0 : i32
      %dma_start3A_194 = tpu.memref_slice %arg6[%select_n3A_113, %dma_start3A_186, %dma_start3A_193] : memref<2x8x128xi32, #tpu.memory_space<vmem>> -> memref<1x1x128xi32, #tpu.memory_space<vmem>>
      %dma_start3A_195 = tpu.memref_squeeze %dma_start3A_194 : memref<1x1x128xi32, #tpu.memory_space<vmem>> -> memref<128xi32, #tpu.memory_space<vmem>>
      %dma_start3A_196 = arith.constant 0 : i32
      %dma_start3A_197 = arith.constant 0 : i32
      %dma_start3A_198 = tpu.memref_slice %arg2[%dma_start3A_196, %dma_start3A_197] : memref<10240x128xf32, #tpu.memory_space<hbm>> -> memref<10240x128xf32, #tpu.memory_space<hbm>>
      %dma_start3A_199 = tpu.memref_slice %arg10[%dma_start3A_188] : memref<2x!tpu.dma_semaphore, #tpu.memory_space<semaphore_mem>> -> memref<1x!tpu.dma_semaphore, #tpu.memory_space<semaphore_mem>>
      %dma_start3A_200 = tpu.memref_squeeze %dma_start3A_199 : memref<1x!tpu.dma_semaphore, #tpu.memory_space<semaphore_mem>> -> memref<!tpu.dma_semaphore, #tpu.memory_space<semaphore_mem>>
      tpu.enqueue_indirect_dma source(%dma_start3A_198 : memref<10240x128xf32, #tpu.memory_space<hbm>>) target(%dma_start3A_192 : memref<128x128xf32, #tpu.memory_space<vmem>>) offsets(%dma_start3A_195 : memref<128xi32, #tpu.memory_space<vmem>>) semaphore(%dma_start3A_200 : memref<!tpu.dma_semaphore, #tpu.memory_space<semaphore_mem>>)
      %ge3A_201 = arith.constant 1 : i32
      %ge3A_202 = arith.cmpi sge, %add3A_180, %ge3A_201 : i32
      %convert_element_type3A_203 = arith.extui %ge3A_202 : i1 to i32
      %cond3A_204 = arith.constant 0 : i32
      %cond3A_205 = arith.cmpi ne, %convert_element_type3A_203, %cond3A_204 : i32
      scf.if %cond3A_205 {
        %mul3A_352 = arith.constant 8 : i32
        %mul3A_353 = arith.muli %scan3A_103, %mul3A_352 : i32
        %add3A_354 = arith.constant 1 : i32
        %add3A_355 = arith.addi %mul3A_353, %add3A_354 : i32
        %jit3A_356 = arith.constant 2 : i32
        %eq3A_357 = arith.constant 0 : i32
        %eq3A_358 = arith.cmpi eq, %jit3A_356, %eq3A_357 : i32
        %jit3A_359 = arith.constant 1 : i32
        %select_n3A_360 = arith.select %eq3A_358, %jit3A_359, %jit3A_356 : i32
        %rem3A_361 = arith.remsi %scan3A_103, %select_n3A_360 : i32
        %ne3A_362 = arith.constant 0 : i32
        %ne3A_363 = arith.cmpi ne, %rem3A_361, %ne3A_362 : i32
        %lt3A_364 = arith.constant 0 : i32
        %lt3A_365 = arith.cmpi slt, %rem3A_361, %lt3A_364 : i32
        %lt3A_366 = arith.constant 0 : i32
        %lt3A_367 = arith.cmpi slt, %select_n3A_360, %lt3A_366 : i32
        %ne3A_368 = arith.xori %lt3A_365, %lt3A_367 : i1
        %and3A_369 = arith.andi %ne3A_368, %ne3A_363 : i1
        %add3A_370 = arith.addi %rem3A_361, %select_n3A_360 : i32
        %select_n3A_371 = arith.select %and3A_369, %add3A_370, %rem3A_361 : i32
        %jit3A_372 = arith.constant 2 : i32
        %eq3A_373 = arith.constant 0 : i32
        %eq3A_374 = arith.cmpi eq, %jit3A_372, %eq3A_373 : i32
        %jit3A_375 = arith.constant 1 : i32
        %select_n3A_376 = arith.select %eq3A_374, %jit3A_375, %jit3A_372 : i32
        %rem3A_377 = arith.remsi %add3A_355, %select_n3A_376 : i32
        %ne3A_378 = arith.constant 0 : i32
        %ne3A_379 = arith.cmpi ne, %rem3A_377, %ne3A_378 : i32
        %lt3A_380 = arith.constant 0 : i32
        %lt3A_381 = arith.cmpi slt, %rem3A_377, %lt3A_380 : i32
        %lt3A_382 = arith.constant 0 : i32
        %lt3A_383 = arith.cmpi slt, %select_n3A_376, %lt3A_382 : i32
        %ne3A_384 = arith.xori %lt3A_381, %lt3A_383 : i1
        %and3A_385 = arith.andi %ne3A_384, %ne3A_379 : i1
        %add3A_386 = arith.addi %rem3A_377, %select_n3A_376 : i32
        %select_n3A_387 = arith.select %and3A_385, %add3A_386, %rem3A_377 : i32
        %jit3A_388 = arith.constant 2 : i32
        %eq3A_389 = arith.constant 0 : i32
        %eq3A_390 = arith.cmpi eq, %jit3A_388, %eq3A_389 : i32
        %jit3A_391 = arith.constant 1 : i32
        %select_n3A_392 = arith.select %eq3A_390, %jit3A_391, %jit3A_388 : i32
        %rem3A_393 = arith.remsi %add3A_355, %select_n3A_392 : i32
        %ne3A_394 = arith.constant 0 : i32
        %ne3A_395 = arith.cmpi ne, %rem3A_393, %ne3A_394 : i32
        %lt3A_396 = arith.constant 0 : i32
        %lt3A_397 = arith.cmpi slt, %rem3A_393, %lt3A_396 : i32
        %lt3A_398 = arith.constant 0 : i32
        %lt3A_399 = arith.cmpi slt, %select_n3A_392, %lt3A_398 : i32
        %ne3A_400 = arith.xori %lt3A_397, %lt3A_399 : i1
        %and3A_401 = arith.andi %ne3A_400, %ne3A_395 : i1
        %add3A_402 = arith.addi %rem3A_393, %select_n3A_392 : i32
        %select_n3A_403 = arith.select %and3A_401, %add3A_402, %rem3A_393 : i32
        %dma_wait3A_404 = arith.constant 1 : i32
        %dma_wait3A_405 = arith.constant 0 : i32
        %dma_wait3A_406 = arith.constant 0 : i32
        %dma_wait3A_407 = tpu.memref_slice %arg8[%select_n3A_387, %dma_wait3A_405, %dma_wait3A_406] : memref<2x128x128xf32, #tpu.memory_space<vmem>> -> memref<1x128x128xf32, #tpu.memory_space<vmem>>
        %dma_wait3A_408 = tpu.memref_squeeze %dma_wait3A_407 : memref<1x128x128xf32, #tpu.memory_space<vmem>> -> memref<128x128xf32, #tpu.memory_space<vmem>>
        %dma_wait3A_409 = arith.constant 0 : i32
        %dma_wait3A_410 = tpu.memref_slice %arg6[%select_n3A_371, %dma_wait3A_404, %dma_wait3A_409] : memref<2x8x128xi32, #tpu.memory_space<vmem>> -> memref<1x1x128xi32, #tpu.memory_space<vmem>>
        %dma_wait3A_411 = tpu.memref_squeeze %dma_wait3A_410 : memref<1x1x128xi32, #tpu.memory_space<vmem>> -> memref<128xi32, #tpu.memory_space<vmem>>
        %dma_wait3A_412 = arith.constant 0 : i32
        %dma_wait3A_413 = arith.constant 0 : i32
        %dma_wait3A_414 = tpu.memref_slice %arg2[%dma_wait3A_412, %dma_wait3A_413] : memref<10240x128xf32, #tpu.memory_space<hbm>> -> memref<10240x128xf32, #tpu.memory_space<hbm>>
        %dma_wait3A_415 = tpu.memref_slice %arg10[%select_n3A_403] : memref<2x!tpu.dma_semaphore, #tpu.memory_space<semaphore_mem>> -> memref<1x!tpu.dma_semaphore, #tpu.memory_space<semaphore_mem>>
        %dma_wait3A_416 = tpu.memref_squeeze %dma_wait3A_415 : memref<1x!tpu.dma_semaphore, #tpu.memory_space<semaphore_mem>> -> memref<!tpu.dma_semaphore, #tpu.memory_space<semaphore_mem>>
        tpu.wait_indirect_dma semaphore(%dma_wait3A_416 : memref<!tpu.dma_semaphore, #tpu.memory_space<semaphore_mem>>) src(%dma_wait3A_414 : memref<10240x128xf32, #tpu.memory_space<hbm>>) dst(%dma_wait3A_408 : memref<128x128xf32, #tpu.memory_space<vmem>>)
        %sub3A = arith.constant 1 : i32
        %sub3A_417 = arith.subi %add3A_180, %sub3A : i32
        %sub3A_418 = arith.constant 1 : i32
        %sub3A_419 = arith.subi %add3A_180, %sub3A_418 : i32
        %jit3A_420 = arith.constant 2 : i32
        %eq3A_421 = arith.constant 0 : i32
        %eq3A_422 = arith.cmpi eq, %jit3A_420, %eq3A_421 : i32
        %jit3A_423 = arith.constant 1 : i32
        %select_n3A_424 = arith.select %eq3A_422, %jit3A_423, %jit3A_420 : i32
        %rem3A_425 = arith.remsi %sub3A_419, %select_n3A_424 : i32
        %ne3A_426 = arith.constant 0 : i32
        %ne3A_427 = arith.cmpi ne, %rem3A_425, %ne3A_426 : i32
        %lt3A_428 = arith.constant 0 : i32
        %lt3A_429 = arith.cmpi slt, %rem3A_425, %lt3A_428 : i32
        %lt3A_430 = arith.constant 0 : i32
        %lt3A_431 = arith.cmpi slt, %select_n3A_424, %lt3A_430 : i32
        %ne3A_432 = arith.xori %lt3A_429, %lt3A_431 : i1
        %and3A_433 = arith.andi %ne3A_432, %ne3A_427 : i1
        %add3A_434 = arith.addi %rem3A_425, %select_n3A_424 : i32
        %select_n3A_435 = arith.select %and3A_433, %add3A_434, %rem3A_425 : i32
        %dma_start3A_436 = arith.constant 1 : i32
        %dma_start3A_437 = arith.constant 0 : i32
        %dma_start3A_438 = arith.constant 0 : i32
        %dma_start3A_439 = tpu.memref_slice %arg8[%dma_start3A_436, %dma_start3A_437, %dma_start3A_438] : memref<2x128x128xf32, #tpu.memory_space<vmem>> -> memref<1x128x128xf32, #tpu.memory_space<vmem>>
        %dma_start3A_440 = tpu.memref_squeeze %dma_start3A_439 : memref<1x128x128xf32, #tpu.memory_space<vmem>> -> memref<128x128xf32, #tpu.memory_space<vmem>>
        %dma_start3A_441 = arith.constant 0 : i32
        %dma_start3A_442 = tpu.memref_slice %arg7[%sub3A_417, %dma_start3A_441] : memref<80x128xi32, #tpu.memory_space<vmem>> -> memref<1x128xi32, #tpu.memory_space<vmem>>
        %dma_start3A_443 = tpu.memref_squeeze %dma_start3A_442 : memref<1x128xi32, #tpu.memory_space<vmem>> -> memref<128xi32, #tpu.memory_space<vmem>>
        %dma_start3A_444 = arith.constant 0 : i32
        %dma_start3A_445 = arith.constant 0 : i32
        %dma_start3A_446 = tpu.memref_slice %arg12[%dma_start3A_444, %dma_start3A_445] : memref<10240x128xf32, #tpu.memory_space<vmem_shared>> -> memref<10240x128xf32, #tpu.memory_space<vmem_shared>>
        %dma_start3A_447 = tpu.memref_slice %arg11[%select_n3A_435] : memref<2x!tpu.dma_semaphore, #tpu.memory_space<semaphore_mem>> -> memref<1x!tpu.dma_semaphore, #tpu.memory_space<semaphore_mem>>
        %dma_start3A_448 = tpu.memref_squeeze %dma_start3A_447 : memref<1x!tpu.dma_semaphore, #tpu.memory_space<semaphore_mem>> -> memref<!tpu.dma_semaphore, #tpu.memory_space<semaphore_mem>>
        tpu.enqueue_indirect_dma source(%dma_start3A_440 : memref<128x128xf32, #tpu.memory_space<vmem>>) target(%dma_start3A_446 : memref<10240x128xf32, #tpu.memory_space<vmem_shared>>) offsets(%dma_start3A_443 : memref<128xi32, #tpu.memory_space<vmem>>) semaphore(%dma_start3A_448 : memref<!tpu.dma_semaphore, #tpu.memory_space<semaphore_mem>>) {add = true}
      } else {
      }
      %mul3A_206 = arith.constant 8 : i32
      %mul3A_207 = arith.muli %scan3A_103, %mul3A_206 : i32
      %add3A_208 = arith.constant 3 : i32
      %add3A_209 = arith.addi %mul3A_207, %add3A_208 : i32
      %ge3A_210 = arith.constant 2 : i32
      %ge3A_211 = arith.cmpi sge, %add3A_209, %ge3A_210 : i32
      %convert_element_type3A_212 = arith.extui %ge3A_211 : i1 to i32
      %cond3A_213 = arith.constant 0 : i32
      %cond3A_214 = arith.cmpi ne, %convert_element_type3A_212, %cond3A_213 : i32
      scf.if %cond3A_214 {
        %sub3A = arith.constant 2 : i32
        %sub3A_352 = arith.subi %add3A_209, %sub3A : i32
        %jit3A_353 = arith.constant 2 : i32
        %eq3A_354 = arith.constant 0 : i32
        %eq3A_355 = arith.cmpi eq, %jit3A_353, %eq3A_354 : i32
        %jit3A_356 = arith.constant 1 : i32
        %select_n3A_357 = arith.select %eq3A_355, %jit3A_356, %jit3A_353 : i32
        %rem3A_358 = arith.remsi %sub3A_352, %select_n3A_357 : i32
        %ne3A_359 = arith.constant 0 : i32
        %ne3A_360 = arith.cmpi ne, %rem3A_358, %ne3A_359 : i32
        %lt3A_361 = arith.constant 0 : i32
        %lt3A_362 = arith.cmpi slt, %rem3A_358, %lt3A_361 : i32
        %lt3A_363 = arith.constant 0 : i32
        %lt3A_364 = arith.cmpi slt, %select_n3A_357, %lt3A_363 : i32
        %ne3A_365 = arith.xori %lt3A_362, %lt3A_364 : i1
        %and3A_366 = arith.andi %ne3A_365, %ne3A_360 : i1
        %add3A_367 = arith.addi %rem3A_358, %select_n3A_357 : i32
        %select_n3A_368 = arith.select %and3A_366, %add3A_367, %rem3A_358 : i32
        %jit3A_369 = arith.constant 2 : i32
        %eq3A_370 = arith.constant 0 : i32
        %eq3A_371 = arith.cmpi eq, %jit3A_369, %eq3A_370 : i32
        %jit3A_372 = arith.constant 1 : i32
        %select_n3A_373 = arith.select %eq3A_371, %jit3A_372, %jit3A_369 : i32
        %rem3A_374 = arith.remsi %sub3A_352, %select_n3A_373 : i32
        %ne3A_375 = arith.constant 0 : i32
        %ne3A_376 = arith.cmpi ne, %rem3A_374, %ne3A_375 : i32
        %lt3A_377 = arith.constant 0 : i32
        %lt3A_378 = arith.cmpi slt, %rem3A_374, %lt3A_377 : i32
        %lt3A_379 = arith.constant 0 : i32
        %lt3A_380 = arith.cmpi slt, %select_n3A_373, %lt3A_379 : i32
        %ne3A_381 = arith.xori %lt3A_378, %lt3A_380 : i1
        %and3A_382 = arith.andi %ne3A_381, %ne3A_376 : i1
        %add3A_383 = arith.addi %rem3A_374, %select_n3A_373 : i32
        %select_n3A_384 = arith.select %and3A_382, %add3A_383, %rem3A_374 : i32
        %dma_wait3A_385 = arith.constant 0 : i32
        %dma_wait3A_386 = arith.constant 0 : i32
        %dma_wait3A_387 = tpu.memref_slice %arg8[%select_n3A_368, %dma_wait3A_385, %dma_wait3A_386] : memref<2x128x128xf32, #tpu.memory_space<vmem>> -> memref<1x128x128xf32, #tpu.memory_space<vmem>>
        %dma_wait3A_388 = tpu.memref_squeeze %dma_wait3A_387 : memref<1x128x128xf32, #tpu.memory_space<vmem>> -> memref<128x128xf32, #tpu.memory_space<vmem>>
        %dma_wait3A_389 = arith.constant 0 : i32
        %dma_wait3A_390 = tpu.memref_slice %arg7[%sub3A_352, %dma_wait3A_389] : memref<80x128xi32, #tpu.memory_space<vmem>> -> memref<1x128xi32, #tpu.memory_space<vmem>>
        %dma_wait3A_391 = tpu.memref_squeeze %dma_wait3A_390 : memref<1x128xi32, #tpu.memory_space<vmem>> -> memref<128xi32, #tpu.memory_space<vmem>>
        %dma_wait3A_392 = arith.constant 0 : i32
        %dma_wait3A_393 = arith.constant 0 : i32
        %dma_wait3A_394 = tpu.memref_slice %arg12[%dma_wait3A_392, %dma_wait3A_393] : memref<10240x128xf32, #tpu.memory_space<vmem_shared>> -> memref<10240x128xf32, #tpu.memory_space<vmem_shared>>
        %dma_wait3A_395 = tpu.memref_slice %arg11[%select_n3A_384] : memref<2x!tpu.dma_semaphore, #tpu.memory_space<semaphore_mem>> -> memref<1x!tpu.dma_semaphore, #tpu.memory_space<semaphore_mem>>
        %dma_wait3A_396 = tpu.memref_squeeze %dma_wait3A_395 : memref<1x!tpu.dma_semaphore, #tpu.memory_space<semaphore_mem>> -> memref<!tpu.dma_semaphore, #tpu.memory_space<semaphore_mem>>
        tpu.wait_indirect_dma semaphore(%dma_wait3A_396 : memref<!tpu.dma_semaphore, #tpu.memory_space<semaphore_mem>>) src(%dma_wait3A_388 : memref<128x128xf32, #tpu.memory_space<vmem>>) dst(%dma_wait3A_394 : memref<10240x128xf32, #tpu.memory_space<vmem_shared>>)
      } else {
      }
      %dma_start3A_215 = arith.constant 3 : i32
      %dma_start3A_216 = arith.constant 1 : i32
      %dma_start3A_217 = arith.constant 1 : i32
      %dma_start3A_218 = arith.constant 0 : i32
      %dma_start3A_219 = arith.constant 0 : i32
      %dma_start3A_220 = tpu.memref_slice %arg8[%dma_start3A_216, %dma_start3A_218, %dma_start3A_219] : memref<2x128x128xf32, #tpu.memory_space<vmem>> -> memref<1x128x128xf32, #tpu.memory_space<vmem>>
      %dma_start3A_221 = tpu.memref_squeeze %dma_start3A_220 : memref<1x128x128xf32, #tpu.memory_space<vmem>> -> memref<128x128xf32, #tpu.memory_space<vmem>>
      %dma_start3A_222 = arith.constant 0 : i32
      %dma_start3A_223 = tpu.memref_slice %arg6[%select_n3A_113, %dma_start3A_215, %dma_start3A_222] : memref<2x8x128xi32, #tpu.memory_space<vmem>> -> memref<1x1x128xi32, #tpu.memory_space<vmem>>
      %dma_start3A_224 = tpu.memref_squeeze %dma_start3A_223 : memref<1x1x128xi32, #tpu.memory_space<vmem>> -> memref<128xi32, #tpu.memory_space<vmem>>
      %dma_start3A_225 = arith.constant 0 : i32
      %dma_start3A_226 = arith.constant 0 : i32
      %dma_start3A_227 = tpu.memref_slice %arg2[%dma_start3A_225, %dma_start3A_226] : memref<10240x128xf32, #tpu.memory_space<hbm>> -> memref<10240x128xf32, #tpu.memory_space<hbm>>
      %dma_start3A_228 = tpu.memref_slice %arg10[%dma_start3A_217] : memref<2x!tpu.dma_semaphore, #tpu.memory_space<semaphore_mem>> -> memref<1x!tpu.dma_semaphore, #tpu.memory_space<semaphore_mem>>
      %dma_start3A_229 = tpu.memref_squeeze %dma_start3A_228 : memref<1x!tpu.dma_semaphore, #tpu.memory_space<semaphore_mem>> -> memref<!tpu.dma_semaphore, #tpu.memory_space<semaphore_mem>>
      tpu.enqueue_indirect_dma source(%dma_start3A_227 : memref<10240x128xf32, #tpu.memory_space<hbm>>) target(%dma_start3A_221 : memref<128x128xf32, #tpu.memory_space<vmem>>) offsets(%dma_start3A_224 : memref<128xi32, #tpu.memory_space<vmem>>) semaphore(%dma_start3A_229 : memref<!tpu.dma_semaphore, #tpu.memory_space<semaphore_mem>>)
      %ge3A_230 = arith.constant 1 : i32
      %ge3A_231 = arith.cmpi sge, %add3A_209, %ge3A_230 : i32
      %convert_element_type3A_232 = arith.extui %ge3A_231 : i1 to i32
      %cond3A_233 = arith.constant 0 : i32
      %cond3A_234 = arith.cmpi ne, %convert_element_type3A_232, %cond3A_233 : i32
      scf.if %cond3A_234 {
        %mul3A_352 = arith.constant 8 : i32
        %mul3A_353 = arith.muli %scan3A_103, %mul3A_352 : i32
        %add3A_354 = arith.constant 2 : i32
        %add3A_355 = arith.addi %mul3A_353, %add3A_354 : i32
        %jit3A_356 = arith.constant 2 : i32
        %eq3A_357 = arith.constant 0 : i32
        %eq3A_358 = arith.cmpi eq, %jit3A_356, %eq3A_357 : i32
        %jit3A_359 = arith.constant 1 : i32
        %select_n3A_360 = arith.select %eq3A_358, %jit3A_359, %jit3A_356 : i32
        %rem3A_361 = arith.remsi %scan3A_103, %select_n3A_360 : i32
        %ne3A_362 = arith.constant 0 : i32
        %ne3A_363 = arith.cmpi ne, %rem3A_361, %ne3A_362 : i32
        %lt3A_364 = arith.constant 0 : i32
        %lt3A_365 = arith.cmpi slt, %rem3A_361, %lt3A_364 : i32
        %lt3A_366 = arith.constant 0 : i32
        %lt3A_367 = arith.cmpi slt, %select_n3A_360, %lt3A_366 : i32
        %ne3A_368 = arith.xori %lt3A_365, %lt3A_367 : i1
        %and3A_369 = arith.andi %ne3A_368, %ne3A_363 : i1
        %add3A_370 = arith.addi %rem3A_361, %select_n3A_360 : i32
        %select_n3A_371 = arith.select %and3A_369, %add3A_370, %rem3A_361 : i32
        %jit3A_372 = arith.constant 2 : i32
        %eq3A_373 = arith.constant 0 : i32
        %eq3A_374 = arith.cmpi eq, %jit3A_372, %eq3A_373 : i32
        %jit3A_375 = arith.constant 1 : i32
        %select_n3A_376 = arith.select %eq3A_374, %jit3A_375, %jit3A_372 : i32
        %rem3A_377 = arith.remsi %add3A_355, %select_n3A_376 : i32
        %ne3A_378 = arith.constant 0 : i32
        %ne3A_379 = arith.cmpi ne, %rem3A_377, %ne3A_378 : i32
        %lt3A_380 = arith.constant 0 : i32
        %lt3A_381 = arith.cmpi slt, %rem3A_377, %lt3A_380 : i32
        %lt3A_382 = arith.constant 0 : i32
        %lt3A_383 = arith.cmpi slt, %select_n3A_376, %lt3A_382 : i32
        %ne3A_384 = arith.xori %lt3A_381, %lt3A_383 : i1
        %and3A_385 = arith.andi %ne3A_384, %ne3A_379 : i1
        %add3A_386 = arith.addi %rem3A_377, %select_n3A_376 : i32
        %select_n3A_387 = arith.select %and3A_385, %add3A_386, %rem3A_377 : i32
        %jit3A_388 = arith.constant 2 : i32
        %eq3A_389 = arith.constant 0 : i32
        %eq3A_390 = arith.cmpi eq, %jit3A_388, %eq3A_389 : i32
        %jit3A_391 = arith.constant 1 : i32
        %select_n3A_392 = arith.select %eq3A_390, %jit3A_391, %jit3A_388 : i32
        %rem3A_393 = arith.remsi %add3A_355, %select_n3A_392 : i32
        %ne3A_394 = arith.constant 0 : i32
        %ne3A_395 = arith.cmpi ne, %rem3A_393, %ne3A_394 : i32
        %lt3A_396 = arith.constant 0 : i32
        %lt3A_397 = arith.cmpi slt, %rem3A_393, %lt3A_396 : i32
        %lt3A_398 = arith.constant 0 : i32
        %lt3A_399 = arith.cmpi slt, %select_n3A_392, %lt3A_398 : i32
        %ne3A_400 = arith.xori %lt3A_397, %lt3A_399 : i1
        %and3A_401 = arith.andi %ne3A_400, %ne3A_395 : i1
        %add3A_402 = arith.addi %rem3A_393, %select_n3A_392 : i32
        %select_n3A_403 = arith.select %and3A_401, %add3A_402, %rem3A_393 : i32
        %dma_wait3A_404 = arith.constant 2 : i32
        %dma_wait3A_405 = arith.constant 0 : i32
        %dma_wait3A_406 = arith.constant 0 : i32
        %dma_wait3A_407 = tpu.memref_slice %arg8[%select_n3A_387, %dma_wait3A_405, %dma_wait3A_406] : memref<2x128x128xf32, #tpu.memory_space<vmem>> -> memref<1x128x128xf32, #tpu.memory_space<vmem>>
        %dma_wait3A_408 = tpu.memref_squeeze %dma_wait3A_407 : memref<1x128x128xf32, #tpu.memory_space<vmem>> -> memref<128x128xf32, #tpu.memory_space<vmem>>
        %dma_wait3A_409 = arith.constant 0 : i32
        %dma_wait3A_410 = tpu.memref_slice %arg6[%select_n3A_371, %dma_wait3A_404, %dma_wait3A_409] : memref<2x8x128xi32, #tpu.memory_space<vmem>> -> memref<1x1x128xi32, #tpu.memory_space<vmem>>
        %dma_wait3A_411 = tpu.memref_squeeze %dma_wait3A_410 : memref<1x1x128xi32, #tpu.memory_space<vmem>> -> memref<128xi32, #tpu.memory_space<vmem>>
        %dma_wait3A_412 = arith.constant 0 : i32
        %dma_wait3A_413 = arith.constant 0 : i32
        %dma_wait3A_414 = tpu.memref_slice %arg2[%dma_wait3A_412, %dma_wait3A_413] : memref<10240x128xf32, #tpu.memory_space<hbm>> -> memref<10240x128xf32, #tpu.memory_space<hbm>>
        %dma_wait3A_415 = tpu.memref_slice %arg10[%select_n3A_403] : memref<2x!tpu.dma_semaphore, #tpu.memory_space<semaphore_mem>> -> memref<1x!tpu.dma_semaphore, #tpu.memory_space<semaphore_mem>>
        %dma_wait3A_416 = tpu.memref_squeeze %dma_wait3A_415 : memref<1x!tpu.dma_semaphore, #tpu.memory_space<semaphore_mem>> -> memref<!tpu.dma_semaphore, #tpu.memory_space<semaphore_mem>>
        tpu.wait_indirect_dma semaphore(%dma_wait3A_416 : memref<!tpu.dma_semaphore, #tpu.memory_space<semaphore_mem>>) src(%dma_wait3A_414 : memref<10240x128xf32, #tpu.memory_space<hbm>>) dst(%dma_wait3A_408 : memref<128x128xf32, #tpu.memory_space<vmem>>)
        %sub3A = arith.constant 1 : i32
        %sub3A_417 = arith.subi %add3A_209, %sub3A : i32
        %sub3A_418 = arith.constant 1 : i32
        %sub3A_419 = arith.subi %add3A_209, %sub3A_418 : i32
        %jit3A_420 = arith.constant 2 : i32
        %eq3A_421 = arith.constant 0 : i32
        %eq3A_422 = arith.cmpi eq, %jit3A_420, %eq3A_421 : i32
        %jit3A_423 = arith.constant 1 : i32
        %select_n3A_424 = arith.select %eq3A_422, %jit3A_423, %jit3A_420 : i32
        %rem3A_425 = arith.remsi %sub3A_419, %select_n3A_424 : i32
        %ne3A_426 = arith.constant 0 : i32
        %ne3A_427 = arith.cmpi ne, %rem3A_425, %ne3A_426 : i32
        %lt3A_428 = arith.constant 0 : i32
        %lt3A_429 = arith.cmpi slt, %rem3A_425, %lt3A_428 : i32
        %lt3A_430 = arith.constant 0 : i32
        %lt3A_431 = arith.cmpi slt, %select_n3A_424, %lt3A_430 : i32
        %ne3A_432 = arith.xori %lt3A_429, %lt3A_431 : i1
        %and3A_433 = arith.andi %ne3A_432, %ne3A_427 : i1
        %add3A_434 = arith.addi %rem3A_425, %select_n3A_424 : i32
        %select_n3A_435 = arith.select %and3A_433, %add3A_434, %rem3A_425 : i32
        %dma_start3A_436 = arith.constant 0 : i32
        %dma_start3A_437 = arith.constant 0 : i32
        %dma_start3A_438 = arith.constant 0 : i32
        %dma_start3A_439 = tpu.memref_slice %arg8[%dma_start3A_436, %dma_start3A_437, %dma_start3A_438] : memref<2x128x128xf32, #tpu.memory_space<vmem>> -> memref<1x128x128xf32, #tpu.memory_space<vmem>>
        %dma_start3A_440 = tpu.memref_squeeze %dma_start3A_439 : memref<1x128x128xf32, #tpu.memory_space<vmem>> -> memref<128x128xf32, #tpu.memory_space<vmem>>
        %dma_start3A_441 = arith.constant 0 : i32
        %dma_start3A_442 = tpu.memref_slice %arg7[%sub3A_417, %dma_start3A_441] : memref<80x128xi32, #tpu.memory_space<vmem>> -> memref<1x128xi32, #tpu.memory_space<vmem>>
        %dma_start3A_443 = tpu.memref_squeeze %dma_start3A_442 : memref<1x128xi32, #tpu.memory_space<vmem>> -> memref<128xi32, #tpu.memory_space<vmem>>
        %dma_start3A_444 = arith.constant 0 : i32
        %dma_start3A_445 = arith.constant 0 : i32
        %dma_start3A_446 = tpu.memref_slice %arg12[%dma_start3A_444, %dma_start3A_445] : memref<10240x128xf32, #tpu.memory_space<vmem_shared>> -> memref<10240x128xf32, #tpu.memory_space<vmem_shared>>
        %dma_start3A_447 = tpu.memref_slice %arg11[%select_n3A_435] : memref<2x!tpu.dma_semaphore, #tpu.memory_space<semaphore_mem>> -> memref<1x!tpu.dma_semaphore, #tpu.memory_space<semaphore_mem>>
        %dma_start3A_448 = tpu.memref_squeeze %dma_start3A_447 : memref<1x!tpu.dma_semaphore, #tpu.memory_space<semaphore_mem>> -> memref<!tpu.dma_semaphore, #tpu.memory_space<semaphore_mem>>
        tpu.enqueue_indirect_dma source(%dma_start3A_440 : memref<128x128xf32, #tpu.memory_space<vmem>>) target(%dma_start3A_446 : memref<10240x128xf32, #tpu.memory_space<vmem_shared>>) offsets(%dma_start3A_443 : memref<128xi32, #tpu.memory_space<vmem>>) semaphore(%dma_start3A_448 : memref<!tpu.dma_semaphore, #tpu.memory_space<semaphore_mem>>) {add = true}
      } else {
      }
      %mul3A_235 = arith.constant 8 : i32
      %mul3A_236 = arith.muli %scan3A_103, %mul3A_235 : i32
      %add3A_237 = arith.constant 4 : i32
      %add3A_238 = arith.addi %mul3A_236, %add3A_237 : i32
      %ge3A_239 = arith.constant 2 : i32
      %ge3A_240 = arith.cmpi sge, %add3A_238, %ge3A_239 : i32
      %convert_element_type3A_241 = arith.extui %ge3A_240 : i1 to i32
      %cond3A_242 = arith.constant 0 : i32
      %cond3A_243 = arith.cmpi ne, %convert_element_type3A_241, %cond3A_242 : i32
      scf.if %cond3A_243 {
        %sub3A = arith.constant 2 : i32
        %sub3A_352 = arith.subi %add3A_238, %sub3A : i32
        %jit3A_353 = arith.constant 2 : i32
        %eq3A_354 = arith.constant 0 : i32
        %eq3A_355 = arith.cmpi eq, %jit3A_353, %eq3A_354 : i32
        %jit3A_356 = arith.constant 1 : i32
        %select_n3A_357 = arith.select %eq3A_355, %jit3A_356, %jit3A_353 : i32
        %rem3A_358 = arith.remsi %sub3A_352, %select_n3A_357 : i32
        %ne3A_359 = arith.constant 0 : i32
        %ne3A_360 = arith.cmpi ne, %rem3A_358, %ne3A_359 : i32
        %lt3A_361 = arith.constant 0 : i32
        %lt3A_362 = arith.cmpi slt, %rem3A_358, %lt3A_361 : i32
        %lt3A_363 = arith.constant 0 : i32
        %lt3A_364 = arith.cmpi slt, %select_n3A_357, %lt3A_363 : i32
        %ne3A_365 = arith.xori %lt3A_362, %lt3A_364 : i1
        %and3A_366 = arith.andi %ne3A_365, %ne3A_360 : i1
        %add3A_367 = arith.addi %rem3A_358, %select_n3A_357 : i32
        %select_n3A_368 = arith.select %and3A_366, %add3A_367, %rem3A_358 : i32
        %jit3A_369 = arith.constant 2 : i32
        %eq3A_370 = arith.constant 0 : i32
        %eq3A_371 = arith.cmpi eq, %jit3A_369, %eq3A_370 : i32
        %jit3A_372 = arith.constant 1 : i32
        %select_n3A_373 = arith.select %eq3A_371, %jit3A_372, %jit3A_369 : i32
        %rem3A_374 = arith.remsi %sub3A_352, %select_n3A_373 : i32
        %ne3A_375 = arith.constant 0 : i32
        %ne3A_376 = arith.cmpi ne, %rem3A_374, %ne3A_375 : i32
        %lt3A_377 = arith.constant 0 : i32
        %lt3A_378 = arith.cmpi slt, %rem3A_374, %lt3A_377 : i32
        %lt3A_379 = arith.constant 0 : i32
        %lt3A_380 = arith.cmpi slt, %select_n3A_373, %lt3A_379 : i32
        %ne3A_381 = arith.xori %lt3A_378, %lt3A_380 : i1
        %and3A_382 = arith.andi %ne3A_381, %ne3A_376 : i1
        %add3A_383 = arith.addi %rem3A_374, %select_n3A_373 : i32
        %select_n3A_384 = arith.select %and3A_382, %add3A_383, %rem3A_374 : i32
        %dma_wait3A_385 = arith.constant 0 : i32
        %dma_wait3A_386 = arith.constant 0 : i32
        %dma_wait3A_387 = tpu.memref_slice %arg8[%select_n3A_368, %dma_wait3A_385, %dma_wait3A_386] : memref<2x128x128xf32, #tpu.memory_space<vmem>> -> memref<1x128x128xf32, #tpu.memory_space<vmem>>
        %dma_wait3A_388 = tpu.memref_squeeze %dma_wait3A_387 : memref<1x128x128xf32, #tpu.memory_space<vmem>> -> memref<128x128xf32, #tpu.memory_space<vmem>>
        %dma_wait3A_389 = arith.constant 0 : i32
        %dma_wait3A_390 = tpu.memref_slice %arg7[%sub3A_352, %dma_wait3A_389] : memref<80x128xi32, #tpu.memory_space<vmem>> -> memref<1x128xi32, #tpu.memory_space<vmem>>
        %dma_wait3A_391 = tpu.memref_squeeze %dma_wait3A_390 : memref<1x128xi32, #tpu.memory_space<vmem>> -> memref<128xi32, #tpu.memory_space<vmem>>
        %dma_wait3A_392 = arith.constant 0 : i32
        %dma_wait3A_393 = arith.constant 0 : i32
        %dma_wait3A_394 = tpu.memref_slice %arg12[%dma_wait3A_392, %dma_wait3A_393] : memref<10240x128xf32, #tpu.memory_space<vmem_shared>> -> memref<10240x128xf32, #tpu.memory_space<vmem_shared>>
        %dma_wait3A_395 = tpu.memref_slice %arg11[%select_n3A_384] : memref<2x!tpu.dma_semaphore, #tpu.memory_space<semaphore_mem>> -> memref<1x!tpu.dma_semaphore, #tpu.memory_space<semaphore_mem>>
        %dma_wait3A_396 = tpu.memref_squeeze %dma_wait3A_395 : memref<1x!tpu.dma_semaphore, #tpu.memory_space<semaphore_mem>> -> memref<!tpu.dma_semaphore, #tpu.memory_space<semaphore_mem>>
        tpu.wait_indirect_dma semaphore(%dma_wait3A_396 : memref<!tpu.dma_semaphore, #tpu.memory_space<semaphore_mem>>) src(%dma_wait3A_388 : memref<128x128xf32, #tpu.memory_space<vmem>>) dst(%dma_wait3A_394 : memref<10240x128xf32, #tpu.memory_space<vmem_shared>>)
      } else {
      }
      %dma_start3A_244 = arith.constant 4 : i32
      %dma_start3A_245 = arith.constant 0 : i32
      %dma_start3A_246 = arith.constant 0 : i32
      %dma_start3A_247 = arith.constant 0 : i32
      %dma_start3A_248 = arith.constant 0 : i32
      %dma_start3A_249 = tpu.memref_slice %arg8[%dma_start3A_245, %dma_start3A_247, %dma_start3A_248] : memref<2x128x128xf32, #tpu.memory_space<vmem>> -> memref<1x128x128xf32, #tpu.memory_space<vmem>>
      %dma_start3A_250 = tpu.memref_squeeze %dma_start3A_249 : memref<1x128x128xf32, #tpu.memory_space<vmem>> -> memref<128x128xf32, #tpu.memory_space<vmem>>
      %dma_start3A_251 = arith.constant 0 : i32
      %dma_start3A_252 = tpu.memref_slice %arg6[%select_n3A_113, %dma_start3A_244, %dma_start3A_251] : memref<2x8x128xi32, #tpu.memory_space<vmem>> -> memref<1x1x128xi32, #tpu.memory_space<vmem>>
      %dma_start3A_253 = tpu.memref_squeeze %dma_start3A_252 : memref<1x1x128xi32, #tpu.memory_space<vmem>> -> memref<128xi32, #tpu.memory_space<vmem>>
      %dma_start3A_254 = arith.constant 0 : i32
      %dma_start3A_255 = arith.constant 0 : i32
      %dma_start3A_256 = tpu.memref_slice %arg2[%dma_start3A_254, %dma_start3A_255] : memref<10240x128xf32, #tpu.memory_space<hbm>> -> memref<10240x128xf32, #tpu.memory_space<hbm>>
      %dma_start3A_257 = tpu.memref_slice %arg10[%dma_start3A_246] : memref<2x!tpu.dma_semaphore, #tpu.memory_space<semaphore_mem>> -> memref<1x!tpu.dma_semaphore, #tpu.memory_space<semaphore_mem>>
      %dma_start3A_258 = tpu.memref_squeeze %dma_start3A_257 : memref<1x!tpu.dma_semaphore, #tpu.memory_space<semaphore_mem>> -> memref<!tpu.dma_semaphore, #tpu.memory_space<semaphore_mem>>
      tpu.enqueue_indirect_dma source(%dma_start3A_256 : memref<10240x128xf32, #tpu.memory_space<hbm>>) target(%dma_start3A_250 : memref<128x128xf32, #tpu.memory_space<vmem>>) offsets(%dma_start3A_253 : memref<128xi32, #tpu.memory_space<vmem>>) semaphore(%dma_start3A_258 : memref<!tpu.dma_semaphore, #tpu.memory_space<semaphore_mem>>)
      %ge3A_259 = arith.constant 1 : i32
      %ge3A_260 = arith.cmpi sge, %add3A_238, %ge3A_259 : i32
      %convert_element_type3A_261 = arith.extui %ge3A_260 : i1 to i32
      %cond3A_262 = arith.constant 0 : i32
      %cond3A_263 = arith.cmpi ne, %convert_element_type3A_261, %cond3A_262 : i32
      scf.if %cond3A_263 {
        %mul3A_352 = arith.constant 8 : i32
        %mul3A_353 = arith.muli %scan3A_103, %mul3A_352 : i32
        %add3A_354 = arith.constant 3 : i32
        %add3A_355 = arith.addi %mul3A_353, %add3A_354 : i32
        %jit3A_356 = arith.constant 2 : i32
        %eq3A_357 = arith.constant 0 : i32
        %eq3A_358 = arith.cmpi eq, %jit3A_356, %eq3A_357 : i32
        %jit3A_359 = arith.constant 1 : i32
        %select_n3A_360 = arith.select %eq3A_358, %jit3A_359, %jit3A_356 : i32
        %rem3A_361 = arith.remsi %scan3A_103, %select_n3A_360 : i32
        %ne3A_362 = arith.constant 0 : i32
        %ne3A_363 = arith.cmpi ne, %rem3A_361, %ne3A_362 : i32
        %lt3A_364 = arith.constant 0 : i32
        %lt3A_365 = arith.cmpi slt, %rem3A_361, %lt3A_364 : i32
        %lt3A_366 = arith.constant 0 : i32
        %lt3A_367 = arith.cmpi slt, %select_n3A_360, %lt3A_366 : i32
        %ne3A_368 = arith.xori %lt3A_365, %lt3A_367 : i1
        %and3A_369 = arith.andi %ne3A_368, %ne3A_363 : i1
        %add3A_370 = arith.addi %rem3A_361, %select_n3A_360 : i32
        %select_n3A_371 = arith.select %and3A_369, %add3A_370, %rem3A_361 : i32
        %jit3A_372 = arith.constant 2 : i32
        %eq3A_373 = arith.constant 0 : i32
        %eq3A_374 = arith.cmpi eq, %jit3A_372, %eq3A_373 : i32
        %jit3A_375 = arith.constant 1 : i32
        %select_n3A_376 = arith.select %eq3A_374, %jit3A_375, %jit3A_372 : i32
        %rem3A_377 = arith.remsi %add3A_355, %select_n3A_376 : i32
        %ne3A_378 = arith.constant 0 : i32
        %ne3A_379 = arith.cmpi ne, %rem3A_377, %ne3A_378 : i32
        %lt3A_380 = arith.constant 0 : i32
        %lt3A_381 = arith.cmpi slt, %rem3A_377, %lt3A_380 : i32
        %lt3A_382 = arith.constant 0 : i32
        %lt3A_383 = arith.cmpi slt, %select_n3A_376, %lt3A_382 : i32
        %ne3A_384 = arith.xori %lt3A_381, %lt3A_383 : i1
        %and3A_385 = arith.andi %ne3A_384, %ne3A_379 : i1
        %add3A_386 = arith.addi %rem3A_377, %select_n3A_376 : i32
        %select_n3A_387 = arith.select %and3A_385, %add3A_386, %rem3A_377 : i32
        %jit3A_388 = arith.constant 2 : i32
        %eq3A_389 = arith.constant 0 : i32
        %eq3A_390 = arith.cmpi eq, %jit3A_388, %eq3A_389 : i32
        %jit3A_391 = arith.constant 1 : i32
        %select_n3A_392 = arith.select %eq3A_390, %jit3A_391, %jit3A_388 : i32
        %rem3A_393 = arith.remsi %add3A_355, %select_n3A_392 : i32
        %ne3A_394 = arith.constant 0 : i32
        %ne3A_395 = arith.cmpi ne, %rem3A_393, %ne3A_394 : i32
        %lt3A_396 = arith.constant 0 : i32
        %lt3A_397 = arith.cmpi slt, %rem3A_393, %lt3A_396 : i32
        %lt3A_398 = arith.constant 0 : i32
        %lt3A_399 = arith.cmpi slt, %select_n3A_392, %lt3A_398 : i32
        %ne3A_400 = arith.xori %lt3A_397, %lt3A_399 : i1
        %and3A_401 = arith.andi %ne3A_400, %ne3A_395 : i1
        %add3A_402 = arith.addi %rem3A_393, %select_n3A_392 : i32
        %select_n3A_403 = arith.select %and3A_401, %add3A_402, %rem3A_393 : i32
        %dma_wait3A_404 = arith.constant 3 : i32
        %dma_wait3A_405 = arith.constant 0 : i32
        %dma_wait3A_406 = arith.constant 0 : i32
        %dma_wait3A_407 = tpu.memref_slice %arg8[%select_n3A_387, %dma_wait3A_405, %dma_wait3A_406] : memref<2x128x128xf32, #tpu.memory_space<vmem>> -> memref<1x128x128xf32, #tpu.memory_space<vmem>>
        %dma_wait3A_408 = tpu.memref_squeeze %dma_wait3A_407 : memref<1x128x128xf32, #tpu.memory_space<vmem>> -> memref<128x128xf32, #tpu.memory_space<vmem>>
        %dma_wait3A_409 = arith.constant 0 : i32
        %dma_wait3A_410 = tpu.memref_slice %arg6[%select_n3A_371, %dma_wait3A_404, %dma_wait3A_409] : memref<2x8x128xi32, #tpu.memory_space<vmem>> -> memref<1x1x128xi32, #tpu.memory_space<vmem>>
        %dma_wait3A_411 = tpu.memref_squeeze %dma_wait3A_410 : memref<1x1x128xi32, #tpu.memory_space<vmem>> -> memref<128xi32, #tpu.memory_space<vmem>>
        %dma_wait3A_412 = arith.constant 0 : i32
        %dma_wait3A_413 = arith.constant 0 : i32
        %dma_wait3A_414 = tpu.memref_slice %arg2[%dma_wait3A_412, %dma_wait3A_413] : memref<10240x128xf32, #tpu.memory_space<hbm>> -> memref<10240x128xf32, #tpu.memory_space<hbm>>
        %dma_wait3A_415 = tpu.memref_slice %arg10[%select_n3A_403] : memref<2x!tpu.dma_semaphore, #tpu.memory_space<semaphore_mem>> -> memref<1x!tpu.dma_semaphore, #tpu.memory_space<semaphore_mem>>
        %dma_wait3A_416 = tpu.memref_squeeze %dma_wait3A_415 : memref<1x!tpu.dma_semaphore, #tpu.memory_space<semaphore_mem>> -> memref<!tpu.dma_semaphore, #tpu.memory_space<semaphore_mem>>
        tpu.wait_indirect_dma semaphore(%dma_wait3A_416 : memref<!tpu.dma_semaphore, #tpu.memory_space<semaphore_mem>>) src(%dma_wait3A_414 : memref<10240x128xf32, #tpu.memory_space<hbm>>) dst(%dma_wait3A_408 : memref<128x128xf32, #tpu.memory_space<vmem>>)
        %sub3A = arith.constant 1 : i32
        %sub3A_417 = arith.subi %add3A_238, %sub3A : i32
        %sub3A_418 = arith.constant 1 : i32
        %sub3A_419 = arith.subi %add3A_238, %sub3A_418 : i32
        %jit3A_420 = arith.constant 2 : i32
        %eq3A_421 = arith.constant 0 : i32
        %eq3A_422 = arith.cmpi eq, %jit3A_420, %eq3A_421 : i32
        %jit3A_423 = arith.constant 1 : i32
        %select_n3A_424 = arith.select %eq3A_422, %jit3A_423, %jit3A_420 : i32
        %rem3A_425 = arith.remsi %sub3A_419, %select_n3A_424 : i32
        %ne3A_426 = arith.constant 0 : i32
        %ne3A_427 = arith.cmpi ne, %rem3A_425, %ne3A_426 : i32
        %lt3A_428 = arith.constant 0 : i32
        %lt3A_429 = arith.cmpi slt, %rem3A_425, %lt3A_428 : i32
        %lt3A_430 = arith.constant 0 : i32
        %lt3A_431 = arith.cmpi slt, %select_n3A_424, %lt3A_430 : i32
        %ne3A_432 = arith.xori %lt3A_429, %lt3A_431 : i1
        %and3A_433 = arith.andi %ne3A_432, %ne3A_427 : i1
        %add3A_434 = arith.addi %rem3A_425, %select_n3A_424 : i32
        %select_n3A_435 = arith.select %and3A_433, %add3A_434, %rem3A_425 : i32
        %dma_start3A_436 = arith.constant 1 : i32
        %dma_start3A_437 = arith.constant 0 : i32
        %dma_start3A_438 = arith.constant 0 : i32
        %dma_start3A_439 = tpu.memref_slice %arg8[%dma_start3A_436, %dma_start3A_437, %dma_start3A_438] : memref<2x128x128xf32, #tpu.memory_space<vmem>> -> memref<1x128x128xf32, #tpu.memory_space<vmem>>
        %dma_start3A_440 = tpu.memref_squeeze %dma_start3A_439 : memref<1x128x128xf32, #tpu.memory_space<vmem>> -> memref<128x128xf32, #tpu.memory_space<vmem>>
        %dma_start3A_441 = arith.constant 0 : i32
        %dma_start3A_442 = tpu.memref_slice %arg7[%sub3A_417, %dma_start3A_441] : memref<80x128xi32, #tpu.memory_space<vmem>> -> memref<1x128xi32, #tpu.memory_space<vmem>>
        %dma_start3A_443 = tpu.memref_squeeze %dma_start3A_442 : memref<1x128xi32, #tpu.memory_space<vmem>> -> memref<128xi32, #tpu.memory_space<vmem>>
        %dma_start3A_444 = arith.constant 0 : i32
        %dma_start3A_445 = arith.constant 0 : i32
        %dma_start3A_446 = tpu.memref_slice %arg12[%dma_start3A_444, %dma_start3A_445] : memref<10240x128xf32, #tpu.memory_space<vmem_shared>> -> memref<10240x128xf32, #tpu.memory_space<vmem_shared>>
        %dma_start3A_447 = tpu.memref_slice %arg11[%select_n3A_435] : memref<2x!tpu.dma_semaphore, #tpu.memory_space<semaphore_mem>> -> memref<1x!tpu.dma_semaphore, #tpu.memory_space<semaphore_mem>>
        %dma_start3A_448 = tpu.memref_squeeze %dma_start3A_447 : memref<1x!tpu.dma_semaphore, #tpu.memory_space<semaphore_mem>> -> memref<!tpu.dma_semaphore, #tpu.memory_space<semaphore_mem>>
        tpu.enqueue_indirect_dma source(%dma_start3A_440 : memref<128x128xf32, #tpu.memory_space<vmem>>) target(%dma_start3A_446 : memref<10240x128xf32, #tpu.memory_space<vmem_shared>>) offsets(%dma_start3A_443 : memref<128xi32, #tpu.memory_space<vmem>>) semaphore(%dma_start3A_448 : memref<!tpu.dma_semaphore, #tpu.memory_space<semaphore_mem>>) {add = true}
      } else {
      }
      %mul3A_264 = arith.constant 8 : i32
      %mul3A_265 = arith.muli %scan3A_103, %mul3A_264 : i32
      %add3A_266 = arith.constant 5 : i32
      %add3A_267 = arith.addi %mul3A_265, %add3A_266 : i32
      %ge3A_268 = arith.constant 2 : i32
      %ge3A_269 = arith.cmpi sge, %add3A_267, %ge3A_268 : i32
      %convert_element_type3A_270 = arith.extui %ge3A_269 : i1 to i32
      %cond3A_271 = arith.constant 0 : i32
      %cond3A_272 = arith.cmpi ne, %convert_element_type3A_270, %cond3A_271 : i32
      scf.if %cond3A_272 {
        %sub3A = arith.constant 2 : i32
        %sub3A_352 = arith.subi %add3A_267, %sub3A : i32
        %jit3A_353 = arith.constant 2 : i32
        %eq3A_354 = arith.constant 0 : i32
        %eq3A_355 = arith.cmpi eq, %jit3A_353, %eq3A_354 : i32
        %jit3A_356 = arith.constant 1 : i32
        %select_n3A_357 = arith.select %eq3A_355, %jit3A_356, %jit3A_353 : i32
        %rem3A_358 = arith.remsi %sub3A_352, %select_n3A_357 : i32
        %ne3A_359 = arith.constant 0 : i32
        %ne3A_360 = arith.cmpi ne, %rem3A_358, %ne3A_359 : i32
        %lt3A_361 = arith.constant 0 : i32
        %lt3A_362 = arith.cmpi slt, %rem3A_358, %lt3A_361 : i32
        %lt3A_363 = arith.constant 0 : i32
        %lt3A_364 = arith.cmpi slt, %select_n3A_357, %lt3A_363 : i32
        %ne3A_365 = arith.xori %lt3A_362, %lt3A_364 : i1
        %and3A_366 = arith.andi %ne3A_365, %ne3A_360 : i1
        %add3A_367 = arith.addi %rem3A_358, %select_n3A_357 : i32
        %select_n3A_368 = arith.select %and3A_366, %add3A_367, %rem3A_358 : i32
        %jit3A_369 = arith.constant 2 : i32
        %eq3A_370 = arith.constant 0 : i32
        %eq3A_371 = arith.cmpi eq, %jit3A_369, %eq3A_370 : i32
        %jit3A_372 = arith.constant 1 : i32
        %select_n3A_373 = arith.select %eq3A_371, %jit3A_372, %jit3A_369 : i32
        %rem3A_374 = arith.remsi %sub3A_352, %select_n3A_373 : i32
        %ne3A_375 = arith.constant 0 : i32
        %ne3A_376 = arith.cmpi ne, %rem3A_374, %ne3A_375 : i32
        %lt3A_377 = arith.constant 0 : i32
        %lt3A_378 = arith.cmpi slt, %rem3A_374, %lt3A_377 : i32
        %lt3A_379 = arith.constant 0 : i32
        %lt3A_380 = arith.cmpi slt, %select_n3A_373, %lt3A_379 : i32
        %ne3A_381 = arith.xori %lt3A_378, %lt3A_380 : i1
        %and3A_382 = arith.andi %ne3A_381, %ne3A_376 : i1
        %add3A_383 = arith.addi %rem3A_374, %select_n3A_373 : i32
        %select_n3A_384 = arith.select %and3A_382, %add3A_383, %rem3A_374 : i32
        %dma_wait3A_385 = arith.constant 0 : i32
        %dma_wait3A_386 = arith.constant 0 : i32
        %dma_wait3A_387 = tpu.memref_slice %arg8[%select_n3A_368, %dma_wait3A_385, %dma_wait3A_386] : memref<2x128x128xf32, #tpu.memory_space<vmem>> -> memref<1x128x128xf32, #tpu.memory_space<vmem>>
        %dma_wait3A_388 = tpu.memref_squeeze %dma_wait3A_387 : memref<1x128x128xf32, #tpu.memory_space<vmem>> -> memref<128x128xf32, #tpu.memory_space<vmem>>
        %dma_wait3A_389 = arith.constant 0 : i32
        %dma_wait3A_390 = tpu.memref_slice %arg7[%sub3A_352, %dma_wait3A_389] : memref<80x128xi32, #tpu.memory_space<vmem>> -> memref<1x128xi32, #tpu.memory_space<vmem>>
        %dma_wait3A_391 = tpu.memref_squeeze %dma_wait3A_390 : memref<1x128xi32, #tpu.memory_space<vmem>> -> memref<128xi32, #tpu.memory_space<vmem>>
        %dma_wait3A_392 = arith.constant 0 : i32
        %dma_wait3A_393 = arith.constant 0 : i32
        %dma_wait3A_394 = tpu.memref_slice %arg12[%dma_wait3A_392, %dma_wait3A_393] : memref<10240x128xf32, #tpu.memory_space<vmem_shared>> -> memref<10240x128xf32, #tpu.memory_space<vmem_shared>>
        %dma_wait3A_395 = tpu.memref_slice %arg11[%select_n3A_384] : memref<2x!tpu.dma_semaphore, #tpu.memory_space<semaphore_mem>> -> memref<1x!tpu.dma_semaphore, #tpu.memory_space<semaphore_mem>>
        %dma_wait3A_396 = tpu.memref_squeeze %dma_wait3A_395 : memref<1x!tpu.dma_semaphore, #tpu.memory_space<semaphore_mem>> -> memref<!tpu.dma_semaphore, #tpu.memory_space<semaphore_mem>>
        tpu.wait_indirect_dma semaphore(%dma_wait3A_396 : memref<!tpu.dma_semaphore, #tpu.memory_space<semaphore_mem>>) src(%dma_wait3A_388 : memref<128x128xf32, #tpu.memory_space<vmem>>) dst(%dma_wait3A_394 : memref<10240x128xf32, #tpu.memory_space<vmem_shared>>)
      } else {
      }
      %dma_start3A_273 = arith.constant 5 : i32
      %dma_start3A_274 = arith.constant 1 : i32
      %dma_start3A_275 = arith.constant 1 : i32
      %dma_start3A_276 = arith.constant 0 : i32
      %dma_start3A_277 = arith.constant 0 : i32
      %dma_start3A_278 = tpu.memref_slice %arg8[%dma_start3A_274, %dma_start3A_276, %dma_start3A_277] : memref<2x128x128xf32, #tpu.memory_space<vmem>> -> memref<1x128x128xf32, #tpu.memory_space<vmem>>
      %dma_start3A_279 = tpu.memref_squeeze %dma_start3A_278 : memref<1x128x128xf32, #tpu.memory_space<vmem>> -> memref<128x128xf32, #tpu.memory_space<vmem>>
      %dma_start3A_280 = arith.constant 0 : i32
      %dma_start3A_281 = tpu.memref_slice %arg6[%select_n3A_113, %dma_start3A_273, %dma_start3A_280] : memref<2x8x128xi32, #tpu.memory_space<vmem>> -> memref<1x1x128xi32, #tpu.memory_space<vmem>>
      %dma_start3A_282 = tpu.memref_squeeze %dma_start3A_281 : memref<1x1x128xi32, #tpu.memory_space<vmem>> -> memref<128xi32, #tpu.memory_space<vmem>>
      %dma_start3A_283 = arith.constant 0 : i32
      %dma_start3A_284 = arith.constant 0 : i32
      %dma_start3A_285 = tpu.memref_slice %arg2[%dma_start3A_283, %dma_start3A_284] : memref<10240x128xf32, #tpu.memory_space<hbm>> -> memref<10240x128xf32, #tpu.memory_space<hbm>>
      %dma_start3A_286 = tpu.memref_slice %arg10[%dma_start3A_275] : memref<2x!tpu.dma_semaphore, #tpu.memory_space<semaphore_mem>> -> memref<1x!tpu.dma_semaphore, #tpu.memory_space<semaphore_mem>>
      %dma_start3A_287 = tpu.memref_squeeze %dma_start3A_286 : memref<1x!tpu.dma_semaphore, #tpu.memory_space<semaphore_mem>> -> memref<!tpu.dma_semaphore, #tpu.memory_space<semaphore_mem>>
      tpu.enqueue_indirect_dma source(%dma_start3A_285 : memref<10240x128xf32, #tpu.memory_space<hbm>>) target(%dma_start3A_279 : memref<128x128xf32, #tpu.memory_space<vmem>>) offsets(%dma_start3A_282 : memref<128xi32, #tpu.memory_space<vmem>>) semaphore(%dma_start3A_287 : memref<!tpu.dma_semaphore, #tpu.memory_space<semaphore_mem>>)
      %ge3A_288 = arith.constant 1 : i32
      %ge3A_289 = arith.cmpi sge, %add3A_267, %ge3A_288 : i32
      %convert_element_type3A_290 = arith.extui %ge3A_289 : i1 to i32
      %cond3A_291 = arith.constant 0 : i32
      %cond3A_292 = arith.cmpi ne, %convert_element_type3A_290, %cond3A_291 : i32
      scf.if %cond3A_292 {
        %mul3A_352 = arith.constant 8 : i32
        %mul3A_353 = arith.muli %scan3A_103, %mul3A_352 : i32
        %add3A_354 = arith.constant 4 : i32
        %add3A_355 = arith.addi %mul3A_353, %add3A_354 : i32
        %jit3A_356 = arith.constant 2 : i32
        %eq3A_357 = arith.constant 0 : i32
        %eq3A_358 = arith.cmpi eq, %jit3A_356, %eq3A_357 : i32
        %jit3A_359 = arith.constant 1 : i32
        %select_n3A_360 = arith.select %eq3A_358, %jit3A_359, %jit3A_356 : i32
        %rem3A_361 = arith.remsi %scan3A_103, %select_n3A_360 : i32
        %ne3A_362 = arith.constant 0 : i32
        %ne3A_363 = arith.cmpi ne, %rem3A_361, %ne3A_362 : i32
        %lt3A_364 = arith.constant 0 : i32
        %lt3A_365 = arith.cmpi slt, %rem3A_361, %lt3A_364 : i32
        %lt3A_366 = arith.constant 0 : i32
        %lt3A_367 = arith.cmpi slt, %select_n3A_360, %lt3A_366 : i32
        %ne3A_368 = arith.xori %lt3A_365, %lt3A_367 : i1
        %and3A_369 = arith.andi %ne3A_368, %ne3A_363 : i1
        %add3A_370 = arith.addi %rem3A_361, %select_n3A_360 : i32
        %select_n3A_371 = arith.select %and3A_369, %add3A_370, %rem3A_361 : i32
        %jit3A_372 = arith.constant 2 : i32
        %eq3A_373 = arith.constant 0 : i32
        %eq3A_374 = arith.cmpi eq, %jit3A_372, %eq3A_373 : i32
        %jit3A_375 = arith.constant 1 : i32
        %select_n3A_376 = arith.select %eq3A_374, %jit3A_375, %jit3A_372 : i32
        %rem3A_377 = arith.remsi %add3A_355, %select_n3A_376 : i32
        %ne3A_378 = arith.constant 0 : i32
        %ne3A_379 = arith.cmpi ne, %rem3A_377, %ne3A_378 : i32
        %lt3A_380 = arith.constant 0 : i32
        %lt3A_381 = arith.cmpi slt, %rem3A_377, %lt3A_380 : i32
        %lt3A_382 = arith.constant 0 : i32
        %lt3A_383 = arith.cmpi slt, %select_n3A_376, %lt3A_382 : i32
        %ne3A_384 = arith.xori %lt3A_381, %lt3A_383 : i1
        %and3A_385 = arith.andi %ne3A_384, %ne3A_379 : i1
        %add3A_386 = arith.addi %rem3A_377, %select_n3A_376 : i32
        %select_n3A_387 = arith.select %and3A_385, %add3A_386, %rem3A_377 : i32
        %jit3A_388 = arith.constant 2 : i32
        %eq3A_389 = arith.constant 0 : i32
        %eq3A_390 = arith.cmpi eq, %jit3A_388, %eq3A_389 : i32
        %jit3A_391 = arith.constant 1 : i32
        %select_n3A_392 = arith.select %eq3A_390, %jit3A_391, %jit3A_388 : i32
        %rem3A_393 = arith.remsi %add3A_355, %select_n3A_392 : i32
        %ne3A_394 = arith.constant 0 : i32
        %ne3A_395 = arith.cmpi ne, %rem3A_393, %ne3A_394 : i32
        %lt3A_396 = arith.constant 0 : i32
        %lt3A_397 = arith.cmpi slt, %rem3A_393, %lt3A_396 : i32
        %lt3A_398 = arith.constant 0 : i32
        %lt3A_399 = arith.cmpi slt, %select_n3A_392, %lt3A_398 : i32
        %ne3A_400 = arith.xori %lt3A_397, %lt3A_399 : i1
        %and3A_401 = arith.andi %ne3A_400, %ne3A_395 : i1
        %add3A_402 = arith.addi %rem3A_393, %select_n3A_392 : i32
        %select_n3A_403 = arith.select %and3A_401, %add3A_402, %rem3A_393 : i32
        %dma_wait3A_404 = arith.constant 4 : i32
        %dma_wait3A_405 = arith.constant 0 : i32
        %dma_wait3A_406 = arith.constant 0 : i32
        %dma_wait3A_407 = tpu.memref_slice %arg8[%select_n3A_387, %dma_wait3A_405, %dma_wait3A_406] : memref<2x128x128xf32, #tpu.memory_space<vmem>> -> memref<1x128x128xf32, #tpu.memory_space<vmem>>
        %dma_wait3A_408 = tpu.memref_squeeze %dma_wait3A_407 : memref<1x128x128xf32, #tpu.memory_space<vmem>> -> memref<128x128xf32, #tpu.memory_space<vmem>>
        %dma_wait3A_409 = arith.constant 0 : i32
        %dma_wait3A_410 = tpu.memref_slice %arg6[%select_n3A_371, %dma_wait3A_404, %dma_wait3A_409] : memref<2x8x128xi32, #tpu.memory_space<vmem>> -> memref<1x1x128xi32, #tpu.memory_space<vmem>>
        %dma_wait3A_411 = tpu.memref_squeeze %dma_wait3A_410 : memref<1x1x128xi32, #tpu.memory_space<vmem>> -> memref<128xi32, #tpu.memory_space<vmem>>
        %dma_wait3A_412 = arith.constant 0 : i32
        %dma_wait3A_413 = arith.constant 0 : i32
        %dma_wait3A_414 = tpu.memref_slice %arg2[%dma_wait3A_412, %dma_wait3A_413] : memref<10240x128xf32, #tpu.memory_space<hbm>> -> memref<10240x128xf32, #tpu.memory_space<hbm>>
        %dma_wait3A_415 = tpu.memref_slice %arg10[%select_n3A_403] : memref<2x!tpu.dma_semaphore, #tpu.memory_space<semaphore_mem>> -> memref<1x!tpu.dma_semaphore, #tpu.memory_space<semaphore_mem>>
        %dma_wait3A_416 = tpu.memref_squeeze %dma_wait3A_415 : memref<1x!tpu.dma_semaphore, #tpu.memory_space<semaphore_mem>> -> memref<!tpu.dma_semaphore, #tpu.memory_space<semaphore_mem>>
        tpu.wait_indirect_dma semaphore(%dma_wait3A_416 : memref<!tpu.dma_semaphore, #tpu.memory_space<semaphore_mem>>) src(%dma_wait3A_414 : memref<10240x128xf32, #tpu.memory_space<hbm>>) dst(%dma_wait3A_408 : memref<128x128xf32, #tpu.memory_space<vmem>>)
        %sub3A = arith.constant 1 : i32
        %sub3A_417 = arith.subi %add3A_267, %sub3A : i32
        %sub3A_418 = arith.constant 1 : i32
        %sub3A_419 = arith.subi %add3A_267, %sub3A_418 : i32
        %jit3A_420 = arith.constant 2 : i32
        %eq3A_421 = arith.constant 0 : i32
        %eq3A_422 = arith.cmpi eq, %jit3A_420, %eq3A_421 : i32
        %jit3A_423 = arith.constant 1 : i32
        %select_n3A_424 = arith.select %eq3A_422, %jit3A_423, %jit3A_420 : i32
        %rem3A_425 = arith.remsi %sub3A_419, %select_n3A_424 : i32
        %ne3A_426 = arith.constant 0 : i32
        %ne3A_427 = arith.cmpi ne, %rem3A_425, %ne3A_426 : i32
        %lt3A_428 = arith.constant 0 : i32
        %lt3A_429 = arith.cmpi slt, %rem3A_425, %lt3A_428 : i32
        %lt3A_430 = arith.constant 0 : i32
        %lt3A_431 = arith.cmpi slt, %select_n3A_424, %lt3A_430 : i32
        %ne3A_432 = arith.xori %lt3A_429, %lt3A_431 : i1
        %and3A_433 = arith.andi %ne3A_432, %ne3A_427 : i1
        %add3A_434 = arith.addi %rem3A_425, %select_n3A_424 : i32
        %select_n3A_435 = arith.select %and3A_433, %add3A_434, %rem3A_425 : i32
        %dma_start3A_436 = arith.constant 0 : i32
        %dma_start3A_437 = arith.constant 0 : i32
        %dma_start3A_438 = arith.constant 0 : i32
        %dma_start3A_439 = tpu.memref_slice %arg8[%dma_start3A_436, %dma_start3A_437, %dma_start3A_438] : memref<2x128x128xf32, #tpu.memory_space<vmem>> -> memref<1x128x128xf32, #tpu.memory_space<vmem>>
        %dma_start3A_440 = tpu.memref_squeeze %dma_start3A_439 : memref<1x128x128xf32, #tpu.memory_space<vmem>> -> memref<128x128xf32, #tpu.memory_space<vmem>>
        %dma_start3A_441 = arith.constant 0 : i32
        %dma_start3A_442 = tpu.memref_slice %arg7[%sub3A_417, %dma_start3A_441] : memref<80x128xi32, #tpu.memory_space<vmem>> -> memref<1x128xi32, #tpu.memory_space<vmem>>
        %dma_start3A_443 = tpu.memref_squeeze %dma_start3A_442 : memref<1x128xi32, #tpu.memory_space<vmem>> -> memref<128xi32, #tpu.memory_space<vmem>>
        %dma_start3A_444 = arith.constant 0 : i32
        %dma_start3A_445 = arith.constant 0 : i32
        %dma_start3A_446 = tpu.memref_slice %arg12[%dma_start3A_444, %dma_start3A_445] : memref<10240x128xf32, #tpu.memory_space<vmem_shared>> -> memref<10240x128xf32, #tpu.memory_space<vmem_shared>>
        %dma_start3A_447 = tpu.memref_slice %arg11[%select_n3A_435] : memref<2x!tpu.dma_semaphore, #tpu.memory_space<semaphore_mem>> -> memref<1x!tpu.dma_semaphore, #tpu.memory_space<semaphore_mem>>
        %dma_start3A_448 = tpu.memref_squeeze %dma_start3A_447 : memref<1x!tpu.dma_semaphore, #tpu.memory_space<semaphore_mem>> -> memref<!tpu.dma_semaphore, #tpu.memory_space<semaphore_mem>>
        tpu.enqueue_indirect_dma source(%dma_start3A_440 : memref<128x128xf32, #tpu.memory_space<vmem>>) target(%dma_start3A_446 : memref<10240x128xf32, #tpu.memory_space<vmem_shared>>) offsets(%dma_start3A_443 : memref<128xi32, #tpu.memory_space<vmem>>) semaphore(%dma_start3A_448 : memref<!tpu.dma_semaphore, #tpu.memory_space<semaphore_mem>>) {add = true}
      } else {
      }
      %mul3A_293 = arith.constant 8 : i32
      %mul3A_294 = arith.muli %scan3A_103, %mul3A_293 : i32
      %add3A_295 = arith.constant 6 : i32
      %add3A_296 = arith.addi %mul3A_294, %add3A_295 : i32
      %ge3A_297 = arith.constant 2 : i32
      %ge3A_298 = arith.cmpi sge, %add3A_296, %ge3A_297 : i32
      %convert_element_type3A_299 = arith.extui %ge3A_298 : i1 to i32
      %cond3A_300 = arith.constant 0 : i32
      %cond3A_301 = arith.cmpi ne, %convert_element_type3A_299, %cond3A_300 : i32
      scf.if %cond3A_301 {
        %sub3A = arith.constant 2 : i32
        %sub3A_352 = arith.subi %add3A_296, %sub3A : i32
        %jit3A_353 = arith.constant 2 : i32
        %eq3A_354 = arith.constant 0 : i32
        %eq3A_355 = arith.cmpi eq, %jit3A_353, %eq3A_354 : i32
        %jit3A_356 = arith.constant 1 : i32
        %select_n3A_357 = arith.select %eq3A_355, %jit3A_356, %jit3A_353 : i32
        %rem3A_358 = arith.remsi %sub3A_352, %select_n3A_357 : i32
        %ne3A_359 = arith.constant 0 : i32
        %ne3A_360 = arith.cmpi ne, %rem3A_358, %ne3A_359 : i32
        %lt3A_361 = arith.constant 0 : i32
        %lt3A_362 = arith.cmpi slt, %rem3A_358, %lt3A_361 : i32
        %lt3A_363 = arith.constant 0 : i32
        %lt3A_364 = arith.cmpi slt, %select_n3A_357, %lt3A_363 : i32
        %ne3A_365 = arith.xori %lt3A_362, %lt3A_364 : i1
        %and3A_366 = arith.andi %ne3A_365, %ne3A_360 : i1
        %add3A_367 = arith.addi %rem3A_358, %select_n3A_357 : i32
        %select_n3A_368 = arith.select %and3A_366, %add3A_367, %rem3A_358 : i32
        %jit3A_369 = arith.constant 2 : i32
        %eq3A_370 = arith.constant 0 : i32
        %eq3A_371 = arith.cmpi eq, %jit3A_369, %eq3A_370 : i32
        %jit3A_372 = arith.constant 1 : i32
        %select_n3A_373 = arith.select %eq3A_371, %jit3A_372, %jit3A_369 : i32
        %rem3A_374 = arith.remsi %sub3A_352, %select_n3A_373 : i32
        %ne3A_375 = arith.constant 0 : i32
        %ne3A_376 = arith.cmpi ne, %rem3A_374, %ne3A_375 : i32
        %lt3A_377 = arith.constant 0 : i32
        %lt3A_378 = arith.cmpi slt, %rem3A_374, %lt3A_377 : i32
        %lt3A_379 = arith.constant 0 : i32
        %lt3A_380 = arith.cmpi slt, %select_n3A_373, %lt3A_379 : i32
        %ne3A_381 = arith.xori %lt3A_378, %lt3A_380 : i1
        %and3A_382 = arith.andi %ne3A_381, %ne3A_376 : i1
        %add3A_383 = arith.addi %rem3A_374, %select_n3A_373 : i32
        %select_n3A_384 = arith.select %and3A_382, %add3A_383, %rem3A_374 : i32
        %dma_wait3A_385 = arith.constant 0 : i32
        %dma_wait3A_386 = arith.constant 0 : i32
        %dma_wait3A_387 = tpu.memref_slice %arg8[%select_n3A_368, %dma_wait3A_385, %dma_wait3A_386] : memref<2x128x128xf32, #tpu.memory_space<vmem>> -> memref<1x128x128xf32, #tpu.memory_space<vmem>>
        %dma_wait3A_388 = tpu.memref_squeeze %dma_wait3A_387 : memref<1x128x128xf32, #tpu.memory_space<vmem>> -> memref<128x128xf32, #tpu.memory_space<vmem>>
        %dma_wait3A_389 = arith.constant 0 : i32
        %dma_wait3A_390 = tpu.memref_slice %arg7[%sub3A_352, %dma_wait3A_389] : memref<80x128xi32, #tpu.memory_space<vmem>> -> memref<1x128xi32, #tpu.memory_space<vmem>>
        %dma_wait3A_391 = tpu.memref_squeeze %dma_wait3A_390 : memref<1x128xi32, #tpu.memory_space<vmem>> -> memref<128xi32, #tpu.memory_space<vmem>>
        %dma_wait3A_392 = arith.constant 0 : i32
        %dma_wait3A_393 = arith.constant 0 : i32
        %dma_wait3A_394 = tpu.memref_slice %arg12[%dma_wait3A_392, %dma_wait3A_393] : memref<10240x128xf32, #tpu.memory_space<vmem_shared>> -> memref<10240x128xf32, #tpu.memory_space<vmem_shared>>
        %dma_wait3A_395 = tpu.memref_slice %arg11[%select_n3A_384] : memref<2x!tpu.dma_semaphore, #tpu.memory_space<semaphore_mem>> -> memref<1x!tpu.dma_semaphore, #tpu.memory_space<semaphore_mem>>
        %dma_wait3A_396 = tpu.memref_squeeze %dma_wait3A_395 : memref<1x!tpu.dma_semaphore, #tpu.memory_space<semaphore_mem>> -> memref<!tpu.dma_semaphore, #tpu.memory_space<semaphore_mem>>
        tpu.wait_indirect_dma semaphore(%dma_wait3A_396 : memref<!tpu.dma_semaphore, #tpu.memory_space<semaphore_mem>>) src(%dma_wait3A_388 : memref<128x128xf32, #tpu.memory_space<vmem>>) dst(%dma_wait3A_394 : memref<10240x128xf32, #tpu.memory_space<vmem_shared>>)
      } else {
      }
      %dma_start3A_302 = arith.constant 6 : i32
      %dma_start3A_303 = arith.constant 0 : i32
      %dma_start3A_304 = arith.constant 0 : i32
      %dma_start3A_305 = arith.constant 0 : i32
      %dma_start3A_306 = arith.constant 0 : i32
      %dma_start3A_307 = tpu.memref_slice %arg8[%dma_start3A_303, %dma_start3A_305, %dma_start3A_306] : memref<2x128x128xf32, #tpu.memory_space<vmem>> -> memref<1x128x128xf32, #tpu.memory_space<vmem>>
      %dma_start3A_308 = tpu.memref_squeeze %dma_start3A_307 : memref<1x128x128xf32, #tpu.memory_space<vmem>> -> memref<128x128xf32, #tpu.memory_space<vmem>>
      %dma_start3A_309 = arith.constant 0 : i32
      %dma_start3A_310 = tpu.memref_slice %arg6[%select_n3A_113, %dma_start3A_302, %dma_start3A_309] : memref<2x8x128xi32, #tpu.memory_space<vmem>> -> memref<1x1x128xi32, #tpu.memory_space<vmem>>
      %dma_start3A_311 = tpu.memref_squeeze %dma_start3A_310 : memref<1x1x128xi32, #tpu.memory_space<vmem>> -> memref<128xi32, #tpu.memory_space<vmem>>
      %dma_start3A_312 = arith.constant 0 : i32
      %dma_start3A_313 = arith.constant 0 : i32
      %dma_start3A_314 = tpu.memref_slice %arg2[%dma_start3A_312, %dma_start3A_313] : memref<10240x128xf32, #tpu.memory_space<hbm>> -> memref<10240x128xf32, #tpu.memory_space<hbm>>
      %dma_start3A_315 = tpu.memref_slice %arg10[%dma_start3A_304] : memref<2x!tpu.dma_semaphore, #tpu.memory_space<semaphore_mem>> -> memref<1x!tpu.dma_semaphore, #tpu.memory_space<semaphore_mem>>
      %dma_start3A_316 = tpu.memref_squeeze %dma_start3A_315 : memref<1x!tpu.dma_semaphore, #tpu.memory_space<semaphore_mem>> -> memref<!tpu.dma_semaphore, #tpu.memory_space<semaphore_mem>>
      tpu.enqueue_indirect_dma source(%dma_start3A_314 : memref<10240x128xf32, #tpu.memory_space<hbm>>) target(%dma_start3A_308 : memref<128x128xf32, #tpu.memory_space<vmem>>) offsets(%dma_start3A_311 : memref<128xi32, #tpu.memory_space<vmem>>) semaphore(%dma_start3A_316 : memref<!tpu.dma_semaphore, #tpu.memory_space<semaphore_mem>>)
      %ge3A_317 = arith.constant 1 : i32
      %ge3A_318 = arith.cmpi sge, %add3A_296, %ge3A_317 : i32
      %convert_element_type3A_319 = arith.extui %ge3A_318 : i1 to i32
      %cond3A_320 = arith.constant 0 : i32
      %cond3A_321 = arith.cmpi ne, %convert_element_type3A_319, %cond3A_320 : i32
      scf.if %cond3A_321 {
        %mul3A_352 = arith.constant 8 : i32
        %mul3A_353 = arith.muli %scan3A_103, %mul3A_352 : i32
        %add3A_354 = arith.constant 5 : i32
        %add3A_355 = arith.addi %mul3A_353, %add3A_354 : i32
        %jit3A_356 = arith.constant 2 : i32
        %eq3A_357 = arith.constant 0 : i32
        %eq3A_358 = arith.cmpi eq, %jit3A_356, %eq3A_357 : i32
        %jit3A_359 = arith.constant 1 : i32
        %select_n3A_360 = arith.select %eq3A_358, %jit3A_359, %jit3A_356 : i32
        %rem3A_361 = arith.remsi %scan3A_103, %select_n3A_360 : i32
        %ne3A_362 = arith.constant 0 : i32
        %ne3A_363 = arith.cmpi ne, %rem3A_361, %ne3A_362 : i32
        %lt3A_364 = arith.constant 0 : i32
        %lt3A_365 = arith.cmpi slt, %rem3A_361, %lt3A_364 : i32
        %lt3A_366 = arith.constant 0 : i32
        %lt3A_367 = arith.cmpi slt, %select_n3A_360, %lt3A_366 : i32
        %ne3A_368 = arith.xori %lt3A_365, %lt3A_367 : i1
        %and3A_369 = arith.andi %ne3A_368, %ne3A_363 : i1
        %add3A_370 = arith.addi %rem3A_361, %select_n3A_360 : i32
        %select_n3A_371 = arith.select %and3A_369, %add3A_370, %rem3A_361 : i32
        %jit3A_372 = arith.constant 2 : i32
        %eq3A_373 = arith.constant 0 : i32
        %eq3A_374 = arith.cmpi eq, %jit3A_372, %eq3A_373 : i32
        %jit3A_375 = arith.constant 1 : i32
        %select_n3A_376 = arith.select %eq3A_374, %jit3A_375, %jit3A_372 : i32
        %rem3A_377 = arith.remsi %add3A_355, %select_n3A_376 : i32
        %ne3A_378 = arith.constant 0 : i32
        %ne3A_379 = arith.cmpi ne, %rem3A_377, %ne3A_378 : i32
        %lt3A_380 = arith.constant 0 : i32
        %lt3A_381 = arith.cmpi slt, %rem3A_377, %lt3A_380 : i32
        %lt3A_382 = arith.constant 0 : i32
        %lt3A_383 = arith.cmpi slt, %select_n3A_376, %lt3A_382 : i32
        %ne3A_384 = arith.xori %lt3A_381, %lt3A_383 : i1
        %and3A_385 = arith.andi %ne3A_384, %ne3A_379 : i1
        %add3A_386 = arith.addi %rem3A_377, %select_n3A_376 : i32
        %select_n3A_387 = arith.select %and3A_385, %add3A_386, %rem3A_377 : i32
        %jit3A_388 = arith.constant 2 : i32
        %eq3A_389 = arith.constant 0 : i32
        %eq3A_390 = arith.cmpi eq, %jit3A_388, %eq3A_389 : i32
        %jit3A_391 = arith.constant 1 : i32
        %select_n3A_392 = arith.select %eq3A_390, %jit3A_391, %jit3A_388 : i32
        %rem3A_393 = arith.remsi %add3A_355, %select_n3A_392 : i32
        %ne3A_394 = arith.constant 0 : i32
        %ne3A_395 = arith.cmpi ne, %rem3A_393, %ne3A_394 : i32
        %lt3A_396 = arith.constant 0 : i32
        %lt3A_397 = arith.cmpi slt, %rem3A_393, %lt3A_396 : i32
        %lt3A_398 = arith.constant 0 : i32
        %lt3A_399 = arith.cmpi slt, %select_n3A_392, %lt3A_398 : i32
        %ne3A_400 = arith.xori %lt3A_397, %lt3A_399 : i1
        %and3A_401 = arith.andi %ne3A_400, %ne3A_395 : i1
        %add3A_402 = arith.addi %rem3A_393, %select_n3A_392 : i32
        %select_n3A_403 = arith.select %and3A_401, %add3A_402, %rem3A_393 : i32
        %dma_wait3A_404 = arith.constant 5 : i32
        %dma_wait3A_405 = arith.constant 0 : i32
        %dma_wait3A_406 = arith.constant 0 : i32
        %dma_wait3A_407 = tpu.memref_slice %arg8[%select_n3A_387, %dma_wait3A_405, %dma_wait3A_406] : memref<2x128x128xf32, #tpu.memory_space<vmem>> -> memref<1x128x128xf32, #tpu.memory_space<vmem>>
        %dma_wait3A_408 = tpu.memref_squeeze %dma_wait3A_407 : memref<1x128x128xf32, #tpu.memory_space<vmem>> -> memref<128x128xf32, #tpu.memory_space<vmem>>
        %dma_wait3A_409 = arith.constant 0 : i32
        %dma_wait3A_410 = tpu.memref_slice %arg6[%select_n3A_371, %dma_wait3A_404, %dma_wait3A_409] : memref<2x8x128xi32, #tpu.memory_space<vmem>> -> memref<1x1x128xi32, #tpu.memory_space<vmem>>
        %dma_wait3A_411 = tpu.memref_squeeze %dma_wait3A_410 : memref<1x1x128xi32, #tpu.memory_space<vmem>> -> memref<128xi32, #tpu.memory_space<vmem>>
        %dma_wait3A_412 = arith.constant 0 : i32
        %dma_wait3A_413 = arith.constant 0 : i32
        %dma_wait3A_414 = tpu.memref_slice %arg2[%dma_wait3A_412, %dma_wait3A_413] : memref<10240x128xf32, #tpu.memory_space<hbm>> -> memref<10240x128xf32, #tpu.memory_space<hbm>>
        %dma_wait3A_415 = tpu.memref_slice %arg10[%select_n3A_403] : memref<2x!tpu.dma_semaphore, #tpu.memory_space<semaphore_mem>> -> memref<1x!tpu.dma_semaphore, #tpu.memory_space<semaphore_mem>>
        %dma_wait3A_416 = tpu.memref_squeeze %dma_wait3A_415 : memref<1x!tpu.dma_semaphore, #tpu.memory_space<semaphore_mem>> -> memref<!tpu.dma_semaphore, #tpu.memory_space<semaphore_mem>>
        tpu.wait_indirect_dma semaphore(%dma_wait3A_416 : memref<!tpu.dma_semaphore, #tpu.memory_space<semaphore_mem>>) src(%dma_wait3A_414 : memref<10240x128xf32, #tpu.memory_space<hbm>>) dst(%dma_wait3A_408 : memref<128x128xf32, #tpu.memory_space<vmem>>)
        %sub3A = arith.constant 1 : i32
        %sub3A_417 = arith.subi %add3A_296, %sub3A : i32
        %sub3A_418 = arith.constant 1 : i32
        %sub3A_419 = arith.subi %add3A_296, %sub3A_418 : i32
        %jit3A_420 = arith.constant 2 : i32
        %eq3A_421 = arith.constant 0 : i32
        %eq3A_422 = arith.cmpi eq, %jit3A_420, %eq3A_421 : i32
        %jit3A_423 = arith.constant 1 : i32
        %select_n3A_424 = arith.select %eq3A_422, %jit3A_423, %jit3A_420 : i32
        %rem3A_425 = arith.remsi %sub3A_419, %select_n3A_424 : i32
        %ne3A_426 = arith.constant 0 : i32
        %ne3A_427 = arith.cmpi ne, %rem3A_425, %ne3A_426 : i32
        %lt3A_428 = arith.constant 0 : i32
        %lt3A_429 = arith.cmpi slt, %rem3A_425, %lt3A_428 : i32
        %lt3A_430 = arith.constant 0 : i32
        %lt3A_431 = arith.cmpi slt, %select_n3A_424, %lt3A_430 : i32
        %ne3A_432 = arith.xori %lt3A_429, %lt3A_431 : i1
        %and3A_433 = arith.andi %ne3A_432, %ne3A_427 : i1
        %add3A_434 = arith.addi %rem3A_425, %select_n3A_424 : i32
        %select_n3A_435 = arith.select %and3A_433, %add3A_434, %rem3A_425 : i32
        %dma_start3A_436 = arith.constant 1 : i32
        %dma_start3A_437 = arith.constant 0 : i32
        %dma_start3A_438 = arith.constant 0 : i32
        %dma_start3A_439 = tpu.memref_slice %arg8[%dma_start3A_436, %dma_start3A_437, %dma_start3A_438] : memref<2x128x128xf32, #tpu.memory_space<vmem>> -> memref<1x128x128xf32, #tpu.memory_space<vmem>>
        %dma_start3A_440 = tpu.memref_squeeze %dma_start3A_439 : memref<1x128x128xf32, #tpu.memory_space<vmem>> -> memref<128x128xf32, #tpu.memory_space<vmem>>
        %dma_start3A_441 = arith.constant 0 : i32
        %dma_start3A_442 = tpu.memref_slice %arg7[%sub3A_417, %dma_start3A_441] : memref<80x128xi32, #tpu.memory_space<vmem>> -> memref<1x128xi32, #tpu.memory_space<vmem>>
        %dma_start3A_443 = tpu.memref_squeeze %dma_start3A_442 : memref<1x128xi32, #tpu.memory_space<vmem>> -> memref<128xi32, #tpu.memory_space<vmem>>
        %dma_start3A_444 = arith.constant 0 : i32
        %dma_start3A_445 = arith.constant 0 : i32
        %dma_start3A_446 = tpu.memref_slice %arg12[%dma_start3A_444, %dma_start3A_445] : memref<10240x128xf32, #tpu.memory_space<vmem_shared>> -> memref<10240x128xf32, #tpu.memory_space<vmem_shared>>
        %dma_start3A_447 = tpu.memref_slice %arg11[%select_n3A_435] : memref<2x!tpu.dma_semaphore, #tpu.memory_space<semaphore_mem>> -> memref<1x!tpu.dma_semaphore, #tpu.memory_space<semaphore_mem>>
        %dma_start3A_448 = tpu.memref_squeeze %dma_start3A_447 : memref<1x!tpu.dma_semaphore, #tpu.memory_space<semaphore_mem>> -> memref<!tpu.dma_semaphore, #tpu.memory_space<semaphore_mem>>
        tpu.enqueue_indirect_dma source(%dma_start3A_440 : memref<128x128xf32, #tpu.memory_space<vmem>>) target(%dma_start3A_446 : memref<10240x128xf32, #tpu.memory_space<vmem_shared>>) offsets(%dma_start3A_443 : memref<128xi32, #tpu.memory_space<vmem>>) semaphore(%dma_start3A_448 : memref<!tpu.dma_semaphore, #tpu.memory_space<semaphore_mem>>) {add = true}
      } else {
      }
      %mul3A_322 = arith.constant 8 : i32
      %mul3A_323 = arith.muli %scan3A_103, %mul3A_322 : i32
      %add3A_324 = arith.constant 7 : i32
      %add3A_325 = arith.addi %mul3A_323, %add3A_324 : i32
      %ge3A_326 = arith.constant 2 : i32
      %ge3A_327 = arith.cmpi sge, %add3A_325, %ge3A_326 : i32
      %convert_element_type3A_328 = arith.extui %ge3A_327 : i1 to i32
      %cond3A_329 = arith.constant 0 : i32
      %cond3A_330 = arith.cmpi ne, %convert_element_type3A_328, %cond3A_329 : i32
      scf.if %cond3A_330 {
        %sub3A = arith.constant 2 : i32
        %sub3A_352 = arith.subi %add3A_325, %sub3A : i32
        %jit3A_353 = arith.constant 2 : i32
        %eq3A_354 = arith.constant 0 : i32
        %eq3A_355 = arith.cmpi eq, %jit3A_353, %eq3A_354 : i32
        %jit3A_356 = arith.constant 1 : i32
        %select_n3A_357 = arith.select %eq3A_355, %jit3A_356, %jit3A_353 : i32
        %rem3A_358 = arith.remsi %sub3A_352, %select_n3A_357 : i32
        %ne3A_359 = arith.constant 0 : i32
        %ne3A_360 = arith.cmpi ne, %rem3A_358, %ne3A_359 : i32
        %lt3A_361 = arith.constant 0 : i32
        %lt3A_362 = arith.cmpi slt, %rem3A_358, %lt3A_361 : i32
        %lt3A_363 = arith.constant 0 : i32
        %lt3A_364 = arith.cmpi slt, %select_n3A_357, %lt3A_363 : i32
        %ne3A_365 = arith.xori %lt3A_362, %lt3A_364 : i1
        %and3A_366 = arith.andi %ne3A_365, %ne3A_360 : i1
        %add3A_367 = arith.addi %rem3A_358, %select_n3A_357 : i32
        %select_n3A_368 = arith.select %and3A_366, %add3A_367, %rem3A_358 : i32
        %jit3A_369 = arith.constant 2 : i32
        %eq3A_370 = arith.constant 0 : i32
        %eq3A_371 = arith.cmpi eq, %jit3A_369, %eq3A_370 : i32
        %jit3A_372 = arith.constant 1 : i32
        %select_n3A_373 = arith.select %eq3A_371, %jit3A_372, %jit3A_369 : i32
        %rem3A_374 = arith.remsi %sub3A_352, %select_n3A_373 : i32
        %ne3A_375 = arith.constant 0 : i32
        %ne3A_376 = arith.cmpi ne, %rem3A_374, %ne3A_375 : i32
        %lt3A_377 = arith.constant 0 : i32
        %lt3A_378 = arith.cmpi slt, %rem3A_374, %lt3A_377 : i32
        %lt3A_379 = arith.constant 0 : i32
        %lt3A_380 = arith.cmpi slt, %select_n3A_373, %lt3A_379 : i32
        %ne3A_381 = arith.xori %lt3A_378, %lt3A_380 : i1
        %and3A_382 = arith.andi %ne3A_381, %ne3A_376 : i1
        %add3A_383 = arith.addi %rem3A_374, %select_n3A_373 : i32
        %select_n3A_384 = arith.select %and3A_382, %add3A_383, %rem3A_374 : i32
        %dma_wait3A_385 = arith.constant 0 : i32
        %dma_wait3A_386 = arith.constant 0 : i32
        %dma_wait3A_387 = tpu.memref_slice %arg8[%select_n3A_368, %dma_wait3A_385, %dma_wait3A_386] : memref<2x128x128xf32, #tpu.memory_space<vmem>> -> memref<1x128x128xf32, #tpu.memory_space<vmem>>
        %dma_wait3A_388 = tpu.memref_squeeze %dma_wait3A_387 : memref<1x128x128xf32, #tpu.memory_space<vmem>> -> memref<128x128xf32, #tpu.memory_space<vmem>>
        %dma_wait3A_389 = arith.constant 0 : i32
        %dma_wait3A_390 = tpu.memref_slice %arg7[%sub3A_352, %dma_wait3A_389] : memref<80x128xi32, #tpu.memory_space<vmem>> -> memref<1x128xi32, #tpu.memory_space<vmem>>
        %dma_wait3A_391 = tpu.memref_squeeze %dma_wait3A_390 : memref<1x128xi32, #tpu.memory_space<vmem>> -> memref<128xi32, #tpu.memory_space<vmem>>
        %dma_wait3A_392 = arith.constant 0 : i32
        %dma_wait3A_393 = arith.constant 0 : i32
        %dma_wait3A_394 = tpu.memref_slice %arg12[%dma_wait3A_392, %dma_wait3A_393] : memref<10240x128xf32, #tpu.memory_space<vmem_shared>> -> memref<10240x128xf32, #tpu.memory_space<vmem_shared>>
        %dma_wait3A_395 = tpu.memref_slice %arg11[%select_n3A_384] : memref<2x!tpu.dma_semaphore, #tpu.memory_space<semaphore_mem>> -> memref<1x!tpu.dma_semaphore, #tpu.memory_space<semaphore_mem>>
        %dma_wait3A_396 = tpu.memref_squeeze %dma_wait3A_395 : memref<1x!tpu.dma_semaphore, #tpu.memory_space<semaphore_mem>> -> memref<!tpu.dma_semaphore, #tpu.memory_space<semaphore_mem>>
        tpu.wait_indirect_dma semaphore(%dma_wait3A_396 : memref<!tpu.dma_semaphore, #tpu.memory_space<semaphore_mem>>) src(%dma_wait3A_388 : memref<128x128xf32, #tpu.memory_space<vmem>>) dst(%dma_wait3A_394 : memref<10240x128xf32, #tpu.memory_space<vmem_shared>>)
      } else {
      }
      %dma_start3A_331 = arith.constant 7 : i32
      %dma_start3A_332 = arith.constant 1 : i32
      %dma_start3A_333 = arith.constant 1 : i32
      %dma_start3A_334 = arith.constant 0 : i32
      %dma_start3A_335 = arith.constant 0 : i32
      %dma_start3A_336 = tpu.memref_slice %arg8[%dma_start3A_332, %dma_start3A_334, %dma_start3A_335] : memref<2x128x128xf32, #tpu.memory_space<vmem>> -> memref<1x128x128xf32, #tpu.memory_space<vmem>>
      %dma_start3A_337 = tpu.memref_squeeze %dma_start3A_336 : memref<1x128x128xf32, #tpu.memory_space<vmem>> -> memref<128x128xf32, #tpu.memory_space<vmem>>
      %dma_start3A_338 = arith.constant 0 : i32
      %dma_start3A_339 = tpu.memref_slice %arg6[%select_n3A_113, %dma_start3A_331, %dma_start3A_338] : memref<2x8x128xi32, #tpu.memory_space<vmem>> -> memref<1x1x128xi32, #tpu.memory_space<vmem>>
      %dma_start3A_340 = tpu.memref_squeeze %dma_start3A_339 : memref<1x1x128xi32, #tpu.memory_space<vmem>> -> memref<128xi32, #tpu.memory_space<vmem>>
      %dma_start3A_341 = arith.constant 0 : i32
      %dma_start3A_342 = arith.constant 0 : i32
      %dma_start3A_343 = tpu.memref_slice %arg2[%dma_start3A_341, %dma_start3A_342] : memref<10240x128xf32, #tpu.memory_space<hbm>> -> memref<10240x128xf32, #tpu.memory_space<hbm>>
      %dma_start3A_344 = tpu.memref_slice %arg10[%dma_start3A_333] : memref<2x!tpu.dma_semaphore, #tpu.memory_space<semaphore_mem>> -> memref<1x!tpu.dma_semaphore, #tpu.memory_space<semaphore_mem>>
      %dma_start3A_345 = tpu.memref_squeeze %dma_start3A_344 : memref<1x!tpu.dma_semaphore, #tpu.memory_space<semaphore_mem>> -> memref<!tpu.dma_semaphore, #tpu.memory_space<semaphore_mem>>
      tpu.enqueue_indirect_dma source(%dma_start3A_343 : memref<10240x128xf32, #tpu.memory_space<hbm>>) target(%dma_start3A_337 : memref<128x128xf32, #tpu.memory_space<vmem>>) offsets(%dma_start3A_340 : memref<128xi32, #tpu.memory_space<vmem>>) semaphore(%dma_start3A_345 : memref<!tpu.dma_semaphore, #tpu.memory_space<semaphore_mem>>)
      %ge3A_346 = arith.constant 1 : i32
      %ge3A_347 = arith.cmpi sge, %add3A_325, %ge3A_346 : i32
      %convert_element_type3A_348 = arith.extui %ge3A_347 : i1 to i32
      %cond3A_349 = arith.constant 0 : i32
      %cond3A_350 = arith.cmpi ne, %convert_element_type3A_348, %cond3A_349 : i32
      scf.if %cond3A_350 {
        %mul3A_352 = arith.constant 8 : i32
        %mul3A_353 = arith.muli %scan3A_103, %mul3A_352 : i32
        %add3A_354 = arith.constant 6 : i32
        %add3A_355 = arith.addi %mul3A_353, %add3A_354 : i32
        %jit3A_356 = arith.constant 2 : i32
        %eq3A_357 = arith.constant 0 : i32
        %eq3A_358 = arith.cmpi eq, %jit3A_356, %eq3A_357 : i32
        %jit3A_359 = arith.constant 1 : i32
        %select_n3A_360 = arith.select %eq3A_358, %jit3A_359, %jit3A_356 : i32
        %rem3A_361 = arith.remsi %scan3A_103, %select_n3A_360 : i32
        %ne3A_362 = arith.constant 0 : i32
        %ne3A_363 = arith.cmpi ne, %rem3A_361, %ne3A_362 : i32
        %lt3A_364 = arith.constant 0 : i32
        %lt3A_365 = arith.cmpi slt, %rem3A_361, %lt3A_364 : i32
        %lt3A_366 = arith.constant 0 : i32
        %lt3A_367 = arith.cmpi slt, %select_n3A_360, %lt3A_366 : i32
        %ne3A_368 = arith.xori %lt3A_365, %lt3A_367 : i1
        %and3A_369 = arith.andi %ne3A_368, %ne3A_363 : i1
        %add3A_370 = arith.addi %rem3A_361, %select_n3A_360 : i32
        %select_n3A_371 = arith.select %and3A_369, %add3A_370, %rem3A_361 : i32
        %jit3A_372 = arith.constant 2 : i32
        %eq3A_373 = arith.constant 0 : i32
        %eq3A_374 = arith.cmpi eq, %jit3A_372, %eq3A_373 : i32
        %jit3A_375 = arith.constant 1 : i32
        %select_n3A_376 = arith.select %eq3A_374, %jit3A_375, %jit3A_372 : i32
        %rem3A_377 = arith.remsi %add3A_355, %select_n3A_376 : i32
        %ne3A_378 = arith.constant 0 : i32
        %ne3A_379 = arith.cmpi ne, %rem3A_377, %ne3A_378 : i32
        %lt3A_380 = arith.constant 0 : i32
        %lt3A_381 = arith.cmpi slt, %rem3A_377, %lt3A_380 : i32
        %lt3A_382 = arith.constant 0 : i32
        %lt3A_383 = arith.cmpi slt, %select_n3A_376, %lt3A_382 : i32
        %ne3A_384 = arith.xori %lt3A_381, %lt3A_383 : i1
        %and3A_385 = arith.andi %ne3A_384, %ne3A_379 : i1
        %add3A_386 = arith.addi %rem3A_377, %select_n3A_376 : i32
        %select_n3A_387 = arith.select %and3A_385, %add3A_386, %rem3A_377 : i32
        %jit3A_388 = arith.constant 2 : i32
        %eq3A_389 = arith.constant 0 : i32
        %eq3A_390 = arith.cmpi eq, %jit3A_388, %eq3A_389 : i32
        %jit3A_391 = arith.constant 1 : i32
        %select_n3A_392 = arith.select %eq3A_390, %jit3A_391, %jit3A_388 : i32
        %rem3A_393 = arith.remsi %add3A_355, %select_n3A_392 : i32
        %ne3A_394 = arith.constant 0 : i32
        %ne3A_395 = arith.cmpi ne, %rem3A_393, %ne3A_394 : i32
        %lt3A_396 = arith.constant 0 : i32
        %lt3A_397 = arith.cmpi slt, %rem3A_393, %lt3A_396 : i32
        %lt3A_398 = arith.constant 0 : i32
        %lt3A_399 = arith.cmpi slt, %select_n3A_392, %lt3A_398 : i32
        %ne3A_400 = arith.xori %lt3A_397, %lt3A_399 : i1
        %and3A_401 = arith.andi %ne3A_400, %ne3A_395 : i1
        %add3A_402 = arith.addi %rem3A_393, %select_n3A_392 : i32
        %select_n3A_403 = arith.select %and3A_401, %add3A_402, %rem3A_393 : i32
        %dma_wait3A_404 = arith.constant 6 : i32
        %dma_wait3A_405 = arith.constant 0 : i32
        %dma_wait3A_406 = arith.constant 0 : i32
        %dma_wait3A_407 = tpu.memref_slice %arg8[%select_n3A_387, %dma_wait3A_405, %dma_wait3A_406] : memref<2x128x128xf32, #tpu.memory_space<vmem>> -> memref<1x128x128xf32, #tpu.memory_space<vmem>>
        %dma_wait3A_408 = tpu.memref_squeeze %dma_wait3A_407 : memref<1x128x128xf32, #tpu.memory_space<vmem>> -> memref<128x128xf32, #tpu.memory_space<vmem>>
        %dma_wait3A_409 = arith.constant 0 : i32
        %dma_wait3A_410 = tpu.memref_slice %arg6[%select_n3A_371, %dma_wait3A_404, %dma_wait3A_409] : memref<2x8x128xi32, #tpu.memory_space<vmem>> -> memref<1x1x128xi32, #tpu.memory_space<vmem>>
        %dma_wait3A_411 = tpu.memref_squeeze %dma_wait3A_410 : memref<1x1x128xi32, #tpu.memory_space<vmem>> -> memref<128xi32, #tpu.memory_space<vmem>>
        %dma_wait3A_412 = arith.constant 0 : i32
        %dma_wait3A_413 = arith.constant 0 : i32
        %dma_wait3A_414 = tpu.memref_slice %arg2[%dma_wait3A_412, %dma_wait3A_413] : memref<10240x128xf32, #tpu.memory_space<hbm>> -> memref<10240x128xf32, #tpu.memory_space<hbm>>
        %dma_wait3A_415 = tpu.memref_slice %arg10[%select_n3A_403] : memref<2x!tpu.dma_semaphore, #tpu.memory_space<semaphore_mem>> -> memref<1x!tpu.dma_semaphore, #tpu.memory_space<semaphore_mem>>
        %dma_wait3A_416 = tpu.memref_squeeze %dma_wait3A_415 : memref<1x!tpu.dma_semaphore, #tpu.memory_space<semaphore_mem>> -> memref<!tpu.dma_semaphore, #tpu.memory_space<semaphore_mem>>
        tpu.wait_indirect_dma semaphore(%dma_wait3A_416 : memref<!tpu.dma_semaphore, #tpu.memory_space<semaphore_mem>>) src(%dma_wait3A_414 : memref<10240x128xf32, #tpu.memory_space<hbm>>) dst(%dma_wait3A_408 : memref<128x128xf32, #tpu.memory_space<vmem>>)
        %sub3A = arith.constant 1 : i32
        %sub3A_417 = arith.subi %add3A_325, %sub3A : i32
        %sub3A_418 = arith.constant 1 : i32
        %sub3A_419 = arith.subi %add3A_325, %sub3A_418 : i32
        %jit3A_420 = arith.constant 2 : i32
        %eq3A_421 = arith.constant 0 : i32
        %eq3A_422 = arith.cmpi eq, %jit3A_420, %eq3A_421 : i32
        %jit3A_423 = arith.constant 1 : i32
        %select_n3A_424 = arith.select %eq3A_422, %jit3A_423, %jit3A_420 : i32
        %rem3A_425 = arith.remsi %sub3A_419, %select_n3A_424 : i32
        %ne3A_426 = arith.constant 0 : i32
        %ne3A_427 = arith.cmpi ne, %rem3A_425, %ne3A_426 : i32
        %lt3A_428 = arith.constant 0 : i32
        %lt3A_429 = arith.cmpi slt, %rem3A_425, %lt3A_428 : i32
        %lt3A_430 = arith.constant 0 : i32
        %lt3A_431 = arith.cmpi slt, %select_n3A_424, %lt3A_430 : i32
        %ne3A_432 = arith.xori %lt3A_429, %lt3A_431 : i1
        %and3A_433 = arith.andi %ne3A_432, %ne3A_427 : i1
        %add3A_434 = arith.addi %rem3A_425, %select_n3A_424 : i32
        %select_n3A_435 = arith.select %and3A_433, %add3A_434, %rem3A_425 : i32
        %dma_start3A_436 = arith.constant 0 : i32
        %dma_start3A_437 = arith.constant 0 : i32
        %dma_start3A_438 = arith.constant 0 : i32
        %dma_start3A_439 = tpu.memref_slice %arg8[%dma_start3A_436, %dma_start3A_437, %dma_start3A_438] : memref<2x128x128xf32, #tpu.memory_space<vmem>> -> memref<1x128x128xf32, #tpu.memory_space<vmem>>
        %dma_start3A_440 = tpu.memref_squeeze %dma_start3A_439 : memref<1x128x128xf32, #tpu.memory_space<vmem>> -> memref<128x128xf32, #tpu.memory_space<vmem>>
        %dma_start3A_441 = arith.constant 0 : i32
        %dma_start3A_442 = tpu.memref_slice %arg7[%sub3A_417, %dma_start3A_441] : memref<80x128xi32, #tpu.memory_space<vmem>> -> memref<1x128xi32, #tpu.memory_space<vmem>>
        %dma_start3A_443 = tpu.memref_squeeze %dma_start3A_442 : memref<1x128xi32, #tpu.memory_space<vmem>> -> memref<128xi32, #tpu.memory_space<vmem>>
        %dma_start3A_444 = arith.constant 0 : i32
        %dma_start3A_445 = arith.constant 0 : i32
        %dma_start3A_446 = tpu.memref_slice %arg12[%dma_start3A_444, %dma_start3A_445] : memref<10240x128xf32, #tpu.memory_space<vmem_shared>> -> memref<10240x128xf32, #tpu.memory_space<vmem_shared>>
        %dma_start3A_447 = tpu.memref_slice %arg11[%select_n3A_435] : memref<2x!tpu.dma_semaphore, #tpu.memory_space<semaphore_mem>> -> memref<1x!tpu.dma_semaphore, #tpu.memory_space<semaphore_mem>>
        %dma_start3A_448 = tpu.memref_squeeze %dma_start3A_447 : memref<1x!tpu.dma_semaphore, #tpu.memory_space<semaphore_mem>> -> memref<!tpu.dma_semaphore, #tpu.memory_space<semaphore_mem>>
        tpu.enqueue_indirect_dma source(%dma_start3A_440 : memref<128x128xf32, #tpu.memory_space<vmem>>) target(%dma_start3A_446 : memref<10240x128xf32, #tpu.memory_space<vmem_shared>>) offsets(%dma_start3A_443 : memref<128xi32, #tpu.memory_space<vmem>>) semaphore(%dma_start3A_448 : memref<!tpu.dma_semaphore, #tpu.memory_space<semaphore_mem>>) {add = true}
      } else {
      }
      %scan3A_351 = arith.constant 0 : i32
      scf.yield %scan3A_351 : i32
    }
    %scan3A_44 = arith.constant 10 : i32
    %dma_wait3A = arith.constant 1 : i32
    %dma_wait3A_45 = arith.constant 7 : i32
    %dma_wait3A_46 = arith.constant 1 : i32
    %dma_wait3A_47 = arith.constant 1 : i32
    %dma_wait3A_48 = arith.constant 0 : i32
    %dma_wait3A_49 = arith.constant 0 : i32
    %dma_wait3A_50 = tpu.memref_slice %arg8[%dma_wait3A_46, %dma_wait3A_48, %dma_wait3A_49] : memref<2x128x128xf32, #tpu.memory_space<vmem>> -> memref<1x128x128xf32, #tpu.memory_space<vmem>>
    %dma_wait3A_51 = tpu.memref_squeeze %dma_wait3A_50 : memref<1x128x128xf32, #tpu.memory_space<vmem>> -> memref<128x128xf32, #tpu.memory_space<vmem>>
    %dma_wait3A_52 = arith.constant 0 : i32
    %dma_wait3A_53 = tpu.memref_slice %arg6[%dma_wait3A, %dma_wait3A_45, %dma_wait3A_52] : memref<2x8x128xi32, #tpu.memory_space<vmem>> -> memref<1x1x128xi32, #tpu.memory_space<vmem>>
    %dma_wait3A_54 = tpu.memref_squeeze %dma_wait3A_53 : memref<1x1x128xi32, #tpu.memory_space<vmem>> -> memref<128xi32, #tpu.memory_space<vmem>>
    %dma_wait3A_55 = arith.constant 0 : i32
    %dma_wait3A_56 = arith.constant 0 : i32
    %dma_wait3A_57 = tpu.memref_slice %arg2[%dma_wait3A_55, %dma_wait3A_56] : memref<10240x128xf32, #tpu.memory_space<hbm>> -> memref<10240x128xf32, #tpu.memory_space<hbm>>
    %dma_wait3A_58 = tpu.memref_slice %arg10[%dma_wait3A_47] : memref<2x!tpu.dma_semaphore, #tpu.memory_space<semaphore_mem>> -> memref<1x!tpu.dma_semaphore, #tpu.memory_space<semaphore_mem>>
    %dma_wait3A_59 = tpu.memref_squeeze %dma_wait3A_58 : memref<1x!tpu.dma_semaphore, #tpu.memory_space<semaphore_mem>> -> memref<!tpu.dma_semaphore, #tpu.memory_space<semaphore_mem>>
    tpu.wait_indirect_dma semaphore(%dma_wait3A_59 : memref<!tpu.dma_semaphore, #tpu.memory_space<semaphore_mem>>) src(%dma_wait3A_57 : memref<10240x128xf32, #tpu.memory_space<hbm>>) dst(%dma_wait3A_51 : memref<128x128xf32, #tpu.memory_space<vmem>>)
    %run_scoped3A_60 = arith.constant 1 : i32
    %run_scoped3A_61 = arith.constant 79 : i32
    "tpu.region"() ({
      %run_scoped3A_103 = tpu.sem_alloc : memref<!tpu.dma_semaphore, #tpu.memory_space<semaphore_mem>>
      %dma_start3A = arith.constant 0 : i32
      %dma_start3A_104 = arith.constant 0 : i32
      %dma_start3A_105 = tpu.memref_slice %arg8[%run_scoped3A_60, %dma_start3A, %dma_start3A_104] : memref<2x128x128xf32, #tpu.memory_space<vmem>> -> memref<1x128x128xf32, #tpu.memory_space<vmem>>
      %dma_start3A_106 = tpu.memref_squeeze %dma_start3A_105 : memref<1x128x128xf32, #tpu.memory_space<vmem>> -> memref<128x128xf32, #tpu.memory_space<vmem>>
      %dma_start3A_107 = arith.constant 0 : i32
      %dma_start3A_108 = tpu.memref_slice %arg7[%run_scoped3A_61, %dma_start3A_107] : memref<80x128xi32, #tpu.memory_space<vmem>> -> memref<1x128xi32, #tpu.memory_space<vmem>>
      %dma_start3A_109 = tpu.memref_squeeze %dma_start3A_108 : memref<1x128xi32, #tpu.memory_space<vmem>> -> memref<128xi32, #tpu.memory_space<vmem>>
      %dma_start3A_110 = arith.constant 0 : i32
      %dma_start3A_111 = arith.constant 0 : i32
      %dma_start3A_112 = tpu.memref_slice %arg12[%dma_start3A_110, %dma_start3A_111] : memref<10240x128xf32, #tpu.memory_space<vmem_shared>> -> memref<10240x128xf32, #tpu.memory_space<vmem_shared>>
      tpu.enqueue_indirect_dma source(%dma_start3A_106 : memref<128x128xf32, #tpu.memory_space<vmem>>) target(%dma_start3A_112 : memref<10240x128xf32, #tpu.memory_space<vmem_shared>>) offsets(%dma_start3A_109 : memref<128xi32, #tpu.memory_space<vmem>>) semaphore(%run_scoped3A_103 : memref<!tpu.dma_semaphore, #tpu.memory_space<semaphore_mem>>) {add = true}
      %dma_wait3A_113 = arith.constant 0 : i32
      %dma_wait3A_114 = arith.constant 0 : i32
      %dma_wait3A_115 = tpu.memref_slice %arg8[%run_scoped3A_60, %dma_wait3A_113, %dma_wait3A_114] : memref<2x128x128xf32, #tpu.memory_space<vmem>> -> memref<1x128x128xf32, #tpu.memory_space<vmem>>
      %dma_wait3A_116 = tpu.memref_squeeze %dma_wait3A_115 : memref<1x128x128xf32, #tpu.memory_space<vmem>> -> memref<128x128xf32, #tpu.memory_space<vmem>>
      %dma_wait3A_117 = arith.constant 0 : i32
      %dma_wait3A_118 = tpu.memref_slice %arg7[%run_scoped3A_61, %dma_wait3A_117] : memref<80x128xi32, #tpu.memory_space<vmem>> -> memref<1x128xi32, #tpu.memory_space<vmem>>
      %dma_wait3A_119 = tpu.memref_squeeze %dma_wait3A_118 : memref<1x128xi32, #tpu.memory_space<vmem>> -> memref<128xi32, #tpu.memory_space<vmem>>
      %dma_wait3A_120 = arith.constant 0 : i32
      %dma_wait3A_121 = arith.constant 0 : i32
      %dma_wait3A_122 = tpu.memref_slice %arg12[%dma_wait3A_120, %dma_wait3A_121] : memref<10240x128xf32, #tpu.memory_space<vmem_shared>> -> memref<10240x128xf32, #tpu.memory_space<vmem_shared>>
      tpu.wait_indirect_dma semaphore(%run_scoped3A_103 : memref<!tpu.dma_semaphore, #tpu.memory_space<semaphore_mem>>) src(%dma_wait3A_116 : memref<128x128xf32, #tpu.memory_space<vmem>>) dst(%dma_wait3A_122 : memref<10240x128xf32, #tpu.memory_space<vmem_shared>>)
      tpu.yield
    }) : () -> ()
    %dma_wait3A_62 = arith.constant 0 : i32
    %dma_wait3A_63 = arith.constant 78 : i32
    %dma_wait3A_64 = arith.constant 0 : i32
    %dma_wait3A_65 = arith.constant 0 : i32
    %dma_wait3A_66 = arith.constant 0 : i32
    %dma_wait3A_67 = tpu.memref_slice %arg8[%dma_wait3A_62, %dma_wait3A_65, %dma_wait3A_66] : memref<2x128x128xf32, #tpu.memory_space<vmem>> -> memref<1x128x128xf32, #tpu.memory_space<vmem>>
    %dma_wait3A_68 = tpu.memref_squeeze %dma_wait3A_67 : memref<1x128x128xf32, #tpu.memory_space<vmem>> -> memref<128x128xf32, #tpu.memory_space<vmem>>
    %dma_wait3A_69 = arith.constant 0 : i32
    %dma_wait3A_70 = tpu.memref_slice %arg7[%dma_wait3A_63, %dma_wait3A_69] : memref<80x128xi32, #tpu.memory_space<vmem>> -> memref<1x128xi32, #tpu.memory_space<vmem>>
    %dma_wait3A_71 = tpu.memref_squeeze %dma_wait3A_70 : memref<1x128xi32, #tpu.memory_space<vmem>> -> memref<128xi32, #tpu.memory_space<vmem>>
    %dma_wait3A_72 = arith.constant 0 : i32
    %dma_wait3A_73 = arith.constant 0 : i32
    %dma_wait3A_74 = tpu.memref_slice %arg12[%dma_wait3A_72, %dma_wait3A_73] : memref<10240x128xf32, #tpu.memory_space<vmem_shared>> -> memref<10240x128xf32, #tpu.memory_space<vmem_shared>>
    %dma_wait3A_75 = tpu.memref_slice %arg11[%dma_wait3A_64] : memref<2x!tpu.dma_semaphore, #tpu.memory_space<semaphore_mem>> -> memref<1x!tpu.dma_semaphore, #tpu.memory_space<semaphore_mem>>
    %dma_wait3A_76 = tpu.memref_squeeze %dma_wait3A_75 : memref<1x!tpu.dma_semaphore, #tpu.memory_space<semaphore_mem>> -> memref<!tpu.dma_semaphore, #tpu.memory_space<semaphore_mem>>
    tpu.wait_indirect_dma semaphore(%dma_wait3A_76 : memref<!tpu.dma_semaphore, #tpu.memory_space<semaphore_mem>>) src(%dma_wait3A_68 : memref<128x128xf32, #tpu.memory_space<vmem>>) dst(%dma_wait3A_74 : memref<10240x128xf32, #tpu.memory_space<vmem_shared>>)
    %barrier3A_77 = arith.constant 0 : index
    tpu.barrier barrier_id(%barrier3A_77)
    %mul3A_78 = arith.constant 640 : i32
    %mul3A_79 = arith.muli %arg1, %mul3A_78 : i32
    %add3A_80 = arith.constant 0 : i32
    %add3A_81 = arith.addi %mul3A_79, %add3A_80 : i32
    %multiple_of3A_82 = tpu.assume_multiple %add3A_81, 8 : i32
    "tpu.region"() ({
      %run_scoped3A_103 = tpu.sem_alloc : memref<!tpu.dma_semaphore, #tpu.memory_space<semaphore_mem>>
      %dma_start3A = arith.constant 0 : i32
      %dma_start3A_104 = tpu.memref_slice %arg5[%arg0, %multiple_of3A_82, %dma_start3A] : memref<2x10240x128xf32, #tpu.memory_space<hbm>> -> memref<1x128x128xf32, #tpu.memory_space<hbm>>
      %dma_start3A_105 = tpu.memref_squeeze %dma_start3A_104 : memref<1x128x128xf32, #tpu.memory_space<hbm>> -> memref<128x128xf32, #tpu.memory_space<hbm>>
      %dma_start3A_106 = arith.constant 0 : i32
      %dma_start3A_107 = tpu.memref_slice %arg12[%multiple_of3A_82, %dma_start3A_106] : memref<10240x128xf32, #tpu.memory_space<vmem_shared>> -> memref<128x128xf32, #tpu.memory_space<vmem_shared>>
      tpu.enqueue_dma source(%dma_start3A_107 : memref<128x128xf32, #tpu.memory_space<vmem_shared>>) target(%dma_start3A_105 : memref<128x128xf32, #tpu.memory_space<hbm>>) target_semaphore(%run_scoped3A_103 : memref<!tpu.dma_semaphore, #tpu.memory_space<semaphore_mem>>)
      %dma_wait3A_108 = arith.constant 0 : i32
      %dma_wait3A_109 = tpu.memref_slice %arg5[%arg0, %multiple_of3A_82, %dma_wait3A_108] : memref<2x10240x128xf32, #tpu.memory_space<hbm>> -> memref<1x128x128xf32, #tpu.memory_space<hbm>>
      %dma_wait3A_110 = tpu.memref_squeeze %dma_wait3A_109 : memref<1x128x128xf32, #tpu.memory_space<hbm>> -> memref<128x128xf32, #tpu.memory_space<hbm>>
      %dma_wait3A_111 = arith.constant 0 : i32
      %dma_wait3A_112 = tpu.memref_slice %arg12[%multiple_of3A_82, %dma_wait3A_111] : memref<10240x128xf32, #tpu.memory_space<vmem_shared>> -> memref<128x128xf32, #tpu.memory_space<vmem_shared>>
      tpu.wait_dma2 semaphore(%run_scoped3A_103 : memref<!tpu.dma_semaphore, #tpu.memory_space<semaphore_mem>>) src(%dma_wait3A_112 : memref<128x128xf32, #tpu.memory_space<vmem_shared>>) dst(%dma_wait3A_110 : memref<128x128xf32, #tpu.memory_space<hbm>>)
      tpu.yield
    }) : () -> ()
    %mul3A_83 = arith.constant 640 : i32
    %mul3A_84 = arith.muli %arg1, %mul3A_83 : i32
    %add3A_85 = arith.constant 128 : i32
    %add3A_86 = arith.addi %mul3A_84, %add3A_85 : i32
    %multiple_of3A_87 = tpu.assume_multiple %add3A_86, 8 : i32
    "tpu.region"() ({
      %run_scoped3A_103 = tpu.sem_alloc : memref<!tpu.dma_semaphore, #tpu.memory_space<semaphore_mem>>
      %dma_start3A = arith.constant 0 : i32
      %dma_start3A_104 = tpu.memref_slice %arg5[%arg0, %multiple_of3A_87, %dma_start3A] : memref<2x10240x128xf32, #tpu.memory_space<hbm>> -> memref<1x128x128xf32, #tpu.memory_space<hbm>>
      %dma_start3A_105 = tpu.memref_squeeze %dma_start3A_104 : memref<1x128x128xf32, #tpu.memory_space<hbm>> -> memref<128x128xf32, #tpu.memory_space<hbm>>
      %dma_start3A_106 = arith.constant 0 : i32
      %dma_start3A_107 = tpu.memref_slice %arg12[%multiple_of3A_87, %dma_start3A_106] : memref<10240x128xf32, #tpu.memory_space<vmem_shared>> -> memref<128x128xf32, #tpu.memory_space<vmem_shared>>
      tpu.enqueue_dma source(%dma_start3A_107 : memref<128x128xf32, #tpu.memory_space<vmem_shared>>) target(%dma_start3A_105 : memref<128x128xf32, #tpu.memory_space<hbm>>) target_semaphore(%run_scoped3A_103 : memref<!tpu.dma_semaphore, #tpu.memory_space<semaphore_mem>>)
      %dma_wait3A_108 = arith.constant 0 : i32
      %dma_wait3A_109 = tpu.memref_slice %arg5[%arg0, %multiple_of3A_87, %dma_wait3A_108] : memref<2x10240x128xf32, #tpu.memory_space<hbm>> -> memref<1x128x128xf32, #tpu.memory_space<hbm>>
      %dma_wait3A_110 = tpu.memref_squeeze %dma_wait3A_109 : memref<1x128x128xf32, #tpu.memory_space<hbm>> -> memref<128x128xf32, #tpu.memory_space<hbm>>
      %dma_wait3A_111 = arith.constant 0 : i32
      %dma_wait3A_112 = tpu.memref_slice %arg12[%multiple_of3A_87, %dma_wait3A_111] : memref<10240x128xf32, #tpu.memory_space<vmem_shared>> -> memref<128x128xf32, #tpu.memory_space<vmem_shared>>
      tpu.wait_dma2 semaphore(%run_scoped3A_103 : memref<!tpu.dma_semaphore, #tpu.memory_space<semaphore_mem>>) src(%dma_wait3A_112 : memref<128x128xf32, #tpu.memory_space<vmem_shared>>) dst(%dma_wait3A_110 : memref<128x128xf32, #tpu.memory_space<hbm>>)
      tpu.yield
    }) : () -> ()
    %mul3A_88 = arith.constant 640 : i32
    %mul3A_89 = arith.muli %arg1, %mul3A_88 : i32
    %add3A_90 = arith.constant 256 : i32
    %add3A_91 = arith.addi %mul3A_89, %add3A_90 : i32
    %multiple_of3A_92 = tpu.assume_multiple %add3A_91, 8 : i32
    "tpu.region"() ({
      %run_scoped3A_103 = tpu.sem_alloc : memref<!tpu.dma_semaphore, #tpu.memory_space<semaphore_mem>>
      %dma_start3A = arith.constant 0 : i32
      %dma_start3A_104 = tpu.memref_slice %arg5[%arg0, %multiple_of3A_92, %dma_start3A] : memref<2x10240x128xf32, #tpu.memory_space<hbm>> -> memref<1x128x128xf32, #tpu.memory_space<hbm>>
      %dma_start3A_105 = tpu.memref_squeeze %dma_start3A_104 : memref<1x128x128xf32, #tpu.memory_space<hbm>> -> memref<128x128xf32, #tpu.memory_space<hbm>>
      %dma_start3A_106 = arith.constant 0 : i32
      %dma_start3A_107 = tpu.memref_slice %arg12[%multiple_of3A_92, %dma_start3A_106] : memref<10240x128xf32, #tpu.memory_space<vmem_shared>> -> memref<128x128xf32, #tpu.memory_space<vmem_shared>>
      tpu.enqueue_dma source(%dma_start3A_107 : memref<128x128xf32, #tpu.memory_space<vmem_shared>>) target(%dma_start3A_105 : memref<128x128xf32, #tpu.memory_space<hbm>>) target_semaphore(%run_scoped3A_103 : memref<!tpu.dma_semaphore, #tpu.memory_space<semaphore_mem>>)
      %dma_wait3A_108 = arith.constant 0 : i32
      %dma_wait3A_109 = tpu.memref_slice %arg5[%arg0, %multiple_of3A_92, %dma_wait3A_108] : memref<2x10240x128xf32, #tpu.memory_space<hbm>> -> memref<1x128x128xf32, #tpu.memory_space<hbm>>
      %dma_wait3A_110 = tpu.memref_squeeze %dma_wait3A_109 : memref<1x128x128xf32, #tpu.memory_space<hbm>> -> memref<128x128xf32, #tpu.memory_space<hbm>>
      %dma_wait3A_111 = arith.constant 0 : i32
      %dma_wait3A_112 = tpu.memref_slice %arg12[%multiple_of3A_92, %dma_wait3A_111] : memref<10240x128xf32, #tpu.memory_space<vmem_shared>> -> memref<128x128xf32, #tpu.memory_space<vmem_shared>>
      tpu.wait_dma2 semaphore(%run_scoped3A_103 : memref<!tpu.dma_semaphore, #tpu.memory_space<semaphore_mem>>) src(%dma_wait3A_112 : memref<128x128xf32, #tpu.memory_space<vmem_shared>>) dst(%dma_wait3A_110 : memref<128x128xf32, #tpu.memory_space<hbm>>)
      tpu.yield
    }) : () -> ()
    %mul3A_93 = arith.constant 640 : i32
    %mul3A_94 = arith.muli %arg1, %mul3A_93 : i32
    %add3A_95 = arith.constant 384 : i32
    %add3A_96 = arith.addi %mul3A_94, %add3A_95 : i32
    %multiple_of3A_97 = tpu.assume_multiple %add3A_96, 8 : i32
    "tpu.region"() ({
      %run_scoped3A_103 = tpu.sem_alloc : memref<!tpu.dma_semaphore, #tpu.memory_space<semaphore_mem>>
      %dma_start3A = arith.constant 0 : i32
      %dma_start3A_104 = tpu.memref_slice %arg5[%arg0, %multiple_of3A_97, %dma_start3A] : memref<2x10240x128xf32, #tpu.memory_space<hbm>> -> memref<1x128x128xf32, #tpu.memory_space<hbm>>
      %dma_start3A_105 = tpu.memref_squeeze %dma_start3A_104 : memref<1x128x128xf32, #tpu.memory_space<hbm>> -> memref<128x128xf32, #tpu.memory_space<hbm>>
      %dma_start3A_106 = arith.constant 0 : i32
      %dma_start3A_107 = tpu.memref_slice %arg12[%multiple_of3A_97, %dma_start3A_106] : memref<10240x128xf32, #tpu.memory_space<vmem_shared>> -> memref<128x128xf32, #tpu.memory_space<vmem_shared>>
      tpu.enqueue_dma source(%dma_start3A_107 : memref<128x128xf32, #tpu.memory_space<vmem_shared>>) target(%dma_start3A_105 : memref<128x128xf32, #tpu.memory_space<hbm>>) target_semaphore(%run_scoped3A_103 : memref<!tpu.dma_semaphore, #tpu.memory_space<semaphore_mem>>)
      %dma_wait3A_108 = arith.constant 0 : i32
      %dma_wait3A_109 = tpu.memref_slice %arg5[%arg0, %multiple_of3A_97, %dma_wait3A_108] : memref<2x10240x128xf32, #tpu.memory_space<hbm>> -> memref<1x128x128xf32, #tpu.memory_space<hbm>>
      %dma_wait3A_110 = tpu.memref_squeeze %dma_wait3A_109 : memref<1x128x128xf32, #tpu.memory_space<hbm>> -> memref<128x128xf32, #tpu.memory_space<hbm>>
      %dma_wait3A_111 = arith.constant 0 : i32
      %dma_wait3A_112 = tpu.memref_slice %arg12[%multiple_of3A_97, %dma_wait3A_111] : memref<10240x128xf32, #tpu.memory_space<vmem_shared>> -> memref<128x128xf32, #tpu.memory_space<vmem_shared>>
      tpu.wait_dma2 semaphore(%run_scoped3A_103 : memref<!tpu.dma_semaphore, #tpu.memory_space<semaphore_mem>>) src(%dma_wait3A_112 : memref<128x128xf32, #tpu.memory_space<vmem_shared>>) dst(%dma_wait3A_110 : memref<128x128xf32, #tpu.memory_space<hbm>>)
      tpu.yield
    }) : () -> ()
    %mul3A_98 = arith.constant 640 : i32
    %mul3A_99 = arith.muli %arg1, %mul3A_98 : i32
    %add3A_100 = arith.constant 512 : i32
    %add3A_101 = arith.addi %mul3A_99, %add3A_100 : i32
    %multiple_of3A_102 = tpu.assume_multiple %add3A_101, 8 : i32
    "tpu.region"() ({
      %run_scoped3A_103 = tpu.sem_alloc : memref<!tpu.dma_semaphore, #tpu.memory_space<semaphore_mem>>
      %dma_start3A = arith.constant 0 : i32
      %dma_start3A_104 = tpu.memref_slice %arg5[%arg0, %multiple_of3A_102, %dma_start3A] : memref<2x10240x128xf32, #tpu.memory_space<hbm>> -> memref<1x128x128xf32, #tpu.memory_space<hbm>>
      %dma_start3A_105 = tpu.memref_squeeze %dma_start3A_104 : memref<1x128x128xf32, #tpu.memory_space<hbm>> -> memref<128x128xf32, #tpu.memory_space<hbm>>
      %dma_start3A_106 = arith.constant 0 : i32
      %dma_start3A_107 = tpu.memref_slice %arg12[%multiple_of3A_102, %dma_start3A_106] : memref<10240x128xf32, #tpu.memory_space<vmem_shared>> -> memref<128x128xf32, #tpu.memory_space<vmem_shared>>
      tpu.enqueue_dma source(%dma_start3A_107 : memref<128x128xf32, #tpu.memory_space<vmem_shared>>) target(%dma_start3A_105 : memref<128x128xf32, #tpu.memory_space<hbm>>) target_semaphore(%run_scoped3A_103 : memref<!tpu.dma_semaphore, #tpu.memory_space<semaphore_mem>>)
      %dma_wait3A_108 = arith.constant 0 : i32
      %dma_wait3A_109 = tpu.memref_slice %arg5[%arg0, %multiple_of3A_102, %dma_wait3A_108] : memref<2x10240x128xf32, #tpu.memory_space<hbm>> -> memref<1x128x128xf32, #tpu.memory_space<hbm>>
      %dma_wait3A_110 = tpu.memref_squeeze %dma_wait3A_109 : memref<1x128x128xf32, #tpu.memory_space<hbm>> -> memref<128x128xf32, #tpu.memory_space<hbm>>
      %dma_wait3A_111 = arith.constant 0 : i32
      %dma_wait3A_112 = tpu.memref_slice %arg12[%multiple_of3A_102, %dma_wait3A_111] : memref<10240x128xf32, #tpu.memory_space<vmem_shared>> -> memref<128x128xf32, #tpu.memory_space<vmem_shared>>
      tpu.wait_dma2 semaphore(%run_scoped3A_103 : memref<!tpu.dma_semaphore, #tpu.memory_space<semaphore_mem>>) src(%dma_wait3A_112 : memref<128x128xf32, #tpu.memory_space<vmem_shared>>) dst(%dma_wait3A_110 : memref<128x128xf32, #tpu.memory_space<hbm>>)
      tpu.yield
    }) : () -> ()
    return
  }
}

#map = affine_map<(d0, d1) -> (0, 0)>
#map1 = affine_map<(d0, d1) -> (0, 0, 0)>
module attributes {stable_mosaic.version = 14 : i64} {
  func.func @_deg_body(%arg0: i32, %arg1: i32, %arg2: memref<2500x128xi32, #tpu.memory_space<hbm>>, %arg3: memref<2500x128xi32, #tpu.memory_space<hbm>>, %arg4: memref<2x2x10240xf32, #tpu.memory_space<hbm>>, %arg5: memref<80x128xi32, #tpu.memory_space<vmem>>, %arg6: memref<80x128xi32, #tpu.memory_space<vmem>>, %arg7: memref<4x128xi32, #tpu.memory_space<vmem>>, %arg8: memref<4x128xi32, #tpu.memory_space<vmem>>, %arg9: memref<128xf32, #tpu.memory_space<vmem>>, %arg10: memref<640xf32, #tpu.memory_space<vmem>>, %arg11: memref<16x!tpu.dma_semaphore, #tpu.memory_space<semaphore_mem>>, %arg12: memref<10240xf32, #tpu.memory_space<vmem_shared>>, %arg13: memref<10240xf32, #tpu.memory_space<vmem_shared>>) attributes {dimension_semantics = [#tpu.dimension_semantics<core_parallel>, #tpu.dimension_semantics<subcore_parallel>], iteration_bounds = array<i64: 2, 16>, scalar_prefetch = 0 : i64, scratch_operands = 9 : i64, tpu.core_type = #tpu.core_type<sc_vector_subcore>, window_params = [{transform_indices = #map}, {transform_indices = #map}, {transform_indices = #map1}]} {
    %mul3A = arith.constant 2 : i32
    %mul3A_0 = arith.muli %arg1, %mul3A : i32
    %add3A = arith.addi %mul3A_0, %arg0 : i32
    %broadcast_in_dim3A = arith.constant 1.000000e+00 : f32
    %broadcast_in_dim3A_1 = vector.broadcast %broadcast_in_dim3A : f32 to vector<16xf32>
    %swap3A = arith.constant 0 : index
    %swap3A_2 = tpu.vector_load %arg9[%swap3A] {strides = array<i32>} : memref<128xf32, #tpu.memory_space<vmem>>, vector<16xf32>,
    %swap3A_3 = vector.shape_cast %swap3A_2 : vector<16xf32> to vector<16xf32>
    %swap3A_4 = vector.shape_cast %broadcast_in_dim3A_1 : vector<16xf32> to vector<16xf32>
    tpu.vector_store %arg9[%swap3A], %swap3A_4 {strides = array<i32>} : memref<128xf32, #tpu.memory_space<vmem>>, vector<16xf32>,
    %swap3A_5 = arith.constant 16 : index
    %swap3A_6 = tpu.vector_load %arg9[%swap3A_5] {strides = array<i32>} : memref<128xf32, #tpu.memory_space<vmem>>, vector<16xf32>,
    %swap3A_7 = vector.shape_cast %swap3A_6 : vector<16xf32> to vector<16xf32>
    %swap3A_8 = vector.shape_cast %broadcast_in_dim3A_1 : vector<16xf32> to vector<16xf32>
    tpu.vector_store %arg9[%swap3A_5], %swap3A_8 {strides = array<i32>} : memref<128xf32, #tpu.memory_space<vmem>>, vector<16xf32>,
    %swap3A_9 = arith.constant 32 : index
    %swap3A_10 = tpu.vector_load %arg9[%swap3A_9] {strides = array<i32>} : memref<128xf32, #tpu.memory_space<vmem>>, vector<16xf32>,
    %swap3A_11 = vector.shape_cast %swap3A_10 : vector<16xf32> to vector<16xf32>
    %swap3A_12 = vector.shape_cast %broadcast_in_dim3A_1 : vector<16xf32> to vector<16xf32>
    tpu.vector_store %arg9[%swap3A_9], %swap3A_12 {strides = array<i32>} : memref<128xf32, #tpu.memory_space<vmem>>, vector<16xf32>,
    %swap3A_13 = arith.constant 48 : index
    %swap3A_14 = tpu.vector_load %arg9[%swap3A_13] {strides = array<i32>} : memref<128xf32, #tpu.memory_space<vmem>>, vector<16xf32>,
    %swap3A_15 = vector.shape_cast %swap3A_14 : vector<16xf32> to vector<16xf32>
    %swap3A_16 = vector.shape_cast %broadcast_in_dim3A_1 : vector<16xf32> to vector<16xf32>
    tpu.vector_store %arg9[%swap3A_13], %swap3A_16 {strides = array<i32>} : memref<128xf32, #tpu.memory_space<vmem>>, vector<16xf32>,
    %swap3A_17 = arith.constant 64 : index
    %swap3A_18 = tpu.vector_load %arg9[%swap3A_17] {strides = array<i32>} : memref<128xf32, #tpu.memory_space<vmem>>, vector<16xf32>,
    %swap3A_19 = vector.shape_cast %swap3A_18 : vector<16xf32> to vector<16xf32>
    %swap3A_20 = vector.shape_cast %broadcast_in_dim3A_1 : vector<16xf32> to vector<16xf32>
    tpu.vector_store %arg9[%swap3A_17], %swap3A_20 {strides = array<i32>} : memref<128xf32, #tpu.memory_space<vmem>>, vector<16xf32>,
    %swap3A_21 = arith.constant 80 : index
    %swap3A_22 = tpu.vector_load %arg9[%swap3A_21] {strides = array<i32>} : memref<128xf32, #tpu.memory_space<vmem>>, vector<16xf32>,
    %swap3A_23 = vector.shape_cast %swap3A_22 : vector<16xf32> to vector<16xf32>
    %swap3A_24 = vector.shape_cast %broadcast_in_dim3A_1 : vector<16xf32> to vector<16xf32>
    tpu.vector_store %arg9[%swap3A_21], %swap3A_24 {strides = array<i32>} : memref<128xf32, #tpu.memory_space<vmem>>, vector<16xf32>,
    %swap3A_25 = arith.constant 96 : index
    %swap3A_26 = tpu.vector_load %arg9[%swap3A_25] {strides = array<i32>} : memref<128xf32, #tpu.memory_space<vmem>>, vector<16xf32>,
    %swap3A_27 = vector.shape_cast %swap3A_26 : vector<16xf32> to vector<16xf32>
    %swap3A_28 = vector.shape_cast %broadcast_in_dim3A_1 : vector<16xf32> to vector<16xf32>
    tpu.vector_store %arg9[%swap3A_25], %swap3A_28 {strides = array<i32>} : memref<128xf32, #tpu.memory_space<vmem>>, vector<16xf32>,
    %swap3A_29 = arith.constant 112 : index
    %swap3A_30 = tpu.vector_load %arg9[%swap3A_29] {strides = array<i32>} : memref<128xf32, #tpu.memory_space<vmem>>, vector<16xf32>,
    %swap3A_31 = vector.shape_cast %swap3A_30 : vector<16xf32> to vector<16xf32>
    %swap3A_32 = vector.shape_cast %broadcast_in_dim3A_1 : vector<16xf32> to vector<16xf32>
    tpu.vector_store %arg9[%swap3A_29], %swap3A_32 {strides = array<i32>} : memref<128xf32, #tpu.memory_space<vmem>>, vector<16xf32>,
    %lt3A = arith.constant 24 : i32
    %lt3A_33 = arith.cmpi slt, %add3A, %lt3A : i32
    %jit3A = arith.constant 10 : i32
    %jit3A_34 = arith.constant 9 : i32
    %select_n3A = arith.select %lt3A_33, %jit3A, %jit3A_34 : i32
    %mul3A_35 = arith.constant 10 : i32
    %mul3A_36 = arith.muli %mul3A_35, %add3A : i32
    %sub3A = arith.constant 24 : i32
    %sub3A_37 = arith.subi %add3A, %sub3A : i32
    %mul3A_38 = arith.constant 9 : i32
    %mul3A_39 = arith.muli %mul3A_38, %sub3A_37 : i32
    %add3A_40 = arith.constant 240 : i32
    %add3A_41 = arith.addi %add3A_40, %mul3A_39 : i32
    %select_n3A_42 = arith.select %lt3A_33, %mul3A_36, %add3A_41 : i32
    %mul3A_43 = arith.constant 8 : i32
    %mul3A_44 = arith.muli %select_n3A_42, %mul3A_43 : i32
    %multiple_of3A = tpu.assume_multiple %mul3A_44, 8 : i32
    "tpu.region"() ({
      %run_scoped3A_80 = tpu.sem_alloc : memref<!tpu.dma_semaphore, #tpu.memory_space<semaphore_mem>>
      %dma_start3A = arith.constant 0 : i32
      %dma_start3A_81 = arith.constant 0 : i32
      %dma_start3A_82 = tpu.memref_slice %arg5[%dma_start3A, %dma_start3A_81] : memref<80x128xi32, #tpu.memory_space<vmem>> -> memref<72x128xi32, #tpu.memory_space<vmem>>
      %dma_start3A_83 = arith.constant 0 : i32
      %dma_start3A_84 = tpu.memref_slice %arg2[%multiple_of3A, %dma_start3A_83] : memref<2500x128xi32, #tpu.memory_space<hbm>> -> memref<72x128xi32, #tpu.memory_space<hbm>>
      %dma_start3A_85 = arith.constant 0 : i32
      %dma_start3A_86 = arith.constant 0 : i32
      %dma_start3A_87 = tpu.memref_slice %arg5[%dma_start3A_85, %dma_start3A_86] : memref<80x128xi32, #tpu.memory_space<vmem>> -> memref<72x128xi32, #tpu.memory_space<vmem>>
      %dma_start3A_88 = arith.constant 0 : i32
      %dma_start3A_89 = tpu.memref_slice %arg2[%multiple_of3A, %dma_start3A_88] : memref<2500x128xi32, #tpu.memory_space<hbm>> -> memref<72x128xi32, #tpu.memory_space<hbm>>
      tpu.enqueue_dma source(%dma_start3A_89 : memref<72x128xi32, #tpu.memory_space<hbm>>) target(%dma_start3A_87 : memref<72x128xi32, #tpu.memory_space<vmem>>) target_semaphore(%run_scoped3A_80 : memref<!tpu.dma_semaphore, #tpu.memory_space<semaphore_mem>>)
      %dma_wait3A = arith.constant 0 : i32
      %dma_wait3A_90 = arith.constant 0 : i32
      %dma_wait3A_91 = tpu.memref_slice %arg5[%dma_wait3A, %dma_wait3A_90] : memref<80x128xi32, #tpu.memory_space<vmem>> -> memref<72x128xi32, #tpu.memory_space<vmem>>
      %dma_wait3A_92 = arith.constant 0 : i32
      %dma_wait3A_93 = tpu.memref_slice %arg2[%multiple_of3A, %dma_wait3A_92] : memref<2500x128xi32, #tpu.memory_space<hbm>> -> memref<72x128xi32, #tpu.memory_space<hbm>>
      %dma_wait3A_94 = arith.constant 0 : i32
      %dma_wait3A_95 = arith.constant 0 : i32
      %dma_wait3A_96 = tpu.memref_slice %arg5[%dma_wait3A_94, %dma_wait3A_95] : memref<80x128xi32, #tpu.memory_space<vmem>> -> memref<72x128xi32, #tpu.memory_space<vmem>>
      %dma_wait3A_97 = arith.constant 0 : i32
      %dma_wait3A_98 = tpu.memref_slice %arg2[%multiple_of3A, %dma_wait3A_97] : memref<2500x128xi32, #tpu.memory_space<hbm>> -> memref<72x128xi32, #tpu.memory_space<hbm>>
      tpu.wait_dma2 semaphore(%run_scoped3A_80 : memref<!tpu.dma_semaphore, #tpu.memory_space<semaphore_mem>>) src(%dma_wait3A_98 : memref<72x128xi32, #tpu.memory_space<hbm>>) dst(%dma_wait3A_96 : memref<72x128xi32, #tpu.memory_space<vmem>>)
      tpu.yield
    }) : () -> ()
    "tpu.region"() ({
      %run_scoped3A_80 = tpu.sem_alloc : memref<!tpu.dma_semaphore, #tpu.memory_space<semaphore_mem>>
      %dma_start3A = arith.constant 0 : i32
      %dma_start3A_81 = arith.constant 0 : i32
      %dma_start3A_82 = tpu.memref_slice %arg6[%dma_start3A, %dma_start3A_81] : memref<80x128xi32, #tpu.memory_space<vmem>> -> memref<72x128xi32, #tpu.memory_space<vmem>>
      %dma_start3A_83 = arith.constant 0 : i32
      %dma_start3A_84 = tpu.memref_slice %arg3[%multiple_of3A, %dma_start3A_83] : memref<2500x128xi32, #tpu.memory_space<hbm>> -> memref<72x128xi32, #tpu.memory_space<hbm>>
      %dma_start3A_85 = arith.constant 0 : i32
      %dma_start3A_86 = arith.constant 0 : i32
      %dma_start3A_87 = tpu.memref_slice %arg6[%dma_start3A_85, %dma_start3A_86] : memref<80x128xi32, #tpu.memory_space<vmem>> -> memref<72x128xi32, #tpu.memory_space<vmem>>
      %dma_start3A_88 = arith.constant 0 : i32
      %dma_start3A_89 = tpu.memref_slice %arg3[%multiple_of3A, %dma_start3A_88] : memref<2500x128xi32, #tpu.memory_space<hbm>> -> memref<72x128xi32, #tpu.memory_space<hbm>>
      tpu.enqueue_dma source(%dma_start3A_89 : memref<72x128xi32, #tpu.memory_space<hbm>>) target(%dma_start3A_87 : memref<72x128xi32, #tpu.memory_space<vmem>>) target_semaphore(%run_scoped3A_80 : memref<!tpu.dma_semaphore, #tpu.memory_space<semaphore_mem>>)
      %dma_wait3A = arith.constant 0 : i32
      %dma_wait3A_90 = arith.constant 0 : i32
      %dma_wait3A_91 = tpu.memref_slice %arg6[%dma_wait3A, %dma_wait3A_90] : memref<80x128xi32, #tpu.memory_space<vmem>> -> memref<72x128xi32, #tpu.memory_space<vmem>>
      %dma_wait3A_92 = arith.constant 0 : i32
      %dma_wait3A_93 = tpu.memref_slice %arg3[%multiple_of3A, %dma_wait3A_92] : memref<2500x128xi32, #tpu.memory_space<hbm>> -> memref<72x128xi32, #tpu.memory_space<hbm>>
      %dma_wait3A_94 = arith.constant 0 : i32
      %dma_wait3A_95 = arith.constant 0 : i32
      %dma_wait3A_96 = tpu.memref_slice %arg6[%dma_wait3A_94, %dma_wait3A_95] : memref<80x128xi32, #tpu.memory_space<vmem>> -> memref<72x128xi32, #tpu.memory_space<vmem>>
      %dma_wait3A_97 = arith.constant 0 : i32
      %dma_wait3A_98 = tpu.memref_slice %arg3[%multiple_of3A, %dma_wait3A_97] : memref<2500x128xi32, #tpu.memory_space<hbm>> -> memref<72x128xi32, #tpu.memory_space<hbm>>
      tpu.wait_dma2 semaphore(%run_scoped3A_80 : memref<!tpu.dma_semaphore, #tpu.memory_space<semaphore_mem>>) src(%dma_wait3A_98 : memref<72x128xi32, #tpu.memory_space<hbm>>) dst(%dma_wait3A_96 : memref<72x128xi32, #tpu.memory_space<vmem>>)
      tpu.yield
    }) : () -> ()
    %convert_element_type3A = arith.extui %lt3A_33 : i1 to i32
    %cond3A = arith.constant 0 : i32
    %cond3A_45 = arith.cmpi ne, %convert_element_type3A, %cond3A : i32
    scf.if %cond3A_45 {
      %add3A_80 = arith.constant 72 : i32
      %add3A_81 = arith.addi %multiple_of3A, %add3A_80 : i32
      %multiple_of3A_82 = tpu.assume_multiple %add3A_81, 8 : i32
      "tpu.region"() ({
        %run_scoped3A_83 = tpu.sem_alloc : memref<!tpu.dma_semaphore, #tpu.memory_space<semaphore_mem>>
        %dma_start3A = arith.constant 72 : i32
        %dma_start3A_84 = arith.constant 0 : i32
        %dma_start3A_85 = tpu.memref_slice %arg5[%dma_start3A, %dma_start3A_84] : memref<80x128xi32, #tpu.memory_space<vmem>> -> memref<8x128xi32, #tpu.memory_space<vmem>>
        %dma_start3A_86 = arith.constant 0 : i32
        %dma_start3A_87 = tpu.memref_slice %arg2[%multiple_of3A_82, %dma_start3A_86] : memref<2500x128xi32, #tpu.memory_space<hbm>> -> memref<8x128xi32, #tpu.memory_space<hbm>>
        %dma_start3A_88 = arith.constant 72 : i32
        %dma_start3A_89 = arith.constant 0 : i32
        %dma_start3A_90 = tpu.memref_slice %arg5[%dma_start3A_88, %dma_start3A_89] : memref<80x128xi32, #tpu.memory_space<vmem>> -> memref<8x128xi32, #tpu.memory_space<vmem>>
        %dma_start3A_91 = arith.constant 0 : i32
        %dma_start3A_92 = tpu.memref_slice %arg2[%multiple_of3A_82, %dma_start3A_91] : memref<2500x128xi32, #tpu.memory_space<hbm>> -> memref<8x128xi32, #tpu.memory_space<hbm>>
        tpu.enqueue_dma source(%dma_start3A_92 : memref<8x128xi32, #tpu.memory_space<hbm>>) target(%dma_start3A_90 : memref<8x128xi32, #tpu.memory_space<vmem>>) target_semaphore(%run_scoped3A_83 : memref<!tpu.dma_semaphore, #tpu.memory_space<semaphore_mem>>)
        %dma_wait3A = arith.constant 72 : i32
        %dma_wait3A_93 = arith.constant 0 : i32
        %dma_wait3A_94 = tpu.memref_slice %arg5[%dma_wait3A, %dma_wait3A_93] : memref<80x128xi32, #tpu.memory_space<vmem>> -> memref<8x128xi32, #tpu.memory_space<vmem>>
        %dma_wait3A_95 = arith.constant 0 : i32
        %dma_wait3A_96 = tpu.memref_slice %arg2[%multiple_of3A_82, %dma_wait3A_95] : memref<2500x128xi32, #tpu.memory_space<hbm>> -> memref<8x128xi32, #tpu.memory_space<hbm>>
        %dma_wait3A_97 = arith.constant 72 : i32
        %dma_wait3A_98 = arith.constant 0 : i32
        %dma_wait3A_99 = tpu.memref_slice %arg5[%dma_wait3A_97, %dma_wait3A_98] : memref<80x128xi32, #tpu.memory_space<vmem>> -> memref<8x128xi32, #tpu.memory_space<vmem>>
        %dma_wait3A_100 = arith.constant 0 : i32
        %dma_wait3A_101 = tpu.memref_slice %arg2[%multiple_of3A_82, %dma_wait3A_100] : memref<2500x128xi32, #tpu.memory_space<hbm>> -> memref<8x128xi32, #tpu.memory_space<hbm>>
        tpu.wait_dma2 semaphore(%run_scoped3A_83 : memref<!tpu.dma_semaphore, #tpu.memory_space<semaphore_mem>>) src(%dma_wait3A_101 : memref<8x128xi32, #tpu.memory_space<hbm>>) dst(%dma_wait3A_99 : memref<8x128xi32, #tpu.memory_space<vmem>>)
        tpu.yield
      }) : () -> ()
      "tpu.region"() ({
        %run_scoped3A_83 = tpu.sem_alloc : memref<!tpu.dma_semaphore, #tpu.memory_space<semaphore_mem>>
        %dma_start3A = arith.constant 72 : i32
        %dma_start3A_84 = arith.constant 0 : i32
        %dma_start3A_85 = tpu.memref_slice %arg6[%dma_start3A, %dma_start3A_84] : memref<80x128xi32, #tpu.memory_space<vmem>> -> memref<8x128xi32, #tpu.memory_space<vmem>>
        %dma_start3A_86 = arith.constant 0 : i32
        %dma_start3A_87 = tpu.memref_slice %arg3[%multiple_of3A_82, %dma_start3A_86] : memref<2500x128xi32, #tpu.memory_space<hbm>> -> memref<8x128xi32, #tpu.memory_space<hbm>>
        %dma_start3A_88 = arith.constant 72 : i32
        %dma_start3A_89 = arith.constant 0 : i32
        %dma_start3A_90 = tpu.memref_slice %arg6[%dma_start3A_88, %dma_start3A_89] : memref<80x128xi32, #tpu.memory_space<vmem>> -> memref<8x128xi32, #tpu.memory_space<vmem>>
        %dma_start3A_91 = arith.constant 0 : i32
        %dma_start3A_92 = tpu.memref_slice %arg3[%multiple_of3A_82, %dma_start3A_91] : memref<2500x128xi32, #tpu.memory_space<hbm>> -> memref<8x128xi32, #tpu.memory_space<hbm>>
        tpu.enqueue_dma source(%dma_start3A_92 : memref<8x128xi32, #tpu.memory_space<hbm>>) target(%dma_start3A_90 : memref<8x128xi32, #tpu.memory_space<vmem>>) target_semaphore(%run_scoped3A_83 : memref<!tpu.dma_semaphore, #tpu.memory_space<semaphore_mem>>)
        %dma_wait3A = arith.constant 72 : i32
        %dma_wait3A_93 = arith.constant 0 : i32
        %dma_wait3A_94 = tpu.memref_slice %arg6[%dma_wait3A, %dma_wait3A_93] : memref<80x128xi32, #tpu.memory_space<vmem>> -> memref<8x128xi32, #tpu.memory_space<vmem>>
        %dma_wait3A_95 = arith.constant 0 : i32
        %dma_wait3A_96 = tpu.memref_slice %arg3[%multiple_of3A_82, %dma_wait3A_95] : memref<2500x128xi32, #tpu.memory_space<hbm>> -> memref<8x128xi32, #tpu.memory_space<hbm>>
        %dma_wait3A_97 = arith.constant 72 : i32
        %dma_wait3A_98 = arith.constant 0 : i32
        %dma_wait3A_99 = tpu.memref_slice %arg6[%dma_wait3A_97, %dma_wait3A_98] : memref<80x128xi32, #tpu.memory_space<vmem>> -> memref<8x128xi32, #tpu.memory_space<vmem>>
        %dma_wait3A_100 = arith.constant 0 : i32
        %dma_wait3A_101 = tpu.memref_slice %arg3[%multiple_of3A_82, %dma_wait3A_100] : memref<2500x128xi32, #tpu.memory_space<hbm>> -> memref<8x128xi32, #tpu.memory_space<hbm>>
        tpu.wait_dma2 semaphore(%run_scoped3A_83 : memref<!tpu.dma_semaphore, #tpu.memory_space<semaphore_mem>>) src(%dma_wait3A_101 : memref<8x128xi32, #tpu.memory_space<hbm>>) dst(%dma_wait3A_99 : memref<8x128xi32, #tpu.memory_space<vmem>>)
        tpu.yield
      }) : () -> ()
    } else {
    }
    %lt3A_46 = arith.constant 4 : i32
    %lt3A_47 = arith.cmpi slt, %add3A, %lt3A_46 : i32
    %convert_element_type3A_48 = arith.extui %lt3A_47 : i1 to i32
    %cond3A_49 = arith.constant 0 : i32
    %cond3A_50 = arith.cmpi ne, %convert_element_type3A_48, %cond3A_49 : i32
    scf.if %cond3A_50 {
      "tpu.region"() ({
        %run_scoped3A_80 = tpu.sem_alloc : memref<!tpu.dma_semaphore, #tpu.memory_space<semaphore_mem>>
        %dma_start3A = arith.constant 2496 : i32
        %dma_start3A_81 = arith.constant 0 : i32
        %dma_start3A_82 = tpu.memref_slice %arg2[%dma_start3A, %dma_start3A_81] : memref<2500x128xi32, #tpu.memory_space<hbm>> -> memref<4x128xi32, #tpu.memory_space<hbm>>
        %dma_start3A_83 = arith.constant 2496 : i32
        %dma_start3A_84 = arith.constant 0 : i32
        %dma_start3A_85 = tpu.memref_slice %arg2[%dma_start3A_83, %dma_start3A_84] : memref<2500x128xi32, #tpu.memory_space<hbm>> -> memref<4x128xi32, #tpu.memory_space<hbm>>
        tpu.enqueue_dma source(%dma_start3A_85 : memref<4x128xi32, #tpu.memory_space<hbm>>) target(%arg7 : memref<4x128xi32, #tpu.memory_space<vmem>>) target_semaphore(%run_scoped3A_80 : memref<!tpu.dma_semaphore, #tpu.memory_space<semaphore_mem>>)
        %dma_wait3A = arith.constant 2496 : i32
        %dma_wait3A_86 = arith.constant 0 : i32
        %dma_wait3A_87 = tpu.memref_slice %arg2[%dma_wait3A, %dma_wait3A_86] : memref<2500x128xi32, #tpu.memory_space<hbm>> -> memref<4x128xi32, #tpu.memory_space<hbm>>
        %dma_wait3A_88 = arith.constant 2496 : i32
        %dma_wait3A_89 = arith.constant 0 : i32
        %dma_wait3A_90 = tpu.memref_slice %arg2[%dma_wait3A_88, %dma_wait3A_89] : memref<2500x128xi32, #tpu.memory_space<hbm>> -> memref<4x128xi32, #tpu.memory_space<hbm>>
        tpu.wait_dma2 semaphore(%run_scoped3A_80 : memref<!tpu.dma_semaphore, #tpu.memory_space<semaphore_mem>>) src(%dma_wait3A_90 : memref<4x128xi32, #tpu.memory_space<hbm>>) dst(%arg7 : memref<4x128xi32, #tpu.memory_space<vmem>>)
        tpu.yield
      }) : () -> ()
      "tpu.region"() ({
        %run_scoped3A_80 = tpu.sem_alloc : memref<!tpu.dma_semaphore, #tpu.memory_space<semaphore_mem>>
        %dma_start3A = arith.constant 2496 : i32
        %dma_start3A_81 = arith.constant 0 : i32
        %dma_start3A_82 = tpu.memref_slice %arg3[%dma_start3A, %dma_start3A_81] : memref<2500x128xi32, #tpu.memory_space<hbm>> -> memref<4x128xi32, #tpu.memory_space<hbm>>
        %dma_start3A_83 = arith.constant 2496 : i32
        %dma_start3A_84 = arith.constant 0 : i32
        %dma_start3A_85 = tpu.memref_slice %arg3[%dma_start3A_83, %dma_start3A_84] : memref<2500x128xi32, #tpu.memory_space<hbm>> -> memref<4x128xi32, #tpu.memory_space<hbm>>
        tpu.enqueue_dma source(%dma_start3A_85 : memref<4x128xi32, #tpu.memory_space<hbm>>) target(%arg8 : memref<4x128xi32, #tpu.memory_space<vmem>>) target_semaphore(%run_scoped3A_80 : memref<!tpu.dma_semaphore, #tpu.memory_space<semaphore_mem>>)
        %dma_wait3A = arith.constant 2496 : i32
        %dma_wait3A_86 = arith.constant 0 : i32
        %dma_wait3A_87 = tpu.memref_slice %arg3[%dma_wait3A, %dma_wait3A_86] : memref<2500x128xi32, #tpu.memory_space<hbm>> -> memref<4x128xi32, #tpu.memory_space<hbm>>
        %dma_wait3A_88 = arith.constant 2496 : i32
        %dma_wait3A_89 = arith.constant 0 : i32
        %dma_wait3A_90 = tpu.memref_slice %arg3[%dma_wait3A_88, %dma_wait3A_89] : memref<2500x128xi32, #tpu.memory_space<hbm>> -> memref<4x128xi32, #tpu.memory_space<hbm>>
        tpu.wait_dma2 semaphore(%run_scoped3A_80 : memref<!tpu.dma_semaphore, #tpu.memory_space<semaphore_mem>>) src(%dma_wait3A_90 : memref<4x128xi32, #tpu.memory_space<hbm>>) dst(%arg8 : memref<4x128xi32, #tpu.memory_space<vmem>>)
        tpu.yield
      }) : () -> ()
    } else {
    }
    %broadcast_in_dim3A_51 = arith.constant 0.000000e+00 : f32
    %broadcast_in_dim3A_52 = vector.broadcast %broadcast_in_dim3A_51 : f32 to vector<16xf32>
    %scan3A = arith.constant 0 : i32
    %scan3A_53 = arith.constant 0 : i32
    %scan3A_54 = arith.constant 40 : i32
    %scan3A_55 = arith.addi %scan3A_53, %scan3A_54 : i32
    %scan3A_56 = arith.constant 1 : i32
    %scan3A_57 = scf.for %scan3A_80 = %scan3A_53 to %scan3A_55 step %scan3A_56 iter_args(%scan3A_81 = %scan3A) -> (i32)  : i32 {
      %mul3A_82 = arith.constant 16 : i32
      %mul3A_83 = arith.muli %scan3A_80, %mul3A_82 : i32
      %swap3A_84 = arith.index_cast %mul3A_83 : i32 to index
      %swap3A_85 = tpu.vector_load %arg10[%swap3A_84] {strides = array<i32>} : memref<640xf32, #tpu.memory_space<vmem>>, vector<16xf32>,
      %swap3A_86 = vector.shape_cast %swap3A_85 : vector<16xf32> to vector<16xf32>
      %swap3A_87 = vector.shape_cast %broadcast_in_dim3A_52 : vector<16xf32> to vector<16xf32>
      tpu.vector_store %arg10[%swap3A_84], %swap3A_87 {strides = array<i32>} : memref<640xf32, #tpu.memory_space<vmem>>, vector<16xf32>,
      %scan3A_88 = arith.constant 0 : i32
      scf.yield %scan3A_88 : i32
    }
    %scan3A_58 = arith.constant 40 : i32
    %mul3A_59 = arith.constant 640 : i32
    %mul3A_60 = arith.muli %arg1, %mul3A_59 : i32
    %multiple_of3A_61 = tpu.assume_multiple %mul3A_60, 8 : i32
    "tpu.region"() ({
      %run_scoped3A_80 = tpu.sem_alloc : memref<!tpu.dma_semaphore, #tpu.memory_space<semaphore_mem>>
      %dma_start3A = tpu.memref_slice %arg12[%multiple_of3A_61] : memref<10240xf32, #tpu.memory_space<vmem_shared>> -> memref<640xf32, #tpu.memory_space<vmem_shared>>
      %dma_start3A_81 = tpu.memref_slice %arg12[%multiple_of3A_61] : memref<10240xf32, #tpu.memory_space<vmem_shared>> -> memref<640xf32, #tpu.memory_space<vmem_shared>>
      tpu.enqueue_dma source(%arg10 : memref<640xf32, #tpu.memory_space<vmem>>) target(%dma_start3A_81 : memref<640xf32, #tpu.memory_space<vmem_shared>>) target_semaphore(%run_scoped3A_80 : memref<!tpu.dma_semaphore, #tpu.memory_space<semaphore_mem>>)
      %dma_wait3A = tpu.memref_slice %arg12[%multiple_of3A_61] : memref<10240xf32, #tpu.memory_space<vmem_shared>> -> memref<640xf32, #tpu.memory_space<vmem_shared>>
      %dma_wait3A_82 = tpu.memref_slice %arg12[%multiple_of3A_61] : memref<10240xf32, #tpu.memory_space<vmem_shared>> -> memref<640xf32, #tpu.memory_space<vmem_shared>>
      tpu.wait_dma2 semaphore(%run_scoped3A_80 : memref<!tpu.dma_semaphore, #tpu.memory_space<semaphore_mem>>) src(%arg10 : memref<640xf32, #tpu.memory_space<vmem>>) dst(%dma_wait3A_82 : memref<640xf32, #tpu.memory_space<vmem_shared>>)
      tpu.yield
    }) : () -> ()
    "tpu.region"() ({
      %run_scoped3A_80 = tpu.sem_alloc : memref<!tpu.dma_semaphore, #tpu.memory_space<semaphore_mem>>
      %dma_start3A = tpu.memref_slice %arg13[%multiple_of3A_61] : memref<10240xf32, #tpu.memory_space<vmem_shared>> -> memref<640xf32, #tpu.memory_space<vmem_shared>>
      %dma_start3A_81 = tpu.memref_slice %arg13[%multiple_of3A_61] : memref<10240xf32, #tpu.memory_space<vmem_shared>> -> memref<640xf32, #tpu.memory_space<vmem_shared>>
      tpu.enqueue_dma source(%arg10 : memref<640xf32, #tpu.memory_space<vmem>>) target(%dma_start3A_81 : memref<640xf32, #tpu.memory_space<vmem_shared>>) target_semaphore(%run_scoped3A_80 : memref<!tpu.dma_semaphore, #tpu.memory_space<semaphore_mem>>)
      %dma_wait3A = tpu.memref_slice %arg13[%multiple_of3A_61] : memref<10240xf32, #tpu.memory_space<vmem_shared>> -> memref<640xf32, #tpu.memory_space<vmem_shared>>
      %dma_wait3A_82 = tpu.memref_slice %arg13[%multiple_of3A_61] : memref<10240xf32, #tpu.memory_space<vmem_shared>> -> memref<640xf32, #tpu.memory_space<vmem_shared>>
      tpu.wait_dma2 semaphore(%run_scoped3A_80 : memref<!tpu.dma_semaphore, #tpu.memory_space<semaphore_mem>>) src(%arg10 : memref<640xf32, #tpu.memory_space<vmem>>) dst(%dma_wait3A_82 : memref<640xf32, #tpu.memory_space<vmem_shared>>)
      tpu.yield
    }) : () -> ()
    %barrier3A = arith.constant 0 : index
    tpu.barrier barrier_id(%barrier3A)
    %while3A = arith.constant 0 : i32
    %while3A_62 = arith.constant 0 : i32
    %while3A_63 = arith.subi %select_n3A, %while3A : i32
    %while3A_64 = arith.addi %while3A, %while3A_63 : i32
    %while3A_65 = arith.constant 1 : i32
    %while3A_66 = arith.divsi %while3A_63, %while3A_65 : i32
    %while3A_67 = arith.muli %while3A_66, %while3A_65 : i32
    %while3A_68 = arith.addi %while3A, %while3A_67 : i32
    %while3A_69 = arith.constant 1 : i32
    %while3A_70 = scf.for %while3A_80 = %while3A to %while3A_68 step %while3A_69 iter_args(%while3A_81 = %while3A_62) -> (i32)  : i32 {
      %mul3A_82 = arith.constant 8 : i32
      %mul3A_83 = arith.muli %while3A_80, %mul3A_82 : i32
      %add3A_84 = arith.constant 0 : i32
      %add3A_85 = arith.addi %mul3A_83, %add3A_84 : i32
      %dma_start3A = arith.constant 0 : i32
      %dma_start3A_86 = arith.constant 0 : i32
      %dma_start3A_87 = tpu.memref_slice %arg5[%add3A_85, %dma_start3A_86] : memref<80x128xi32, #tpu.memory_space<vmem>> -> memref<1x128xi32, #tpu.memory_space<vmem>>
      %dma_start3A_88 = tpu.memref_squeeze %dma_start3A_87 : memref<1x128xi32, #tpu.memory_space<vmem>> -> memref<128xi32, #tpu.memory_space<vmem>>
      %dma_start3A_89 = arith.constant 0 : i32
      %dma_start3A_90 = tpu.memref_slice %arg12[%dma_start3A_89] : memref<10240xf32, #tpu.memory_space<vmem_shared>> -> memref<10240xf32, #tpu.memory_space<vmem_shared>>
      %dma_start3A_91 = tpu.memref_slice %arg11[%dma_start3A] : memref<16x!tpu.dma_semaphore, #tpu.memory_space<semaphore_mem>> -> memref<1x!tpu.dma_semaphore, #tpu.memory_space<semaphore_mem>>
      %dma_start3A_92 = tpu.memref_squeeze %dma_start3A_91 : memref<1x!tpu.dma_semaphore, #tpu.memory_space<semaphore_mem>> -> memref<!tpu.dma_semaphore, #tpu.memory_space<semaphore_mem>>
      tpu.enqueue_indirect_dma source(%arg9 : memref<128xf32, #tpu.memory_space<vmem>>) target(%dma_start3A_90 : memref<10240xf32, #tpu.memory_space<vmem_shared>>) offsets(%dma_start3A_88 : memref<128xi32, #tpu.memory_space<vmem>>) semaphore(%dma_start3A_92 : memref<!tpu.dma_semaphore, #tpu.memory_space<semaphore_mem>>) {add = true}
      %dma_start3A_93 = arith.constant 8 : i32
      %dma_start3A_94 = arith.constant 0 : i32
      %dma_start3A_95 = tpu.memref_slice %arg6[%add3A_85, %dma_start3A_94] : memref<80x128xi32, #tpu.memory_space<vmem>> -> memref<1x128xi32, #tpu.memory_space<vmem>>
      %dma_start3A_96 = tpu.memref_squeeze %dma_start3A_95 : memref<1x128xi32, #tpu.memory_space<vmem>> -> memref<128xi32, #tpu.memory_space<vmem>>
      %dma_start3A_97 = arith.constant 0 : i32
      %dma_start3A_98 = tpu.memref_slice %arg13[%dma_start3A_97] : memref<10240xf32, #tpu.memory_space<vmem_shared>> -> memref<10240xf32, #tpu.memory_space<vmem_shared>>
      %dma_start3A_99 = tpu.memref_slice %arg11[%dma_start3A_93] : memref<16x!tpu.dma_semaphore, #tpu.memory_space<semaphore_mem>> -> memref<1x!tpu.dma_semaphore, #tpu.memory_space<semaphore_mem>>
      %dma_start3A_100 = tpu.memref_squeeze %dma_start3A_99 : memref<1x!tpu.dma_semaphore, #tpu.memory_space<semaphore_mem>> -> memref<!tpu.dma_semaphore, #tpu.memory_space<semaphore_mem>>
      tpu.enqueue_indirect_dma source(%arg9 : memref<128xf32, #tpu.memory_space<vmem>>) target(%dma_start3A_98 : memref<10240xf32, #tpu.memory_space<vmem_shared>>) offsets(%dma_start3A_96 : memref<128xi32, #tpu.memory_space<vmem>>) semaphore(%dma_start3A_100 : memref<!tpu.dma_semaphore, #tpu.memory_space<semaphore_mem>>) {add = true}
      %mul3A_101 = arith.constant 8 : i32
      %mul3A_102 = arith.muli %while3A_80, %mul3A_101 : i32
      %add3A_103 = arith.constant 1 : i32
      %add3A_104 = arith.addi %mul3A_102, %add3A_103 : i32
      %dma_start3A_105 = arith.constant 1 : i32
      %dma_start3A_106 = arith.constant 0 : i32
      %dma_start3A_107 = tpu.memref_slice %arg5[%add3A_104, %dma_start3A_106] : memref<80x128xi32, #tpu.memory_space<vmem>> -> memref<1x128xi32, #tpu.memory_space<vmem>>
      %dma_start3A_108 = tpu.memref_squeeze %dma_start3A_107 : memref<1x128xi32, #tpu.memory_space<vmem>> -> memref<128xi32, #tpu.memory_space<vmem>>
      %dma_start3A_109 = arith.constant 0 : i32
      %dma_start3A_110 = tpu.memref_slice %arg12[%dma_start3A_109] : memref<10240xf32, #tpu.memory_space<vmem_shared>> -> memref<10240xf32, #tpu.memory_space<vmem_shared>>
      %dma_start3A_111 = tpu.memref_slice %arg11[%dma_start3A_105] : memref<16x!tpu.dma_semaphore, #tpu.memory_space<semaphore_mem>> -> memref<1x!tpu.dma_semaphore, #tpu.memory_space<semaphore_mem>>
      %dma_start3A_112 = tpu.memref_squeeze %dma_start3A_111 : memref<1x!tpu.dma_semaphore, #tpu.memory_space<semaphore_mem>> -> memref<!tpu.dma_semaphore, #tpu.memory_space<semaphore_mem>>
      tpu.enqueue_indirect_dma source(%arg9 : memref<128xf32, #tpu.memory_space<vmem>>) target(%dma_start3A_110 : memref<10240xf32, #tpu.memory_space<vmem_shared>>) offsets(%dma_start3A_108 : memref<128xi32, #tpu.memory_space<vmem>>) semaphore(%dma_start3A_112 : memref<!tpu.dma_semaphore, #tpu.memory_space<semaphore_mem>>) {add = true}
      %dma_start3A_113 = arith.constant 9 : i32
      %dma_start3A_114 = arith.constant 0 : i32
      %dma_start3A_115 = tpu.memref_slice %arg6[%add3A_104, %dma_start3A_114] : memref<80x128xi32, #tpu.memory_space<vmem>> -> memref<1x128xi32, #tpu.memory_space<vmem>>
      %dma_start3A_116 = tpu.memref_squeeze %dma_start3A_115 : memref<1x128xi32, #tpu.memory_space<vmem>> -> memref<128xi32, #tpu.memory_space<vmem>>
      %dma_start3A_117 = arith.constant 0 : i32
      %dma_start3A_118 = tpu.memref_slice %arg13[%dma_start3A_117] : memref<10240xf32, #tpu.memory_space<vmem_shared>> -> memref<10240xf32, #tpu.memory_space<vmem_shared>>
      %dma_start3A_119 = tpu.memref_slice %arg11[%dma_start3A_113] : memref<16x!tpu.dma_semaphore, #tpu.memory_space<semaphore_mem>> -> memref<1x!tpu.dma_semaphore, #tpu.memory_space<semaphore_mem>>
      %dma_start3A_120 = tpu.memref_squeeze %dma_start3A_119 : memref<1x!tpu.dma_semaphore, #tpu.memory_space<semaphore_mem>> -> memref<!tpu.dma_semaphore, #tpu.memory_space<semaphore_mem>>
      tpu.enqueue_indirect_dma source(%arg9 : memref<128xf32, #tpu.memory_space<vmem>>) target(%dma_start3A_118 : memref<10240xf32, #tpu.memory_space<vmem_shared>>) offsets(%dma_start3A_116 : memref<128xi32, #tpu.memory_space<vmem>>) semaphore(%dma_start3A_120 : memref<!tpu.dma_semaphore, #tpu.memory_space<semaphore_mem>>) {add = true}
      %mul3A_121 = arith.constant 8 : i32
      %mul3A_122 = arith.muli %while3A_80, %mul3A_121 : i32
      %add3A_123 = arith.constant 2 : i32
      %add3A_124 = arith.addi %mul3A_122, %add3A_123 : i32
      %dma_start3A_125 = arith.constant 2 : i32
      %dma_start3A_126 = arith.constant 0 : i32
      %dma_start3A_127 = tpu.memref_slice %arg5[%add3A_124, %dma_start3A_126] : memref<80x128xi32, #tpu.memory_space<vmem>> -> memref<1x128xi32, #tpu.memory_space<vmem>>
      %dma_start3A_128 = tpu.memref_squeeze %dma_start3A_127 : memref<1x128xi32, #tpu.memory_space<vmem>> -> memref<128xi32, #tpu.memory_space<vmem>>
      %dma_start3A_129 = arith.constant 0 : i32
      %dma_start3A_130 = tpu.memref_slice %arg12[%dma_start3A_129] : memref<10240xf32, #tpu.memory_space<vmem_shared>> -> memref<10240xf32, #tpu.memory_space<vmem_shared>>
      %dma_start3A_131 = tpu.memref_slice %arg11[%dma_start3A_125] : memref<16x!tpu.dma_semaphore, #tpu.memory_space<semaphore_mem>> -> memref<1x!tpu.dma_semaphore, #tpu.memory_space<semaphore_mem>>
      %dma_start3A_132 = tpu.memref_squeeze %dma_start3A_131 : memref<1x!tpu.dma_semaphore, #tpu.memory_space<semaphore_mem>> -> memref<!tpu.dma_semaphore, #tpu.memory_space<semaphore_mem>>
      tpu.enqueue_indirect_dma source(%arg9 : memref<128xf32, #tpu.memory_space<vmem>>) target(%dma_start3A_130 : memref<10240xf32, #tpu.memory_space<vmem_shared>>) offsets(%dma_start3A_128 : memref<128xi32, #tpu.memory_space<vmem>>) semaphore(%dma_start3A_132 : memref<!tpu.dma_semaphore, #tpu.memory_space<semaphore_mem>>) {add = true}
      %dma_start3A_133 = arith.constant 10 : i32
      %dma_start3A_134 = arith.constant 0 : i32
      %dma_start3A_135 = tpu.memref_slice %arg6[%add3A_124, %dma_start3A_134] : memref<80x128xi32, #tpu.memory_space<vmem>> -> memref<1x128xi32, #tpu.memory_space<vmem>>
      %dma_start3A_136 = tpu.memref_squeeze %dma_start3A_135 : memref<1x128xi32, #tpu.memory_space<vmem>> -> memref<128xi32, #tpu.memory_space<vmem>>
      %dma_start3A_137 = arith.constant 0 : i32
      %dma_start3A_138 = tpu.memref_slice %arg13[%dma_start3A_137] : memref<10240xf32, #tpu.memory_space<vmem_shared>> -> memref<10240xf32, #tpu.memory_space<vmem_shared>>
      %dma_start3A_139 = tpu.memref_slice %arg11[%dma_start3A_133] : memref<16x!tpu.dma_semaphore, #tpu.memory_space<semaphore_mem>> -> memref<1x!tpu.dma_semaphore, #tpu.memory_space<semaphore_mem>>
      %dma_start3A_140 = tpu.memref_squeeze %dma_start3A_139 : memref<1x!tpu.dma_semaphore, #tpu.memory_space<semaphore_mem>> -> memref<!tpu.dma_semaphore, #tpu.memory_space<semaphore_mem>>
      tpu.enqueue_indirect_dma source(%arg9 : memref<128xf32, #tpu.memory_space<vmem>>) target(%dma_start3A_138 : memref<10240xf32, #tpu.memory_space<vmem_shared>>) offsets(%dma_start3A_136 : memref<128xi32, #tpu.memory_space<vmem>>) semaphore(%dma_start3A_140 : memref<!tpu.dma_semaphore, #tpu.memory_space<semaphore_mem>>) {add = true}
      %mul3A_141 = arith.constant 8 : i32
      %mul3A_142 = arith.muli %while3A_80, %mul3A_141 : i32
      %add3A_143 = arith.constant 3 : i32
      %add3A_144 = arith.addi %mul3A_142, %add3A_143 : i32
      %dma_start3A_145 = arith.constant 3 : i32
      %dma_start3A_146 = arith.constant 0 : i32
      %dma_start3A_147 = tpu.memref_slice %arg5[%add3A_144, %dma_start3A_146] : memref<80x128xi32, #tpu.memory_space<vmem>> -> memref<1x128xi32, #tpu.memory_space<vmem>>
      %dma_start3A_148 = tpu.memref_squeeze %dma_start3A_147 : memref<1x128xi32, #tpu.memory_space<vmem>> -> memref<128xi32, #tpu.memory_space<vmem>>
      %dma_start3A_149 = arith.constant 0 : i32
      %dma_start3A_150 = tpu.memref_slice %arg12[%dma_start3A_149] : memref<10240xf32, #tpu.memory_space<vmem_shared>> -> memref<10240xf32, #tpu.memory_space<vmem_shared>>
      %dma_start3A_151 = tpu.memref_slice %arg11[%dma_start3A_145] : memref<16x!tpu.dma_semaphore, #tpu.memory_space<semaphore_mem>> -> memref<1x!tpu.dma_semaphore, #tpu.memory_space<semaphore_mem>>
      %dma_start3A_152 = tpu.memref_squeeze %dma_start3A_151 : memref<1x!tpu.dma_semaphore, #tpu.memory_space<semaphore_mem>> -> memref<!tpu.dma_semaphore, #tpu.memory_space<semaphore_mem>>
      tpu.enqueue_indirect_dma source(%arg9 : memref<128xf32, #tpu.memory_space<vmem>>) target(%dma_start3A_150 : memref<10240xf32, #tpu.memory_space<vmem_shared>>) offsets(%dma_start3A_148 : memref<128xi32, #tpu.memory_space<vmem>>) semaphore(%dma_start3A_152 : memref<!tpu.dma_semaphore, #tpu.memory_space<semaphore_mem>>) {add = true}
      %dma_start3A_153 = arith.constant 11 : i32
      %dma_start3A_154 = arith.constant 0 : i32
      %dma_start3A_155 = tpu.memref_slice %arg6[%add3A_144, %dma_start3A_154] : memref<80x128xi32, #tpu.memory_space<vmem>> -> memref<1x128xi32, #tpu.memory_space<vmem>>
      %dma_start3A_156 = tpu.memref_squeeze %dma_start3A_155 : memref<1x128xi32, #tpu.memory_space<vmem>> -> memref<128xi32, #tpu.memory_space<vmem>>
      %dma_start3A_157 = arith.constant 0 : i32
      %dma_start3A_158 = tpu.memref_slice %arg13[%dma_start3A_157] : memref<10240xf32, #tpu.memory_space<vmem_shared>> -> memref<10240xf32, #tpu.memory_space<vmem_shared>>
      %dma_start3A_159 = tpu.memref_slice %arg11[%dma_start3A_153] : memref<16x!tpu.dma_semaphore, #tpu.memory_space<semaphore_mem>> -> memref<1x!tpu.dma_semaphore, #tpu.memory_space<semaphore_mem>>
      %dma_start3A_160 = tpu.memref_squeeze %dma_start3A_159 : memref<1x!tpu.dma_semaphore, #tpu.memory_space<semaphore_mem>> -> memref<!tpu.dma_semaphore, #tpu.memory_space<semaphore_mem>>
      tpu.enqueue_indirect_dma source(%arg9 : memref<128xf32, #tpu.memory_space<vmem>>) target(%dma_start3A_158 : memref<10240xf32, #tpu.memory_space<vmem_shared>>) offsets(%dma_start3A_156 : memref<128xi32, #tpu.memory_space<vmem>>) semaphore(%dma_start3A_160 : memref<!tpu.dma_semaphore, #tpu.memory_space<semaphore_mem>>) {add = true}
      %mul3A_161 = arith.constant 8 : i32
      %mul3A_162 = arith.muli %while3A_80, %mul3A_161 : i32
      %add3A_163 = arith.constant 4 : i32
      %add3A_164 = arith.addi %mul3A_162, %add3A_163 : i32
      %dma_start3A_165 = arith.constant 4 : i32
      %dma_start3A_166 = arith.constant 0 : i32
      %dma_start3A_167 = tpu.memref_slice %arg5[%add3A_164, %dma_start3A_166] : memref<80x128xi32, #tpu.memory_space<vmem>> -> memref<1x128xi32, #tpu.memory_space<vmem>>
      %dma_start3A_168 = tpu.memref_squeeze %dma_start3A_167 : memref<1x128xi32, #tpu.memory_space<vmem>> -> memref<128xi32, #tpu.memory_space<vmem>>
      %dma_start3A_169 = arith.constant 0 : i32
      %dma_start3A_170 = tpu.memref_slice %arg12[%dma_start3A_169] : memref<10240xf32, #tpu.memory_space<vmem_shared>> -> memref<10240xf32, #tpu.memory_space<vmem_shared>>
      %dma_start3A_171 = tpu.memref_slice %arg11[%dma_start3A_165] : memref<16x!tpu.dma_semaphore, #tpu.memory_space<semaphore_mem>> -> memref<1x!tpu.dma_semaphore, #tpu.memory_space<semaphore_mem>>
      %dma_start3A_172 = tpu.memref_squeeze %dma_start3A_171 : memref<1x!tpu.dma_semaphore, #tpu.memory_space<semaphore_mem>> -> memref<!tpu.dma_semaphore, #tpu.memory_space<semaphore_mem>>
      tpu.enqueue_indirect_dma source(%arg9 : memref<128xf32, #tpu.memory_space<vmem>>) target(%dma_start3A_170 : memref<10240xf32, #tpu.memory_space<vmem_shared>>) offsets(%dma_start3A_168 : memref<128xi32, #tpu.memory_space<vmem>>) semaphore(%dma_start3A_172 : memref<!tpu.dma_semaphore, #tpu.memory_space<semaphore_mem>>) {add = true}
      %dma_start3A_173 = arith.constant 12 : i32
      %dma_start3A_174 = arith.constant 0 : i32
      %dma_start3A_175 = tpu.memref_slice %arg6[%add3A_164, %dma_start3A_174] : memref<80x128xi32, #tpu.memory_space<vmem>> -> memref<1x128xi32, #tpu.memory_space<vmem>>
      %dma_start3A_176 = tpu.memref_squeeze %dma_start3A_175 : memref<1x128xi32, #tpu.memory_space<vmem>> -> memref<128xi32, #tpu.memory_space<vmem>>
      %dma_start3A_177 = arith.constant 0 : i32
      %dma_start3A_178 = tpu.memref_slice %arg13[%dma_start3A_177] : memref<10240xf32, #tpu.memory_space<vmem_shared>> -> memref<10240xf32, #tpu.memory_space<vmem_shared>>
      %dma_start3A_179 = tpu.memref_slice %arg11[%dma_start3A_173] : memref<16x!tpu.dma_semaphore, #tpu.memory_space<semaphore_mem>> -> memref<1x!tpu.dma_semaphore, #tpu.memory_space<semaphore_mem>>
      %dma_start3A_180 = tpu.memref_squeeze %dma_start3A_179 : memref<1x!tpu.dma_semaphore, #tpu.memory_space<semaphore_mem>> -> memref<!tpu.dma_semaphore, #tpu.memory_space<semaphore_mem>>
      tpu.enqueue_indirect_dma source(%arg9 : memref<128xf32, #tpu.memory_space<vmem>>) target(%dma_start3A_178 : memref<10240xf32, #tpu.memory_space<vmem_shared>>) offsets(%dma_start3A_176 : memref<128xi32, #tpu.memory_space<vmem>>) semaphore(%dma_start3A_180 : memref<!tpu.dma_semaphore, #tpu.memory_space<semaphore_mem>>) {add = true}
      %mul3A_181 = arith.constant 8 : i32
      %mul3A_182 = arith.muli %while3A_80, %mul3A_181 : i32
      %add3A_183 = arith.constant 5 : i32
      %add3A_184 = arith.addi %mul3A_182, %add3A_183 : i32
      %dma_start3A_185 = arith.constant 5 : i32
      %dma_start3A_186 = arith.constant 0 : i32
      %dma_start3A_187 = tpu.memref_slice %arg5[%add3A_184, %dma_start3A_186] : memref<80x128xi32, #tpu.memory_space<vmem>> -> memref<1x128xi32, #tpu.memory_space<vmem>>
      %dma_start3A_188 = tpu.memref_squeeze %dma_start3A_187 : memref<1x128xi32, #tpu.memory_space<vmem>> -> memref<128xi32, #tpu.memory_space<vmem>>
      %dma_start3A_189 = arith.constant 0 : i32
      %dma_start3A_190 = tpu.memref_slice %arg12[%dma_start3A_189] : memref<10240xf32, #tpu.memory_space<vmem_shared>> -> memref<10240xf32, #tpu.memory_space<vmem_shared>>
      %dma_start3A_191 = tpu.memref_slice %arg11[%dma_start3A_185] : memref<16x!tpu.dma_semaphore, #tpu.memory_space<semaphore_mem>> -> memref<1x!tpu.dma_semaphore, #tpu.memory_space<semaphore_mem>>
      %dma_start3A_192 = tpu.memref_squeeze %dma_start3A_191 : memref<1x!tpu.dma_semaphore, #tpu.memory_space<semaphore_mem>> -> memref<!tpu.dma_semaphore, #tpu.memory_space<semaphore_mem>>
      tpu.enqueue_indirect_dma source(%arg9 : memref<128xf32, #tpu.memory_space<vmem>>) target(%dma_start3A_190 : memref<10240xf32, #tpu.memory_space<vmem_shared>>) offsets(%dma_start3A_188 : memref<128xi32, #tpu.memory_space<vmem>>) semaphore(%dma_start3A_192 : memref<!tpu.dma_semaphore, #tpu.memory_space<semaphore_mem>>) {add = true}
      %dma_start3A_193 = arith.constant 13 : i32
      %dma_start3A_194 = arith.constant 0 : i32
      %dma_start3A_195 = tpu.memref_slice %arg6[%add3A_184, %dma_start3A_194] : memref<80x128xi32, #tpu.memory_space<vmem>> -> memref<1x128xi32, #tpu.memory_space<vmem>>
      %dma_start3A_196 = tpu.memref_squeeze %dma_start3A_195 : memref<1x128xi32, #tpu.memory_space<vmem>> -> memref<128xi32, #tpu.memory_space<vmem>>
      %dma_start3A_197 = arith.constant 0 : i32
      %dma_start3A_198 = tpu.memref_slice %arg13[%dma_start3A_197] : memref<10240xf32, #tpu.memory_space<vmem_shared>> -> memref<10240xf32, #tpu.memory_space<vmem_shared>>
      %dma_start3A_199 = tpu.memref_slice %arg11[%dma_start3A_193] : memref<16x!tpu.dma_semaphore, #tpu.memory_space<semaphore_mem>> -> memref<1x!tpu.dma_semaphore, #tpu.memory_space<semaphore_mem>>
      %dma_start3A_200 = tpu.memref_squeeze %dma_start3A_199 : memref<1x!tpu.dma_semaphore, #tpu.memory_space<semaphore_mem>> -> memref<!tpu.dma_semaphore, #tpu.memory_space<semaphore_mem>>
      tpu.enqueue_indirect_dma source(%arg9 : memref<128xf32, #tpu.memory_space<vmem>>) target(%dma_start3A_198 : memref<10240xf32, #tpu.memory_space<vmem_shared>>) offsets(%dma_start3A_196 : memref<128xi32, #tpu.memory_space<vmem>>) semaphore(%dma_start3A_200 : memref<!tpu.dma_semaphore, #tpu.memory_space<semaphore_mem>>) {add = true}
      %mul3A_201 = arith.constant 8 : i32
      %mul3A_202 = arith.muli %while3A_80, %mul3A_201 : i32
      %add3A_203 = arith.constant 6 : i32
      %add3A_204 = arith.addi %mul3A_202, %add3A_203 : i32
      %dma_start3A_205 = arith.constant 6 : i32
      %dma_start3A_206 = arith.constant 0 : i32
      %dma_start3A_207 = tpu.memref_slice %arg5[%add3A_204, %dma_start3A_206] : memref<80x128xi32, #tpu.memory_space<vmem>> -> memref<1x128xi32, #tpu.memory_space<vmem>>
      %dma_start3A_208 = tpu.memref_squeeze %dma_start3A_207 : memref<1x128xi32, #tpu.memory_space<vmem>> -> memref<128xi32, #tpu.memory_space<vmem>>
      %dma_start3A_209 = arith.constant 0 : i32
      %dma_start3A_210 = tpu.memref_slice %arg12[%dma_start3A_209] : memref<10240xf32, #tpu.memory_space<vmem_shared>> -> memref<10240xf32, #tpu.memory_space<vmem_shared>>
      %dma_start3A_211 = tpu.memref_slice %arg11[%dma_start3A_205] : memref<16x!tpu.dma_semaphore, #tpu.memory_space<semaphore_mem>> -> memref<1x!tpu.dma_semaphore, #tpu.memory_space<semaphore_mem>>
      %dma_start3A_212 = tpu.memref_squeeze %dma_start3A_211 : memref<1x!tpu.dma_semaphore, #tpu.memory_space<semaphore_mem>> -> memref<!tpu.dma_semaphore, #tpu.memory_space<semaphore_mem>>
      tpu.enqueue_indirect_dma source(%arg9 : memref<128xf32, #tpu.memory_space<vmem>>) target(%dma_start3A_210 : memref<10240xf32, #tpu.memory_space<vmem_shared>>) offsets(%dma_start3A_208 : memref<128xi32, #tpu.memory_space<vmem>>) semaphore(%dma_start3A_212 : memref<!tpu.dma_semaphore, #tpu.memory_space<semaphore_mem>>) {add = true}
      %dma_start3A_213 = arith.constant 14 : i32
      %dma_start3A_214 = arith.constant 0 : i32
      %dma_start3A_215 = tpu.memref_slice %arg6[%add3A_204, %dma_start3A_214] : memref<80x128xi32, #tpu.memory_space<vmem>> -> memref<1x128xi32, #tpu.memory_space<vmem>>
      %dma_start3A_216 = tpu.memref_squeeze %dma_start3A_215 : memref<1x128xi32, #tpu.memory_space<vmem>> -> memref<128xi32, #tpu.memory_space<vmem>>
      %dma_start3A_217 = arith.constant 0 : i32
      %dma_start3A_218 = tpu.memref_slice %arg13[%dma_start3A_217] : memref<10240xf32, #tpu.memory_space<vmem_shared>> -> memref<10240xf32, #tpu.memory_space<vmem_shared>>
      %dma_start3A_219 = tpu.memref_slice %arg11[%dma_start3A_213] : memref<16x!tpu.dma_semaphore, #tpu.memory_space<semaphore_mem>> -> memref<1x!tpu.dma_semaphore, #tpu.memory_space<semaphore_mem>>
      %dma_start3A_220 = tpu.memref_squeeze %dma_start3A_219 : memref<1x!tpu.dma_semaphore, #tpu.memory_space<semaphore_mem>> -> memref<!tpu.dma_semaphore, #tpu.memory_space<semaphore_mem>>
      tpu.enqueue_indirect_dma source(%arg9 : memref<128xf32, #tpu.memory_space<vmem>>) target(%dma_start3A_218 : memref<10240xf32, #tpu.memory_space<vmem_shared>>) offsets(%dma_start3A_216 : memref<128xi32, #tpu.memory_space<vmem>>) semaphore(%dma_start3A_220 : memref<!tpu.dma_semaphore, #tpu.memory_space<semaphore_mem>>) {add = true}
      %mul3A_221 = arith.constant 8 : i32
      %mul3A_222 = arith.muli %while3A_80, %mul3A_221 : i32
      %add3A_223 = arith.constant 7 : i32
      %add3A_224 = arith.addi %mul3A_222, %add3A_223 : i32
      %dma_start3A_225 = arith.constant 7 : i32
      %dma_start3A_226 = arith.constant 0 : i32
      %dma_start3A_227 = tpu.memref_slice %arg5[%add3A_224, %dma_start3A_226] : memref<80x128xi32, #tpu.memory_space<vmem>> -> memref<1x128xi32, #tpu.memory_space<vmem>>
      %dma_start3A_228 = tpu.memref_squeeze %dma_start3A_227 : memref<1x128xi32, #tpu.memory_space<vmem>> -> memref<128xi32, #tpu.memory_space<vmem>>
      %dma_start3A_229 = arith.constant 0 : i32
      %dma_start3A_230 = tpu.memref_slice %arg12[%dma_start3A_229] : memref<10240xf32, #tpu.memory_space<vmem_shared>> -> memref<10240xf32, #tpu.memory_space<vmem_shared>>
      %dma_start3A_231 = tpu.memref_slice %arg11[%dma_start3A_225] : memref<16x!tpu.dma_semaphore, #tpu.memory_space<semaphore_mem>> -> memref<1x!tpu.dma_semaphore, #tpu.memory_space<semaphore_mem>>
      %dma_start3A_232 = tpu.memref_squeeze %dma_start3A_231 : memref<1x!tpu.dma_semaphore, #tpu.memory_space<semaphore_mem>> -> memref<!tpu.dma_semaphore, #tpu.memory_space<semaphore_mem>>
      tpu.enqueue_indirect_dma source(%arg9 : memref<128xf32, #tpu.memory_space<vmem>>) target(%dma_start3A_230 : memref<10240xf32, #tpu.memory_space<vmem_shared>>) offsets(%dma_start3A_228 : memref<128xi32, #tpu.memory_space<vmem>>) semaphore(%dma_start3A_232 : memref<!tpu.dma_semaphore, #tpu.memory_space<semaphore_mem>>) {add = true}
      %dma_start3A_233 = arith.constant 15 : i32
      %dma_start3A_234 = arith.constant 0 : i32
      %dma_start3A_235 = tpu.memref_slice %arg6[%add3A_224, %dma_start3A_234] : memref<80x128xi32, #tpu.memory_space<vmem>> -> memref<1x128xi32, #tpu.memory_space<vmem>>
      %dma_start3A_236 = tpu.memref_squeeze %dma_start3A_235 : memref<1x128xi32, #tpu.memory_space<vmem>> -> memref<128xi32, #tpu.memory_space<vmem>>
      %dma_start3A_237 = arith.constant 0 : i32
      %dma_start3A_238 = tpu.memref_slice %arg13[%dma_start3A_237] : memref<10240xf32, #tpu.memory_space<vmem_shared>> -> memref<10240xf32, #tpu.memory_space<vmem_shared>>
      %dma_start3A_239 = tpu.memref_slice %arg11[%dma_start3A_233] : memref<16x!tpu.dma_semaphore, #tpu.memory_space<semaphore_mem>> -> memref<1x!tpu.dma_semaphore, #tpu.memory_space<semaphore_mem>>
      %dma_start3A_240 = tpu.memref_squeeze %dma_start3A_239 : memref<1x!tpu.dma_semaphore, #tpu.memory_space<semaphore_mem>> -> memref<!tpu.dma_semaphore, #tpu.memory_space<semaphore_mem>>
      tpu.enqueue_indirect_dma source(%arg9 : memref<128xf32, #tpu.memory_space<vmem>>) target(%dma_start3A_238 : memref<10240xf32, #tpu.memory_space<vmem_shared>>) offsets(%dma_start3A_236 : memref<128xi32, #tpu.memory_space<vmem>>) semaphore(%dma_start3A_240 : memref<!tpu.dma_semaphore, #tpu.memory_space<semaphore_mem>>) {add = true}
      %dma_wait3A = arith.constant 0 : i32
      %dma_wait3A_241 = arith.constant 0 : i32
      %dma_wait3A_242 = tpu.memref_slice %arg5[%add3A_85, %dma_wait3A_241] : memref<80x128xi32, #tpu.memory_space<vmem>> -> memref<1x128xi32, #tpu.memory_space<vmem>>
      %dma_wait3A_243 = tpu.memref_squeeze %dma_wait3A_242 : memref<1x128xi32, #tpu.memory_space<vmem>> -> memref<128xi32, #tpu.memory_space<vmem>>
      %dma_wait3A_244 = arith.constant 0 : i32
      %dma_wait3A_245 = tpu.memref_slice %arg12[%dma_wait3A_244] : memref<10240xf32, #tpu.memory_space<vmem_shared>> -> memref<10240xf32, #tpu.memory_space<vmem_shared>>
      %dma_wait3A_246 = tpu.memref_slice %arg11[%dma_wait3A] : memref<16x!tpu.dma_semaphore, #tpu.memory_space<semaphore_mem>> -> memref<1x!tpu.dma_semaphore, #tpu.memory_space<semaphore_mem>>
      %dma_wait3A_247 = tpu.memref_squeeze %dma_wait3A_246 : memref<1x!tpu.dma_semaphore, #tpu.memory_space<semaphore_mem>> -> memref<!tpu.dma_semaphore, #tpu.memory_space<semaphore_mem>>
      tpu.wait_indirect_dma semaphore(%dma_wait3A_247 : memref<!tpu.dma_semaphore, #tpu.memory_space<semaphore_mem>>) src(%arg9 : memref<128xf32, #tpu.memory_space<vmem>>) dst(%dma_wait3A_245 : memref<10240xf32, #tpu.memory_space<vmem_shared>>)
      %dma_wait3A_248 = arith.constant 8 : i32
      %dma_wait3A_249 = arith.constant 0 : i32
      %dma_wait3A_250 = tpu.memref_slice %arg6[%add3A_85, %dma_wait3A_249] : memref<80x128xi32, #tpu.memory_space<vmem>> -> memref<1x128xi32, #tpu.memory_space<vmem>>
      %dma_wait3A_251 = tpu.memref_squeeze %dma_wait3A_250 : memref<1x128xi32, #tpu.memory_space<vmem>> -> memref<128xi32, #tpu.memory_space<vmem>>
      %dma_wait3A_252 = arith.constant 0 : i32
      %dma_wait3A_253 = tpu.memref_slice %arg13[%dma_wait3A_252] : memref<10240xf32, #tpu.memory_space<vmem_shared>> -> memref<10240xf32, #tpu.memory_space<vmem_shared>>
      %dma_wait3A_254 = tpu.memref_slice %arg11[%dma_wait3A_248] : memref<16x!tpu.dma_semaphore, #tpu.memory_space<semaphore_mem>> -> memref<1x!tpu.dma_semaphore, #tpu.memory_space<semaphore_mem>>
      %dma_wait3A_255 = tpu.memref_squeeze %dma_wait3A_254 : memref<1x!tpu.dma_semaphore, #tpu.memory_space<semaphore_mem>> -> memref<!tpu.dma_semaphore, #tpu.memory_space<semaphore_mem>>
      tpu.wait_indirect_dma semaphore(%dma_wait3A_255 : memref<!tpu.dma_semaphore, #tpu.memory_space<semaphore_mem>>) src(%arg9 : memref<128xf32, #tpu.memory_space<vmem>>) dst(%dma_wait3A_253 : memref<10240xf32, #tpu.memory_space<vmem_shared>>)
      %dma_wait3A_256 = arith.constant 1 : i32
      %dma_wait3A_257 = arith.constant 0 : i32
      %dma_wait3A_258 = tpu.memref_slice %arg5[%add3A_104, %dma_wait3A_257] : memref<80x128xi32, #tpu.memory_space<vmem>> -> memref<1x128xi32, #tpu.memory_space<vmem>>
      %dma_wait3A_259 = tpu.memref_squeeze %dma_wait3A_258 : memref<1x128xi32, #tpu.memory_space<vmem>> -> memref<128xi32, #tpu.memory_space<vmem>>
      %dma_wait3A_260 = arith.constant 0 : i32
      %dma_wait3A_261 = tpu.memref_slice %arg12[%dma_wait3A_260] : memref<10240xf32, #tpu.memory_space<vmem_shared>> -> memref<10240xf32, #tpu.memory_space<vmem_shared>>
      %dma_wait3A_262 = tpu.memref_slice %arg11[%dma_wait3A_256] : memref<16x!tpu.dma_semaphore, #tpu.memory_space<semaphore_mem>> -> memref<1x!tpu.dma_semaphore, #tpu.memory_space<semaphore_mem>>
      %dma_wait3A_263 = tpu.memref_squeeze %dma_wait3A_262 : memref<1x!tpu.dma_semaphore, #tpu.memory_space<semaphore_mem>> -> memref<!tpu.dma_semaphore, #tpu.memory_space<semaphore_mem>>
      tpu.wait_indirect_dma semaphore(%dma_wait3A_263 : memref<!tpu.dma_semaphore, #tpu.memory_space<semaphore_mem>>) src(%arg9 : memref<128xf32, #tpu.memory_space<vmem>>) dst(%dma_wait3A_261 : memref<10240xf32, #tpu.memory_space<vmem_shared>>)
      %dma_wait3A_264 = arith.constant 9 : i32
      %dma_wait3A_265 = arith.constant 0 : i32
      %dma_wait3A_266 = tpu.memref_slice %arg6[%add3A_104, %dma_wait3A_265] : memref<80x128xi32, #tpu.memory_space<vmem>> -> memref<1x128xi32, #tpu.memory_space<vmem>>
      %dma_wait3A_267 = tpu.memref_squeeze %dma_wait3A_266 : memref<1x128xi32, #tpu.memory_space<vmem>> -> memref<128xi32, #tpu.memory_space<vmem>>
      %dma_wait3A_268 = arith.constant 0 : i32
      %dma_wait3A_269 = tpu.memref_slice %arg13[%dma_wait3A_268] : memref<10240xf32, #tpu.memory_space<vmem_shared>> -> memref<10240xf32, #tpu.memory_space<vmem_shared>>
      %dma_wait3A_270 = tpu.memref_slice %arg11[%dma_wait3A_264] : memref<16x!tpu.dma_semaphore, #tpu.memory_space<semaphore_mem>> -> memref<1x!tpu.dma_semaphore, #tpu.memory_space<semaphore_mem>>
      %dma_wait3A_271 = tpu.memref_squeeze %dma_wait3A_270 : memref<1x!tpu.dma_semaphore, #tpu.memory_space<semaphore_mem>> -> memref<!tpu.dma_semaphore, #tpu.memory_space<semaphore_mem>>
      tpu.wait_indirect_dma semaphore(%dma_wait3A_271 : memref<!tpu.dma_semaphore, #tpu.memory_space<semaphore_mem>>) src(%arg9 : memref<128xf32, #tpu.memory_space<vmem>>) dst(%dma_wait3A_269 : memref<10240xf32, #tpu.memory_space<vmem_shared>>)
      %dma_wait3A_272 = arith.constant 2 : i32
      %dma_wait3A_273 = arith.constant 0 : i32
      %dma_wait3A_274 = tpu.memref_slice %arg5[%add3A_124, %dma_wait3A_273] : memref<80x128xi32, #tpu.memory_space<vmem>> -> memref<1x128xi32, #tpu.memory_space<vmem>>
      %dma_wait3A_275 = tpu.memref_squeeze %dma_wait3A_274 : memref<1x128xi32, #tpu.memory_space<vmem>> -> memref<128xi32, #tpu.memory_space<vmem>>
      %dma_wait3A_276 = arith.constant 0 : i32
      %dma_wait3A_277 = tpu.memref_slice %arg12[%dma_wait3A_276] : memref<10240xf32, #tpu.memory_space<vmem_shared>> -> memref<10240xf32, #tpu.memory_space<vmem_shared>>
      %dma_wait3A_278 = tpu.memref_slice %arg11[%dma_wait3A_272] : memref<16x!tpu.dma_semaphore, #tpu.memory_space<semaphore_mem>> -> memref<1x!tpu.dma_semaphore, #tpu.memory_space<semaphore_mem>>
      %dma_wait3A_279 = tpu.memref_squeeze %dma_wait3A_278 : memref<1x!tpu.dma_semaphore, #tpu.memory_space<semaphore_mem>> -> memref<!tpu.dma_semaphore, #tpu.memory_space<semaphore_mem>>
      tpu.wait_indirect_dma semaphore(%dma_wait3A_279 : memref<!tpu.dma_semaphore, #tpu.memory_space<semaphore_mem>>) src(%arg9 : memref<128xf32, #tpu.memory_space<vmem>>) dst(%dma_wait3A_277 : memref<10240xf32, #tpu.memory_space<vmem_shared>>)
      %dma_wait3A_280 = arith.constant 10 : i32
      %dma_wait3A_281 = arith.constant 0 : i32
      %dma_wait3A_282 = tpu.memref_slice %arg6[%add3A_124, %dma_wait3A_281] : memref<80x128xi32, #tpu.memory_space<vmem>> -> memref<1x128xi32, #tpu.memory_space<vmem>>
      %dma_wait3A_283 = tpu.memref_squeeze %dma_wait3A_282 : memref<1x128xi32, #tpu.memory_space<vmem>> -> memref<128xi32, #tpu.memory_space<vmem>>
      %dma_wait3A_284 = arith.constant 0 : i32
      %dma_wait3A_285 = tpu.memref_slice %arg13[%dma_wait3A_284] : memref<10240xf32, #tpu.memory_space<vmem_shared>> -> memref<10240xf32, #tpu.memory_space<vmem_shared>>
      %dma_wait3A_286 = tpu.memref_slice %arg11[%dma_wait3A_280] : memref<16x!tpu.dma_semaphore, #tpu.memory_space<semaphore_mem>> -> memref<1x!tpu.dma_semaphore, #tpu.memory_space<semaphore_mem>>
      %dma_wait3A_287 = tpu.memref_squeeze %dma_wait3A_286 : memref<1x!tpu.dma_semaphore, #tpu.memory_space<semaphore_mem>> -> memref<!tpu.dma_semaphore, #tpu.memory_space<semaphore_mem>>
      tpu.wait_indirect_dma semaphore(%dma_wait3A_287 : memref<!tpu.dma_semaphore, #tpu.memory_space<semaphore_mem>>) src(%arg9 : memref<128xf32, #tpu.memory_space<vmem>>) dst(%dma_wait3A_285 : memref<10240xf32, #tpu.memory_space<vmem_shared>>)
      %dma_wait3A_288 = arith.constant 3 : i32
      %dma_wait3A_289 = arith.constant 0 : i32
      %dma_wait3A_290 = tpu.memref_slice %arg5[%add3A_144, %dma_wait3A_289] : memref<80x128xi32, #tpu.memory_space<vmem>> -> memref<1x128xi32, #tpu.memory_space<vmem>>
      %dma_wait3A_291 = tpu.memref_squeeze %dma_wait3A_290 : memref<1x128xi32, #tpu.memory_space<vmem>> -> memref<128xi32, #tpu.memory_space<vmem>>
      %dma_wait3A_292 = arith.constant 0 : i32
      %dma_wait3A_293 = tpu.memref_slice %arg12[%dma_wait3A_292] : memref<10240xf32, #tpu.memory_space<vmem_shared>> -> memref<10240xf32, #tpu.memory_space<vmem_shared>>
      %dma_wait3A_294 = tpu.memref_slice %arg11[%dma_wait3A_288] : memref<16x!tpu.dma_semaphore, #tpu.memory_space<semaphore_mem>> -> memref<1x!tpu.dma_semaphore, #tpu.memory_space<semaphore_mem>>
      %dma_wait3A_295 = tpu.memref_squeeze %dma_wait3A_294 : memref<1x!tpu.dma_semaphore, #tpu.memory_space<semaphore_mem>> -> memref<!tpu.dma_semaphore, #tpu.memory_space<semaphore_mem>>
      tpu.wait_indirect_dma semaphore(%dma_wait3A_295 : memref<!tpu.dma_semaphore, #tpu.memory_space<semaphore_mem>>) src(%arg9 : memref<128xf32, #tpu.memory_space<vmem>>) dst(%dma_wait3A_293 : memref<10240xf32, #tpu.memory_space<vmem_shared>>)
      %dma_wait3A_296 = arith.constant 11 : i32
      %dma_wait3A_297 = arith.constant 0 : i32
      %dma_wait3A_298 = tpu.memref_slice %arg6[%add3A_144, %dma_wait3A_297] : memref<80x128xi32, #tpu.memory_space<vmem>> -> memref<1x128xi32, #tpu.memory_space<vmem>>
      %dma_wait3A_299 = tpu.memref_squeeze %dma_wait3A_298 : memref<1x128xi32, #tpu.memory_space<vmem>> -> memref<128xi32, #tpu.memory_space<vmem>>
      %dma_wait3A_300 = arith.constant 0 : i32
      %dma_wait3A_301 = tpu.memref_slice %arg13[%dma_wait3A_300] : memref<10240xf32, #tpu.memory_space<vmem_shared>> -> memref<10240xf32, #tpu.memory_space<vmem_shared>>
      %dma_wait3A_302 = tpu.memref_slice %arg11[%dma_wait3A_296] : memref<16x!tpu.dma_semaphore, #tpu.memory_space<semaphore_mem>> -> memref<1x!tpu.dma_semaphore, #tpu.memory_space<semaphore_mem>>
      %dma_wait3A_303 = tpu.memref_squeeze %dma_wait3A_302 : memref<1x!tpu.dma_semaphore, #tpu.memory_space<semaphore_mem>> -> memref<!tpu.dma_semaphore, #tpu.memory_space<semaphore_mem>>
      tpu.wait_indirect_dma semaphore(%dma_wait3A_303 : memref<!tpu.dma_semaphore, #tpu.memory_space<semaphore_mem>>) src(%arg9 : memref<128xf32, #tpu.memory_space<vmem>>) dst(%dma_wait3A_301 : memref<10240xf32, #tpu.memory_space<vmem_shared>>)
      %dma_wait3A_304 = arith.constant 4 : i32
      %dma_wait3A_305 = arith.constant 0 : i32
      %dma_wait3A_306 = tpu.memref_slice %arg5[%add3A_164, %dma_wait3A_305] : memref<80x128xi32, #tpu.memory_space<vmem>> -> memref<1x128xi32, #tpu.memory_space<vmem>>
      %dma_wait3A_307 = tpu.memref_squeeze %dma_wait3A_306 : memref<1x128xi32, #tpu.memory_space<vmem>> -> memref<128xi32, #tpu.memory_space<vmem>>
      %dma_wait3A_308 = arith.constant 0 : i32
      %dma_wait3A_309 = tpu.memref_slice %arg12[%dma_wait3A_308] : memref<10240xf32, #tpu.memory_space<vmem_shared>> -> memref<10240xf32, #tpu.memory_space<vmem_shared>>
      %dma_wait3A_310 = tpu.memref_slice %arg11[%dma_wait3A_304] : memref<16x!tpu.dma_semaphore, #tpu.memory_space<semaphore_mem>> -> memref<1x!tpu.dma_semaphore, #tpu.memory_space<semaphore_mem>>
      %dma_wait3A_311 = tpu.memref_squeeze %dma_wait3A_310 : memref<1x!tpu.dma_semaphore, #tpu.memory_space<semaphore_mem>> -> memref<!tpu.dma_semaphore, #tpu.memory_space<semaphore_mem>>
      tpu.wait_indirect_dma semaphore(%dma_wait3A_311 : memref<!tpu.dma_semaphore, #tpu.memory_space<semaphore_mem>>) src(%arg9 : memref<128xf32, #tpu.memory_space<vmem>>) dst(%dma_wait3A_309 : memref<10240xf32, #tpu.memory_space<vmem_shared>>)
      %dma_wait3A_312 = arith.constant 12 : i32
      %dma_wait3A_313 = arith.constant 0 : i32
      %dma_wait3A_314 = tpu.memref_slice %arg6[%add3A_164, %dma_wait3A_313] : memref<80x128xi32, #tpu.memory_space<vmem>> -> memref<1x128xi32, #tpu.memory_space<vmem>>
      %dma_wait3A_315 = tpu.memref_squeeze %dma_wait3A_314 : memref<1x128xi32, #tpu.memory_space<vmem>> -> memref<128xi32, #tpu.memory_space<vmem>>
      %dma_wait3A_316 = arith.constant 0 : i32
      %dma_wait3A_317 = tpu.memref_slice %arg13[%dma_wait3A_316] : memref<10240xf32, #tpu.memory_space<vmem_shared>> -> memref<10240xf32, #tpu.memory_space<vmem_shared>>
      %dma_wait3A_318 = tpu.memref_slice %arg11[%dma_wait3A_312] : memref<16x!tpu.dma_semaphore, #tpu.memory_space<semaphore_mem>> -> memref<1x!tpu.dma_semaphore, #tpu.memory_space<semaphore_mem>>
      %dma_wait3A_319 = tpu.memref_squeeze %dma_wait3A_318 : memref<1x!tpu.dma_semaphore, #tpu.memory_space<semaphore_mem>> -> memref<!tpu.dma_semaphore, #tpu.memory_space<semaphore_mem>>
      tpu.wait_indirect_dma semaphore(%dma_wait3A_319 : memref<!tpu.dma_semaphore, #tpu.memory_space<semaphore_mem>>) src(%arg9 : memref<128xf32, #tpu.memory_space<vmem>>) dst(%dma_wait3A_317 : memref<10240xf32, #tpu.memory_space<vmem_shared>>)
      %dma_wait3A_320 = arith.constant 5 : i32
      %dma_wait3A_321 = arith.constant 0 : i32
      %dma_wait3A_322 = tpu.memref_slice %arg5[%add3A_184, %dma_wait3A_321] : memref<80x128xi32, #tpu.memory_space<vmem>> -> memref<1x128xi32, #tpu.memory_space<vmem>>
      %dma_wait3A_323 = tpu.memref_squeeze %dma_wait3A_322 : memref<1x128xi32, #tpu.memory_space<vmem>> -> memref<128xi32, #tpu.memory_space<vmem>>
      %dma_wait3A_324 = arith.constant 0 : i32
      %dma_wait3A_325 = tpu.memref_slice %arg12[%dma_wait3A_324] : memref<10240xf32, #tpu.memory_space<vmem_shared>> -> memref<10240xf32, #tpu.memory_space<vmem_shared>>
      %dma_wait3A_326 = tpu.memref_slice %arg11[%dma_wait3A_320] : memref<16x!tpu.dma_semaphore, #tpu.memory_space<semaphore_mem>> -> memref<1x!tpu.dma_semaphore, #tpu.memory_space<semaphore_mem>>
      %dma_wait3A_327 = tpu.memref_squeeze %dma_wait3A_326 : memref<1x!tpu.dma_semaphore, #tpu.memory_space<semaphore_mem>> -> memref<!tpu.dma_semaphore, #tpu.memory_space<semaphore_mem>>
      tpu.wait_indirect_dma semaphore(%dma_wait3A_327 : memref<!tpu.dma_semaphore, #tpu.memory_space<semaphore_mem>>) src(%arg9 : memref<128xf32, #tpu.memory_space<vmem>>) dst(%dma_wait3A_325 : memref<10240xf32, #tpu.memory_space<vmem_shared>>)
      %dma_wait3A_328 = arith.constant 13 : i32
      %dma_wait3A_329 = arith.constant 0 : i32
      %dma_wait3A_330 = tpu.memref_slice %arg6[%add3A_184, %dma_wait3A_329] : memref<80x128xi32, #tpu.memory_space<vmem>> -> memref<1x128xi32, #tpu.memory_space<vmem>>
      %dma_wait3A_331 = tpu.memref_squeeze %dma_wait3A_330 : memref<1x128xi32, #tpu.memory_space<vmem>> -> memref<128xi32, #tpu.memory_space<vmem>>
      %dma_wait3A_332 = arith.constant 0 : i32
      %dma_wait3A_333 = tpu.memref_slice %arg13[%dma_wait3A_332] : memref<10240xf32, #tpu.memory_space<vmem_shared>> -> memref<10240xf32, #tpu.memory_space<vmem_shared>>
      %dma_wait3A_334 = tpu.memref_slice %arg11[%dma_wait3A_328] : memref<16x!tpu.dma_semaphore, #tpu.memory_space<semaphore_mem>> -> memref<1x!tpu.dma_semaphore, #tpu.memory_space<semaphore_mem>>
      %dma_wait3A_335 = tpu.memref_squeeze %dma_wait3A_334 : memref<1x!tpu.dma_semaphore, #tpu.memory_space<semaphore_mem>> -> memref<!tpu.dma_semaphore, #tpu.memory_space<semaphore_mem>>
      tpu.wait_indirect_dma semaphore(%dma_wait3A_335 : memref<!tpu.dma_semaphore, #tpu.memory_space<semaphore_mem>>) src(%arg9 : memref<128xf32, #tpu.memory_space<vmem>>) dst(%dma_wait3A_333 : memref<10240xf32, #tpu.memory_space<vmem_shared>>)
      %dma_wait3A_336 = arith.constant 6 : i32
      %dma_wait3A_337 = arith.constant 0 : i32
      %dma_wait3A_338 = tpu.memref_slice %arg5[%add3A_204, %dma_wait3A_337] : memref<80x128xi32, #tpu.memory_space<vmem>> -> memref<1x128xi32, #tpu.memory_space<vmem>>
      %dma_wait3A_339 = tpu.memref_squeeze %dma_wait3A_338 : memref<1x128xi32, #tpu.memory_space<vmem>> -> memref<128xi32, #tpu.memory_space<vmem>>
      %dma_wait3A_340 = arith.constant 0 : i32
      %dma_wait3A_341 = tpu.memref_slice %arg12[%dma_wait3A_340] : memref<10240xf32, #tpu.memory_space<vmem_shared>> -> memref<10240xf32, #tpu.memory_space<vmem_shared>>
      %dma_wait3A_342 = tpu.memref_slice %arg11[%dma_wait3A_336] : memref<16x!tpu.dma_semaphore, #tpu.memory_space<semaphore_mem>> -> memref<1x!tpu.dma_semaphore, #tpu.memory_space<semaphore_mem>>
      %dma_wait3A_343 = tpu.memref_squeeze %dma_wait3A_342 : memref<1x!tpu.dma_semaphore, #tpu.memory_space<semaphore_mem>> -> memref<!tpu.dma_semaphore, #tpu.memory_space<semaphore_mem>>
      tpu.wait_indirect_dma semaphore(%dma_wait3A_343 : memref<!tpu.dma_semaphore, #tpu.memory_space<semaphore_mem>>) src(%arg9 : memref<128xf32, #tpu.memory_space<vmem>>) dst(%dma_wait3A_341 : memref<10240xf32, #tpu.memory_space<vmem_shared>>)
      %dma_wait3A_344 = arith.constant 14 : i32
      %dma_wait3A_345 = arith.constant 0 : i32
      %dma_wait3A_346 = tpu.memref_slice %arg6[%add3A_204, %dma_wait3A_345] : memref<80x128xi32, #tpu.memory_space<vmem>> -> memref<1x128xi32, #tpu.memory_space<vmem>>
      %dma_wait3A_347 = tpu.memref_squeeze %dma_wait3A_346 : memref<1x128xi32, #tpu.memory_space<vmem>> -> memref<128xi32, #tpu.memory_space<vmem>>
      %dma_wait3A_348 = arith.constant 0 : i32
      %dma_wait3A_349 = tpu.memref_slice %arg13[%dma_wait3A_348] : memref<10240xf32, #tpu.memory_space<vmem_shared>> -> memref<10240xf32, #tpu.memory_space<vmem_shared>>
      %dma_wait3A_350 = tpu.memref_slice %arg11[%dma_wait3A_344] : memref<16x!tpu.dma_semaphore, #tpu.memory_space<semaphore_mem>> -> memref<1x!tpu.dma_semaphore, #tpu.memory_space<semaphore_mem>>
      %dma_wait3A_351 = tpu.memref_squeeze %dma_wait3A_350 : memref<1x!tpu.dma_semaphore, #tpu.memory_space<semaphore_mem>> -> memref<!tpu.dma_semaphore, #tpu.memory_space<semaphore_mem>>
      tpu.wait_indirect_dma semaphore(%dma_wait3A_351 : memref<!tpu.dma_semaphore, #tpu.memory_space<semaphore_mem>>) src(%arg9 : memref<128xf32, #tpu.memory_space<vmem>>) dst(%dma_wait3A_349 : memref<10240xf32, #tpu.memory_space<vmem_shared>>)
      %dma_wait3A_352 = arith.constant 7 : i32
      %dma_wait3A_353 = arith.constant 0 : i32
      %dma_wait3A_354 = tpu.memref_slice %arg5[%add3A_224, %dma_wait3A_353] : memref<80x128xi32, #tpu.memory_space<vmem>> -> memref<1x128xi32, #tpu.memory_space<vmem>>
      %dma_wait3A_355 = tpu.memref_squeeze %dma_wait3A_354 : memref<1x128xi32, #tpu.memory_space<vmem>> -> memref<128xi32, #tpu.memory_space<vmem>>
      %dma_wait3A_356 = arith.constant 0 : i32
      %dma_wait3A_357 = tpu.memref_slice %arg12[%dma_wait3A_356] : memref<10240xf32, #tpu.memory_space<vmem_shared>> -> memref<10240xf32, #tpu.memory_space<vmem_shared>>
      %dma_wait3A_358 = tpu.memref_slice %arg11[%dma_wait3A_352] : memref<16x!tpu.dma_semaphore, #tpu.memory_space<semaphore_mem>> -> memref<1x!tpu.dma_semaphore, #tpu.memory_space<semaphore_mem>>
      %dma_wait3A_359 = tpu.memref_squeeze %dma_wait3A_358 : memref<1x!tpu.dma_semaphore, #tpu.memory_space<semaphore_mem>> -> memref<!tpu.dma_semaphore, #tpu.memory_space<semaphore_mem>>
      tpu.wait_indirect_dma semaphore(%dma_wait3A_359 : memref<!tpu.dma_semaphore, #tpu.memory_space<semaphore_mem>>) src(%arg9 : memref<128xf32, #tpu.memory_space<vmem>>) dst(%dma_wait3A_357 : memref<10240xf32, #tpu.memory_space<vmem_shared>>)
      %dma_wait3A_360 = arith.constant 15 : i32
      %dma_wait3A_361 = arith.constant 0 : i32
      %dma_wait3A_362 = tpu.memref_slice %arg6[%add3A_224, %dma_wait3A_361] : memref<80x128xi32, #tpu.memory_space<vmem>> -> memref<1x128xi32, #tpu.memory_space<vmem>>
      %dma_wait3A_363 = tpu.memref_squeeze %dma_wait3A_362 : memref<1x128xi32, #tpu.memory_space<vmem>> -> memref<128xi32, #tpu.memory_space<vmem>>
      %dma_wait3A_364 = arith.constant 0 : i32
      %dma_wait3A_365 = tpu.memref_slice %arg13[%dma_wait3A_364] : memref<10240xf32, #tpu.memory_space<vmem_shared>> -> memref<10240xf32, #tpu.memory_space<vmem_shared>>
      %dma_wait3A_366 = tpu.memref_slice %arg11[%dma_wait3A_360] : memref<16x!tpu.dma_semaphore, #tpu.memory_space<semaphore_mem>> -> memref<1x!tpu.dma_semaphore, #tpu.memory_space<semaphore_mem>>
      %dma_wait3A_367 = tpu.memref_squeeze %dma_wait3A_366 : memref<1x!tpu.dma_semaphore, #tpu.memory_space<semaphore_mem>> -> memref<!tpu.dma_semaphore, #tpu.memory_space<semaphore_mem>>
      tpu.wait_indirect_dma semaphore(%dma_wait3A_367 : memref<!tpu.dma_semaphore, #tpu.memory_space<semaphore_mem>>) src(%arg9 : memref<128xf32, #tpu.memory_space<vmem>>) dst(%dma_wait3A_365 : memref<10240xf32, #tpu.memory_space<vmem_shared>>)
      %while3A_368 = arith.constant 0 : i32
      scf.yield %while3A_368 : i32
    }
    %while3A_71 = arith.constant 1 : i32
    %while3A_72 = scf.for %while3A_80 = %while3A_68 to %while3A_64 step %while3A_71 iter_args(%while3A_81 = %while3A_70) -> (i32)  : i32 {
      %mul3A_82 = arith.constant 8 : i32
      %mul3A_83 = arith.muli %while3A_80, %mul3A_82 : i32
      %add3A_84 = arith.constant 0 : i32
      %add3A_85 = arith.addi %mul3A_83, %add3A_84 : i32
      %dma_start3A = arith.constant 0 : i32
      %dma_start3A_86 = arith.constant 0 : i32
      %dma_start3A_87 = tpu.memref_slice %arg5[%add3A_85, %dma_start3A_86] : memref<80x128xi32, #tpu.memory_space<vmem>> -> memref<1x128xi32, #tpu.memory_space<vmem>>
      %dma_start3A_88 = tpu.memref_squeeze %dma_start3A_87 : memref<1x128xi32, #tpu.memory_space<vmem>> -> memref<128xi32, #tpu.memory_space<vmem>>
      %dma_start3A_89 = arith.constant 0 : i32
      %dma_start3A_90 = tpu.memref_slice %arg12[%dma_start3A_89] : memref<10240xf32, #tpu.memory_space<vmem_shared>> -> memref<10240xf32, #tpu.memory_space<vmem_shared>>
      %dma_start3A_91 = tpu.memref_slice %arg11[%dma_start3A] : memref<16x!tpu.dma_semaphore, #tpu.memory_space<semaphore_mem>> -> memref<1x!tpu.dma_semaphore, #tpu.memory_space<semaphore_mem>>
      %dma_start3A_92 = tpu.memref_squeeze %dma_start3A_91 : memref<1x!tpu.dma_semaphore, #tpu.memory_space<semaphore_mem>> -> memref<!tpu.dma_semaphore, #tpu.memory_space<semaphore_mem>>
      tpu.enqueue_indirect_dma source(%arg9 : memref<128xf32, #tpu.memory_space<vmem>>) target(%dma_start3A_90 : memref<10240xf32, #tpu.memory_space<vmem_shared>>) offsets(%dma_start3A_88 : memref<128xi32, #tpu.memory_space<vmem>>) semaphore(%dma_start3A_92 : memref<!tpu.dma_semaphore, #tpu.memory_space<semaphore_mem>>) {add = true}
      %dma_start3A_93 = arith.constant 8 : i32
      %dma_start3A_94 = arith.constant 0 : i32
      %dma_start3A_95 = tpu.memref_slice %arg6[%add3A_85, %dma_start3A_94] : memref<80x128xi32, #tpu.memory_space<vmem>> -> memref<1x128xi32, #tpu.memory_space<vmem>>
      %dma_start3A_96 = tpu.memref_squeeze %dma_start3A_95 : memref<1x128xi32, #tpu.memory_space<vmem>> -> memref<128xi32, #tpu.memory_space<vmem>>
      %dma_start3A_97 = arith.constant 0 : i32
      %dma_start3A_98 = tpu.memref_slice %arg13[%dma_start3A_97] : memref<10240xf32, #tpu.memory_space<vmem_shared>> -> memref<10240xf32, #tpu.memory_space<vmem_shared>>
      %dma_start3A_99 = tpu.memref_slice %arg11[%dma_start3A_93] : memref<16x!tpu.dma_semaphore, #tpu.memory_space<semaphore_mem>> -> memref<1x!tpu.dma_semaphore, #tpu.memory_space<semaphore_mem>>
      %dma_start3A_100 = tpu.memref_squeeze %dma_start3A_99 : memref<1x!tpu.dma_semaphore, #tpu.memory_space<semaphore_mem>> -> memref<!tpu.dma_semaphore, #tpu.memory_space<semaphore_mem>>
      tpu.enqueue_indirect_dma source(%arg9 : memref<128xf32, #tpu.memory_space<vmem>>) target(%dma_start3A_98 : memref<10240xf32, #tpu.memory_space<vmem_shared>>) offsets(%dma_start3A_96 : memref<128xi32, #tpu.memory_space<vmem>>) semaphore(%dma_start3A_100 : memref<!tpu.dma_semaphore, #tpu.memory_space<semaphore_mem>>) {add = true}
      %mul3A_101 = arith.constant 8 : i32
      %mul3A_102 = arith.muli %while3A_80, %mul3A_101 : i32
      %add3A_103 = arith.constant 1 : i32
      %add3A_104 = arith.addi %mul3A_102, %add3A_103 : i32
      %dma_start3A_105 = arith.constant 1 : i32
      %dma_start3A_106 = arith.constant 0 : i32
      %dma_start3A_107 = tpu.memref_slice %arg5[%add3A_104, %dma_start3A_106] : memref<80x128xi32, #tpu.memory_space<vmem>> -> memref<1x128xi32, #tpu.memory_space<vmem>>
      %dma_start3A_108 = tpu.memref_squeeze %dma_start3A_107 : memref<1x128xi32, #tpu.memory_space<vmem>> -> memref<128xi32, #tpu.memory_space<vmem>>
      %dma_start3A_109 = arith.constant 0 : i32
      %dma_start3A_110 = tpu.memref_slice %arg12[%dma_start3A_109] : memref<10240xf32, #tpu.memory_space<vmem_shared>> -> memref<10240xf32, #tpu.memory_space<vmem_shared>>
      %dma_start3A_111 = tpu.memref_slice %arg11[%dma_start3A_105] : memref<16x!tpu.dma_semaphore, #tpu.memory_space<semaphore_mem>> -> memref<1x!tpu.dma_semaphore, #tpu.memory_space<semaphore_mem>>
      %dma_start3A_112 = tpu.memref_squeeze %dma_start3A_111 : memref<1x!tpu.dma_semaphore, #tpu.memory_space<semaphore_mem>> -> memref<!tpu.dma_semaphore, #tpu.memory_space<semaphore_mem>>
      tpu.enqueue_indirect_dma source(%arg9 : memref<128xf32, #tpu.memory_space<vmem>>) target(%dma_start3A_110 : memref<10240xf32, #tpu.memory_space<vmem_shared>>) offsets(%dma_start3A_108 : memref<128xi32, #tpu.memory_space<vmem>>) semaphore(%dma_start3A_112 : memref<!tpu.dma_semaphore, #tpu.memory_space<semaphore_mem>>) {add = true}
      %dma_start3A_113 = arith.constant 9 : i32
      %dma_start3A_114 = arith.constant 0 : i32
      %dma_start3A_115 = tpu.memref_slice %arg6[%add3A_104, %dma_start3A_114] : memref<80x128xi32, #tpu.memory_space<vmem>> -> memref<1x128xi32, #tpu.memory_space<vmem>>
      %dma_start3A_116 = tpu.memref_squeeze %dma_start3A_115 : memref<1x128xi32, #tpu.memory_space<vmem>> -> memref<128xi32, #tpu.memory_space<vmem>>
      %dma_start3A_117 = arith.constant 0 : i32
      %dma_start3A_118 = tpu.memref_slice %arg13[%dma_start3A_117] : memref<10240xf32, #tpu.memory_space<vmem_shared>> -> memref<10240xf32, #tpu.memory_space<vmem_shared>>
      %dma_start3A_119 = tpu.memref_slice %arg11[%dma_start3A_113] : memref<16x!tpu.dma_semaphore, #tpu.memory_space<semaphore_mem>> -> memref<1x!tpu.dma_semaphore, #tpu.memory_space<semaphore_mem>>
      %dma_start3A_120 = tpu.memref_squeeze %dma_start3A_119 : memref<1x!tpu.dma_semaphore, #tpu.memory_space<semaphore_mem>> -> memref<!tpu.dma_semaphore, #tpu.memory_space<semaphore_mem>>
      tpu.enqueue_indirect_dma source(%arg9 : memref<128xf32, #tpu.memory_space<vmem>>) target(%dma_start3A_118 : memref<10240xf32, #tpu.memory_space<vmem_shared>>) offsets(%dma_start3A_116 : memref<128xi32, #tpu.memory_space<vmem>>) semaphore(%dma_start3A_120 : memref<!tpu.dma_semaphore, #tpu.memory_space<semaphore_mem>>) {add = true}
      %mul3A_121 = arith.constant 8 : i32
      %mul3A_122 = arith.muli %while3A_80, %mul3A_121 : i32
      %add3A_123 = arith.constant 2 : i32
      %add3A_124 = arith.addi %mul3A_122, %add3A_123 : i32
      %dma_start3A_125 = arith.constant 2 : i32
      %dma_start3A_126 = arith.constant 0 : i32
      %dma_start3A_127 = tpu.memref_slice %arg5[%add3A_124, %dma_start3A_126] : memref<80x128xi32, #tpu.memory_space<vmem>> -> memref<1x128xi32, #tpu.memory_space<vmem>>
      %dma_start3A_128 = tpu.memref_squeeze %dma_start3A_127 : memref<1x128xi32, #tpu.memory_space<vmem>> -> memref<128xi32, #tpu.memory_space<vmem>>
      %dma_start3A_129 = arith.constant 0 : i32
      %dma_start3A_130 = tpu.memref_slice %arg12[%dma_start3A_129] : memref<10240xf32, #tpu.memory_space<vmem_shared>> -> memref<10240xf32, #tpu.memory_space<vmem_shared>>
      %dma_start3A_131 = tpu.memref_slice %arg11[%dma_start3A_125] : memref<16x!tpu.dma_semaphore, #tpu.memory_space<semaphore_mem>> -> memref<1x!tpu.dma_semaphore, #tpu.memory_space<semaphore_mem>>
      %dma_start3A_132 = tpu.memref_squeeze %dma_start3A_131 : memref<1x!tpu.dma_semaphore, #tpu.memory_space<semaphore_mem>> -> memref<!tpu.dma_semaphore, #tpu.memory_space<semaphore_mem>>
      tpu.enqueue_indirect_dma source(%arg9 : memref<128xf32, #tpu.memory_space<vmem>>) target(%dma_start3A_130 : memref<10240xf32, #tpu.memory_space<vmem_shared>>) offsets(%dma_start3A_128 : memref<128xi32, #tpu.memory_space<vmem>>) semaphore(%dma_start3A_132 : memref<!tpu.dma_semaphore, #tpu.memory_space<semaphore_mem>>) {add = true}
      %dma_start3A_133 = arith.constant 10 : i32
      %dma_start3A_134 = arith.constant 0 : i32
      %dma_start3A_135 = tpu.memref_slice %arg6[%add3A_124, %dma_start3A_134] : memref<80x128xi32, #tpu.memory_space<vmem>> -> memref<1x128xi32, #tpu.memory_space<vmem>>
      %dma_start3A_136 = tpu.memref_squeeze %dma_start3A_135 : memref<1x128xi32, #tpu.memory_space<vmem>> -> memref<128xi32, #tpu.memory_space<vmem>>
      %dma_start3A_137 = arith.constant 0 : i32
      %dma_start3A_138 = tpu.memref_slice %arg13[%dma_start3A_137] : memref<10240xf32, #tpu.memory_space<vmem_shared>> -> memref<10240xf32, #tpu.memory_space<vmem_shared>>
      %dma_start3A_139 = tpu.memref_slice %arg11[%dma_start3A_133] : memref<16x!tpu.dma_semaphore, #tpu.memory_space<semaphore_mem>> -> memref<1x!tpu.dma_semaphore, #tpu.memory_space<semaphore_mem>>
      %dma_start3A_140 = tpu.memref_squeeze %dma_start3A_139 : memref<1x!tpu.dma_semaphore, #tpu.memory_space<semaphore_mem>> -> memref<!tpu.dma_semaphore, #tpu.memory_space<semaphore_mem>>
      tpu.enqueue_indirect_dma source(%arg9 : memref<128xf32, #tpu.memory_space<vmem>>) target(%dma_start3A_138 : memref<10240xf32, #tpu.memory_space<vmem_shared>>) offsets(%dma_start3A_136 : memref<128xi32, #tpu.memory_space<vmem>>) semaphore(%dma_start3A_140 : memref<!tpu.dma_semaphore, #tpu.memory_space<semaphore_mem>>) {add = true}
      %mul3A_141 = arith.constant 8 : i32
      %mul3A_142 = arith.muli %while3A_80, %mul3A_141 : i32
      %add3A_143 = arith.constant 3 : i32
      %add3A_144 = arith.addi %mul3A_142, %add3A_143 : i32
      %dma_start3A_145 = arith.constant 3 : i32
      %dma_start3A_146 = arith.constant 0 : i32
      %dma_start3A_147 = tpu.memref_slice %arg5[%add3A_144, %dma_start3A_146] : memref<80x128xi32, #tpu.memory_space<vmem>> -> memref<1x128xi32, #tpu.memory_space<vmem>>
      %dma_start3A_148 = tpu.memref_squeeze %dma_start3A_147 : memref<1x128xi32, #tpu.memory_space<vmem>> -> memref<128xi32, #tpu.memory_space<vmem>>
      %dma_start3A_149 = arith.constant 0 : i32
      %dma_start3A_150 = tpu.memref_slice %arg12[%dma_start3A_149] : memref<10240xf32, #tpu.memory_space<vmem_shared>> -> memref<10240xf32, #tpu.memory_space<vmem_shared>>
      %dma_start3A_151 = tpu.memref_slice %arg11[%dma_start3A_145] : memref<16x!tpu.dma_semaphore, #tpu.memory_space<semaphore_mem>> -> memref<1x!tpu.dma_semaphore, #tpu.memory_space<semaphore_mem>>
      %dma_start3A_152 = tpu.memref_squeeze %dma_start3A_151 : memref<1x!tpu.dma_semaphore, #tpu.memory_space<semaphore_mem>> -> memref<!tpu.dma_semaphore, #tpu.memory_space<semaphore_mem>>
      tpu.enqueue_indirect_dma source(%arg9 : memref<128xf32, #tpu.memory_space<vmem>>) target(%dma_start3A_150 : memref<10240xf32, #tpu.memory_space<vmem_shared>>) offsets(%dma_start3A_148 : memref<128xi32, #tpu.memory_space<vmem>>) semaphore(%dma_start3A_152 : memref<!tpu.dma_semaphore, #tpu.memory_space<semaphore_mem>>) {add = true}
      %dma_start3A_153 = arith.constant 11 : i32
      %dma_start3A_154 = arith.constant 0 : i32
      %dma_start3A_155 = tpu.memref_slice %arg6[%add3A_144, %dma_start3A_154] : memref<80x128xi32, #tpu.memory_space<vmem>> -> memref<1x128xi32, #tpu.memory_space<vmem>>
      %dma_start3A_156 = tpu.memref_squeeze %dma_start3A_155 : memref<1x128xi32, #tpu.memory_space<vmem>> -> memref<128xi32, #tpu.memory_space<vmem>>
      %dma_start3A_157 = arith.constant 0 : i32
      %dma_start3A_158 = tpu.memref_slice %arg13[%dma_start3A_157] : memref<10240xf32, #tpu.memory_space<vmem_shared>> -> memref<10240xf32, #tpu.memory_space<vmem_shared>>
      %dma_start3A_159 = tpu.memref_slice %arg11[%dma_start3A_153] : memref<16x!tpu.dma_semaphore, #tpu.memory_space<semaphore_mem>> -> memref<1x!tpu.dma_semaphore, #tpu.memory_space<semaphore_mem>>
      %dma_start3A_160 = tpu.memref_squeeze %dma_start3A_159 : memref<1x!tpu.dma_semaphore, #tpu.memory_space<semaphore_mem>> -> memref<!tpu.dma_semaphore, #tpu.memory_space<semaphore_mem>>
      tpu.enqueue_indirect_dma source(%arg9 : memref<128xf32, #tpu.memory_space<vmem>>) target(%dma_start3A_158 : memref<10240xf32, #tpu.memory_space<vmem_shared>>) offsets(%dma_start3A_156 : memref<128xi32, #tpu.memory_space<vmem>>) semaphore(%dma_start3A_160 : memref<!tpu.dma_semaphore, #tpu.memory_space<semaphore_mem>>) {add = true}
      %mul3A_161 = arith.constant 8 : i32
      %mul3A_162 = arith.muli %while3A_80, %mul3A_161 : i32
      %add3A_163 = arith.constant 4 : i32
      %add3A_164 = arith.addi %mul3A_162, %add3A_163 : i32
      %dma_start3A_165 = arith.constant 4 : i32
      %dma_start3A_166 = arith.constant 0 : i32
      %dma_start3A_167 = tpu.memref_slice %arg5[%add3A_164, %dma_start3A_166] : memref<80x128xi32, #tpu.memory_space<vmem>> -> memref<1x128xi32, #tpu.memory_space<vmem>>
      %dma_start3A_168 = tpu.memref_squeeze %dma_start3A_167 : memref<1x128xi32, #tpu.memory_space<vmem>> -> memref<128xi32, #tpu.memory_space<vmem>>
      %dma_start3A_169 = arith.constant 0 : i32
      %dma_start3A_170 = tpu.memref_slice %arg12[%dma_start3A_169] : memref<10240xf32, #tpu.memory_space<vmem_shared>> -> memref<10240xf32, #tpu.memory_space<vmem_shared>>
      %dma_start3A_171 = tpu.memref_slice %arg11[%dma_start3A_165] : memref<16x!tpu.dma_semaphore, #tpu.memory_space<semaphore_mem>> -> memref<1x!tpu.dma_semaphore, #tpu.memory_space<semaphore_mem>>
      %dma_start3A_172 = tpu.memref_squeeze %dma_start3A_171 : memref<1x!tpu.dma_semaphore, #tpu.memory_space<semaphore_mem>> -> memref<!tpu.dma_semaphore, #tpu.memory_space<semaphore_mem>>
      tpu.enqueue_indirect_dma source(%arg9 : memref<128xf32, #tpu.memory_space<vmem>>) target(%dma_start3A_170 : memref<10240xf32, #tpu.memory_space<vmem_shared>>) offsets(%dma_start3A_168 : memref<128xi32, #tpu.memory_space<vmem>>) semaphore(%dma_start3A_172 : memref<!tpu.dma_semaphore, #tpu.memory_space<semaphore_mem>>) {add = true}
      %dma_start3A_173 = arith.constant 12 : i32
      %dma_start3A_174 = arith.constant 0 : i32
      %dma_start3A_175 = tpu.memref_slice %arg6[%add3A_164, %dma_start3A_174] : memref<80x128xi32, #tpu.memory_space<vmem>> -> memref<1x128xi32, #tpu.memory_space<vmem>>
      %dma_start3A_176 = tpu.memref_squeeze %dma_start3A_175 : memref<1x128xi32, #tpu.memory_space<vmem>> -> memref<128xi32, #tpu.memory_space<vmem>>
      %dma_start3A_177 = arith.constant 0 : i32
      %dma_start3A_178 = tpu.memref_slice %arg13[%dma_start3A_177] : memref<10240xf32, #tpu.memory_space<vmem_shared>> -> memref<10240xf32, #tpu.memory_space<vmem_shared>>
      %dma_start3A_179 = tpu.memref_slice %arg11[%dma_start3A_173] : memref<16x!tpu.dma_semaphore, #tpu.memory_space<semaphore_mem>> -> memref<1x!tpu.dma_semaphore, #tpu.memory_space<semaphore_mem>>
      %dma_start3A_180 = tpu.memref_squeeze %dma_start3A_179 : memref<1x!tpu.dma_semaphore, #tpu.memory_space<semaphore_mem>> -> memref<!tpu.dma_semaphore, #tpu.memory_space<semaphore_mem>>
      tpu.enqueue_indirect_dma source(%arg9 : memref<128xf32, #tpu.memory_space<vmem>>) target(%dma_start3A_178 : memref<10240xf32, #tpu.memory_space<vmem_shared>>) offsets(%dma_start3A_176 : memref<128xi32, #tpu.memory_space<vmem>>) semaphore(%dma_start3A_180 : memref<!tpu.dma_semaphore, #tpu.memory_space<semaphore_mem>>) {add = true}
      %mul3A_181 = arith.constant 8 : i32
      %mul3A_182 = arith.muli %while3A_80, %mul3A_181 : i32
      %add3A_183 = arith.constant 5 : i32
      %add3A_184 = arith.addi %mul3A_182, %add3A_183 : i32
      %dma_start3A_185 = arith.constant 5 : i32
      %dma_start3A_186 = arith.constant 0 : i32
      %dma_start3A_187 = tpu.memref_slice %arg5[%add3A_184, %dma_start3A_186] : memref<80x128xi32, #tpu.memory_space<vmem>> -> memref<1x128xi32, #tpu.memory_space<vmem>>
      %dma_start3A_188 = tpu.memref_squeeze %dma_start3A_187 : memref<1x128xi32, #tpu.memory_space<vmem>> -> memref<128xi32, #tpu.memory_space<vmem>>
      %dma_start3A_189 = arith.constant 0 : i32
      %dma_start3A_190 = tpu.memref_slice %arg12[%dma_start3A_189] : memref<10240xf32, #tpu.memory_space<vmem_shared>> -> memref<10240xf32, #tpu.memory_space<vmem_shared>>
      %dma_start3A_191 = tpu.memref_slice %arg11[%dma_start3A_185] : memref<16x!tpu.dma_semaphore, #tpu.memory_space<semaphore_mem>> -> memref<1x!tpu.dma_semaphore, #tpu.memory_space<semaphore_mem>>
      %dma_start3A_192 = tpu.memref_squeeze %dma_start3A_191 : memref<1x!tpu.dma_semaphore, #tpu.memory_space<semaphore_mem>> -> memref<!tpu.dma_semaphore, #tpu.memory_space<semaphore_mem>>
      tpu.enqueue_indirect_dma source(%arg9 : memref<128xf32, #tpu.memory_space<vmem>>) target(%dma_start3A_190 : memref<10240xf32, #tpu.memory_space<vmem_shared>>) offsets(%dma_start3A_188 : memref<128xi32, #tpu.memory_space<vmem>>) semaphore(%dma_start3A_192 : memref<!tpu.dma_semaphore, #tpu.memory_space<semaphore_mem>>) {add = true}
      %dma_start3A_193 = arith.constant 13 : i32
      %dma_start3A_194 = arith.constant 0 : i32
      %dma_start3A_195 = tpu.memref_slice %arg6[%add3A_184, %dma_start3A_194] : memref<80x128xi32, #tpu.memory_space<vmem>> -> memref<1x128xi32, #tpu.memory_space<vmem>>
      %dma_start3A_196 = tpu.memref_squeeze %dma_start3A_195 : memref<1x128xi32, #tpu.memory_space<vmem>> -> memref<128xi32, #tpu.memory_space<vmem>>
      %dma_start3A_197 = arith.constant 0 : i32
      %dma_start3A_198 = tpu.memref_slice %arg13[%dma_start3A_197] : memref<10240xf32, #tpu.memory_space<vmem_shared>> -> memref<10240xf32, #tpu.memory_space<vmem_shared>>
      %dma_start3A_199 = tpu.memref_slice %arg11[%dma_start3A_193] : memref<16x!tpu.dma_semaphore, #tpu.memory_space<semaphore_mem>> -> memref<1x!tpu.dma_semaphore, #tpu.memory_space<semaphore_mem>>
      %dma_start3A_200 = tpu.memref_squeeze %dma_start3A_199 : memref<1x!tpu.dma_semaphore, #tpu.memory_space<semaphore_mem>> -> memref<!tpu.dma_semaphore, #tpu.memory_space<semaphore_mem>>
      tpu.enqueue_indirect_dma source(%arg9 : memref<128xf32, #tpu.memory_space<vmem>>) target(%dma_start3A_198 : memref<10240xf32, #tpu.memory_space<vmem_shared>>) offsets(%dma_start3A_196 : memref<128xi32, #tpu.memory_space<vmem>>) semaphore(%dma_start3A_200 : memref<!tpu.dma_semaphore, #tpu.memory_space<semaphore_mem>>) {add = true}
      %mul3A_201 = arith.constant 8 : i32
      %mul3A_202 = arith.muli %while3A_80, %mul3A_201 : i32
      %add3A_203 = arith.constant 6 : i32
      %add3A_204 = arith.addi %mul3A_202, %add3A_203 : i32
      %dma_start3A_205 = arith.constant 6 : i32
      %dma_start3A_206 = arith.constant 0 : i32
      %dma_start3A_207 = tpu.memref_slice %arg5[%add3A_204, %dma_start3A_206] : memref<80x128xi32, #tpu.memory_space<vmem>> -> memref<1x128xi32, #tpu.memory_space<vmem>>
      %dma_start3A_208 = tpu.memref_squeeze %dma_start3A_207 : memref<1x128xi32, #tpu.memory_space<vmem>> -> memref<128xi32, #tpu.memory_space<vmem>>
      %dma_start3A_209 = arith.constant 0 : i32
      %dma_start3A_210 = tpu.memref_slice %arg12[%dma_start3A_209] : memref<10240xf32, #tpu.memory_space<vmem_shared>> -> memref<10240xf32, #tpu.memory_space<vmem_shared>>
      %dma_start3A_211 = tpu.memref_slice %arg11[%dma_start3A_205] : memref<16x!tpu.dma_semaphore, #tpu.memory_space<semaphore_mem>> -> memref<1x!tpu.dma_semaphore, #tpu.memory_space<semaphore_mem>>
      %dma_start3A_212 = tpu.memref_squeeze %dma_start3A_211 : memref<1x!tpu.dma_semaphore, #tpu.memory_space<semaphore_mem>> -> memref<!tpu.dma_semaphore, #tpu.memory_space<semaphore_mem>>
      tpu.enqueue_indirect_dma source(%arg9 : memref<128xf32, #tpu.memory_space<vmem>>) target(%dma_start3A_210 : memref<10240xf32, #tpu.memory_space<vmem_shared>>) offsets(%dma_start3A_208 : memref<128xi32, #tpu.memory_space<vmem>>) semaphore(%dma_start3A_212 : memref<!tpu.dma_semaphore, #tpu.memory_space<semaphore_mem>>) {add = true}
      %dma_start3A_213 = arith.constant 14 : i32
      %dma_start3A_214 = arith.constant 0 : i32
      %dma_start3A_215 = tpu.memref_slice %arg6[%add3A_204, %dma_start3A_214] : memref<80x128xi32, #tpu.memory_space<vmem>> -> memref<1x128xi32, #tpu.memory_space<vmem>>
      %dma_start3A_216 = tpu.memref_squeeze %dma_start3A_215 : memref<1x128xi32, #tpu.memory_space<vmem>> -> memref<128xi32, #tpu.memory_space<vmem>>
      %dma_start3A_217 = arith.constant 0 : i32
      %dma_start3A_218 = tpu.memref_slice %arg13[%dma_start3A_217] : memref<10240xf32, #tpu.memory_space<vmem_shared>> -> memref<10240xf32, #tpu.memory_space<vmem_shared>>
      %dma_start3A_219 = tpu.memref_slice %arg11[%dma_start3A_213] : memref<16x!tpu.dma_semaphore, #tpu.memory_space<semaphore_mem>> -> memref<1x!tpu.dma_semaphore, #tpu.memory_space<semaphore_mem>>
      %dma_start3A_220 = tpu.memref_squeeze %dma_start3A_219 : memref<1x!tpu.dma_semaphore, #tpu.memory_space<semaphore_mem>> -> memref<!tpu.dma_semaphore, #tpu.memory_space<semaphore_mem>>
      tpu.enqueue_indirect_dma source(%arg9 : memref<128xf32, #tpu.memory_space<vmem>>) target(%dma_start3A_218 : memref<10240xf32, #tpu.memory_space<vmem_shared>>) offsets(%dma_start3A_216 : memref<128xi32, #tpu.memory_space<vmem>>) semaphore(%dma_start3A_220 : memref<!tpu.dma_semaphore, #tpu.memory_space<semaphore_mem>>) {add = true}
      %mul3A_221 = arith.constant 8 : i32
      %mul3A_222 = arith.muli %while3A_80, %mul3A_221 : i32
      %add3A_223 = arith.constant 7 : i32
      %add3A_224 = arith.addi %mul3A_222, %add3A_223 : i32
      %dma_start3A_225 = arith.constant 7 : i32
      %dma_start3A_226 = arith.constant 0 : i32
      %dma_start3A_227 = tpu.memref_slice %arg5[%add3A_224, %dma_start3A_226] : memref<80x128xi32, #tpu.memory_space<vmem>> -> memref<1x128xi32, #tpu.memory_space<vmem>>
      %dma_start3A_228 = tpu.memref_squeeze %dma_start3A_227 : memref<1x128xi32, #tpu.memory_space<vmem>> -> memref<128xi32, #tpu.memory_space<vmem>>
      %dma_start3A_229 = arith.constant 0 : i32
      %dma_start3A_230 = tpu.memref_slice %arg12[%dma_start3A_229] : memref<10240xf32, #tpu.memory_space<vmem_shared>> -> memref<10240xf32, #tpu.memory_space<vmem_shared>>
      %dma_start3A_231 = tpu.memref_slice %arg11[%dma_start3A_225] : memref<16x!tpu.dma_semaphore, #tpu.memory_space<semaphore_mem>> -> memref<1x!tpu.dma_semaphore, #tpu.memory_space<semaphore_mem>>
      %dma_start3A_232 = tpu.memref_squeeze %dma_start3A_231 : memref<1x!tpu.dma_semaphore, #tpu.memory_space<semaphore_mem>> -> memref<!tpu.dma_semaphore, #tpu.memory_space<semaphore_mem>>
      tpu.enqueue_indirect_dma source(%arg9 : memref<128xf32, #tpu.memory_space<vmem>>) target(%dma_start3A_230 : memref<10240xf32, #tpu.memory_space<vmem_shared>>) offsets(%dma_start3A_228 : memref<128xi32, #tpu.memory_space<vmem>>) semaphore(%dma_start3A_232 : memref<!tpu.dma_semaphore, #tpu.memory_space<semaphore_mem>>) {add = true}
      %dma_start3A_233 = arith.constant 15 : i32
      %dma_start3A_234 = arith.constant 0 : i32
      %dma_start3A_235 = tpu.memref_slice %arg6[%add3A_224, %dma_start3A_234] : memref<80x128xi32, #tpu.memory_space<vmem>> -> memref<1x128xi32, #tpu.memory_space<vmem>>
      %dma_start3A_236 = tpu.memref_squeeze %dma_start3A_235 : memref<1x128xi32, #tpu.memory_space<vmem>> -> memref<128xi32, #tpu.memory_space<vmem>>
      %dma_start3A_237 = arith.constant 0 : i32
      %dma_start3A_238 = tpu.memref_slice %arg13[%dma_start3A_237] : memref<10240xf32, #tpu.memory_space<vmem_shared>> -> memref<10240xf32, #tpu.memory_space<vmem_shared>>
      %dma_start3A_239 = tpu.memref_slice %arg11[%dma_start3A_233] : memref<16x!tpu.dma_semaphore, #tpu.memory_space<semaphore_mem>> -> memref<1x!tpu.dma_semaphore, #tpu.memory_space<semaphore_mem>>
      %dma_start3A_240 = tpu.memref_squeeze %dma_start3A_239 : memref<1x!tpu.dma_semaphore, #tpu.memory_space<semaphore_mem>> -> memref<!tpu.dma_semaphore, #tpu.memory_space<semaphore_mem>>
      tpu.enqueue_indirect_dma source(%arg9 : memref<128xf32, #tpu.memory_space<vmem>>) target(%dma_start3A_238 : memref<10240xf32, #tpu.memory_space<vmem_shared>>) offsets(%dma_start3A_236 : memref<128xi32, #tpu.memory_space<vmem>>) semaphore(%dma_start3A_240 : memref<!tpu.dma_semaphore, #tpu.memory_space<semaphore_mem>>) {add = true}
      %dma_wait3A = arith.constant 0 : i32
      %dma_wait3A_241 = arith.constant 0 : i32
      %dma_wait3A_242 = tpu.memref_slice %arg5[%add3A_85, %dma_wait3A_241] : memref<80x128xi32, #tpu.memory_space<vmem>> -> memref<1x128xi32, #tpu.memory_space<vmem>>
      %dma_wait3A_243 = tpu.memref_squeeze %dma_wait3A_242 : memref<1x128xi32, #tpu.memory_space<vmem>> -> memref<128xi32, #tpu.memory_space<vmem>>
      %dma_wait3A_244 = arith.constant 0 : i32
      %dma_wait3A_245 = tpu.memref_slice %arg12[%dma_wait3A_244] : memref<10240xf32, #tpu.memory_space<vmem_shared>> -> memref<10240xf32, #tpu.memory_space<vmem_shared>>
      %dma_wait3A_246 = tpu.memref_slice %arg11[%dma_wait3A] : memref<16x!tpu.dma_semaphore, #tpu.memory_space<semaphore_mem>> -> memref<1x!tpu.dma_semaphore, #tpu.memory_space<semaphore_mem>>
      %dma_wait3A_247 = tpu.memref_squeeze %dma_wait3A_246 : memref<1x!tpu.dma_semaphore, #tpu.memory_space<semaphore_mem>> -> memref<!tpu.dma_semaphore, #tpu.memory_space<semaphore_mem>>
      tpu.wait_indirect_dma semaphore(%dma_wait3A_247 : memref<!tpu.dma_semaphore, #tpu.memory_space<semaphore_mem>>) src(%arg9 : memref<128xf32, #tpu.memory_space<vmem>>) dst(%dma_wait3A_245 : memref<10240xf32, #tpu.memory_space<vmem_shared>>)
      %dma_wait3A_248 = arith.constant 8 : i32
      %dma_wait3A_249 = arith.constant 0 : i32
      %dma_wait3A_250 = tpu.memref_slice %arg6[%add3A_85, %dma_wait3A_249] : memref<80x128xi32, #tpu.memory_space<vmem>> -> memref<1x128xi32, #tpu.memory_space<vmem>>
      %dma_wait3A_251 = tpu.memref_squeeze %dma_wait3A_250 : memref<1x128xi32, #tpu.memory_space<vmem>> -> memref<128xi32, #tpu.memory_space<vmem>>
      %dma_wait3A_252 = arith.constant 0 : i32
      %dma_wait3A_253 = tpu.memref_slice %arg13[%dma_wait3A_252] : memref<10240xf32, #tpu.memory_space<vmem_shared>> -> memref<10240xf32, #tpu.memory_space<vmem_shared>>
      %dma_wait3A_254 = tpu.memref_slice %arg11[%dma_wait3A_248] : memref<16x!tpu.dma_semaphore, #tpu.memory_space<semaphore_mem>> -> memref<1x!tpu.dma_semaphore, #tpu.memory_space<semaphore_mem>>
      %dma_wait3A_255 = tpu.memref_squeeze %dma_wait3A_254 : memref<1x!tpu.dma_semaphore, #tpu.memory_space<semaphore_mem>> -> memref<!tpu.dma_semaphore, #tpu.memory_space<semaphore_mem>>
      tpu.wait_indirect_dma semaphore(%dma_wait3A_255 : memref<!tpu.dma_semaphore, #tpu.memory_space<semaphore_mem>>) src(%arg9 : memref<128xf32, #tpu.memory_space<vmem>>) dst(%dma_wait3A_253 : memref<10240xf32, #tpu.memory_space<vmem_shared>>)
      %dma_wait3A_256 = arith.constant 1 : i32
      %dma_wait3A_257 = arith.constant 0 : i32
      %dma_wait3A_258 = tpu.memref_slice %arg5[%add3A_104, %dma_wait3A_257] : memref<80x128xi32, #tpu.memory_space<vmem>> -> memref<1x128xi32, #tpu.memory_space<vmem>>
      %dma_wait3A_259 = tpu.memref_squeeze %dma_wait3A_258 : memref<1x128xi32, #tpu.memory_space<vmem>> -> memref<128xi32, #tpu.memory_space<vmem>>
      %dma_wait3A_260 = arith.constant 0 : i32
      %dma_wait3A_261 = tpu.memref_slice %arg12[%dma_wait3A_260] : memref<10240xf32, #tpu.memory_space<vmem_shared>> -> memref<10240xf32, #tpu.memory_space<vmem_shared>>
      %dma_wait3A_262 = tpu.memref_slice %arg11[%dma_wait3A_256] : memref<16x!tpu.dma_semaphore, #tpu.memory_space<semaphore_mem>> -> memref<1x!tpu.dma_semaphore, #tpu.memory_space<semaphore_mem>>
      %dma_wait3A_263 = tpu.memref_squeeze %dma_wait3A_262 : memref<1x!tpu.dma_semaphore, #tpu.memory_space<semaphore_mem>> -> memref<!tpu.dma_semaphore, #tpu.memory_space<semaphore_mem>>
      tpu.wait_indirect_dma semaphore(%dma_wait3A_263 : memref<!tpu.dma_semaphore, #tpu.memory_space<semaphore_mem>>) src(%arg9 : memref<128xf32, #tpu.memory_space<vmem>>) dst(%dma_wait3A_261 : memref<10240xf32, #tpu.memory_space<vmem_shared>>)
      %dma_wait3A_264 = arith.constant 9 : i32
      %dma_wait3A_265 = arith.constant 0 : i32
      %dma_wait3A_266 = tpu.memref_slice %arg6[%add3A_104, %dma_wait3A_265] : memref<80x128xi32, #tpu.memory_space<vmem>> -> memref<1x128xi32, #tpu.memory_space<vmem>>
      %dma_wait3A_267 = tpu.memref_squeeze %dma_wait3A_266 : memref<1x128xi32, #tpu.memory_space<vmem>> -> memref<128xi32, #tpu.memory_space<vmem>>
      %dma_wait3A_268 = arith.constant 0 : i32
      %dma_wait3A_269 = tpu.memref_slice %arg13[%dma_wait3A_268] : memref<10240xf32, #tpu.memory_space<vmem_shared>> -> memref<10240xf32, #tpu.memory_space<vmem_shared>>
      %dma_wait3A_270 = tpu.memref_slice %arg11[%dma_wait3A_264] : memref<16x!tpu.dma_semaphore, #tpu.memory_space<semaphore_mem>> -> memref<1x!tpu.dma_semaphore, #tpu.memory_space<semaphore_mem>>
      %dma_wait3A_271 = tpu.memref_squeeze %dma_wait3A_270 : memref<1x!tpu.dma_semaphore, #tpu.memory_space<semaphore_mem>> -> memref<!tpu.dma_semaphore, #tpu.memory_space<semaphore_mem>>
      tpu.wait_indirect_dma semaphore(%dma_wait3A_271 : memref<!tpu.dma_semaphore, #tpu.memory_space<semaphore_mem>>) src(%arg9 : memref<128xf32, #tpu.memory_space<vmem>>) dst(%dma_wait3A_269 : memref<10240xf32, #tpu.memory_space<vmem_shared>>)
      %dma_wait3A_272 = arith.constant 2 : i32
      %dma_wait3A_273 = arith.constant 0 : i32
      %dma_wait3A_274 = tpu.memref_slice %arg5[%add3A_124, %dma_wait3A_273] : memref<80x128xi32, #tpu.memory_space<vmem>> -> memref<1x128xi32, #tpu.memory_space<vmem>>
      %dma_wait3A_275 = tpu.memref_squeeze %dma_wait3A_274 : memref<1x128xi32, #tpu.memory_space<vmem>> -> memref<128xi32, #tpu.memory_space<vmem>>
      %dma_wait3A_276 = arith.constant 0 : i32
      %dma_wait3A_277 = tpu.memref_slice %arg12[%dma_wait3A_276] : memref<10240xf32, #tpu.memory_space<vmem_shared>> -> memref<10240xf32, #tpu.memory_space<vmem_shared>>
      %dma_wait3A_278 = tpu.memref_slice %arg11[%dma_wait3A_272] : memref<16x!tpu.dma_semaphore, #tpu.memory_space<semaphore_mem>> -> memref<1x!tpu.dma_semaphore, #tpu.memory_space<semaphore_mem>>
      %dma_wait3A_279 = tpu.memref_squeeze %dma_wait3A_278 : memref<1x!tpu.dma_semaphore, #tpu.memory_space<semaphore_mem>> -> memref<!tpu.dma_semaphore, #tpu.memory_space<semaphore_mem>>
      tpu.wait_indirect_dma semaphore(%dma_wait3A_279 : memref<!tpu.dma_semaphore, #tpu.memory_space<semaphore_mem>>) src(%arg9 : memref<128xf32, #tpu.memory_space<vmem>>) dst(%dma_wait3A_277 : memref<10240xf32, #tpu.memory_space<vmem_shared>>)
      %dma_wait3A_280 = arith.constant 10 : i32
      %dma_wait3A_281 = arith.constant 0 : i32
      %dma_wait3A_282 = tpu.memref_slice %arg6[%add3A_124, %dma_wait3A_281] : memref<80x128xi32, #tpu.memory_space<vmem>> -> memref<1x128xi32, #tpu.memory_space<vmem>>
      %dma_wait3A_283 = tpu.memref_squeeze %dma_wait3A_282 : memref<1x128xi32, #tpu.memory_space<vmem>> -> memref<128xi32, #tpu.memory_space<vmem>>
      %dma_wait3A_284 = arith.constant 0 : i32
      %dma_wait3A_285 = tpu.memref_slice %arg13[%dma_wait3A_284] : memref<10240xf32, #tpu.memory_space<vmem_shared>> -> memref<10240xf32, #tpu.memory_space<vmem_shared>>
      %dma_wait3A_286 = tpu.memref_slice %arg11[%dma_wait3A_280] : memref<16x!tpu.dma_semaphore, #tpu.memory_space<semaphore_mem>> -> memref<1x!tpu.dma_semaphore, #tpu.memory_space<semaphore_mem>>
      %dma_wait3A_287 = tpu.memref_squeeze %dma_wait3A_286 : memref<1x!tpu.dma_semaphore, #tpu.memory_space<semaphore_mem>> -> memref<!tpu.dma_semaphore, #tpu.memory_space<semaphore_mem>>
      tpu.wait_indirect_dma semaphore(%dma_wait3A_287 : memref<!tpu.dma_semaphore, #tpu.memory_space<semaphore_mem>>) src(%arg9 : memref<128xf32, #tpu.memory_space<vmem>>) dst(%dma_wait3A_285 : memref<10240xf32, #tpu.memory_space<vmem_shared>>)
      %dma_wait3A_288 = arith.constant 3 : i32
      %dma_wait3A_289 = arith.constant 0 : i32
      %dma_wait3A_290 = tpu.memref_slice %arg5[%add3A_144, %dma_wait3A_289] : memref<80x128xi32, #tpu.memory_space<vmem>> -> memref<1x128xi32, #tpu.memory_space<vmem>>
      %dma_wait3A_291 = tpu.memref_squeeze %dma_wait3A_290 : memref<1x128xi32, #tpu.memory_space<vmem>> -> memref<128xi32, #tpu.memory_space<vmem>>
      %dma_wait3A_292 = arith.constant 0 : i32
      %dma_wait3A_293 = tpu.memref_slice %arg12[%dma_wait3A_292] : memref<10240xf32, #tpu.memory_space<vmem_shared>> -> memref<10240xf32, #tpu.memory_space<vmem_shared>>
      %dma_wait3A_294 = tpu.memref_slice %arg11[%dma_wait3A_288] : memref<16x!tpu.dma_semaphore, #tpu.memory_space<semaphore_mem>> -> memref<1x!tpu.dma_semaphore, #tpu.memory_space<semaphore_mem>>
      %dma_wait3A_295 = tpu.memref_squeeze %dma_wait3A_294 : memref<1x!tpu.dma_semaphore, #tpu.memory_space<semaphore_mem>> -> memref<!tpu.dma_semaphore, #tpu.memory_space<semaphore_mem>>
      tpu.wait_indirect_dma semaphore(%dma_wait3A_295 : memref<!tpu.dma_semaphore, #tpu.memory_space<semaphore_mem>>) src(%arg9 : memref<128xf32, #tpu.memory_space<vmem>>) dst(%dma_wait3A_293 : memref<10240xf32, #tpu.memory_space<vmem_shared>>)
      %dma_wait3A_296 = arith.constant 11 : i32
      %dma_wait3A_297 = arith.constant 0 : i32
      %dma_wait3A_298 = tpu.memref_slice %arg6[%add3A_144, %dma_wait3A_297] : memref<80x128xi32, #tpu.memory_space<vmem>> -> memref<1x128xi32, #tpu.memory_space<vmem>>
      %dma_wait3A_299 = tpu.memref_squeeze %dma_wait3A_298 : memref<1x128xi32, #tpu.memory_space<vmem>> -> memref<128xi32, #tpu.memory_space<vmem>>
      %dma_wait3A_300 = arith.constant 0 : i32
      %dma_wait3A_301 = tpu.memref_slice %arg13[%dma_wait3A_300] : memref<10240xf32, #tpu.memory_space<vmem_shared>> -> memref<10240xf32, #tpu.memory_space<vmem_shared>>
      %dma_wait3A_302 = tpu.memref_slice %arg11[%dma_wait3A_296] : memref<16x!tpu.dma_semaphore, #tpu.memory_space<semaphore_mem>> -> memref<1x!tpu.dma_semaphore, #tpu.memory_space<semaphore_mem>>
      %dma_wait3A_303 = tpu.memref_squeeze %dma_wait3A_302 : memref<1x!tpu.dma_semaphore, #tpu.memory_space<semaphore_mem>> -> memref<!tpu.dma_semaphore, #tpu.memory_space<semaphore_mem>>
      tpu.wait_indirect_dma semaphore(%dma_wait3A_303 : memref<!tpu.dma_semaphore, #tpu.memory_space<semaphore_mem>>) src(%arg9 : memref<128xf32, #tpu.memory_space<vmem>>) dst(%dma_wait3A_301 : memref<10240xf32, #tpu.memory_space<vmem_shared>>)
      %dma_wait3A_304 = arith.constant 4 : i32
      %dma_wait3A_305 = arith.constant 0 : i32
      %dma_wait3A_306 = tpu.memref_slice %arg5[%add3A_164, %dma_wait3A_305] : memref<80x128xi32, #tpu.memory_space<vmem>> -> memref<1x128xi32, #tpu.memory_space<vmem>>
      %dma_wait3A_307 = tpu.memref_squeeze %dma_wait3A_306 : memref<1x128xi32, #tpu.memory_space<vmem>> -> memref<128xi32, #tpu.memory_space<vmem>>
      %dma_wait3A_308 = arith.constant 0 : i32
      %dma_wait3A_309 = tpu.memref_slice %arg12[%dma_wait3A_308] : memref<10240xf32, #tpu.memory_space<vmem_shared>> -> memref<10240xf32, #tpu.memory_space<vmem_shared>>
      %dma_wait3A_310 = tpu.memref_slice %arg11[%dma_wait3A_304] : memref<16x!tpu.dma_semaphore, #tpu.memory_space<semaphore_mem>> -> memref<1x!tpu.dma_semaphore, #tpu.memory_space<semaphore_mem>>
      %dma_wait3A_311 = tpu.memref_squeeze %dma_wait3A_310 : memref<1x!tpu.dma_semaphore, #tpu.memory_space<semaphore_mem>> -> memref<!tpu.dma_semaphore, #tpu.memory_space<semaphore_mem>>
      tpu.wait_indirect_dma semaphore(%dma_wait3A_311 : memref<!tpu.dma_semaphore, #tpu.memory_space<semaphore_mem>>) src(%arg9 : memref<128xf32, #tpu.memory_space<vmem>>) dst(%dma_wait3A_309 : memref<10240xf32, #tpu.memory_space<vmem_shared>>)
      %dma_wait3A_312 = arith.constant 12 : i32
      %dma_wait3A_313 = arith.constant 0 : i32
      %dma_wait3A_314 = tpu.memref_slice %arg6[%add3A_164, %dma_wait3A_313] : memref<80x128xi32, #tpu.memory_space<vmem>> -> memref<1x128xi32, #tpu.memory_space<vmem>>
      %dma_wait3A_315 = tpu.memref_squeeze %dma_wait3A_314 : memref<1x128xi32, #tpu.memory_space<vmem>> -> memref<128xi32, #tpu.memory_space<vmem>>
      %dma_wait3A_316 = arith.constant 0 : i32
      %dma_wait3A_317 = tpu.memref_slice %arg13[%dma_wait3A_316] : memref<10240xf32, #tpu.memory_space<vmem_shared>> -> memref<10240xf32, #tpu.memory_space<vmem_shared>>
      %dma_wait3A_318 = tpu.memref_slice %arg11[%dma_wait3A_312] : memref<16x!tpu.dma_semaphore, #tpu.memory_space<semaphore_mem>> -> memref<1x!tpu.dma_semaphore, #tpu.memory_space<semaphore_mem>>
      %dma_wait3A_319 = tpu.memref_squeeze %dma_wait3A_318 : memref<1x!tpu.dma_semaphore, #tpu.memory_space<semaphore_mem>> -> memref<!tpu.dma_semaphore, #tpu.memory_space<semaphore_mem>>
      tpu.wait_indirect_dma semaphore(%dma_wait3A_319 : memref<!tpu.dma_semaphore, #tpu.memory_space<semaphore_mem>>) src(%arg9 : memref<128xf32, #tpu.memory_space<vmem>>) dst(%dma_wait3A_317 : memref<10240xf32, #tpu.memory_space<vmem_shared>>)
      %dma_wait3A_320 = arith.constant 5 : i32
      %dma_wait3A_321 = arith.constant 0 : i32
      %dma_wait3A_322 = tpu.memref_slice %arg5[%add3A_184, %dma_wait3A_321] : memref<80x128xi32, #tpu.memory_space<vmem>> -> memref<1x128xi32, #tpu.memory_space<vmem>>
      %dma_wait3A_323 = tpu.memref_squeeze %dma_wait3A_322 : memref<1x128xi32, #tpu.memory_space<vmem>> -> memref<128xi32, #tpu.memory_space<vmem>>
      %dma_wait3A_324 = arith.constant 0 : i32
      %dma_wait3A_325 = tpu.memref_slice %arg12[%dma_wait3A_324] : memref<10240xf32, #tpu.memory_space<vmem_shared>> -> memref<10240xf32, #tpu.memory_space<vmem_shared>>
      %dma_wait3A_326 = tpu.memref_slice %arg11[%dma_wait3A_320] : memref<16x!tpu.dma_semaphore, #tpu.memory_space<semaphore_mem>> -> memref<1x!tpu.dma_semaphore, #tpu.memory_space<semaphore_mem>>
      %dma_wait3A_327 = tpu.memref_squeeze %dma_wait3A_326 : memref<1x!tpu.dma_semaphore, #tpu.memory_space<semaphore_mem>> -> memref<!tpu.dma_semaphore, #tpu.memory_space<semaphore_mem>>
      tpu.wait_indirect_dma semaphore(%dma_wait3A_327 : memref<!tpu.dma_semaphore, #tpu.memory_space<semaphore_mem>>) src(%arg9 : memref<128xf32, #tpu.memory_space<vmem>>) dst(%dma_wait3A_325 : memref<10240xf32, #tpu.memory_space<vmem_shared>>)
      %dma_wait3A_328 = arith.constant 13 : i32
      %dma_wait3A_329 = arith.constant 0 : i32
      %dma_wait3A_330 = tpu.memref_slice %arg6[%add3A_184, %dma_wait3A_329] : memref<80x128xi32, #tpu.memory_space<vmem>> -> memref<1x128xi32, #tpu.memory_space<vmem>>
      %dma_wait3A_331 = tpu.memref_squeeze %dma_wait3A_330 : memref<1x128xi32, #tpu.memory_space<vmem>> -> memref<128xi32, #tpu.memory_space<vmem>>
      %dma_wait3A_332 = arith.constant 0 : i32
      %dma_wait3A_333 = tpu.memref_slice %arg13[%dma_wait3A_332] : memref<10240xf32, #tpu.memory_space<vmem_shared>> -> memref<10240xf32, #tpu.memory_space<vmem_shared>>
      %dma_wait3A_334 = tpu.memref_slice %arg11[%dma_wait3A_328] : memref<16x!tpu.dma_semaphore, #tpu.memory_space<semaphore_mem>> -> memref<1x!tpu.dma_semaphore, #tpu.memory_space<semaphore_mem>>
      %dma_wait3A_335 = tpu.memref_squeeze %dma_wait3A_334 : memref<1x!tpu.dma_semaphore, #tpu.memory_space<semaphore_mem>> -> memref<!tpu.dma_semaphore, #tpu.memory_space<semaphore_mem>>
      tpu.wait_indirect_dma semaphore(%dma_wait3A_335 : memref<!tpu.dma_semaphore, #tpu.memory_space<semaphore_mem>>) src(%arg9 : memref<128xf32, #tpu.memory_space<vmem>>) dst(%dma_wait3A_333 : memref<10240xf32, #tpu.memory_space<vmem_shared>>)
      %dma_wait3A_336 = arith.constant 6 : i32
      %dma_wait3A_337 = arith.constant 0 : i32
      %dma_wait3A_338 = tpu.memref_slice %arg5[%add3A_204, %dma_wait3A_337] : memref<80x128xi32, #tpu.memory_space<vmem>> -> memref<1x128xi32, #tpu.memory_space<vmem>>
      %dma_wait3A_339 = tpu.memref_squeeze %dma_wait3A_338 : memref<1x128xi32, #tpu.memory_space<vmem>> -> memref<128xi32, #tpu.memory_space<vmem>>
      %dma_wait3A_340 = arith.constant 0 : i32
      %dma_wait3A_341 = tpu.memref_slice %arg12[%dma_wait3A_340] : memref<10240xf32, #tpu.memory_space<vmem_shared>> -> memref<10240xf32, #tpu.memory_space<vmem_shared>>
      %dma_wait3A_342 = tpu.memref_slice %arg11[%dma_wait3A_336] : memref<16x!tpu.dma_semaphore, #tpu.memory_space<semaphore_mem>> -> memref<1x!tpu.dma_semaphore, #tpu.memory_space<semaphore_mem>>
      %dma_wait3A_343 = tpu.memref_squeeze %dma_wait3A_342 : memref<1x!tpu.dma_semaphore, #tpu.memory_space<semaphore_mem>> -> memref<!tpu.dma_semaphore, #tpu.memory_space<semaphore_mem>>
      tpu.wait_indirect_dma semaphore(%dma_wait3A_343 : memref<!tpu.dma_semaphore, #tpu.memory_space<semaphore_mem>>) src(%arg9 : memref<128xf32, #tpu.memory_space<vmem>>) dst(%dma_wait3A_341 : memref<10240xf32, #tpu.memory_space<vmem_shared>>)
      %dma_wait3A_344 = arith.constant 14 : i32
      %dma_wait3A_345 = arith.constant 0 : i32
      %dma_wait3A_346 = tpu.memref_slice %arg6[%add3A_204, %dma_wait3A_345] : memref<80x128xi32, #tpu.memory_space<vmem>> -> memref<1x128xi32, #tpu.memory_space<vmem>>
      %dma_wait3A_347 = tpu.memref_squeeze %dma_wait3A_346 : memref<1x128xi32, #tpu.memory_space<vmem>> -> memref<128xi32, #tpu.memory_space<vmem>>
      %dma_wait3A_348 = arith.constant 0 : i32
      %dma_wait3A_349 = tpu.memref_slice %arg13[%dma_wait3A_348] : memref<10240xf32, #tpu.memory_space<vmem_shared>> -> memref<10240xf32, #tpu.memory_space<vmem_shared>>
      %dma_wait3A_350 = tpu.memref_slice %arg11[%dma_wait3A_344] : memref<16x!tpu.dma_semaphore, #tpu.memory_space<semaphore_mem>> -> memref<1x!tpu.dma_semaphore, #tpu.memory_space<semaphore_mem>>
      %dma_wait3A_351 = tpu.memref_squeeze %dma_wait3A_350 : memref<1x!tpu.dma_semaphore, #tpu.memory_space<semaphore_mem>> -> memref<!tpu.dma_semaphore, #tpu.memory_space<semaphore_mem>>
      tpu.wait_indirect_dma semaphore(%dma_wait3A_351 : memref<!tpu.dma_semaphore, #tpu.memory_space<semaphore_mem>>) src(%arg9 : memref<128xf32, #tpu.memory_space<vmem>>) dst(%dma_wait3A_349 : memref<10240xf32, #tpu.memory_space<vmem_shared>>)
      %dma_wait3A_352 = arith.constant 7 : i32
      %dma_wait3A_353 = arith.constant 0 : i32
      %dma_wait3A_354 = tpu.memref_slice %arg5[%add3A_224, %dma_wait3A_353] : memref<80x128xi32, #tpu.memory_space<vmem>> -> memref<1x128xi32, #tpu.memory_space<vmem>>
      %dma_wait3A_355 = tpu.memref_squeeze %dma_wait3A_354 : memref<1x128xi32, #tpu.memory_space<vmem>> -> memref<128xi32, #tpu.memory_space<vmem>>
      %dma_wait3A_356 = arith.constant 0 : i32
      %dma_wait3A_357 = tpu.memref_slice %arg12[%dma_wait3A_356] : memref<10240xf32, #tpu.memory_space<vmem_shared>> -> memref<10240xf32, #tpu.memory_space<vmem_shared>>
      %dma_wait3A_358 = tpu.memref_slice %arg11[%dma_wait3A_352] : memref<16x!tpu.dma_semaphore, #tpu.memory_space<semaphore_mem>> -> memref<1x!tpu.dma_semaphore, #tpu.memory_space<semaphore_mem>>
      %dma_wait3A_359 = tpu.memref_squeeze %dma_wait3A_358 : memref<1x!tpu.dma_semaphore, #tpu.memory_space<semaphore_mem>> -> memref<!tpu.dma_semaphore, #tpu.memory_space<semaphore_mem>>
      tpu.wait_indirect_dma semaphore(%dma_wait3A_359 : memref<!tpu.dma_semaphore, #tpu.memory_space<semaphore_mem>>) src(%arg9 : memref<128xf32, #tpu.memory_space<vmem>>) dst(%dma_wait3A_357 : memref<10240xf32, #tpu.memory_space<vmem_shared>>)
      %dma_wait3A_360 = arith.constant 15 : i32
      %dma_wait3A_361 = arith.constant 0 : i32
      %dma_wait3A_362 = tpu.memref_slice %arg6[%add3A_224, %dma_wait3A_361] : memref<80x128xi32, #tpu.memory_space<vmem>> -> memref<1x128xi32, #tpu.memory_space<vmem>>
      %dma_wait3A_363 = tpu.memref_squeeze %dma_wait3A_362 : memref<1x128xi32, #tpu.memory_space<vmem>> -> memref<128xi32, #tpu.memory_space<vmem>>
      %dma_wait3A_364 = arith.constant 0 : i32
      %dma_wait3A_365 = tpu.memref_slice %arg13[%dma_wait3A_364] : memref<10240xf32, #tpu.memory_space<vmem_shared>> -> memref<10240xf32, #tpu.memory_space<vmem_shared>>
      %dma_wait3A_366 = tpu.memref_slice %arg11[%dma_wait3A_360] : memref<16x!tpu.dma_semaphore, #tpu.memory_space<semaphore_mem>> -> memref<1x!tpu.dma_semaphore, #tpu.memory_space<semaphore_mem>>
      %dma_wait3A_367 = tpu.memref_squeeze %dma_wait3A_366 : memref<1x!tpu.dma_semaphore, #tpu.memory_space<semaphore_mem>> -> memref<!tpu.dma_semaphore, #tpu.memory_space<semaphore_mem>>
      tpu.wait_indirect_dma semaphore(%dma_wait3A_367 : memref<!tpu.dma_semaphore, #tpu.memory_space<semaphore_mem>>) src(%arg9 : memref<128xf32, #tpu.memory_space<vmem>>) dst(%dma_wait3A_365 : memref<10240xf32, #tpu.memory_space<vmem_shared>>)
      %while3A_368 = arith.constant 0 : i32
      scf.yield %while3A_368 : i32
    }
    %lt3A_73 = arith.constant 4 : i32
    %lt3A_74 = arith.cmpi slt, %add3A, %lt3A_73 : i32
    %convert_element_type3A_75 = arith.extui %lt3A_74 : i1 to i32
    %cond3A_76 = arith.constant 0 : i32
    %cond3A_77 = arith.cmpi ne, %convert_element_type3A_75, %cond3A_76 : i32
    scf.if %cond3A_77 {
      "tpu.region"() ({
        %run_scoped3A_80 = tpu.sem_alloc : memref<!tpu.dma_semaphore, #tpu.memory_space<semaphore_mem>>
        %dma_start3A = arith.constant 0 : i32
        %dma_start3A_81 = tpu.memref_slice %arg7[%add3A, %dma_start3A] : memref<4x128xi32, #tpu.memory_space<vmem>> -> memref<1x128xi32, #tpu.memory_space<vmem>>
        %dma_start3A_82 = tpu.memref_squeeze %dma_start3A_81 : memref<1x128xi32, #tpu.memory_space<vmem>> -> memref<128xi32, #tpu.memory_space<vmem>>
        %dma_start3A_83 = arith.constant 0 : i32
        %dma_start3A_84 = tpu.memref_slice %arg12[%dma_start3A_83] : memref<10240xf32, #tpu.memory_space<vmem_shared>> -> memref<10240xf32, #tpu.memory_space<vmem_shared>>
        tpu.enqueue_indirect_dma source(%arg9 : memref<128xf32, #tpu.memory_space<vmem>>) target(%dma_start3A_84 : memref<10240xf32, #tpu.memory_space<vmem_shared>>) offsets(%dma_start3A_82 : memref<128xi32, #tpu.memory_space<vmem>>) semaphore(%run_scoped3A_80 : memref<!tpu.dma_semaphore, #tpu.memory_space<semaphore_mem>>) {add = true}
        %dma_wait3A = arith.constant 0 : i32
        %dma_wait3A_85 = tpu.memref_slice %arg7[%add3A, %dma_wait3A] : memref<4x128xi32, #tpu.memory_space<vmem>> -> memref<1x128xi32, #tpu.memory_space<vmem>>
        %dma_wait3A_86 = tpu.memref_squeeze %dma_wait3A_85 : memref<1x128xi32, #tpu.memory_space<vmem>> -> memref<128xi32, #tpu.memory_space<vmem>>
        %dma_wait3A_87 = arith.constant 0 : i32
        %dma_wait3A_88 = tpu.memref_slice %arg12[%dma_wait3A_87] : memref<10240xf32, #tpu.memory_space<vmem_shared>> -> memref<10240xf32, #tpu.memory_space<vmem_shared>>
        tpu.wait_indirect_dma semaphore(%run_scoped3A_80 : memref<!tpu.dma_semaphore, #tpu.memory_space<semaphore_mem>>) src(%arg9 : memref<128xf32, #tpu.memory_space<vmem>>) dst(%dma_wait3A_88 : memref<10240xf32, #tpu.memory_space<vmem_shared>>)
        tpu.yield
      }) : () -> ()
      "tpu.region"() ({
        %run_scoped3A_80 = tpu.sem_alloc : memref<!tpu.dma_semaphore, #tpu.memory_space<semaphore_mem>>
        %dma_start3A = arith.constant 0 : i32
        %dma_start3A_81 = tpu.memref_slice %arg8[%add3A, %dma_start3A] : memref<4x128xi32, #tpu.memory_space<vmem>> -> memref<1x128xi32, #tpu.memory_space<vmem>>
        %dma_start3A_82 = tpu.memref_squeeze %dma_start3A_81 : memref<1x128xi32, #tpu.memory_space<vmem>> -> memref<128xi32, #tpu.memory_space<vmem>>
        %dma_start3A_83 = arith.constant 0 : i32
        %dma_start3A_84 = tpu.memref_slice %arg13[%dma_start3A_83] : memref<10240xf32, #tpu.memory_space<vmem_shared>> -> memref<10240xf32, #tpu.memory_space<vmem_shared>>
        tpu.enqueue_indirect_dma source(%arg9 : memref<128xf32, #tpu.memory_space<vmem>>) target(%dma_start3A_84 : memref<10240xf32, #tpu.memory_space<vmem_shared>>) offsets(%dma_start3A_82 : memref<128xi32, #tpu.memory_space<vmem>>) semaphore(%run_scoped3A_80 : memref<!tpu.dma_semaphore, #tpu.memory_space<semaphore_mem>>) {add = true}
        %dma_wait3A = arith.constant 0 : i32
        %dma_wait3A_85 = tpu.memref_slice %arg8[%add3A, %dma_wait3A] : memref<4x128xi32, #tpu.memory_space<vmem>> -> memref<1x128xi32, #tpu.memory_space<vmem>>
        %dma_wait3A_86 = tpu.memref_squeeze %dma_wait3A_85 : memref<1x128xi32, #tpu.memory_space<vmem>> -> memref<128xi32, #tpu.memory_space<vmem>>
        %dma_wait3A_87 = arith.constant 0 : i32
        %dma_wait3A_88 = tpu.memref_slice %arg13[%dma_wait3A_87] : memref<10240xf32, #tpu.memory_space<vmem_shared>> -> memref<10240xf32, #tpu.memory_space<vmem_shared>>
        tpu.wait_indirect_dma semaphore(%run_scoped3A_80 : memref<!tpu.dma_semaphore, #tpu.memory_space<semaphore_mem>>) src(%arg9 : memref<128xf32, #tpu.memory_space<vmem>>) dst(%dma_wait3A_88 : memref<10240xf32, #tpu.memory_space<vmem_shared>>)
        tpu.yield
      }) : () -> ()
    } else {
    }
    %barrier3A_78 = arith.constant 0 : index
    tpu.barrier barrier_id(%barrier3A_78)
    %run_scoped3A = arith.constant 0 : i32
    "tpu.region"() ({
      %run_scoped3A_80 = tpu.sem_alloc : memref<!tpu.dma_semaphore, #tpu.memory_space<semaphore_mem>>
      %dma_start3A = tpu.memref_slice %arg4[%arg0, %run_scoped3A, %multiple_of3A_61] : memref<2x2x10240xf32, #tpu.memory_space<hbm>> -> memref<1x1x640xf32, #tpu.memory_space<hbm>>
      %dma_start3A_81 = tpu.memref_squeeze %dma_start3A : memref<1x1x640xf32, #tpu.memory_space<hbm>> -> memref<640xf32, #tpu.memory_space<hbm>>
      %dma_start3A_82 = tpu.memref_slice %arg12[%multiple_of3A_61] : memref<10240xf32, #tpu.memory_space<vmem_shared>> -> memref<640xf32, #tpu.memory_space<vmem_shared>>
      tpu.enqueue_dma source(%dma_start3A_82 : memref<640xf32, #tpu.memory_space<vmem_shared>>) target(%dma_start3A_81 : memref<640xf32, #tpu.memory_space<hbm>>) target_semaphore(%run_scoped3A_80 : memref<!tpu.dma_semaphore, #tpu.memory_space<semaphore_mem>>)
      %dma_wait3A = tpu.memref_slice %arg4[%arg0, %run_scoped3A, %multiple_of3A_61] : memref<2x2x10240xf32, #tpu.memory_space<hbm>> -> memref<1x1x640xf32, #tpu.memory_space<hbm>>
      %dma_wait3A_83 = tpu.memref_squeeze %dma_wait3A : memref<1x1x640xf32, #tpu.memory_space<hbm>> -> memref<640xf32, #tpu.memory_space<hbm>>
      %dma_wait3A_84 = tpu.memref_slice %arg12[%multiple_of3A_61] : memref<10240xf32, #tpu.memory_space<vmem_shared>> -> memref<640xf32, #tpu.memory_space<vmem_shared>>
      tpu.wait_dma2 semaphore(%run_scoped3A_80 : memref<!tpu.dma_semaphore, #tpu.memory_space<semaphore_mem>>) src(%dma_wait3A_84 : memref<640xf32, #tpu.memory_space<vmem_shared>>) dst(%dma_wait3A_83 : memref<640xf32, #tpu.memory_space<hbm>>)
      tpu.yield
    }) : () -> ()
    %run_scoped3A_79 = arith.constant 1 : i32
    "tpu.region"() ({
      %run_scoped3A_80 = tpu.sem_alloc : memref<!tpu.dma_semaphore, #tpu.memory_space<semaphore_mem>>
      %dma_start3A = tpu.memref_slice %arg4[%arg0, %run_scoped3A_79, %multiple_of3A_61] : memref<2x2x10240xf32, #tpu.memory_space<hbm>> -> memref<1x1x640xf32, #tpu.memory_space<hbm>>
      %dma_start3A_81 = tpu.memref_squeeze %dma_start3A : memref<1x1x640xf32, #tpu.memory_space<hbm>> -> memref<640xf32, #tpu.memory_space<hbm>>
      %dma_start3A_82 = tpu.memref_slice %arg13[%multiple_of3A_61] : memref<10240xf32, #tpu.memory_space<vmem_shared>> -> memref<640xf32, #tpu.memory_space<vmem_shared>>
      tpu.enqueue_dma source(%dma_start3A_82 : memref<640xf32, #tpu.memory_space<vmem_shared>>) target(%dma_start3A_81 : memref<640xf32, #tpu.memory_space<hbm>>) target_semaphore(%run_scoped3A_80 : memref<!tpu.dma_semaphore, #tpu.memory_space<semaphore_mem>>)
      %dma_wait3A = tpu.memref_slice %arg4[%arg0, %run_scoped3A_79, %multiple_of3A_61] : memref<2x2x10240xf32, #tpu.memory_space<hbm>> -> memref<1x1x640xf32, #tpu.memory_space<hbm>>
      %dma_wait3A_83 = tpu.memref_squeeze %dma_wait3A : memref<1x1x640xf32, #tpu.memory_space<hbm>> -> memref<640xf32, #tpu.memory_space<hbm>>
      %dma_wait3A_84 = tpu.memref_slice %arg13[%multiple_of3A_61] : memref<10240xf32, #tpu.memory_space<vmem_shared>> -> memref<640xf32, #tpu.memory_space<vmem_shared>>
      tpu.wait_dma2 semaphore(%run_scoped3A_80 : memref<!tpu.dma_semaphore, #tpu.memory_space<semaphore_mem>>) src(%dma_wait3A_84 : memref<640xf32, #tpu.memory_space<vmem_shared>>) dst(%dma_wait3A_83 : memref<640xf32, #tpu.memory_space<hbm>>)
      tpu.yield
    }) : () -> ()
    return
  }
}

module attributes {stable_mosaic.version = 14 : i64} {
  func.func @_bn_body(%arg0: memref<10000x128xf32, #tpu.memory_space<vmem>>, %arg1: memref<128xf32, #tpu.memory_space<vmem>>, %arg2: memref<128xf32, #tpu.memory_space<vmem>>, %arg3: memref<10000x128xf32, #tpu.memory_space<vmem>>) attributes {dimension_semantics = [], scalar_prefetch = 0 : i64, scratch_operands = 0 : i64, tpu.core_type = #tpu.core_type<tc>} {
    %get3A = arith.constant 0 : index
    %get3A_0 = arith.constant 0 : index
    %get3A_1 = vector.load %arg0[%get3A, %get3A_0] : memref<10000x128xf32, #tpu.memory_space<vmem>>, vector<10000x128xf32>
    %reduce_sum3A = arith.constant dense<0.000000e+00> : vector<128xf32>
    %reduce_sum3A_2 = vector.multi_reduction <add>, %get3A_1, %reduce_sum3A [0] : vector<10000x128xf32> to vector<128xf32>
    %div3A = arith.constant 1.000000e+04 : f32
    %div3A_3 = vector.broadcast %div3A : f32 to vector<128xf32>
    %div3A_4 = arith.divf %reduce_sum3A_2, %div3A_3 : vector<128xf32>
    %broadcast_in_dim3A = vector.shape_cast %div3A_4 : vector<128xf32> to vector<1x128xf32>
    %sub3A = vector.broadcast %broadcast_in_dim3A : vector<1x128xf32> to vector<10000x128xf32>
    %sub3A_5 = arith.subf %get3A_1, %sub3A : vector<10000x128xf32>
    %integer_pow3A = arith.mulf %sub3A_5, %sub3A_5 : vector<10000x128xf32>
    %reduce_sum3A_6 = arith.constant dense<0.000000e+00> : vector<128xf32>
    %reduce_sum3A_7 = vector.multi_reduction <add>, %integer_pow3A, %reduce_sum3A_6 [0] : vector<10000x128xf32> to vector<128xf32>
    %div3A_8 = arith.constant 1.000000e+04 : f32
    %div3A_9 = vector.broadcast %div3A_8 : f32 to vector<128xf32>
    %div3A_10 = arith.divf %reduce_sum3A_7, %div3A_9 : vector<128xf32>
    %broadcast_in_dim3A_11 = vector.shape_cast %div3A_4 : vector<128xf32> to vector<1x128xf32>
    %sub3A_12 = vector.broadcast %broadcast_in_dim3A_11 : vector<1x128xf32> to vector<10000x128xf32>
    %sub3A_13 = arith.subf %get3A_1, %sub3A_12 : vector<10000x128xf32>
    %add3A = arith.constant 9.99999974E-6 : f32
    %add3A_14 = vector.broadcast %add3A : f32 to vector<128xf32>
    %add3A_15 = arith.addf %div3A_10, %add3A_14 : vector<128xf32>
    %rsqrt3A = math.rsqrt %add3A_15 : vector<128xf32>
    %broadcast_in_dim3A_16 = vector.shape_cast %rsqrt3A : vector<128xf32> to vector<1x128xf32>
    %mul3A = vector.broadcast %broadcast_in_dim3A_16 : vector<1x128xf32> to vector<10000x128xf32>
    %mul3A_17 = arith.mulf %sub3A_13, %mul3A : vector<10000x128xf32>
    %get3A_18 = arith.constant 0 : index
    %get3A_19 = vector.load %arg1[%get3A_18] : memref<128xf32, #tpu.memory_space<vmem>>, vector<128xf32>
    %broadcast_in_dim3A_20 = vector.shape_cast %get3A_19 : vector<128xf32> to vector<1x128xf32>
    %mul3A_21 = vector.broadcast %broadcast_in_dim3A_20 : vector<1x128xf32> to vector<10000x128xf32>
    %mul3A_22 = arith.mulf %mul3A_17, %mul3A_21 : vector<10000x128xf32>
    %get3A_23 = arith.constant 0 : index
    %get3A_24 = vector.load %arg2[%get3A_23] : memref<128xf32, #tpu.memory_space<vmem>>, vector<128xf32>
    %broadcast_in_dim3A_25 = vector.shape_cast %get3A_24 : vector<128xf32> to vector<1x128xf32>
    %add3A_26 = vector.broadcast %broadcast_in_dim3A_25 : vector<1x128xf32> to vector<10000x128xf32>
    %add3A_27 = arith.addf %mul3A_22, %add3A_26 : vector<10000x128xf32>
    %max3A = arith.constant 0.000000e+00 : f32
    %max3A_28 = vector.broadcast %max3A : f32 to vector<10000x128xf32>
    %max3A_29 = arith.maximumf %add3A_27, %max3A_28 : vector<10000x128xf32>
    %swap3A = arith.constant 0 : index
    %swap3A_30 = arith.constant 0 : index
    %swap3A_31 = vector.load %arg3[%swap3A, %swap3A_30] : memref<10000x128xf32, #tpu.memory_space<vmem>>, vector<10000x128xf32>
    tpu.vector_store %arg3[%swap3A, %swap3A_30], %max3A_29 {strides = array<i32>} : memref<10000x128xf32, #tpu.memory_space<vmem>>, vector<10000x128xf32>,
    return
  }
}

module attributes {stable_mosaic.version = 14 : i64} {
  func.func @_dense_body(%arg0: memref<10000x128xf32, #tpu.memory_space<vmem>>, %arg1: memref<128x128xf32, #tpu.memory_space<vmem>>, %arg2: memref<2x2x10240xf32, #tpu.memory_space<vmem>>, %arg3: memref<10240x128xf32, #tpu.memory_space<vmem>>) attributes {dimension_semantics = [], scalar_prefetch = 0 : i64, scratch_operands = 0 : i64, tpu.core_type = #tpu.core_type<tc>} {
    %get3A = arith.constant 0 : index
    %get3A_0 = arith.constant 0 : index
    %get3A_1 = arith.constant 0 : index
    %get3A_2 = vector.load %arg2[%get3A, %get3A_0, %get3A_1] : memref<2x2x10240xf32, #tpu.memory_space<vmem>>, vector<1x1x10240xf32>
    %get3A_3 = vector.shape_cast %get3A_2 : vector<1x1x10240xf32> to vector<10240xf32>
    %get3A_4 = arith.constant 1 : index
    %get3A_5 = arith.constant 0 : index
    %get3A_6 = arith.constant 0 : index
    %get3A_7 = vector.load %arg2[%get3A_4, %get3A_5, %get3A_6] : memref<2x2x10240xf32, #tpu.memory_space<vmem>>, vector<1x1x10240xf32>
    %get3A_8 = vector.shape_cast %get3A_7 : vector<1x1x10240xf32> to vector<10240xf32>
    %add3A = arith.addf %get3A_3, %get3A_8 : vector<10240xf32>
    %gt3A = arith.constant 0.000000e+00 : f32
    %gt3A_9 = vector.broadcast %gt3A : f32 to vector<10240xf32>
    %gt3A_10 = arith.cmpf ogt, %add3A, %gt3A_9 : vector<10240xf32>
    %max3A = arith.constant 1.000000e+00 : f32
    %max3A_11 = vector.broadcast %max3A : f32 to vector<10240xf32>
    %max3A_12 = arith.maximumf %add3A, %max3A_11 : vector<10240xf32>
    %rsqrt3A = math.rsqrt %max3A_12 : vector<10240xf32>
    %jit3A = arith.constant 0.000000e+00 : f32
    %broadcast_in_dim3A = vector.broadcast %jit3A : f32 to vector<10240xf32>
    %select_n3A = arith.select %gt3A_10, %rsqrt3A, %broadcast_in_dim3A : vector<10240xi1>, vector<10240xf32>
    %get3A_13 = arith.constant 0 : index
    %get3A_14 = arith.constant 0 : index
    %get3A_15 = vector.load %arg0[%get3A_13, %get3A_14] : memref<10000x128xf32, #tpu.memory_space<vmem>>, vector<10000x128xf32>
    %slice3A = vector.extract_strided_slice %select_n3A {offsets = [0], sizes = [10000], strides = [1]} : vector<10240xf32> to vector<10000xf32>
    %broadcast_in_dim3A_16 = vector.shape_cast %slice3A : vector<10000xf32> to vector<10000x1xf32>
    %mul3A = vector.broadcast %broadcast_in_dim3A_16 : vector<10000x1xf32> to vector<10000x128xf32>
    %mul3A_17 = arith.mulf %get3A_15, %mul3A : vector<10000x128xf32>
    %get3A_18 = arith.constant 0 : index
    %get3A_19 = arith.constant 0 : index
    %get3A_20 = vector.load %arg1[%get3A_18, %get3A_19] : memref<128x128xf32, #tpu.memory_space<vmem>>, vector<128x128xf32>
    %dot_general3A = arith.constant dense<0.000000e+00> : vector<10000x128xf32>
    %dot_general3A_21 = tpu.matmul %mul3A_17, %get3A_20, %dot_general3A {dimension_numbers = #tpu.dot_dimension_numbers<[1], [0], [0], [1], [0, 0, 1, 1], [], []>, transpose_lhs_hint = false} : vector<10000x128xf32>, vector<128x128xf32>, vector<10000x128xf32> -> vector<10000x128xf32>
    %broadcast_in_dim3A_22 = arith.constant 0.000000e+00 : f32
    %broadcast_in_dim3A_23 = vector.broadcast %broadcast_in_dim3A_22 : f32 to vector<240x128xf32>
    %concatenate3A = tpu.concatenate %dot_general3A_21, %broadcast_in_dim3A_23 in 0 : vector<10000x128xf32>, vector<240x128xf32> -> vector<10240x128xf32>
    %swap3A = arith.constant 0 : index
    %swap3A_24 = arith.constant 0 : index
    %swap3A_25 = vector.load %arg3[%swap3A, %swap3A_24] : memref<10240x128xf32, #tpu.memory_space<vmem>>, vector<10240x128xf32>
    tpu.vector_store %arg3[%swap3A, %swap3A_24], %concatenate3A {strides = array<i32>} : memref<10240x128xf32, #tpu.memory_space<vmem>>, vector<10240x128xf32>,
    return
  }
}

module attributes {stable_mosaic.version = 14 : i64} {
  func.func @_final_body(%arg0: memref<10000x128xf32, #tpu.memory_space<vmem>>, %arg1: memref<2x10240x128xf32, #tpu.memory_space<vmem>>, %arg2: memref<2x2x10240xf32, #tpu.memory_space<vmem>>, %arg3: memref<128xf32, #tpu.memory_space<vmem>>, %arg4: memref<10000x128xf32, #tpu.memory_space<vmem>>) attributes {dimension_semantics = [], scalar_prefetch = 0 : i64, scratch_operands = 0 : i64, tpu.core_type = #tpu.core_type<tc>} {
    %get3A = arith.constant 0 : index
    %get3A_0 = arith.constant 1 : index
    %get3A_1 = arith.constant 0 : index
    %get3A_2 = vector.load %arg2[%get3A, %get3A_0, %get3A_1] : memref<2x2x10240xf32, #tpu.memory_space<vmem>>, vector<1x1x10240xf32>
    %get3A_3 = vector.shape_cast %get3A_2 : vector<1x1x10240xf32> to vector<10240xf32>
    %get3A_4 = arith.constant 1 : index
    %get3A_5 = arith.constant 1 : index
    %get3A_6 = arith.constant 0 : index
    %get3A_7 = vector.load %arg2[%get3A_4, %get3A_5, %get3A_6] : memref<2x2x10240xf32, #tpu.memory_space<vmem>>, vector<1x1x10240xf32>
    %get3A_8 = vector.shape_cast %get3A_7 : vector<1x1x10240xf32> to vector<10240xf32>
    %add3A = arith.addf %get3A_3, %get3A_8 : vector<10240xf32>
    %gt3A = arith.constant 0.000000e+00 : f32
    %gt3A_9 = vector.broadcast %gt3A : f32 to vector<10240xf32>
    %gt3A_10 = arith.cmpf ogt, %add3A, %gt3A_9 : vector<10240xf32>
    %max3A = arith.constant 1.000000e+00 : f32
    %max3A_11 = vector.broadcast %max3A : f32 to vector<10240xf32>
    %max3A_12 = arith.maximumf %add3A, %max3A_11 : vector<10240xf32>
    %rsqrt3A = math.rsqrt %max3A_12 : vector<10240xf32>
    %jit3A = arith.constant 0.000000e+00 : f32
    %broadcast_in_dim3A = vector.broadcast %jit3A : f32 to vector<10240xf32>
    %select_n3A = arith.select %gt3A_10, %rsqrt3A, %broadcast_in_dim3A : vector<10240xi1>, vector<10240xf32>
    %get3A_13 = arith.constant 0 : index
    %get3A_14 = arith.constant 0 : index
    %get3A_15 = arith.constant 0 : index
    %get3A_16 = vector.load %arg1[%get3A_13, %get3A_14, %get3A_15] : memref<2x10240x128xf32, #tpu.memory_space<vmem>>, vector<1x10000x128xf32>
    %get3A_17 = vector.shape_cast %get3A_16 : vector<1x10000x128xf32> to vector<10000x128xf32>
    %get3A_18 = arith.constant 1 : index
    %get3A_19 = arith.constant 0 : index
    %get3A_20 = arith.constant 0 : index
    %get3A_21 = vector.load %arg1[%get3A_18, %get3A_19, %get3A_20] : memref<2x10240x128xf32, #tpu.memory_space<vmem>>, vector<1x10000x128xf32>
    %get3A_22 = vector.shape_cast %get3A_21 : vector<1x10000x128xf32> to vector<10000x128xf32>
    %add3A_23 = arith.addf %get3A_17, %get3A_22 : vector<10000x128xf32>
    %get3A_24 = arith.constant 0 : index
    %get3A_25 = arith.constant 0 : index
    %get3A_26 = vector.load %arg0[%get3A_24, %get3A_25] : memref<10000x128xf32, #tpu.memory_space<vmem>>, vector<10000x128xf32>
    %slice3A = vector.extract_strided_slice %select_n3A {offsets = [0], sizes = [10000], strides = [1]} : vector<10240xf32> to vector<10000xf32>
    %broadcast_in_dim3A_27 = vector.shape_cast %slice3A : vector<10000xf32> to vector<10000x1xf32>
    %mul3A = vector.broadcast %broadcast_in_dim3A_27 : vector<10000x1xf32> to vector<10000x128xf32>
    %mul3A_28 = arith.mulf %add3A_23, %mul3A : vector<10000x128xf32>
    %add3A_29 = arith.addf %get3A_26, %mul3A_28 : vector<10000x128xf32>
    %get3A_30 = arith.constant 0 : index
    %get3A_31 = vector.load %arg3[%get3A_30] : memref<128xf32, #tpu.memory_space<vmem>>, vector<128xf32>
    %broadcast_in_dim3A_32 = vector.shape_cast %get3A_31 : vector<128xf32> to vector<1x128xf32>
    %add3A_33 = vector.broadcast %broadcast_in_dim3A_32 : vector<1x128xf32> to vector<10000x128xf32>
    %add3A_34 = arith.addf %add3A_29, %add3A_33 : vector<10000x128xf32>
    %swap3A = arith.constant 0 : index
    %swap3A_35 = arith.constant 0 : index
    %swap3A_36 = vector.load %arg4[%swap3A, %swap3A_35] : memref<10000x128xf32, #tpu.memory_space<vmem>>, vector<10000x128xf32>
    tpu.vector_store %arg4[%swap3A, %swap3A_35], %add3A_34 {strides = array<i32>} : memref<10000x128xf32, #tpu.memory_space<vmem>>, vector<10000x128xf32>,
    return
  }
}

</mosaic_0001>

<sc_bundles>
// kernel: kernel.10.cloned.1.call-start
scs
__scs_entry_jumppad:
0x0: {  	(pc) =	sbr.rel $0x88, $3  }
0x1: {  	(tag) =	ssettag $0x0;
	lr =	simm.s32 $0x1  }
0x2: {  	[smem:$0x3F9B] =	sst lr;
	_ =	strace $0xD0000000  }
0x3: {  	_ = 	snop  }
0x4: {  	_ = 	snop  }
0x5: {  	_ = 	snop  }
0x6: {  	_ = 	snop  }
0x7: {  	_ = 	snop  }
__scs_overlays_trampoline_lowered:
0x8: {  	[smem:$0x3FAA] =	sst s0  }
0x9: {  	[smem:$0x3FAB] =	sst s1  }
0xa: {  	[smem:$0x3FAC] =	sst s2  }
0xb: {  	[smem:$0x3FAD] =	sst s3  }
0xc: {  	[smem:$0x3FAE] =	sst s4  }
0xd: {  	[smem:$0x3FAF] =	sst s5  }
0xe: {  	[smem:$0x3FB0] =	sst s6  }
0xf: {  	[smem:$0x3FB1] =	sst s7  }
0x10: {  	[smem:$0x3FB2] =	sst s8  }
0x11: {  	[smem:$0x3FB3] =	sst s9;
	s0 =	simm.s32 @!p0 $0x0  }
0x12: {  	s1 =	sld [smem:$0x3F99];
	s0 =	simm.s32 @p0 $0x1  }
0x13: {  	[smem:$0x3FB4] =	sst s0;
	s0 =	simm.s32 @!p1 $0x0  }
0x14: {  	s2 =	sld [smem:$0x3F98];
	s0 =	simm.s32 @p1 $0x1  }
0x15: {  	[smem:$0x3FB5] =	sst s0;
	s0 =	simm.s32 @!p2 $0x0  }
0x16: {  	s3 =	sld [smem:$0x3FDB];
	s0 =	simm.s32 @p2 $0x1  }
0x17: {  	s4 =	simm.s32 $0x1BF5;
	[smem:$0x3FB7] =	sst s0  }
0x18: {  	s0 =	sld [smem:$0x3F9A];
	_ =	swait.ge [sflag:s4], $0x0  }
0x19: {  	s7 =	sld [smem:$0x3F9B]  }
0x1a: {  	s8 =	sadd.s32 $0xFFFFE003, lr  }
0x1b: {  	s9 =	sadd.s32 $0xFFFFFEF7, lr;
	s5 =	simm.s32 $0xFFFFFFFF;
	p2 =	slt.u32 s8, $0xFFFFF086  }
0x1c: {  	p1 =	slt.u32 s9, $0xF7A;
	s5 =	simm.s32 @!p2 $0x0  }
0x1d: {  	s5 =	simm.s32 @p1 $0x1;
	p0 =	seq.s32 s7, s2  }
0x1e: {  	s7 =	smul.u32 @!p0 $0xF7A, s2;
	p2 =	seq.s32 @!p0 s5, $0x0  }
0x1f: {  	s9 =	smul.u32 $0xF7A, s1;
	s8 =	simm.s32 @!p0 $0x1BF5;
	p2 =	por !p2, p0  }
0x20: {  	[sflag:s8] =	ssyncset.s32 @!p0 $0xFFFFF086;
	s6 =	sadd.s32 @!p0 s3, s7;
	s7 =	simm.s32 @!p0 $0x108  }
0x21: {  	s3 =	sadd.s32 s3, s9;
	s6 =	sadd.s32 @!p0 $0x88, s6;
	s7 =	simm.s32 @p2 $0x1082  }
0x22: {  	[simem:s7], [sflag:s8] =	dma.local @!p0 [hbm:s6], $0xF7A  }
0x23: {  	s9 =	sor.u32 $0xD0000000, s2;
	s6 =	simm.s32 $0x108;
	_ =	swait.ge @!p0 [sflag:s8], $0x0  }
0x24: {  	s3 =	sadd.s32 $0x88, s3;
	s6 =	simm.s32 @!p1 $0x1082;
	[sflag:s4] =	ssyncset.s32 $0xFFFFF086  }
0x25: {  	[simem:s6], [sflag:s4] =	dma.local [hbm:s3], $0xF7A  }
0x26: {  	[smem:$0x3F9B] =	sst s1;
	(tag) =	ssettag s2;
	_ =	strace s9  }
0x27: {  	s1 =	sld [smem:$0x3FAB]  }
0x28: {  	s2 =	sld [smem:$0x3FAC]  }
0x29: {  	s4 =	sld [smem:$0x3FAE]  }
0x2a: {  	p0 =	seq.s32 s5, $0x0;
	s5 =	sld [smem:$0x3FAF]  }
0x2b: {  	s6 =	sld [smem:$0x3FB0]  }
0x2c: {  	s7 =	sld [smem:$0x3FB1]  }
0x2d: {  	s3 =	simm.s32 $0x108;
	s8 =	sld [smem:$0x3FB2]  }
0x2e: {  	s3 =	simm.s32 @!p0 $0x1082;
	s9 =	sld [smem:$0x3FB3]  }
0x2f: {  	lr =	sadd.s32 s0, s3;
	s0 =	sld [smem:$0x3FAA]  }
0x30: {  	s3 =	sld [smem:$0x3FAD]  }
0x31: {  	[smem:$0x3FB6] =	sst s10  }
0x32: {  	s10 =	sld [smem:$0x3FB4];
	_ =	sdelay $0x3  }
0x33: {  	p0 =	seq.s32 s10, $0x1;
	s10 =	sld [smem:$0x3FB6];
	_ =	sdelay $0x3  }
0x34: {  	[smem:$0x3FB6] =	sst s10  }
0x35: {  	s10 =	sld [smem:$0x3FB5];
	_ =	sdelay $0x3  }
0x36: {  	p1 =	seq.s32 s10, $0x1;
	s10 =	sld [smem:$0x3FB6];
	_ =	sdelay $0x3  }
0x37: {  	[smem:$0x3FB6] =	sst s10  }
0x38: {  	s10 =	sld [smem:$0x3FB7]  }
0x39: {  	_ = 	snop;
	(pc) =	sbr.ind lr, $3  }
0x3a: {  	_ = 	snop  }
0x3b: {  	_ = 	snop  }
0x3c: {  	p2 =	seq.s32 s10, $0x1;
	s10 =	sld [smem:$0x3FB6]  }
0x3d: {  	_ =	shalt  }
0x3e: {  	_ =	shalt  }
0x3f: {  	_ =	shalt  }
0x40: {  	_ =	shalt  }
0x41: {  	_ =	shalt  }
0x42: {  	_ =	shalt  }
0x43: {  	_ =	shalt  }
0x44: {  	_ =	shalt  }
0x45: {  	_ =	shalt  }
0x46: {  	_ =	shalt  }
0x47: {  	_ =	shalt  }
0x48: {  	_ =	shalt  }
0x49: {  	_ =	shalt  }
0x4a: {  	_ =	shalt  }
0x4b: {  	_ =	shalt  }
0x4c: {  	_ =	shalt  }
0x4d: {  	_ =	shalt  }
0x4e: {  	_ =	shalt  }
0x4f: {  	_ =	shalt  }
0x50: {  	_ =	shalt  }
0x51: {  	_ =	shalt  }
0x52: {  	_ =	shalt  }
0x53: {  	_ =	shalt  }
0x54: {  	_ =	shalt  }
0x55: {  	_ =	shalt  }
0x56: {  	_ =	shalt  }
0x57: {  	_ =	shalt  }
0x58: {  	_ =	shalt  }
0x59: {  	_ =	shalt  }
0x5a: {  	_ =	shalt  }
0x5b: {  	_ =	shalt  }
0x5c: {  	_ =	shalt  }
0x5d: {  	_ =	shalt  }
0x5e: {  	_ =	shalt  }
0x5f: {  	_ =	shalt  }
0x60: {  	_ =	shalt  }
0x61: {  	_ =	shalt  }
0x62: {  	_ =	shalt  }
0x63: {  	_ =	shalt  }
0x64: {  	_ =	shalt  }
0x65: {  	_ =	shalt  }
0x66: {  	_ =	shalt  }
0x67: {  	_ =	shalt  }
0x68: {  	_ =	shalt  }
0x69: {  	_ =	shalt  }
0x6a: {  	_ =	shalt  }
0x6b: {  	_ =	shalt  }
0x6c: {  	_ =	shalt  }
0x6d: {  	_ =	shalt  }
0x6e: {  	_ =	shalt  }
0x6f: {  	_ =	shalt  }
0x70: {  	_ =	shalt  }
0x71: {  	_ =	shalt  }
0x72: {  	_ =	shalt  }
0x73: {  	_ =	shalt  }
0x74: {  	_ =	shalt  }
0x75: {  	_ =	shalt  }
0x76: {  	_ =	shalt  }
0x77: {  	_ =	shalt  }
0x78: {  	_ =	shalt  }
0x79: {  	_ =	shalt  }
0x7a: {  	_ =	shalt  }
0x7b: {  	_ =	shalt  }
0x7c: {  	_ =	shalt  }
0x7d: {  	_ =	shalt  }
0x7e: {  	_ =	shalt  }
0x7f: {  	_ =	shalt  }
0x80: {  	_ =	shalt  }
0x81: {  	_ =	shalt  }
0x82: {  	_ =	shalt  }
0x83: {  	_ =	shalt  }
0x84: {  	_ =	shalt  }
0x85: {  	_ =	shalt  }
0x86: {  	_ =	shalt  }
0x87: {  	_ =	shalt  }
.Lfunc_end0:
.L_simem_size_0:
called_computation.1_lowered:
.L_overlay_start_0:
0x88: {  	s2 =	sld [smem:$0x3FD9]  }
0x89: {  	s3 =	sld [smem:$0x3FFE];
	_ =	sdelay $0x1  }
0x8a: {  	s1 =	srdreg.scid  }
0x8b: {  	s0 =	sand.u32 $0x1, s1  }
0x8c: {  	s17 =	sshll.u32 s0, $0xA;
	s2 =	sadd.s32 s3, s2  }
0x8d: {  	s2 =	sadd.s32 s2, s17  }
0x8e: {  	[smem:$0x3FC2] =	sst s2  }
0x8f: {  	_ = 	snop  }
0x90: {  	s2 =	sld [smem:$0x3FD0];
	(tm) =	ssettm $0x1  }
0x91: {  	s18 =	sld [smem:$0x3FFB];
	_ =	sdelay $0x3  }
0x92: {  	_ =	strace s18  }
0x93: {  	s3 =	sld [smem:$0x3FFC];
	_ =	sdelay $0x3  }
0x94: {  	_ =	strace s3  }
0x95: {  	s3 =	sld [smem:$0x3FFD];
	_ =	sdelay $0x3  }
0x96: {  	_ =	strace s3  }
0x97: {  	_ =	strace $0x8FFFFFFF  }
0x98: {  	s19 =	sld [smem:$0x3FDB];
	_ =	sdelay $0x1  }
0x99: {  	s4 =	simm.s32 $_scs_section_size  }
0x9a: {  	s5 =	simm.s32 $_size__tile_overlayer_lowered;
	s6 =	simm.s32 $_tile_overlayer_lowered  }
0x9b: {  	s22 =	simm.s32 $0x1BFF;
	s21 =	sshll.u32 s6, $0x1;
	s3 =	sadd.s32 s4, s19  }
0x9c: {  	s7 =	simm.s32 $0x0;
	s20 =	sshll.u32 s5, $0x1;
	s5 =	sadd.s32 s21, s3  }
0x9d: {  	[timem:s7], [sflag:s22] =	dma.local [hbm:s5], s20  }
0x9e: {  	_ =	swait.ge [sflag:s22], s20  }
0x9f: {  	s4 =	ssub.s32 $0x0, s20;
	[sflag:s22] =	ssyncset.done $0x0  }
0xa0: {  	[sflag:s22] =	ssyncadd.s32 s4;
	_ =	sdelay $0x1  }
0xa1: {  	s23 =	simm.s32 $0x1B8B  }
0xa2: {  	_ =	swait.ge [sflag:s23], $0x1  }
0xa3: {  	[sflag:s23] =	ssyncset.done $0x0  }
0xa4: {  	s25 =	simm.s32 $0x1B8E;
	s24 =	sld [smem:$0x3FFE];
	[sflag:s23] =	ssyncadd.s32 $0xFFFFFFFF  }
0xa5: {  	s26 =	simm.s32 $execute0_lowered;
	[smem:$0x3FD2] =	sst s25  }
0xa6: {  	s5 =	sshll.u32 s26, $0x1;
	_ =	strace $0x80000049;
	[dreg:$0x1] =	wrdreg $0xFFFFFFFF  }
0xa7: {  	s28 =	simm.s32 $_size_execute0_lowered;
	s3 =	sadd.s32 s3, s5;
	[dreg:$0x0] =	wrdreg $0x0  }
0xa8: {  	s5 =	sshll.u32 s28, $0x1;
	[dreg:$0x2] =	wrdreg s3  }
0xa9: {  	[dreg:$0x3] =	wrdreg s5  }
0xaa: {  	[dreg:$0x4] =	wrdreg $0xC0  }
0xab: {  	_ =	task [dreg:s7], $0x5FFFF  }
0xac: {  	[dreg:$0x1] =	wrdreg $0xFFFFFFFF  }
0xad: {  	[dreg:$0x0] =	wrdreg $0x60  }
0xae: {  	[dreg:$0x2] =	wrdreg s24  }
0xaf: {  	[dreg:$0x3] =	wrdreg s2  }
0xb0: {  	[dreg:$0x4] =	wrdreg $0xB0000  }
0xb1: {  	[dreg:$0x5] =	wrdreg $0x9  }
0xb2: {  	_ =	task.clear_ibuf [dreg:s7], $0x6FFFF;
	_ =	strace $0x90000049  }
0xb3: {  	s29 =	simm.s32 $0x9;
	_ =	strace $0x8000004B  }
0xb4: {  	_ =	swait.ge [sflag:s29], $0x1  }
0xb5: {  	[sflag:s29] =	ssyncadd.s32 $0xFFFFFFFF  }
0xb6: {  	_ =	strace $0x9000004B  }
0xb7: {  	_ =	sfence  }
0xb8: {  	s30 =	sld [smem:$0x0];
	_ =	sdelay $0x2  }
0xb9: {  	s31 =	sshll.u32 s1, $0xD;
	s1 =	sshrl.u32 s1, $0x2  }
0xba: {  	s3 =	sand.u32 $0x4000, s31;
	s1 =	sadd.s32 s1, s30  }
0xbb: {  	s0 =	sor.u32 s3, s0;
	s1 =	sshll.u32 s1, $0x11  }
0xbc: {  	s0 =	sor.u32 s1, s0  }
0xbd: {  	s0 =	sadd.s32 $0x8F2B, s0  }
0xbe: {  	[sflag:s0] =	ssyncadd.remote.s32 $0x1  }
0xbf: {  	_ =	sfence.sel $0xFFFF  }
0xc0: {  	[dreg:$0x0] =	wrdreg $0xFFFFFFFF;
	(pc) =	sbr.abs _section_cstart, $3  }
0xc1: {  	[dreg:$0x1] =	wrdreg $0xFFFFFFFF  }
0xc2: {  	_ =	task.clear_ibuf [dreg:s7], $0x2FFFF;
	_ =	strace $0x9FFFFFFF  }
0xc3: {  	(tm) =	ssettm $0x7FFFFFFF  }
tec
execute0_lowered:
.L_overlay_start_1:
0x0: {  	(tag) =	ssettag $0x1  }
0x1: {  	s0 =	rddreg [dreg:$0x0];
	s1 =	srdreg.scid  }
0x2: {  	s20 =	stileid.u32;
	s18 =	rddreg [dreg:$0x1]  }
0x3: {  	s2 =	rddreg [dreg:$0x2];
	s21 =	simm.s32 $0x3000;
	s22 =	simm.s32 $0x80  }
0x4: {  	s23 =	simm.s32 $0x7000;
	s24 =	simm.s32 $0x3;
	s9 =	smul.u32 $0x50000, s20  }
0x5: {  	s25 =	simm.s32 $0x5;
	s28 =	simm.s32 $0x6;
	s10 =	smul.u32 $0x14000, s20  }
0x6: {  	s1 =	sand.u32 $0x1, s1;
	s3 =	sshll.u32 s20, $0x1;
	s20 =	smul.u32 $0x5000, s20  }
0x7: {  	s30 =	simm.s32 $0x0;
	s4 =	sor.u32 s1, s3;
	s15 =	smul.u32 $0x140000, s1  }
0x8: {  	s3 =	simm.s32 $0x0;
	s7 =	ssub.s32 $0x2, s1;
	s1 =	smul.u32 $0x2800, s1  }
0x9: {  	s4 =	smul.u32 $0x2800, s4;
	[smem:$0x7FF] =	sst s3;
	s8 =	sshrl.u32 s7, $0x1  }
0xa: {  	s26 =	sshrl.u32 s9, $0x2;
	s13 =	sadd.s32 $0x4000, s10;
	s14 =	sadd.s32 $0x8000, s10  }
0xb: {  	s16 =	sadd.s32 $0xC000, s10;
	s19 =	sadd.s32 $0x10000, s10;
	_ =	strace $0x8000004A  }
0xc: {  	s17 =	ssub.s32 s7, s8;
	s7 =	sadd.s32 s26, s2;
	s8 =	sadd.s32 s13, s2  }
0xd: {  	s9 =	sadd.s32 s14, s2;
	s11 =	sadd.s32 s10, s15;
	s10 =	sadd.s32 s16, s2  }
0xe: {  	s13 =	sadd.s32 s15, s13;
	s14 =	sadd.s32 s15, s14;
	s16 =	sadd.s32 s15, s16  }
0xf: {  	s1 =	sadd.s32 s1, s20;
	s20 =	simm.s32 $0x7;
	s26 =	simm.s32 $0x4  }
0x10: {  	s6 =	sshrl.u32 s4, $0x3;
	s4 =	sadd.s32 $0x20C00, s0;
	s12 =	sshrl.u32 s11, $0x3  }
0x11: {  	s11 =	sadd.s32 s19, s2;
	s13 =	sshrl.u32 s13, $0x3;
	s14 =	sshrl.u32 s14, $0x3  }
0x12: {  	s16 =	sshrl.u32 s16, $0x3;
	s19 =	sadd.s32 s15, s19;
	s1 =	sor.u32 $0x400, s1  }
.Ltmp0:
0x13: {  	s17 =	smax.u32 s17, $0x1;
	s5 =	sadd.s32 s6, s0;
	(pc) =	sbr.rel .LBB2_1-.Ltmp0, $4  }
0x14: {  	s0 =	sadd.s32 $0x48C00, s0;
	s6 =	sadd.s32 s18, s6;
	s29 =	sshrl.u32 s19, $0x3  }
0x15: {  	s31 =	sshrl.u32 s1, $0x3;
	s5 =	sadd.s32 $0x16C00, s5;
	s12 =	sadd.s32 s0, s12  }
0x16: {  	s13 =	sadd.s32 s0, s13;
	s14 =	sadd.s32 s0, s14;
	s15 =	sadd.s32 s0, s16  }
0x17: {  	v0 =	vimm.f32 $0.0e+00;
	s16 =	sadd.s32 s0, s29;
	s1 =	sadd.s32 s31, s18;
	[dreg:$0x4] =	wrdreg s5  }
.LBB2_10:
0x18: {  	_ =	swait.ge [sflag:s26], $0x4000  }
0x19: {  	[sflag:s26] =	ssyncset.done $0x0  }
0x1a: {  	s0 =	simm.s32 $0x2F80;
	[sflag:s26] =	ssyncadd.s32 $0xFFFFC000  }
0x1b: {  	[spmem:s2] =	stream.indirect.scatter.add.f32 [tilespmem:s23], [sflag:$0x7], $0x80, s0, s22, $0xb8;
	[tilespmem:$0x1F000] =	vst v63  }
0x1c: {  	_ =	swait.ge [sflag:s20], $0x4000  }
0x1d: {  	[sflag:s20] =	ssyncset.done $0x0  }
0x1e: {  	[sflag:s20] =	ssyncadd.s32 $0xFFFFC000  }
0x1f: {  	_ =	swait.ge [sflag:s25], $0x4000  }
0x20: {  	s5 =	stileid.u32;
	[sflag:s25] =	ssyncset.done $0x0  }
0x21: {  	s0 =	sshll.u32 s5, $0x6;
	[sflag:s25] =	ssyncadd.s32 $0xFFFFC000  }
0x22: {  	s5 =	sshrl.u32 s7, $0x3;
	s0 =	sor.u32 $0x1C07, s0;
	[bflag:$0x0] =	sbarrier.arrive $0xFFFF  }
0x23: {  	[hbm:s12], [sflag:s0] =	dma.local [spmem:s5], $0x800  }
0x24: {  	_ =	swait.ge [sflag:s20], $0x800  }
0x25: {  	[sflag:s20] =	ssyncset.done $0x0  }
0x26: {  	s18 =	sshrl.u32 s8, $0x3;
	[sflag:s20] =	ssyncadd.s32 $0xFFFFF800  }
0x27: {  	[hbm:s13], [sflag:s0] =	dma.local [spmem:s18], $0x800  }
0x28: {  	_ =	swait.ge [sflag:s20], $0x800  }
0x29: {  	[sflag:s20] =	ssyncset.done $0x0  }
0x2a: {  	s19 =	sshrl.u32 s9, $0x3;
	[sflag:s20] =	ssyncadd.s32 $0xFFFFF800  }
0x2b: {  	[hbm:s14], [sflag:s0] =	dma.local [spmem:s19], $0x800  }
0x2c: {  	_ =	swait.ge [sflag:s20], $0x800  }
0x2d: {  	[sflag:s20] =	ssyncset.done $0x0  }
0x2e: {  	s29 =	sshrl.u32 s10, $0x3;
	[sflag:s20] =	ssyncadd.s32 $0xFFFFF800  }
0x2f: {  	[hbm:s15], [sflag:s0] =	dma.local [spmem:s29], $0x800  }
0x30: {  	s30 =	sadd.s32 $0x1, s30;
	_ =	swait.ge [sflag:s20], $0x800  }
0x31: {  	p0 =	sne.s32 s30, s17;
	[sflag:s20] =	ssyncset.done $0x0  }
.Ltmp1:
0x32: {  	s31 =	sshrl.u32 s11, $0x3;
	[sflag:s20] =	ssyncadd.s32 $0xFFFFF800;
	(pc) =	sbr.rel @!p0 .LBB2_11-.Ltmp1, $4  }
0x33: {  	[hbm:s16], [sflag:s0] =	dma.local [spmem:s31], $0x800  }
0x34: {  	_ =	swait.ge [sflag:s20], $0x800  }
0x35: {  	[sflag:s20] =	ssyncset.done $0x0  }
0x36: {  	[sflag:s20] =	ssyncadd.s32 $0xFFFFF800  }
.LBB2_1:
0x37: {  	s0 =	rddreg [dreg:$0x4];
	s5 =	simm.s32 $0x800  }
0x38: {  	[tilespmem:s5], [sflag:$0x7] =	stream.linear.gather [hbm4b:s0+s3], $0x2800, $0x38;
	[tilespmem:$0x1F000] =	vst v63  }
0x39: {  	_ =	swait.ge [sflag:s20], $0x2800  }
0x3a: {  	[sflag:s20] =	ssyncset.done $0x0  }
0x3b: {  	[sflag:s20] =	ssyncadd.s32 $0xFFFFD800  }
0x3c: {  	[tilespmem:s3], [sflag:$0x7] =	stream.linear.gather [hbm4b:s6+s3], $0x400, $0x38;
	[tilespmem:$0x1F000] =	vst v63  }
0x3d: {  	_ =	swait.ge [sflag:s20], $0x400  }
0x3e: {  	[sflag:s20] =	ssyncset.done $0x0  }
0x3f: {  	s18 =	simm.s32 $0x200;
	s0 =	simm.s32 $0x0;
	[sflag:s20] =	ssyncadd.s32 $0xFFFFFC00  }
.LBB2_2:
0x40: {  	p0 =	sne.s32 s18, $0xFE00;
	[tilespmem:s0+$0x3070] =	vst v0  }
0x41: {  	[tilespmem:s0+$0x3000] =	vst v0  }
0x42: {  	[tilespmem:s0+$0x3010] =	vst v0  }
.Ltmp2:
0x43: {  	[tilespmem:s0+$0x3020] =	vst v0;
	(pc) =	sbr.rel @p0 .LBB2_2-.Ltmp2, $4  }
0x44: {  	[tilespmem:s0+$0x3030] =	vst v0  }
0x45: {  	[tilespmem:s0+$0x3040] =	vst v0  }
0x46: {  	[tilespmem:s0+$0x3050] =	vst v0  }
0x47: {  	[tilespmem:s0+$0x3060] =	vst v0;
	s0 =	sshra.s32 s18, $0x2;
	s18 =	sadd.s32 $0x200, s18  }
0x48: {  	[tilespmem:s0+$0x3070] =	vst v0  }
0x49: {  	[tilespmem:s0+$0x3000] =	vst v0  }
0x4a: {  	[tilespmem:s0+$0x3010] =	vst v0  }
0x4b: {  	[tilespmem:s0+$0x3020] =	vst v0  }
0x4c: {  	[tilespmem:s0+$0x3030] =	vst v0  }
0x4d: {  	[tilespmem:s0+$0x3040] =	vst v0  }
0x4e: {  	[tilespmem:s0+$0x3050] =	vst v0  }
0x4f: {  	[tilespmem:s0+$0x3060] =	vst v0  }
0x50: {  	[spmem:s7] =	stream.linear.scatter [tilespmem:s21], [sflag:$0x7], $0x4000, $0x38;
	[tilespmem:$0x1F000] =	vst v63  }
0x51: {  	_ =	swait.ge [sflag:s20], $0x4000  }
0x52: {  	[sflag:s20] =	ssyncset.done $0x0  }
0x53: {  	[sflag:s20] =	ssyncadd.s32 $0xFFFFC000  }
0x54: {  	[spmem:s8] =	stream.linear.scatter [tilespmem:s21], [sflag:$0x7], $0x4000, $0x38;
	[tilespmem:$0x1F000] =	vst v63  }
0x55: {  	_ =	swait.ge [sflag:s20], $0x4000  }
0x56: {  	[sflag:s20] =	ssyncset.done $0x0  }
0x57: {  	[sflag:s20] =	ssyncadd.s32 $0xFFFFC000  }
0x58: {  	[spmem:s9] =	stream.linear.scatter [tilespmem:s21], [sflag:$0x7], $0x4000, $0x38;
	[tilespmem:$0x1F000] =	vst v63  }
0x59: {  	_ =	swait.ge [sflag:s20], $0x4000  }
0x5a: {  	[sflag:s20] =	ssyncset.done $0x0  }
0x5b: {  	[sflag:s20] =	ssyncadd.s32 $0xFFFFC000  }
0x5c: {  	[spmem:s10] =	stream.linear.scatter [tilespmem:s21], [sflag:$0x7], $0x4000, $0x38;
	[tilespmem:$0x1F000] =	vst v63  }
0x5d: {  	_ =	swait.ge [sflag:s20], $0x4000  }
0x5e: {  	[sflag:s20] =	ssyncset.done $0x0  }
0x5f: {  	[sflag:s20] =	ssyncadd.s32 $0xFFFFC000  }
0x60: {  	[spmem:s11] =	stream.linear.scatter [tilespmem:s21], [sflag:$0x7], $0x4000, $0x38;
	[tilespmem:$0x1F000] =	vst v63  }
.Ltmp3:
0x61: {  	_ =	swait.ge [sflag:s20], $0x4000;
	(pc) =	sbr.rel .LBB2_4-.Ltmp3, $4  }
0x62: {  	[sflag:s20] =	ssyncset.done $0x0  }
0x63: {  	[sflag:s20] =	ssyncadd.s32 $0xFFFFC000  }
0x64: {  	[bflag:$0x0] =	sbarrier.arrive $0xFFFF  }
0x65: {  	s31 =	simm.s32 $0x0;
	s18 =	smov.u32 s1;
	s0 =	simm.s32 $0x0  }
.LBB2_8:
0x66: {  	_ =	swait.ge [sflag:s28], $0x4000  }
0x67: {  	[sflag:s28] =	ssyncset.done $0x0  }
0x68: {  	[sflag:s28] =	ssyncadd.s32 $0xFFFFC000  }
.LBB2_9:
0x69: {  	s5 =	sadd.s32 $0x80, s19  }
0x6a: {  	[tilespmem:s23], [sflag:$0x4] =	stream.indirect.gather [hbm4b:s4+s22], $0x80, s5, s22, $0xb8;
	[tilespmem:$0x1F000] =	vst v63  }
0x6b: {  	_ =	swait.ge [sflag:s24], $0x4000  }
0x6c: {  	s5 =	sshra.s32 s31, $0x2;
	[sflag:s24] =	ssyncset.done $0x0  }
0x6d: {  	s29 =	sadd.s32 $0x800, s5;
	[sflag:s24] =	ssyncadd.s32 $0xFFFFC000  }
0x6e: {  	[spmem:s2] =	stream.indirect.scatter.add.f32 [tilespmem:s21], [sflag:$0x5], $0x80, s29, s22, $0xb8;
	[tilespmem:$0x1F000] =	vst v63  }
0x6f: {  	_ =	swait.ge [sflag:s25], $0x4000  }
0x70: {  	[sflag:s25] =	ssyncset.done $0x0  }
0x71: {  	s29 =	sadd.s32 $0x100, s19;
	[sflag:s25] =	ssyncadd.s32 $0xFFFFC000  }
0x72: {  	[tilespmem:s21], [sflag:$0x3] =	stream.indirect.gather [hbm4b:s4+s22], $0x80, s29, s22, $0xb8;
	[tilespmem:$0x1F000] =	vst v63  }
0x73: {  	_ =	swait.ge [sflag:s26], $0x4000  }
0x74: {  	[sflag:s26] =	ssyncset.done $0x0  }
0x75: {  	s29 =	sadd.s32 $0x880, s5;
	[sflag:s26] =	ssyncadd.s32 $0xFFFFC000  }
0x76: {  	[spmem:s2] =	stream.indirect.scatter.add.f32 [tilespmem:s23], [sflag:$0x6], $0x80, s29, s22, $0xb8;
	[tilespmem:$0x1F000] =	vst v63  }
0x77: {  	_ =	swait.ge [sflag:s28], $0x4000  }
0x78: {  	[sflag:s28] =	ssyncset.done $0x0  }
0x79: {  	s29 =	sadd.s32 $0x180, s19;
	[sflag:s28] =	ssyncadd.s32 $0xFFFFC000  }
0x7a: {  	[tilespmem:s23], [sflag:$0x4] =	stream.indirect.gather [hbm4b:s4+s22], $0x80, s29, s22, $0xb8;
	[tilespmem:$0x1F000] =	vst v63  }
0x7b: {  	_ =	swait.ge [sflag:s24], $0x4000  }
0x7c: {  	[sflag:s24] =	ssyncset.done $0x0  }
0x7d: {  	s29 =	sadd.s32 $0x900, s5;
	[sflag:s24] =	ssyncadd.s32 $0xFFFFC000  }
0x7e: {  	[spmem:s2] =	stream.indirect.scatter.add.f32 [tilespmem:s21], [sflag:$0x5], $0x80, s29, s22, $0xb8;
	[tilespmem:$0x1F000] =	vst v63  }
0x7f: {  	_ =	swait.ge [sflag:s25], $0x4000  }
0x80: {  	[sflag:s25] =	ssyncset.done $0x0  }
0x81: {  	s29 =	sadd.s32 $0x200, s19;
	[sflag:s25] =	ssyncadd.s32 $0xFFFFC000  }
0x82: {  	[tilespmem:s21], [sflag:$0x3] =	stream.indirect.gather [hbm4b:s4+s22], $0x80, s29, s22, $0xb8;
	[tilespmem:$0x1F000] =	vst v63  }
0x83: {  	_ =	swait.ge [sflag:s26], $0x4000  }
0x84: {  	[sflag:s26] =	ssyncset.done $0x0  }
0x85: {  	s29 =	sadd.s32 $0x980, s5;
	[sflag:s26] =	ssyncadd.s32 $0xFFFFC000  }
0x86: {  	[spmem:s2] =	stream.indirect.scatter.add.f32 [tilespmem:s23], [sflag:$0x6], $0x80, s29, s22, $0xb8;
	[tilespmem:$0x1F000] =	vst v63  }
0x87: {  	_ =	swait.ge [sflag:s28], $0x4000  }
0x88: {  	[sflag:s28] =	ssyncset.done $0x0  }
0x89: {  	s29 =	sadd.s32 $0x280, s19;
	[sflag:s28] =	ssyncadd.s32 $0xFFFFC000  }
0x8a: {  	[tilespmem:s23], [sflag:$0x4] =	stream.indirect.gather [hbm4b:s4+s22], $0x80, s29, s22, $0xb8;
	[tilespmem:$0x1F000] =	vst v63  }
0x8b: {  	_ =	swait.ge [sflag:s24], $0x4000  }
0x8c: {  	[sflag:s24] =	ssyncset.done $0x0  }
0x8d: {  	s29 =	sadd.s32 $0xA00, s5;
	[sflag:s24] =	ssyncadd.s32 $0xFFFFC000  }
0x8e: {  	[spmem:s2] =	stream.indirect.scatter.add.f32 [tilespmem:s21], [sflag:$0x5], $0x80, s29, s22, $0xb8;
	[tilespmem:$0x1F000] =	vst v63  }
0x8f: {  	_ =	swait.ge [sflag:s25], $0x4000  }
0x90: {  	[sflag:s25] =	ssyncset.done $0x0  }
0x91: {  	s29 =	sadd.s32 $0x300, s19;
	[sflag:s25] =	ssyncadd.s32 $0xFFFFC000  }
0x92: {  	[tilespmem:s21], [sflag:$0x3] =	stream.indirect.gather [hbm4b:s4+s22], $0x80, s29, s22, $0xb8;
	[tilespmem:$0x1F000] =	vst v63  }
0x93: {  	_ =	swait.ge [sflag:s26], $0x4000  }
0x94: {  	[sflag:s26] =	ssyncset.done $0x0  }
0x95: {  	s29 =	sadd.s32 $0xA80, s5;
	[sflag:s26] =	ssyncadd.s32 $0xFFFFC000  }
0x96: {  	[spmem:s2] =	stream.indirect.scatter.add.f32 [tilespmem:s23], [sflag:$0x6], $0x80, s29, s22, $0xb8;
	[tilespmem:$0x1F000] =	vst v63  }
0x97: {  	_ =	swait.ge [sflag:s28], $0x4000  }
0x98: {  	s31 =	sadd.s32 $0x1000, s31;
	[sflag:s28] =	ssyncset.done $0x0  }
0x99: {  	p0 =	sne.s32 s31, $0xA000;
	s29 =	sadd.s32 $0x380, s19;
	[sflag:s28] =	ssyncadd.s32 $0xFFFFC000  }
0x9a: {  	[tilespmem:s23], [sflag:$0x4] =	stream.indirect.gather [hbm4b:s4+s22], $0x80, s29, s22, $0xb8;
	[tilespmem:$0x1F000] =	vst v63  }
.Ltmp4:
0x9b: {  	_ = 	snop;
	(pc) =	sbr.rel @!p0 .LBB2_10-.Ltmp4, $4  }
0x9c: {  	_ =	swait.ge [sflag:s24], $0x4000  }
0x9d: {  	s0 =	sadd.s32 $0x1, s0;
	[sflag:s24] =	ssyncset.done $0x0  }
0x9e: {  	s18 =	sadd.s32 $0x80, s18;
	s5 =	sadd.s32 $0xB00, s5;
	[sflag:s24] =	ssyncadd.s32 $0xFFFFC000  }
0x9f: {  	[spmem:s2] =	stream.indirect.scatter.add.f32 [tilespmem:s21], [sflag:$0x5], $0x80, s5, s22, $0xb8;
	[tilespmem:$0x1F000] =	vst v63  }
.LBB2_4:
0xa0: {  	p0 =	sne.s32 s31, $0x0  }
.Ltmp5:
0xa1: {  	_ = 	snop;
	(pc) =	sbr.rel @!p0 .LBB2_5-.Ltmp5, $2  }
0xa2: {  	_ =	sdelay $0x2  }
0xa3: {  	s29 =	sand.u32 $0x1, s0  }
0xa4: {  	s19 =	sadd.s32 $0x1, s29  }
0xa5: {  	_ =	swait.ge [sflag:s19], $0x400  }
0xa6: {  	[sflag:s19] =	ssyncset.done $0x0  }
0xa7: {  	[sflag:s19] =	ssyncadd.s32 $0xFFFFFC00  }
0xa8: {  	_ =	swait.ge [sflag:s25], $0x4000  }
0xa9: {  	[sflag:s25] =	ssyncset.done $0x0  }
0xaa: {  	p0 =	seq.s32 s31, $0x9000;
	s19 =	sshll.u32 s29, $0xA;
	[sflag:s25] =	ssyncadd.s32 $0xFFFFC000  }
0xab: {  	[tilespmem:s21], [sflag:$0x3] =	stream.indirect.gather [hbm4b:s4+s22], $0x80, s19, s22, $0xb8;
	[tilespmem:$0x1F000] =	vst v63  }
.Ltmp6:
0xac: {  	_ = 	snop;
	(pc) =	sbr.rel @p0 .LBB2_8-.Ltmp6, $4  }
.Ltmp7:
0xad: {  	_ =	swait.ge [sflag:s26], $0x4000;
	(pc) =	sbr.rel @!p0 .LBB2_7-.Ltmp7, $4  }
0xae: {  	s5 =	sshra.s32 s31, $0x2;
	[sflag:s26] =	ssyncset.done $0x0  }
0xaf: {  	s5 =	sadd.s32 $0x780, s5;
	[sflag:s26] =	ssyncadd.s32 $0xFFFFC000  }
0xb0: {  	[spmem:s2] =	stream.indirect.scatter.add.f32 [tilespmem:s23], [sflag:$0x6], $0x80, s5, s22, $0xb8;
	[tilespmem:$0x1F000] =	vst v63  }
0xb1: {  	_ = 	snop  }
.LBB2_5:
0xb2: {  	s19 =	simm.s32 $0x0  }
0xb3: {  	[tilespmem:s21], [sflag:$0x3] =	stream.indirect.gather [hbm4b:s4+s22], $0x80, s19, s22, $0xb8;
	[tilespmem:$0x1F000] =	vst v63  }
.LBB2_7:
0xb4: {  	p0 =	seq.s32 s31, $0x0  }
.Ltmp8:
0xb5: {  	_ = 	snop;
	(pc) =	sbr.rel @!p0 .LBB2_8-.Ltmp8, $4  }
.Ltmp9:
0xb6: {  	_ = 	snop;
	(pc) =	sbr.rel @p0 .LBB2_9-.Ltmp9, $4  }
0xb7: {  	s5 =	sxor.u32 $0x1, s29  }
0xb8: {  	s29 =	sshll.u32 s5, $0xA;
	s5 =	sadd.s32 $0x1, s5  }
0xb9: {  	[tilespmem:s29], [sflag:s5] =	stream.linear.gather [hbm4b:s18+s3], $0x400, $0x38;
	[tilespmem:$0x1F000] =	vst v63  }
0xba: {  	_ = 	snop  }
.LBB2_11:
0xbb: {  	_ =	sfence.sel $0x180000  }
0xbc: {  	[bflag:$0x0] =	sbarrier.arrive $0xFFFF  }
0xbd: {  	_ =	strace $0x9000004A  }
0xbe: {  	s0 =	stileid.u32;
	[bflag:$0x2] =	sbarrier.arrive $0xFFFF  }
0xbf: {  	p0 =	sne.s32 s0, $0x0;
	s0 =	rddreg [dreg:$0x3]  }
0xc0: {  	s0 =	sadd.s32 @!p0 $0x100000, s0  }
0xc1: {  	[sflag:s0] =	ssyncadd.tile.s32 @!p0 $0x1;
	_ =	shalt  }
.Lfunc_end2:
_tile_overlayer_lowered:
.L_overlay_start_2:
0xc2: {  	(tag) =	ssettag $0x2  }
0xc3: {  	s0 =	rddreg [dreg:$0x0];
	s2 =	stileid.u32  }
0xc4: {  	s1 =	rddreg [dreg:$0x1];
	p0 =	sne.s32 s2, $0x0  }
0xc5: {  	s3 =	rddreg [dreg:$0x2];
	[bflag:$0x3] =	sbarrier.arrive $0xFFFF;
	s2 =	simm.s32 @!p0 $0x1C07  }
0xc6: {  	[timem:s3], [sflag:s2] =	dma.local @!p0 [hbm:s0], s1  }
0xc7: {  	s0 =	simm.s32 @!p0 $0x7  }
0xc8: {  	_ =	swait.ge @!p0 [sflag:s0], s1  }
0xc9: {  	s1 =	ssub.s32 @!p0 $0x0, s1;
	[sflag:s0] =	ssyncset.done @!p0 $0x0  }
0xca: {  	[sflag:s0] =	ssyncadd.s32 @!p0 s1  }
0xcb: {  	[bflag:$0x3] =	sbarrier.arrive $0xFFFF  }
0xcc: {  	_ =	shalt  }

// kernel: kernel.7.cloned.1.call-start
scs
__scs_entry_jumppad:
0x0: {  	(pc) =	sbr.rel $0x88, $3  }
0x1: {  	(tag) =	ssettag $0x0;
	lr =	simm.s32 $0x1  }
0x2: {  	[smem:$0x3F9B] =	sst lr;
	_ =	strace $0xD0000000  }
0x3: {  	_ = 	snop  }
0x4: {  	_ = 	snop  }
0x5: {  	_ = 	snop  }
0x6: {  	_ = 	snop  }
0x7: {  	_ = 	snop  }
__scs_overlays_trampoline_lowered:
0x8: {  	[smem:$0x3FAA] =	sst s0  }
0x9: {  	[smem:$0x3FAB] =	sst s1  }
0xa: {  	[smem:$0x3FAC] =	sst s2  }
0xb: {  	[smem:$0x3FAD] =	sst s3  }
0xc: {  	[smem:$0x3FAE] =	sst s4  }
0xd: {  	[smem:$0x3FAF] =	sst s5  }
0xe: {  	[smem:$0x3FB0] =	sst s6  }
0xf: {  	[smem:$0x3FB1] =	sst s7  }
0x10: {  	[smem:$0x3FB2] =	sst s8  }
0x11: {  	[smem:$0x3FB3] =	sst s9;
	s0 =	simm.s32 @!p0 $0x0  }
0x12: {  	s1 =	sld [smem:$0x3F99];
	s0 =	simm.s32 @p0 $0x1  }
0x13: {  	[smem:$0x3FB4] =	sst s0;
	s0 =	simm.s32 @!p1 $0x0  }
0x14: {  	s2 =	sld [smem:$0x3F98];
	s0 =	simm.s32 @p1 $0x1  }
0x15: {  	[smem:$0x3FB5] =	sst s0;
	s0 =	simm.s32 @!p2 $0x0  }
0x16: {  	s3 =	sld [smem:$0x3FDB];
	s0 =	simm.s32 @p2 $0x1  }
0x17: {  	s4 =	simm.s32 $0x1BF5;
	[smem:$0x3FB7] =	sst s0  }
0x18: {  	s0 =	sld [smem:$0x3F9A];
	_ =	swait.ge [sflag:s4], $0x0  }
0x19: {  	s7 =	sld [smem:$0x3F9B]  }
0x1a: {  	s8 =	sadd.s32 $0xFFFFE003, lr  }
0x1b: {  	s9 =	sadd.s32 $0xFFFFFEF7, lr;
	s5 =	simm.s32 $0xFFFFFFFF;
	p2 =	slt.u32 s8, $0xFFFFF086  }
0x1c: {  	p1 =	slt.u32 s9, $0xF7A;
	s5 =	simm.s32 @!p2 $0x0  }
0x1d: {  	s5 =	simm.s32 @p1 $0x1;
	p0 =	seq.s32 s7, s2  }
0x1e: {  	s7 =	smul.u32 @!p0 $0xF7A, s2;
	p2 =	seq.s32 @!p0 s5, $0x0  }
0x1f: {  	s9 =	smul.u32 $0xF7A, s1;
	s8 =	simm.s32 @!p0 $0x1BF5;
	p2 =	por !p2, p0  }
0x20: {  	[sflag:s8] =	ssyncset.s32 @!p0 $0xFFFFF086;
	s6 =	sadd.s32 @!p0 s3, s7;
	s7 =	simm.s32 @!p0 $0x108  }
0x21: {  	s3 =	sadd.s32 s3, s9;
	s6 =	sadd.s32 @!p0 $0x88, s6;
	s7 =	simm.s32 @p2 $0x1082  }
0x22: {  	[simem:s7], [sflag:s8] =	dma.local @!p0 [hbm:s6], $0xF7A  }
0x23: {  	s9 =	sor.u32 $0xD0000000, s2;
	s6 =	simm.s32 $0x108;
	_ =	swait.ge @!p0 [sflag:s8], $0x0  }
0x24: {  	s3 =	sadd.s32 $0x88, s3;
	s6 =	simm.s32 @!p1 $0x1082;
	[sflag:s4] =	ssyncset.s32 $0xFFFFF086  }
0x25: {  	[simem:s6], [sflag:s4] =	dma.local [hbm:s3], $0xF7A  }
0x26: {  	[smem:$0x3F9B] =	sst s1;
	(tag) =	ssettag s2;
	_ =	strace s9  }
0x27: {  	s1 =	sld [smem:$0x3FAB]  }
0x28: {  	s2 =	sld [smem:$0x3FAC]  }
0x29: {  	s4 =	sld [smem:$0x3FAE]  }
0x2a: {  	p0 =	seq.s32 s5, $0x0;
	s5 =	sld [smem:$0x3FAF]  }
0x2b: {  	s6 =	sld [smem:$0x3FB0]  }
0x2c: {  	s7 =	sld [smem:$0x3FB1]  }
0x2d: {  	s3 =	simm.s32 $0x108;
	s8 =	sld [smem:$0x3FB2]  }
0x2e: {  	s3 =	simm.s32 @!p0 $0x1082;
	s9 =	sld [smem:$0x3FB3]  }
0x2f: {  	lr =	sadd.s32 s0, s3;
	s0 =	sld [smem:$0x3FAA]  }
0x30: {  	s3 =	sld [smem:$0x3FAD]  }
0x31: {  	[smem:$0x3FB6] =	sst s10  }
0x32: {  	s10 =	sld [smem:$0x3FB4];
	_ =	sdelay $0x3  }
0x33: {  	p0 =	seq.s32 s10, $0x1;
	s10 =	sld [smem:$0x3FB6];
	_ =	sdelay $0x3  }
0x34: {  	[smem:$0x3FB6] =	sst s10  }
0x35: {  	s10 =	sld [smem:$0x3FB5];
	_ =	sdelay $0x3  }
0x36: {  	p1 =	seq.s32 s10, $0x1;
	s10 =	sld [smem:$0x3FB6];
	_ =	sdelay $0x3  }
0x37: {  	[smem:$0x3FB6] =	sst s10  }
0x38: {  	s10 =	sld [smem:$0x3FB7]  }
0x39: {  	_ = 	snop;
	(pc) =	sbr.ind lr, $3  }
0x3a: {  	_ = 	snop  }
0x3b: {  	_ = 	snop  }
0x3c: {  	p2 =	seq.s32 s10, $0x1;
	s10 =	sld [smem:$0x3FB6]  }
0x3d: {  	_ =	shalt  }
0x3e: {  	_ =	shalt  }
0x3f: {  	_ =	shalt  }
0x40: {  	_ =	shalt  }
0x41: {  	_ =	shalt  }
0x42: {  	_ =	shalt  }
0x43: {  	_ =	shalt  }
0x44: {  	_ =	shalt  }
0x45: {  	_ =	shalt  }
0x46: {  	_ =	shalt  }
0x47: {  	_ =	shalt  }
0x48: {  	_ =	shalt  }
0x49: {  	_ =	shalt  }
0x4a: {  	_ =	shalt  }
0x4b: {  	_ =	shalt  }
0x4c: {  	_ =	shalt  }
0x4d: {  	_ =	shalt  }
0x4e: {  	_ =	shalt  }
0x4f: {  	_ =	shalt  }
0x50: {  	_ =	shalt  }
0x51: {  	_ =	shalt  }
0x52: {  	_ =	shalt  }
0x53: {  	_ =	shalt  }
0x54: {  	_ =	shalt  }
0x55: {  	_ =	shalt  }
0x56: {  	_ =	shalt  }
0x57: {  	_ =	shalt  }
0x58: {  	_ =	shalt  }
0x59: {  	_ =	shalt  }
0x5a: {  	_ =	shalt  }
0x5b: {  	_ =	shalt  }
0x5c: {  	_ =	shalt  }
0x5d: {  	_ =	shalt  }
0x5e: {  	_ =	shalt  }
0x5f: {  	_ =	shalt  }
0x60: {  	_ =	shalt  }
0x61: {  	_ =	shalt  }
0x62: {  	_ =	shalt  }
0x63: {  	_ =	shalt  }
0x64: {  	_ =	shalt  }
0x65: {  	_ =	shalt  }
0x66: {  	_ =	shalt  }
0x67: {  	_ =	shalt  }
0x68: {  	_ =	shalt  }
0x69: {  	_ =	shalt  }
0x6a: {  	_ =	shalt  }
0x6b: {  	_ =	shalt  }
0x6c: {  	_ =	shalt  }
0x6d: {  	_ =	shalt  }
0x6e: {  	_ =	shalt  }
0x6f: {  	_ =	shalt  }
0x70: {  	_ =	shalt  }
0x71: {  	_ =	shalt  }
0x72: {  	_ =	shalt  }
0x73: {  	_ =	shalt  }
0x74: {  	_ =	shalt  }
0x75: {  	_ =	shalt  }
0x76: {  	_ =	shalt  }
0x77: {  	_ =	shalt  }
0x78: {  	_ =	shalt  }
0x79: {  	_ =	shalt  }
0x7a: {  	_ =	shalt  }
0x7b: {  	_ =	shalt  }
0x7c: {  	_ =	shalt  }
0x7d: {  	_ =	shalt  }
0x7e: {  	_ =	shalt  }
0x7f: {  	_ =	shalt  }
0x80: {  	_ =	shalt  }
0x81: {  	_ =	shalt  }
0x82: {  	_ =	shalt  }
0x83: {  	_ =	shalt  }
0x84: {  	_ =	shalt  }
0x85: {  	_ =	shalt  }
0x86: {  	_ =	shalt  }
0x87: {  	_ =	shalt  }
.Lfunc_end0:
.L_simem_size_0:
called_computation_lowered:
.L_overlay_start_0:
0x88: {  	s2 =	sld [smem:$0x3FD9]  }
0x89: {  	s3 =	sld [smem:$0x3FFE];
	_ =	sdelay $0x1  }
0x8a: {  	s1 =	srdreg.scid  }
0x8b: {  	s0 =	sand.u32 $0x1, s1  }
0x8c: {  	s16 =	sshll.u32 s0, $0xA;
	s2 =	sadd.s32 s3, s2  }
0x8d: {  	s2 =	sadd.s32 s2, s16  }
0x8e: {  	[smem:$0x3FC2] =	sst s2  }
0x8f: {  	_ = 	snop  }
0x90: {  	(tm) =	ssettm $0x1  }
0x91: {  	s17 =	sld [smem:$0x3FFB];
	_ =	sdelay $0x3  }
0x92: {  	_ =	strace s17  }
0x93: {  	s2 =	sld [smem:$0x3FFC];
	_ =	sdelay $0x3  }
0x94: {  	_ =	strace s2  }
0x95: {  	s2 =	sld [smem:$0x3FFD];
	_ =	sdelay $0x3  }
0x96: {  	_ =	strace s2  }
0x97: {  	_ =	strace $0x8FFFFFFF  }
0x98: {  	s18 =	sld [smem:$0x3FDB];
	_ =	sdelay $0x1  }
0x99: {  	s19 =	simm.s32 $_scs_section_size  }
0x9a: {  	s4 =	simm.s32 $_size__tile_overlayer_lowered;
	s5 =	simm.s32 $_tile_overlayer_lowered  }
0x9b: {  	s22 =	simm.s32 $0x1BFF;
	s21 =	sshll.u32 s5, $0x1;
	s2 =	sadd.s32 s19, s18  }
0x9c: {  	s6 =	simm.s32 $0x0;
	s20 =	sshll.u32 s4, $0x1;
	s4 =	sadd.s32 s21, s2  }
0x9d: {  	[timem:s6], [sflag:s22] =	dma.local [hbm:s4], s20  }
0x9e: {  	_ =	swait.ge [sflag:s22], s20  }
0x9f: {  	s3 =	ssub.s32 $0x0, s20;
	[sflag:s22] =	ssyncset.done $0x0  }
0xa0: {  	[sflag:s22] =	ssyncadd.s32 s3;
	_ =	sdelay $0x1  }
0xa1: {  	s23 =	simm.s32 $0x1B8B  }
0xa2: {  	_ =	swait.ge [sflag:s23], $0x1  }
0xa3: {  	[sflag:s23] =	ssyncset.done $0x0  }
0xa4: {  	s25 =	simm.s32 $0x1B8E;
	s24 =	sld [smem:$0x3FFE];
	[sflag:s23] =	ssyncadd.s32 $0xFFFFFFFF  }
0xa5: {  	s26 =	simm.s32 $execute0_lowered;
	[smem:$0x3FD2] =	sst s25  }
0xa6: {  	s4 =	sshll.u32 s26, $0x1;
	_ =	strace $0x80000046;
	[dreg:$0x1] =	wrdreg $0xFFFFFFFF  }
0xa7: {  	s28 =	simm.s32 $_size_execute0_lowered;
	s2 =	sadd.s32 s2, s4;
	[dreg:$0x0] =	wrdreg $0x0  }
0xa8: {  	s4 =	sshll.u32 s28, $0x1;
	[dreg:$0x2] =	wrdreg s2  }
0xa9: {  	[dreg:$0x3] =	wrdreg s4  }
0xaa: {  	[dreg:$0x4] =	wrdreg $0xC0  }
0xab: {  	_ =	task [dreg:s6], $0x5FFFF  }
0xac: {  	[dreg:$0x1] =	wrdreg $0xFFFFFFFF  }
0xad: {  	[dreg:$0x0] =	wrdreg $0x60  }
0xae: {  	[dreg:$0x2] =	wrdreg s24  }
0xaf: {  	[dreg:$0x3] =	wrdreg $0x57000  }
0xb0: {  	[dreg:$0x4] =	wrdreg $0x59800  }
0xb1: {  	[dreg:$0x5] =	wrdreg $0x9  }
0xb2: {  	_ =	task.clear_ibuf [dreg:s6], $0x6FFFF;
	_ =	strace $0x90000046  }
0xb3: {  	s29 =	simm.s32 $0x9;
	_ =	strace $0x80000048  }
0xb4: {  	_ =	swait.ge [sflag:s29], $0x1  }
0xb5: {  	[sflag:s29] =	ssyncadd.s32 $0xFFFFFFFF  }
0xb6: {  	_ =	strace $0x90000048  }
0xb7: {  	_ =	sfence  }
0xb8: {  	s30 =	sld [smem:$0x0];
	_ =	sdelay $0x2  }
0xb9: {  	s31 =	sshll.u32 s1, $0xD;
	s1 =	sshrl.u32 s1, $0x2  }
0xba: {  	s3 =	sand.u32 $0x4000, s31;
	s1 =	sadd.s32 s1, s30  }
0xbb: {  	s0 =	sor.u32 s3, s0;
	s1 =	sshll.u32 s1, $0x11  }
0xbc: {  	s0 =	sor.u32 s1, s0  }
0xbd: {  	s0 =	sadd.s32 $0x8F2B, s0  }
0xbe: {  	[sflag:s0] =	ssyncadd.remote.s32 $0x1  }
0xbf: {  	_ =	sfence.sel $0xFFFF  }
0xc0: {  	[dreg:$0x0] =	wrdreg $0xFFFFFFFF;
	(pc) =	sbr.abs _section_cstart, $3  }
0xc1: {  	[dreg:$0x1] =	wrdreg $0xFFFFFFFF  }
0xc2: {  	_ =	task.clear_ibuf [dreg:s6], $0x2FFFF;
	_ =	strace $0x9FFFFFFF  }
0xc3: {  	(tm) =	ssettm $0x7FFFFFFF  }
tec
execute0_lowered:
.L_overlay_start_1:
0x0: {  	(tag) =	ssettag $0x1  }
0x1: {  	s0 =	rddreg [dreg:$0x0]  }
0x2: {  	s1 =	rddreg [dreg:$0x1]  }
0x3: {  	s2 =	rddreg [dreg:$0x2];
	s3 =	srdreg.scid  }
0x4: {  	s5 =	simm.s32 $0x0;
	s13 =	stileid.u32;
	s28 =	simm.s32 $0x3  }
0x5: {  	s29 =	simm.s32 $0xB;
	s30 =	simm.s32 $0x4;
	s31 =	simm.s32 $0xC  }
0x6: {  	s3 =	sand.u32 $0x1, s3;
	[smem:$0x7FF] =	sst s5;
	s16 =	smul.u32 $0x500, s13  }
0x7: {  	s6 =	sshll.u32 s13, $0x1;
	s7 =	sadd.s32 $0xBA00, s0;
	s8 =	sadd.s32 $0x1C00, s0  }
0x8: {  	p0 =	slt.u32 s13, $0xC;
	s21 =	smul.u32 $0x280, s13;
	s22 =	sadd.s32 $0x15600, s0  }
0x9: {  	s4 =	smul.u32 $0x5000, s3;
	_ =	strace $0x80000047;
	s6 =	sor.u32 s3, s6  }
0xa: {  	s3 =	ssub.s32 $0x2, s3;
	[dreg:$0x9] =	wrdreg s22;
	s17 =	smul.u32 $0x9, s6  }
0xb: {  	s22 =	simm.s32 $0x5400;
	s9 =	smul.u32 $0xA, s6;
	s10 =	sshrl.u32 s3, $0x1  }
0xc: {  	s11 =	smul.u32 $0x2800, s6;
	s23 =	sshll.u32 s6, $0x7;
	s12 =	sadd.s32 s21, s2  }
0xd: {  	s6 =	simm.s32 $0xF;
	s4 =	sadd.s32 s16, s4;
	s3 =	ssub.s32 s3, s10  }
0xe: {  	s24 =	sor.u32 $0x5000, s23;
	s10 =	simm.s32 $0x0;
	s4 =	sshrl.u32 s4, $0x3  }
0xf: {  	s5 =	sadd.s32 $0x18, s17;
	s19 =	sshrl.u32 s11, $0x3;
	s11 =	sadd.s32 s21, s1  }
0x10: {  	[dreg:$0xb] =	wrdreg s24;
	s17 =	smax.u32 s3, $0x1;
	s21 =	simm.s32 $0x80  }
0x11: {  	s24 =	simm.s32 $0x9;
	s3 =	simm.s32 $0x6;
	s4 =	sadd.s32 s4, s0  }
0x12: {  	s5 =	smov.u32 @p0 s9;
	s9 =	simm.s32 $0xA000;
	s20 =	sadd.s32 $0x480, s19  }
0x13: {  	s0 =	sadd.s32 $0xB800, s0;
	s19 =	simm.s32 $0xD;
	s5 =	sshll.u32 s5, $0x7  }
0x14: {  	s9 =	simm.s32 @!p0 $0x9000;
	[dreg:$0xa] =	wrdreg s0;
	s0 =	sadd.s32 $0x5200, s23  }
0x15: {  	s25 =	sadd.s32 $0x15800, s4;
	s26 =	sadd.s32 $0x15810, s4;
	[dreg:$0x4] =	wrdreg s9  }
0x16: {  	p0 =	sgt.u32 s13, $0xB;
	s23 =	simm.s32 $0x1;
	[dreg:$0xc] =	wrdreg s0  }
0x17: {  	s4 =	simm.s32 $0xE;
	s5 =	sand.u32 $0x1FFFFF80, s5;
	[dreg:$0xd] =	wrdreg s25  }
0x18: {  	[dreg:$0xe] =	wrdreg s26;
	p2 =	sgt.u32 @!p0 s13, $0x1;
	s25 =	simm.s32 $0x2  }
0x19: {  	s26 =	simm.s32 $0xA;
	s0 =	simm.s32 $0x5;
	s18 =	sadd.s32 s7, s5  }
0x1a: {  	s9 =	simm.s32 $0x20;
	s5 =	sadd.s32 s8, s5;
	[dreg:$0x5] =	wrdreg s18  }
0x1b: {  	s7 =	sadd.s32 s7, s20;
	p1 =	por p2, p0;
	[dreg:$0x6] =	wrdreg s5  }
0x1c: {  	p2 =	por !p2, p0;
	[dreg:$0x7] =	wrdreg s7;
	s5 =	sadd.s32 s8, s20  }
0x1d: {  	s18 =	simm.s32 $0x11;
	s20 =	simm.s32 $0x5480;
	s7 =	simm.s32 $0x8  }
0x1e: {  	v0 =	vimm.f32 $1.000000000e+00;
	v1 =	vimm.f32 $0.0e+00;
	s8 =	simm.s32 $0x10;
	[dreg:$0x8] =	wrdreg s5;
	s5 =	simm.s32 $0x7  }
.LBB2_1:
0x1f: {  	[tilespmem:$0x5400] =	vst v0  }
0x20: {  	[tilespmem:$0x5410] =	vst v0  }
0x21: {  	[tilespmem:$0x5420] =	vst v0  }
0x22: {  	[tilespmem:$0x5430] =	vst v0  }
0x23: {  	[tilespmem:$0x5440] =	vst v0  }
0x24: {  	[tilespmem:$0x5450] =	vst v0  }
0x25: {  	[tilespmem:$0x5460] =	vst v0  }
0x26: {  	[tilespmem:$0x5470] =	vst v0;
	s13 =	simm.s32 $0x0;
	s14 =	rddreg [dreg:$0x5]  }
0x27: {  	[tilespmem:s13], [sflag:$0x11] =	stream.linear.gather [hbm4b:s14+s13], $0x2400, $0x38;
	[tilespmem:$0x5C00] =	vst v63  }
0x28: {  	_ =	swait.ge [sflag:s18], $0x2400  }
0x29: {  	[sflag:s18] =	ssyncset.done $0x0  }
0x2a: {  	s15 =	simm.s32 $0x2800;
	s16 =	rddreg [dreg:$0x6];
	[sflag:s18] =	ssyncadd.s32 $0xFFFFDC00  }
0x2b: {  	[tilespmem:s15], [sflag:$0x11] =	stream.linear.gather [hbm4b:s16+s13], $0x2400, $0x38;
	[tilespmem:$0x5C00] =	vst v63  }
0x2c: {  	_ =	swait.ge [sflag:s18], $0x2400  }
0x2d: {  	s14 =	simm.s32 @!p0 $0x2400;
	[sflag:s18] =	ssyncset.done $0x0  }
0x2e: {  	s13 =	simm.s32 @!p0 $0x0;
	s15 =	rddreg [dreg:$0x7];
	[sflag:s18] =	ssyncadd.s32 $0xFFFFDC00  }
0x2f: {  	[tilespmem:s14], [sflag:$0x11] =	stream.linear.gather @!p0 [hbm4b:s15+s13], $0x400, $0x38;
	[tilespmem:$0x5C00] =	vst v63  }
0x30: {  	s14 =	simm.s32 @!p0 $0x11  }
0x31: {  	_ =	swait.ge @!p0 [sflag:s14], $0x400  }
0x32: {  	[sflag:s14] =	ssyncset.done @!p0 $0x0  }
0x33: {  	s15 =	simm.s32 @!p0 $0x4C00;
	s16 =	rddreg [dreg:$0x8];
	[sflag:s14] =	ssyncadd.s32 @!p0 $0xFFFFFC00  }
0x34: {  	[tilespmem:s15], [sflag:$0x11] =	stream.linear.gather @!p0 [hbm4b:s16+s13], $0x400, $0x38;
	[tilespmem:$0x5C00] =	vst v63  }
0x35: {  	_ =	swait.ge @!p0 [sflag:s14], $0x400  }
0x36: {  	s13 =	simm.s32 @!p1 $0x0;
	[sflag:s14] =	ssyncset.done @!p0 $0x0  }
0x37: {  	s15 =	rddreg [dreg:$0x9];
	[sflag:s14] =	ssyncadd.s32 @!p0 $0xFFFFFC00;
	s14 =	simm.s32 @!p1 $0x5000  }
0x38: {  	[tilespmem:s14], [sflag:$0x11] =	stream.linear.gather @!p1 [hbm4b:s15+s13], $0x200, $0x38;
	[tilespmem:$0x5C00] =	vst v63  }
0x39: {  	s14 =	simm.s32 @!p1 $0x11  }
0x3a: {  	_ =	swait.ge @!p1 [sflag:s14], $0x200  }
0x3b: {  	[sflag:s14] =	ssyncset.done @!p1 $0x0  }
0x3c: {  	s15 =	simm.s32 @!p1 $0x5200;
	s16 =	rddreg [dreg:$0xa];
	[sflag:s14] =	ssyncadd.s32 @!p1 $0xFFFFFE00  }
0x3d: {  	[tilespmem:s15], [sflag:$0x11] =	stream.linear.gather @!p1 [hbm4b:s16+s13], $0x200, $0x38;
	[tilespmem:$0x5C00] =	vst v63  }
0x3e: {  	_ =	swait.ge @!p1 [sflag:s14], $0x200  }
0x3f: {  	[sflag:s14] =	ssyncset.done @!p1 $0x0  }
0x40: {  	[sflag:s14] =	ssyncadd.s32 @!p1 $0xFFFFFE00  }
0x41: {  	[tilespmem:$0x5480] =	vst v1  }
0x42: {  	[tilespmem:$0x5490] =	vst v1  }
0x43: {  	[tilespmem:$0x54A0] =	vst v1  }
0x44: {  	[tilespmem:$0x54B0] =	vst v1  }
0x45: {  	[tilespmem:$0x54C0] =	vst v1  }
0x46: {  	[tilespmem:$0x54D0] =	vst v1  }
0x47: {  	[tilespmem:$0x54E0] =	vst v1  }
0x48: {  	[tilespmem:$0x54F0] =	vst v1  }
0x49: {  	[tilespmem:$0x5500] =	vst v1  }
0x4a: {  	[tilespmem:$0x5510] =	vst v1  }
0x4b: {  	[tilespmem:$0x5520] =	vst v1  }
0x4c: {  	[tilespmem:$0x5530] =	vst v1  }
0x4d: {  	[tilespmem:$0x5540] =	vst v1  }
0x4e: {  	[tilespmem:$0x5550] =	vst v1  }
0x4f: {  	[tilespmem:$0x5560] =	vst v1  }
0x50: {  	[tilespmem:$0x5570] =	vst v1  }
0x51: {  	[tilespmem:$0x5580] =	vst v1  }
0x52: {  	[tilespmem:$0x5590] =	vst v1  }
0x53: {  	[tilespmem:$0x55A0] =	vst v1  }
0x54: {  	[tilespmem:$0x55B0] =	vst v1  }
0x55: {  	[tilespmem:$0x55C0] =	vst v1  }
0x56: {  	[tilespmem:$0x55D0] =	vst v1  }
0x57: {  	[tilespmem:$0x55E0] =	vst v1  }
0x58: {  	[tilespmem:$0x55F0] =	vst v1  }
0x59: {  	[tilespmem:$0x5600] =	vst v1  }
0x5a: {  	[tilespmem:$0x5610] =	vst v1  }
0x5b: {  	[tilespmem:$0x5620] =	vst v1  }
0x5c: {  	[tilespmem:$0x5630] =	vst v1  }
0x5d: {  	[tilespmem:$0x5640] =	vst v1  }
0x5e: {  	[tilespmem:$0x5650] =	vst v1  }
0x5f: {  	[tilespmem:$0x5660] =	vst v1  }
0x60: {  	[tilespmem:$0x5670] =	vst v1  }
0x61: {  	[tilespmem:$0x5680] =	vst v1  }
0x62: {  	[tilespmem:$0x5690] =	vst v1  }
0x63: {  	[tilespmem:$0x56A0] =	vst v1  }
0x64: {  	[tilespmem:$0x56B0] =	vst v1  }
0x65: {  	[tilespmem:$0x56C0] =	vst v1  }
0x66: {  	[tilespmem:$0x56D0] =	vst v1  }
0x67: {  	[tilespmem:$0x56E0] =	vst v1  }
0x68: {  	[tilespmem:$0x56F0] =	vst v1  }
0x69: {  	[spmem:s11] =	stream.linear.scatter [tilespmem:s20], [sflag:$0x11], $0x280, $0x38;
	[tilespmem:$0x5C00] =	vst v63  }
0x6a: {  	_ =	swait.ge [sflag:s18], $0x280  }
0x6b: {  	[sflag:s18] =	ssyncset.done $0x0  }
0x6c: {  	[sflag:s18] =	ssyncadd.s32 $0xFFFFFD80  }
0x6d: {  	[spmem:s12] =	stream.linear.scatter [tilespmem:s20], [sflag:$0x11], $0x280, $0x38;
	[tilespmem:$0x5C00] =	vst v63  }
0x6e: {  	_ =	swait.ge [sflag:s18], $0x280  }
0x6f: {  	p3 =	por @!p0 $0x0, $0x0;
	p4 =	por @!p1 $0x1, $0x1;
	[sflag:s18] =	ssyncset.done $0x0  }
0x70: {  	p4 =	por @!p2 p3, p3;
	p3 =	por $0x0, $0x0;
	[sflag:s18] =	ssyncadd.s32 $0xFFFFFD80  }
0x71: {  	p3 =	por @!p0 p4, p4;
	s13 =	simm.s32 $0x0;
	[bflag:$0x0] =	sbarrier.arrive $0xFFFF  }
.LBB2_2:
0x72: {  	s14 =	sshra.s32 s13, $0x2  }
0x73: {  	[spmem:s1] =	stream.indirect.scatter.add.f32 [tilespmem:s22], [sflag:$0x1], $0x1, s14, s21, $0xb8;
	[tilespmem:$0x5C00] =	vst v63  }
0x74: {  	s15 =	sadd.s32 $0x2800, s14  }
0x75: {  	[spmem:s2] =	stream.indirect.scatter.add.f32 [tilespmem:s22], [sflag:$0x9], $0x1, s15, s21, $0xb8;
	[tilespmem:$0x5C00] =	vst v63  }
0x76: {  	s16 =	sadd.s32 $0x80, s14  }
0x77: {  	[spmem:s1] =	stream.indirect.scatter.add.f32 [tilespmem:s22], [sflag:$0x2], $0x1, s16, s21, $0xb8;
	[tilespmem:$0x5C00] =	vst v63  }
0x78: {  	s16 =	sadd.s32 $0x2880, s14  }
0x79: {  	[spmem:s2] =	stream.indirect.scatter.add.f32 [tilespmem:s22], [sflag:$0xA], $0x1, s16, s21, $0xb8;
	[tilespmem:$0x5C00] =	vst v63  }
0x7a: {  	s16 =	sadd.s32 $0x100, s14  }
0x7b: {  	[spmem:s1] =	stream.indirect.scatter.add.f32 [tilespmem:s22], [sflag:$0x3], $0x1, s16, s21, $0xb8;
	[tilespmem:$0x5C00] =	vst v63  }
0x7c: {  	s16 =	sadd.s32 $0x2900, s14  }
0x7d: {  	[spmem:s2] =	stream.indirect.scatter.add.f32 [tilespmem:s22], [sflag:$0xB], $0x1, s16, s21, $0xb8;
	[tilespmem:$0x5C00] =	vst v63  }
0x7e: {  	s16 =	sadd.s32 $0x180, s14  }
0x7f: {  	[spmem:s1] =	stream.indirect.scatter.add.f32 [tilespmem:s22], [sflag:$0x4], $0x1, s16, s21, $0xb8;
	[tilespmem:$0x5C00] =	vst v63  }
0x80: {  	s16 =	sadd.s32 $0x2980, s14  }
0x81: {  	[spmem:s2] =	stream.indirect.scatter.add.f32 [tilespmem:s22], [sflag:$0xC], $0x1, s16, s21, $0xb8;
	[tilespmem:$0x5C00] =	vst v63  }
0x82: {  	s16 =	sadd.s32 $0x200, s14  }
0x83: {  	[spmem:s1] =	stream.indirect.scatter.add.f32 [tilespmem:s22], [sflag:$0x5], $0x1, s16, s21, $0xb8;
	[tilespmem:$0x5C00] =	vst v63  }
0x84: {  	s16 =	sadd.s32 $0x2A00, s14  }
0x85: {  	[spmem:s2] =	stream.indirect.scatter.add.f32 [tilespmem:s22], [sflag:$0xD], $0x1, s16, s21, $0xb8;
	[tilespmem:$0x5C00] =	vst v63  }
0x86: {  	s16 =	sadd.s32 $0x280, s14  }
0x87: {  	[spmem:s1] =	stream.indirect.scatter.add.f32 [tilespmem:s22], [sflag:$0x6], $0x1, s16, s21, $0xb8;
	[tilespmem:$0x5C00] =	vst v63  }
0x88: {  	s16 =	sadd.s32 $0x2A80, s14  }
0x89: {  	[spmem:s2] =	stream.indirect.scatter.add.f32 [tilespmem:s22], [sflag:$0xE], $0x1, s16, s21, $0xb8;
	[tilespmem:$0x5C00] =	vst v63  }
0x8a: {  	s16 =	sadd.s32 $0x300, s14  }
0x8b: {  	[spmem:s1] =	stream.indirect.scatter.add.f32 [tilespmem:s22], [sflag:$0x7], $0x1, s16, s21, $0xb8;
	[tilespmem:$0x5C00] =	vst v63  }
0x8c: {  	s16 =	sadd.s32 $0x2B00, s14  }
0x8d: {  	[spmem:s2] =	stream.indirect.scatter.add.f32 [tilespmem:s22], [sflag:$0xF], $0x1, s16, s21, $0xb8;
	[tilespmem:$0x5C00] =	vst v63  }
0x8e: {  	s16 =	sadd.s32 $0x380, s14  }
0x8f: {  	[spmem:s1] =	stream.indirect.scatter.add.f32 [tilespmem:s22], [sflag:$0x8], $0x1, s16, s21, $0xb8;
	[tilespmem:$0x5C00] =	vst v63  }
0x90: {  	s14 =	sadd.s32 $0x2B80, s14  }
0x91: {  	[spmem:s2] =	stream.indirect.scatter.add.f32 [tilespmem:s22], [sflag:$0x10], $0x1, s14, s21, $0xb8;
	[tilespmem:$0x5C00] =	vst v63  }
0x92: {  	_ =	swait.ge [sflag:s23], $0x80  }
0x93: {  	[sflag:s23] =	ssyncset.done $0x0  }
0x94: {  	[sflag:s23] =	ssyncadd.s32 $0xFFFFFF80  }
0x95: {  	_ =	swait.ge [sflag:s24], $0x80  }
0x96: {  	[sflag:s24] =	ssyncset.done $0x0  }
0x97: {  	[sflag:s24] =	ssyncadd.s32 $0xFFFFFF80  }
0x98: {  	_ =	swait.ge [sflag:s25], $0x80  }
0x99: {  	[sflag:s25] =	ssyncset.done $0x0  }
0x9a: {  	[sflag:s25] =	ssyncadd.s32 $0xFFFFFF80  }
0x9b: {  	_ =	swait.ge [sflag:s26], $0x80  }
0x9c: {  	[sflag:s26] =	ssyncset.done $0x0  }
0x9d: {  	[sflag:s26] =	ssyncadd.s32 $0xFFFFFF80  }
0x9e: {  	_ =	swait.ge [sflag:s28], $0x80  }
0x9f: {  	[sflag:s28] =	ssyncset.done $0x0  }
0xa0: {  	[sflag:s28] =	ssyncadd.s32 $0xFFFFFF80  }
0xa1: {  	_ =	swait.ge [sflag:s29], $0x80  }
0xa2: {  	[sflag:s29] =	ssyncset.done $0x0  }
0xa3: {  	[sflag:s29] =	ssyncadd.s32 $0xFFFFFF80  }
0xa4: {  	_ =	swait.ge [sflag:s30], $0x80  }
0xa5: {  	[sflag:s30] =	ssyncset.done $0x0  }
0xa6: {  	[sflag:s30] =	ssyncadd.s32 $0xFFFFFF80  }
0xa7: {  	_ =	swait.ge [sflag:s31], $0x80  }
0xa8: {  	[sflag:s31] =	ssyncset.done $0x0  }
0xa9: {  	[sflag:s31] =	ssyncadd.s32 $0xFFFFFF80  }
0xaa: {  	_ =	swait.ge [sflag:s0], $0x80  }
0xab: {  	[sflag:s0] =	ssyncset.done $0x0  }
0xac: {  	[sflag:s0] =	ssyncadd.s32 $0xFFFFFF80  }
0xad: {  	_ =	swait.ge [sflag:s19], $0x80  }
0xae: {  	[sflag:s19] =	ssyncset.done $0x0  }
0xaf: {  	[sflag:s19] =	ssyncadd.s32 $0xFFFFFF80  }
0xb0: {  	_ =	swait.ge [sflag:s3], $0x80  }
0xb1: {  	[sflag:s3] =	ssyncset.done $0x0  }
0xb2: {  	[sflag:s3] =	ssyncadd.s32 $0xFFFFFF80  }
0xb3: {  	_ =	swait.ge [sflag:s4], $0x80  }
0xb4: {  	[sflag:s4] =	ssyncset.done $0x0  }
0xb5: {  	[sflag:s4] =	ssyncadd.s32 $0xFFFFFF80  }
0xb6: {  	_ =	swait.ge [sflag:s5], $0x80  }
0xb7: {  	[sflag:s5] =	ssyncset.done $0x0  }
0xb8: {  	[sflag:s5] =	ssyncadd.s32 $0xFFFFFF80  }
0xb9: {  	_ =	swait.ge [sflag:s6], $0x80  }
0xba: {  	[sflag:s6] =	ssyncset.done $0x0  }
0xbb: {  	[sflag:s6] =	ssyncadd.s32 $0xFFFFFF80  }
0xbc: {  	_ =	swait.ge [sflag:s7], $0x80  }
0xbd: {  	[sflag:s7] =	ssyncset.done $0x0  }
0xbe: {  	[sflag:s7] =	ssyncadd.s32 $0xFFFFFF80  }
0xbf: {  	_ =	swait.ge [sflag:s8], $0x80  }
0xc0: {  	s13 =	sadd.s32 $0x1000, s13;
	s16 =	rddreg [dreg:$0x4]  }
0xc1: {  	p4 =	sne.s32 s16, s13  }
.Ltmp0:
0xc2: {  	_ = 	snop;
	(pc) =	sbr.rel @p4 .LBB2_2-.Ltmp0, $3  }
0xc3: {  	_ =	sdelay $0x1  }
0xc4: {  	[sflag:s8] =	ssyncset.done $0x0  }
0xc5: {  	[sflag:s8] =	ssyncadd.s32 $0xFFFFFF80  }
0xc6: {  	s13 =	simm.s32 @p3 $0x80;
	s14 =	simm.s32 @p3 $0x5400;
	s15 =	rddreg [dreg:$0xb]  }
0xc7: {  	[spmem:s1] =	stream.indirect.scatter.add.f32 @p3 [tilespmem:s14], [sflag:$0x11], $0x1, s15, s13, $0xb8;
	[tilespmem:$0x5C00] =	vst v63  }
0xc8: {  	s15 =	simm.s32 @p3 $0x11  }
0xc9: {  	_ =	swait.ge @p3 [sflag:s15], $0x80  }
0xca: {  	[sflag:s15] =	ssyncset.done @p3 $0x0  }
0xcb: {  	s16 =	rddreg [dreg:$0xc];
	[sflag:s15] =	ssyncadd.s32 @p3 $0xFFFFFF80  }
0xcc: {  	[spmem:s2] =	stream.indirect.scatter.add.f32 @p3 [tilespmem:s14], [sflag:$0x11], $0x1, s16, s13, $0xb8;
	[tilespmem:$0x5C00] =	vst v63  }
0xcd: {  	_ =	swait.ge @p3 [sflag:s15], $0x80  }
0xce: {  	[sflag:s15] =	ssyncset.done @p3 $0x0  }
0xcf: {  	s14 =	stileid.u32;
	[sflag:s15] =	ssyncadd.s32 @p3 $0xFFFFFF80  }
0xd0: {  	s13 =	sshll.u32 s14, $0x6;
	[bflag:$0x0] =	sbarrier.arrive $0xFFFF  }
0xd1: {  	s13 =	sor.u32 $0x1C11, s13;
	s15 =	sshrl.u32 s11, $0x3;
	s16 =	rddreg [dreg:$0xd]  }
0xd2: {  	[hbm:s16@s9], [sflag:s13] =	dma.strided [spmem:s15@s8], $0x50, s23, $0x10   }
0xd3: {  	s10 =	sadd.s32 $0x1, s10;
	_ =	swait.ge [sflag:s18], $0x50  }
0xd4: {  	p3 =	sne.s32 s10, s17;
	s15 =	sshrl.u32 s12, $0x3;
	[sflag:s18] =	ssyncset.done $0x0  }
.Ltmp1:
0xd5: {  	s16 =	rddreg [dreg:$0xe];
	[sflag:s18] =	ssyncadd.s32 $0xFFFFFFB0;
	(pc) =	sbr.rel @p3 .LBB2_1-.Ltmp1, $4  }
0xd6: {  	[hbm:s16@s9], [sflag:s13] =	dma.strided [spmem:s15@s8], $0x50, s23, $0x10   }
0xd7: {  	_ =	swait.ge [sflag:s18], $0x50  }
0xd8: {  	[sflag:s18] =	ssyncset.done $0x0  }
0xd9: {  	[sflag:s18] =	ssyncadd.s32 $0xFFFFFFB0  }
0xda: {  	_ =	sfence.sel $0x180000  }
0xdb: {  	[bflag:$0x0] =	sbarrier.arrive $0xFFFF  }
0xdc: {  	_ =	strace $0x90000047  }
0xdd: {  	s0 =	stileid.u32;
	[bflag:$0x2] =	sbarrier.arrive $0xFFFF  }
0xde: {  	p0 =	sne.s32 s0, $0x0;
	s0 =	rddreg [dreg:$0x3]  }
0xdf: {  	s0 =	sadd.s32 @!p0 $0x100000, s0  }
0xe0: {  	[sflag:s0] =	ssyncadd.tile.s32 @!p0 $0x1;
	_ =	shalt  }
.Lfunc_end2:
_tile_overlayer_lowered:
.L_overlay_start_2:
0xe1: {  	(tag) =	ssettag $0x2  }
0xe2: {  	s0 =	rddreg [dreg:$0x0];
	s2 =	stileid.u32  }
0xe3: {  	s1 =	rddreg [dreg:$0x1];
	p0 =	sne.s32 s2, $0x0  }
0xe4: {  	s3 =	rddreg [dreg:$0x2];
	[bflag:$0x3] =	sbarrier.arrive $0xFFFF;
	s2 =	simm.s32 @!p0 $0x1C11  }
0xe5: {  	[timem:s3], [sflag:s2] =	dma.local @!p0 [hbm:s0], s1  }
0xe6: {  	s0 =	simm.s32 @!p0 $0x11  }
0xe7: {  	_ =	swait.ge @!p0 [sflag:s0], s1  }
0xe8: {  	s1 =	ssub.s32 @!p0 $0x0, s1;
	[sflag:s0] =	ssyncset.done @!p0 $0x0  }
0xe9: {  	[sflag:s0] =	ssyncadd.s32 @!p0 s1  }
0xea: {  	[bflag:$0x3] =	sbarrier.arrive $0xFFFF  }
0xeb: {  	_ =	shalt  }

</sc_bundles>
